<compile_context>
chip_gen: v7x
topology: tpu7x:2x2x1
jax: 0.10.2.dev20260603
libtpu: 0.0.44.dev20260713+nightly
codegen_flags: <defaults>
</compile_context>

<pallas_src>
import functools

import jax
import jax.numpy as jnp
from jax import lax
from jax.experimental import pallas as pl
from jax.experimental.pallas import tpu as pltpu
from jax.experimental.pallas import tpu_sc as plsc

D = 1024
M = 512
MS = 2048
E = 16
NG = 4
GS = E // NG
SCALE = 2.5
T = 2048
BT = 128
NT = 48
S = NT * BT

NC = 2
NS = 16
NW = NC * NS
L = 16


def _iota2(shape, dim):
    return lax.broadcasted_iota(jnp.int32, shape, dim)


def _first_true(mask_f32):
    k = mask_f32.shape[1]
    mexc = (_iota2((k, k), 0) < _iota2((k, k), 1)).astype(jnp.float32)
    cexc = jnp.dot(mask_f32, mexc, preferred_element_type=jnp.float32)
    return (mask_f32 > 0) & (cexc == 0)



def _router_kernel(s_ref, pos_ref, gate_ref, te_ref):
    scores = s_ref[...]

    gvals = []
    for g in range(NG):
        sg = scores[:, g * GS:(g + 1) * GS]
        m1 = jnp.max(sg, axis=1, keepdims=True)
        f1 = _first_true((sg == m1).astype(jnp.float32))
        m2 = jnp.max(jnp.where(f1, -jnp.inf, sg), axis=1, keepdims=True)
        gvals.append(m1 + m2)
    gv = jnp.concatenate(gvals, axis=1)
    m1g = jnp.max(gv, axis=1, keepdims=True)
    fg1 = _first_true((gv == m1g).astype(jnp.float32))
    gv2 = jnp.where(fg1, -jnp.inf, gv)
    m2g = jnp.max(gv2, axis=1, keepdims=True)
    fg2 = _first_true((gv2 == m2g).astype(jnp.float32))
    lane4 = _iota2(gv.shape, 1)
    g1 = jnp.sum(jnp.where(fg1, lane4, 0), axis=1)
    g2 = jnp.sum(jnp.where(fg2, lane4, 0), axis=1)

    eidx = _iota2(scores.shape, 1)
    egrp = eidx // GS
    emask = (egrp == g1[:, None]) | (egrp == g2[:, None])
    masked = jnp.where(emask, scores, 0.0)
    mm0 = jnp.max(masked, axis=1, keepdims=True)
    f0 = _first_true((masked == mm0).astype(jnp.float32))
    w0 = jnp.sum(jnp.where(f0, scores, 0.0), axis=1)
    masked2 = jnp.where(f0, -1.0, masked)
    mm1 = jnp.max(masked2, axis=1, keepdims=True)
    f1e = _first_true((masked2 == mm1).astype(jnp.float32))
    w1v = jnp.sum(jnp.where(f1e, scores, 0.0), axis=1)
    wsum = w0 + w1v + 1e-20
    gate0 = w0 / wsum * SCALE
    gate1 = w1v / wsum * SCALE

    ind = (f0 | f1e).astype(jnp.float32)
    tri = (_iota2((BT, BT), 0) >= _iota2((BT, BT), 1)).astype(jnp.float32)
    nb = T // BT
    blocks, tots = [], []
    for bi in range(nb):
        blk = ind[bi * BT:(bi + 1) * BT]
        cs = jnp.dot(tri, blk, preferred_element_type=jnp.float32)
        blocks.append(cs)
        tots.append(cs[BT - 1:BT, :])
    csb = jnp.concatenate(blocks, axis=0)
    tot = jnp.concatenate(tots, axis=0)
    mpre = (_iota2((nb, nb), 1) < _iota2((nb, nb), 0)).astype(jnp.float32)
    pre = jnp.dot(mpre, tot, preferred_element_type=jnp.float32)
    bsel = ((_iota2((T, nb), 0) // BT) == _iota2((T, nb), 1)).astype(jnp.float32)
    pre_full = jnp.dot(bsel, pre, preferred_element_type=jnp.float32,
                       precision=lax.Precision.HIGHEST)
    cum_excl = pre_full + csb - ind
    counts_row = (pre + tot)[nb - 1:nb, :]
    tilese = (counts_row.astype(jnp.int32) + BT - 1) // BT
    mexc_e = (_iota2((E, E), 0) < _iota2((E, E), 1)).astype(jnp.float32)
    tile_start = jnp.dot(tilese.astype(jnp.float32), mexc_e,
                         preferred_element_type=jnp.float32,
                         precision=lax.Precision.HIGHEST)
    pad_start = tile_start * BT
    pos0 = jnp.sum(jnp.where(f0, pad_start + cum_excl, 0.0), axis=1)
    pos1 = jnp.sum(jnp.where(f1e, pad_start + cum_excl, 0.0), axis=1)
    pos_ref[...] = jnp.concatenate(
        [pos0[None, :].astype(jnp.int32), pos1[None, :].astype(jnp.int32)], axis=0)
    gate_ref[...] = jnp.concatenate([gate0[None, :], gate1[None, :]], axis=0)

    tile_end = tile_start + tilese.astype(jnp.float32)
    ti = _iota2((NT, E), 0).astype(jnp.float32)
    te = jnp.sum((ti >= tile_end).astype(jnp.int32), axis=1)
    n_used = jnp.sum(tilese, axis=1)[0]
    te_ref[...] = jnp.concatenate(
        [jnp.minimum(te, E - 1)[None, :],
         jnp.full((1, NT), n_used, jnp.int32)], axis=1)


def _run_router(scores):
    return pl.pallas_call(
        _router_kernel,
        out_shape=(
            jax.ShapeDtypeStruct((2, T), jnp.int32),
            jax.ShapeDtypeStruct((2, T), jnp.float32),
            jax.ShapeDtypeStruct((1, 2 * NT), jnp.int32),
        ),
    )(scores)



ROWS_PER_W = S // NW
CG = 24
NBUF = 4


SEG = S // NS
EPW = (2 * T) // NS


def _dispatch_kernel(pos_hbm, gate_hbm, x_hbm, zi_hbm, zf_hbm, xg_hbm, sg_hbm,
                     posb_v, gateb_v, vals_v, idx_v, zi_v, zf_v,
                     buf0_v, buf1_v, buf2_v, buf3_v, stok_sh, sgate_sh,
                     gsem0, gsem1, gsem2, gsem3, osem0, osem1, osem2, osem3):
    cid = lax.axis_index("c")
    sid = lax.axis_index("s")
    wid = cid * NS + sid

    pltpu.sync_copy(zi_hbm.at[pl.ds(sid * SEG, SEG)], zi_v)
    pltpu.sync_copy(zf_hbm.at[pl.ds(sid * SEG, SEG)], zf_v)
    pltpu.sync_copy(zi_v, stok_sh.at[pl.ds(sid * SEG, SEG)])
    pltpu.sync_copy(zf_v, sgate_sh.at[pl.ds(sid * SEG, SEG)])

    pltpu.sync_copy(pos_hbm.at[pl.ds(sid * 2, 2)], posb_v)
    pltpu.sync_copy(gate_hbm.at[pl.ds(sid * 2, 2)], gateb_v)
    for j in range(2):
        for c in range(128 // L):
            vals_v[j, pl.ds(c * L, L)] = (
                lax.broadcasted_iota(jnp.int32, (L,), 0)
                + (sid * EPW + j * 128 + c * L)) & (T - 1)
    plsc.subcore_barrier()

    for j in range(2):
        pltpu.sync_copy(vals_v.at[j], stok_sh.at[posb_v.at[j]], add=True)
        pltpu.sync_copy(gateb_v.at[j], sgate_sh.at[posb_v.at[j]], add=True)
    plsc.subcore_barrier()

    @pl.when(wid == 0)
    def _():
        pltpu.sync_copy(sgate_sh, sg_hbm)

    pltpu.sync_copy(stok_sh.at[pl.ds(wid * ROWS_PER_W, ROWS_PER_W)], idx_v)

    base = wid * ROWS_PER_W
    nchunk = ROWS_PER_W // CG
    bufs = (buf0_v, buf1_v, buf2_v, buf3_v)
    gsems = (gsem0, gsem1, gsem2, gsem3)
    osems = (osem0, osem1, osem2, osem3)
    gathers = [None] * nchunk
    outs = [None] * nchunk
    for c in range(NBUF):
        gathers[c] = pltpu.async_copy(
            x_hbm.at[idx_v.at[pl.ds(c * CG, CG)]], bufs[c % NBUF], gsems[c % NBUF])
    for c in range(nchunk):
        b = c % NBUF
        gathers[c].wait()
        outs[c] = pltpu.async_copy(
            bufs[b], xg_hbm.at[pl.ds(base + c * CG, CG)], osems[b])
        nxt = c + NBUF
        if nxt < nchunk:
            outs[c].wait()
            gathers[nxt] = pltpu.async_copy(
                x_hbm.at[idx_v.at[pl.ds(nxt * CG, CG)]], bufs[b], gsems[b])
    for c in range(nchunk - NBUF, nchunk):
        outs[c].wait()


def _run_dispatch(pos, gates, x):
    mesh = plsc.VectorSubcoreMesh(core_axis_name="c", subcore_axis_name="s", num_cores=NC, num_subcores=NS)
    k = functools.partial(
        pl.kernel,
        out_type=(
            jax.ShapeDtypeStruct((S, D), jnp.float32),
            jax.ShapeDtypeStruct((S,), jnp.float32),
        ),
        mesh=mesh,
        compiler_params=pltpu.CompilerParams(needs_layout_passes=False),
        scratch_types=[
            pltpu.VMEM((2, 128), jnp.int32),
            pltpu.VMEM((2, 128), jnp.float32),
            pltpu.VMEM((2, 128), jnp.int32),
            pltpu.VMEM((ROWS_PER_W,), jnp.int32),
            pltpu.VMEM((SEG,), jnp.int32),
            pltpu.VMEM((SEG,), jnp.float32),
            pltpu.VMEM((CG, D), jnp.float32),
            pltpu.VMEM((CG, D), jnp.float32),
            pltpu.VMEM((CG, D), jnp.float32),
            pltpu.VMEM((CG, D), jnp.float32),
            pltpu.VMEM_SHARED((S,), jnp.int32),
            pltpu.VMEM_SHARED((S,), jnp.float32),
            pltpu.SemaphoreType.DMA,
            pltpu.SemaphoreType.DMA,
            pltpu.SemaphoreType.DMA,
            pltpu.SemaphoreType.DMA,
            pltpu.SemaphoreType.DMA,
            pltpu.SemaphoreType.DMA,
            pltpu.SemaphoreType.DMA,
            pltpu.SemaphoreType.DMA,
        ],
    )(_dispatch_kernel)
    zi = jnp.zeros((S,), jnp.int32)
    zf = jnp.zeros((S,), jnp.float32)
    return k(pos.reshape(NW, 128), gates.reshape(NW, 128), x, zi, zf)



def _mm_kernel(te_ref, x_ref, w1_ref, w2_ref, g_ref, o_ref):
    @pl.when(pl.program_id(0) < te_ref[NT])
    def _():
        h = lax.dot_general(x_ref[...], w1_ref[0], (((1,), (1,)), ((), ())),
                            preferred_element_type=jnp.float32)
        h = jnp.square(jnp.maximum(h, 0.0))
        o = lax.dot_general(h, w2_ref[0], (((1,), (1,)), ((), ())),
                            preferred_element_type=jnp.float32)
        o_ref[...] = o * g_ref[0, 0, :][:, None]


def _run_grouped_mm(te, xg, W1, W2, slot_gate):
    grid_spec = pltpu.PrefetchScalarGridSpec(
        num_scalar_prefetch=1,
        grid=(NT,),
        in_specs=[
            pl.BlockSpec((BT, D), lambda i, te_ref: (i, 0)),
            pl.BlockSpec((1, M, D), lambda i, te_ref: (te_ref[i], 0, 0)),
            pl.BlockSpec((1, D, M), lambda i, te_ref: (te_ref[i], 0, 0)),
            pl.BlockSpec((1, 1, BT), lambda i, te_ref: (i, 0, 0)),
        ],
        out_specs=pl.BlockSpec((BT, D), lambda i, te_ref: (i, 0)),
    )
    return pl.pallas_call(
        _mm_kernel,
        grid_spec=grid_spec,
        out_shape=jax.ShapeDtypeStruct((S, D), jnp.float32),
    )(te.reshape(2 * NT), xg, W1, W2, slot_gate.reshape(NT, 1, BT))



BTS = 256

def _shared_kernel(x_ref, w1_ref, w2_ref, o_ref):
    h = lax.dot_general(x_ref[...], w1_ref[...], (((1,), (1,)), ((), ())),
                        preferred_element_type=jnp.float32)
    h = jnp.square(jnp.maximum(h, 0.0))
    o_ref[...] = lax.dot_general(h, w2_ref[...], (((1,), (1,)), ((), ())),
                                 preferred_element_type=jnp.float32)


def _run_shared(x, Ws1, Ws2):
    return pl.pallas_call(
        _shared_kernel,
        grid=(T // BTS,),
        in_specs=[
            pl.BlockSpec((BTS, D), lambda i: (i, 0)),
            pl.BlockSpec((MS, D), lambda i: (0, 0)),
            pl.BlockSpec((D, MS), lambda i: (0, 0)),
        ],
        out_specs=pl.BlockSpec((BTS, D), lambda i: (i, 0)),
        out_shape=jax.ShapeDtypeStruct((T, D), jnp.float32),
    )(x, Ws1, Ws2)



TOK_PER_W = T // NW
CC = 32


def _combine_kernel(p0_hbm, p1_hbm, og_hbm, sh_hbm, out_hbm,
                    i0_v, i1_v, a_v, b_v, c_v, semA, semB):
    cid = lax.axis_index("c")
    sid = lax.axis_index("s")
    wid = cid * NS + sid
    tb = wid * TOK_PER_W
    for h in range(TOK_PER_W // CC):
        t0 = tb + h * CC
        pltpu.sync_copy(p0_hbm.at[pl.ds(t0, CC)], i0_v)
        pltpu.sync_copy(p1_hbm.at[pl.ds(t0, CC)], i1_v)
        cpa = pltpu.async_copy(og_hbm.at[i0_v], a_v, semA)
        cpb = pltpu.async_copy(og_hbm.at[i1_v], b_v, semB)
        pltpu.sync_copy(sh_hbm.at[pl.ds(t0, CC)], c_v)
        cpa.wait()
        cpb.wait()

        def add_body(r, carry):
            for cv in range(D // L):
                col = cv * L
                a_v[r, pl.ds(col, L)] = (a_v[r, pl.ds(col, L)]
                                         + b_v[r, pl.ds(col, L)]
                                         + c_v[r, pl.ds(col, L)])
            return carry
        lax.fori_loop(0, CC, add_body, 0)
        pltpu.sync_copy(a_v, out_hbm.at[pl.ds(t0, CC)])


def _run_combine(pos, og, sh):
    mesh = plsc.VectorSubcoreMesh(core_axis_name="c", subcore_axis_name="s", num_cores=NC, num_subcores=NS)
    k = functools.partial(
        pl.kernel,
        out_type=jax.ShapeDtypeStruct((T, D), jnp.float32),
        mesh=mesh,
        compiler_params=pltpu.CompilerParams(needs_layout_passes=False),
        scratch_types=[
            pltpu.VMEM((CC,), jnp.int32),
            pltpu.VMEM((CC,), jnp.int32),
            pltpu.VMEM((CC, D), jnp.float32),
            pltpu.VMEM((CC, D), jnp.float32),
            pltpu.VMEM((CC, D), jnp.float32),
            pltpu.SemaphoreType.DMA,
            pltpu.SemaphoreType.DMA,
        ],
    )(_combine_kernel)
    return k(pos[0], pos[1], og, sh)



@jax.jit
def kernel(hidden_tensor, router_W, router_b, W1, W2, Ws1, Ws2):
    B, Tn, C = hidden_tensor.shape
    x = hidden_tensor.reshape(Tn, C)
    scores = jax.nn.sigmoid(x @ router_W.T + router_b)
    pos, gates, te = _run_router(scores)
    sh = _run_shared(x, Ws1, Ws2)
    xg, slot_gate = _run_dispatch(pos, gates, x)
    og = _run_grouped_mm(te, xg, W1, W2, slot_gate)
    out = _run_combine(pos, og, sh)
    return out.reshape(B, Tn, C)

# --- scband reference (transcript-rebuilt; emitter-appended) ---
"""Pipeline reference for scband-nemotron-ffn-mo-e-43946105372961 (READ-ONLY COPY).

The authoritative reference and input builder live on the scoring server;
editing this copy changes nothing except your own understanding.
"""

import jax, jax.numpy as jnp
import numpy as np

D = 1024
M = 512
MS = 2048
E = 16
TOPK = 2
NG = 4
TG = 2
SCALE = 2.5


def setup_inputs(seed: int = 0) -> dict:
    key = jax.random.key(seed)
    ks = jax.random.split(key, 8)
    hidden_tensor = jax.random.normal(ks[0], (1, 2048, D), dtype=jnp.float32)
    router_W = jax.random.normal(ks[1], (E, D), dtype=jnp.float32) * 0.02
    router_b = jax.random.normal(ks[2], (E,), dtype=jnp.float32) * 0.02
    W1 = jax.random.normal(ks[3], (E, M, D), dtype=jnp.float32) * 0.02
    W2 = jax.random.normal(ks[4], (E, D, M), dtype=jnp.float32) * 0.02
    Ws1 = jax.random.normal(ks[5], (MS, D), dtype=jnp.float32) * 0.02
    Ws2 = jax.random.normal(ks[6], (D, MS), dtype=jnp.float32) * 0.02
    return {"hidden_tensor": hidden_tensor, "router_W": router_W, "router_b": router_b,
            "W1": W1, "W2": W2, "Ws1": Ws1, "Ws2": Ws2}


def _router(x2, router_W, router_b):
    # logits -> sigmoid scores (scores_bias buffer is zeros, no-op)
    logits = x2 @ router_W.T + router_b
    scores = jax.nn.sigmoid(logits)
    T = scores.shape[0]
    # group-limited routing: sum of top-2 scores per group, keep TG groups
    s = scores.reshape(T, NG, E // NG)
    group_vals = jax.lax.top_k(s, 2)[0].sum(axis=-1)
    top_groups = jax.lax.top_k(group_vals, TG)[1]
    gmask = jnp.sum(jax.nn.one_hot(top_groups, NG, dtype=jnp.float32), axis=1) > 0
    emask = jnp.repeat(gmask, E // NG, axis=1)
    masked = jnp.where(emask, scores, 0.0)
    expert_idx = jax.lax.top_k(masked, TOPK)[1]
    weights = jnp.take_along_axis(scores, expert_idx, axis=1)
    # norm_weights=True
    weights = weights / (weights.sum(axis=-1, keepdims=True) + 1e-20)
    weights = weights * SCALE
    return expert_idx, weights


def reference(hidden_tensor, router_W, router_b, W1, W2, Ws1, Ws2):
    B, T, C = hidden_tensor.shape
    x2 = hidden_tensor.reshape(-1, C)
    expert_idx, weights = _router(x2, router_W, router_b)
    out = jnp.zeros_like(x2)
    for e in range(E):
        sel = (expert_idx == e)
        gate = jnp.sum(jnp.where(sel, weights, 0.0), axis=-1)
        h = x2 @ W1[e].T
        h = jnp.square(jax.nn.relu(h))
        o = h @ W2[e].T
        out = out + gate[:, None] * o
    # shared expert on residual
    sh = jnp.square(jax.nn.relu(x2 @ Ws1.T)) @ Ws2.T
    return (out + sh).reshape(B, T, C)

if __name__ == "__main__":
    import jax
    _d = setup_inputs()
    print(jax.jit(kernel)(*tuple(_d.values())))

</pallas_src>

<mosaic_0001>
#map = affine_map<(d0, d1) -> (0)>
#map1 = affine_map<(d0, d1) -> (0, 0)>
module attributes {stable_mosaic.version = 14 : i64} {
  func.func @_combine_kernel(%arg0: i32, %arg1: i32, %arg2: memref<2048xi32, #tpu.memory_space<hbm>>, %arg3: memref<2048xi32, #tpu.memory_space<hbm>>, %arg4: memref<6144x1024xf32, #tpu.memory_space<hbm>>, %arg5: memref<2048x1024xf32, #tpu.memory_space<hbm>>, %arg6: memref<2048x1024xf32, #tpu.memory_space<hbm>>, %arg7: memref<32xi32, #tpu.memory_space<vmem>>, %arg8: memref<32xi32, #tpu.memory_space<vmem>>, %arg9: memref<32x1024xf32, #tpu.memory_space<vmem>>, %arg10: memref<32x1024xf32, #tpu.memory_space<vmem>>, %arg11: memref<32x1024xf32, #tpu.memory_space<vmem>>, %arg12: memref<!tpu.dma_semaphore, #tpu.memory_space<semaphore_mem>>, %arg13: memref<!tpu.dma_semaphore, #tpu.memory_space<semaphore_mem>>) attributes {dimension_semantics = [#tpu.dimension_semantics<core_parallel>, #tpu.dimension_semantics<subcore_parallel>], iteration_bounds = array<i64: 2, 16>, scalar_prefetch = 0 : i64, scratch_operands = 7 : i64, tpu.core_type = #tpu.core_type<sc_vector_subcore>, window_params = [{transform_indices = #map}, {transform_indices = #map}, {transform_indices = #map1}, {transform_indices = #map1}, {transform_indices = #map1}]} {
    %mul3A = arith.constant 16 : i32
    %mul3A_0 = arith.muli %arg0, %mul3A : i32
    %add3A = arith.addi %mul3A_0, %arg1 : i32
    %mul3A_1 = arith.constant 64 : i32
    %mul3A_2 = arith.muli %add3A, %mul3A_1 : i32
    %add3A_3 = arith.constant 0 : i32
    %add3A_4 = arith.addi %mul3A_2, %add3A_3 : i32
    "tpu.region"() ({
      %run_scoped3A = tpu.sem_alloc : memref<!tpu.dma_semaphore, #tpu.memory_space<semaphore_mem>>
      %dma_start3A_40 = tpu.memref_slice %arg2[%add3A_4] : memref<2048xi32, #tpu.memory_space<hbm>> -> memref<32xi32, #tpu.memory_space<hbm>>
      %dma_start3A_41 = tpu.memref_slice %arg2[%add3A_4] : memref<2048xi32, #tpu.memory_space<hbm>> -> memref<32xi32, #tpu.memory_space<hbm>>
      tpu.enqueue_dma source(%dma_start3A_41 : memref<32xi32, #tpu.memory_space<hbm>>) target(%arg7 : memref<32xi32, #tpu.memory_space<vmem>>) target_semaphore(%run_scoped3A : memref<!tpu.dma_semaphore, #tpu.memory_space<semaphore_mem>>)
      %dma_wait3A_42 = tpu.memref_slice %arg2[%add3A_4] : memref<2048xi32, #tpu.memory_space<hbm>> -> memref<32xi32, #tpu.memory_space<hbm>>
      %dma_wait3A_43 = tpu.memref_slice %arg2[%add3A_4] : memref<2048xi32, #tpu.memory_space<hbm>> -> memref<32xi32, #tpu.memory_space<hbm>>
      tpu.wait_dma2 semaphore(%run_scoped3A : memref<!tpu.dma_semaphore, #tpu.memory_space<semaphore_mem>>) src(%dma_wait3A_43 : memref<32xi32, #tpu.memory_space<hbm>>) dst(%arg7 : memref<32xi32, #tpu.memory_space<vmem>>)
      tpu.yield
    }) : () -> ()
    "tpu.region"() ({
      %run_scoped3A = tpu.sem_alloc : memref<!tpu.dma_semaphore, #tpu.memory_space<semaphore_mem>>
      %dma_start3A_40 = tpu.memref_slice %arg3[%add3A_4] : memref<2048xi32, #tpu.memory_space<hbm>> -> memref<32xi32, #tpu.memory_space<hbm>>
      %dma_start3A_41 = tpu.memref_slice %arg3[%add3A_4] : memref<2048xi32, #tpu.memory_space<hbm>> -> memref<32xi32, #tpu.memory_space<hbm>>
      tpu.enqueue_dma source(%dma_start3A_41 : memref<32xi32, #tpu.memory_space<hbm>>) target(%arg8 : memref<32xi32, #tpu.memory_space<vmem>>) target_semaphore(%run_scoped3A : memref<!tpu.dma_semaphore, #tpu.memory_space<semaphore_mem>>)
      %dma_wait3A_42 = tpu.memref_slice %arg3[%add3A_4] : memref<2048xi32, #tpu.memory_space<hbm>> -> memref<32xi32, #tpu.memory_space<hbm>>
      %dma_wait3A_43 = tpu.memref_slice %arg3[%add3A_4] : memref<2048xi32, #tpu.memory_space<hbm>> -> memref<32xi32, #tpu.memory_space<hbm>>
      tpu.wait_dma2 semaphore(%run_scoped3A : memref<!tpu.dma_semaphore, #tpu.memory_space<semaphore_mem>>) src(%dma_wait3A_43 : memref<32xi32, #tpu.memory_space<hbm>>) dst(%arg8 : memref<32xi32, #tpu.memory_space<vmem>>)
      tpu.yield
    }) : () -> ()
    %dma_start3A = arith.constant 0 : i32
    %dma_start3A_5 = arith.constant 0 : i32
    %dma_start3A_6 = tpu.memref_slice %arg4[%dma_start3A, %dma_start3A_5] : memref<6144x1024xf32, #tpu.memory_space<hbm>> -> memref<6144x1024xf32, #tpu.memory_space<hbm>>
    tpu.enqueue_indirect_dma source(%dma_start3A_6 : memref<6144x1024xf32, #tpu.memory_space<hbm>>) target(%arg9 : memref<32x1024xf32, #tpu.memory_space<vmem>>) offsets(%arg7 : memref<32xi32, #tpu.memory_space<vmem>>) semaphore(%arg12 : memref<!tpu.dma_semaphore, #tpu.memory_space<semaphore_mem>>)
    %dma_start3A_7 = arith.constant 0 : i32
    %dma_start3A_8 = arith.constant 0 : i32
    %dma_start3A_9 = tpu.memref_slice %arg4[%dma_start3A_7, %dma_start3A_8] : memref<6144x1024xf32, #tpu.memory_space<hbm>> -> memref<6144x1024xf32, #tpu.memory_space<hbm>>
    tpu.enqueue_indirect_dma source(%dma_start3A_9 : memref<6144x1024xf32, #tpu.memory_space<hbm>>) target(%arg10 : memref<32x1024xf32, #tpu.memory_space<vmem>>) offsets(%arg8 : memref<32xi32, #tpu.memory_space<vmem>>) semaphore(%arg13 : memref<!tpu.dma_semaphore, #tpu.memory_space<semaphore_mem>>)
    "tpu.region"() ({
      %run_scoped3A = tpu.sem_alloc : memref<!tpu.dma_semaphore, #tpu.memory_space<semaphore_mem>>
      %dma_start3A_40 = arith.constant 0 : i32
      %dma_start3A_41 = tpu.memref_slice %arg5[%add3A_4, %dma_start3A_40] : memref<2048x1024xf32, #tpu.memory_space<hbm>> -> memref<32x1024xf32, #tpu.memory_space<hbm>>
      %dma_start3A_42 = arith.constant 0 : i32
      %dma_start3A_43 = tpu.memref_slice %arg5[%add3A_4, %dma_start3A_42] : memref<2048x1024xf32, #tpu.memory_space<hbm>> -> memref<32x1024xf32, #tpu.memory_space<hbm>>
      tpu.enqueue_dma source(%dma_start3A_43 : memref<32x1024xf32, #tpu.memory_space<hbm>>) target(%arg11 : memref<32x1024xf32, #tpu.memory_space<vmem>>) target_semaphore(%run_scoped3A : memref<!tpu.dma_semaphore, #tpu.memory_space<semaphore_mem>>)
      %dma_wait3A_44 = arith.constant 0 : i32
      %dma_wait3A_45 = tpu.memref_slice %arg5[%add3A_4, %dma_wait3A_44] : memref<2048x1024xf32, #tpu.memory_space<hbm>> -> memref<32x1024xf32, #tpu.memory_space<hbm>>
      %dma_wait3A_46 = arith.constant 0 : i32
      %dma_wait3A_47 = tpu.memref_slice %arg5[%add3A_4, %dma_wait3A_46] : memref<2048x1024xf32, #tpu.memory_space<hbm>> -> memref<32x1024xf32, #tpu.memory_space<hbm>>
      tpu.wait_dma2 semaphore(%run_scoped3A : memref<!tpu.dma_semaphore, #tpu.memory_space<semaphore_mem>>) src(%dma_wait3A_47 : memref<32x1024xf32, #tpu.memory_space<hbm>>) dst(%arg11 : memref<32x1024xf32, #tpu.memory_space<vmem>>)
      tpu.yield
    }) : () -> ()
    %dma_wait3A = arith.constant 0 : i32
    %dma_wait3A_10 = arith.constant 0 : i32
    %dma_wait3A_11 = tpu.memref_slice %arg4[%dma_wait3A, %dma_wait3A_10] : memref<6144x1024xf32, #tpu.memory_space<hbm>> -> memref<6144x1024xf32, #tpu.memory_space<hbm>>
    tpu.wait_indirect_dma semaphore(%arg12 : memref<!tpu.dma_semaphore, #tpu.memory_space<semaphore_mem>>) src(%dma_wait3A_11 : memref<6144x1024xf32, #tpu.memory_space<hbm>>) dst(%arg9 : memref<32x1024xf32, #tpu.memory_space<vmem>>)
    %dma_wait3A_12 = arith.constant 0 : i32
    %dma_wait3A_13 = arith.constant 0 : i32
    %dma_wait3A_14 = tpu.memref_slice %arg4[%dma_wait3A_12, %dma_wait3A_13] : memref<6144x1024xf32, #tpu.memory_space<hbm>> -> memref<6144x1024xf32, #tpu.memory_space<hbm>>
    tpu.wait_indirect_dma semaphore(%arg13 : memref<!tpu.dma_semaphore, #tpu.memory_space<semaphore_mem>>) src(%dma_wait3A_14 : memref<6144x1024xf32, #tpu.memory_space<hbm>>) dst(%arg10 : memref<32x1024xf32, #tpu.memory_space<vmem>>)
    %scan3A = arith.constant 0 : i32
    %scan3A_15 = arith.constant 0 : i32
    %scan3A_16 = arith.constant 32 : i32
    %scan3A_17 = arith.addi %scan3A_15, %scan3A_16 : i32
    %scan3A_18 = arith.constant 1 : i32
    scf.for %scan3A_40 = %scan3A_15 to %scan3A_17 step %scan3A_18  : i32 {
      %get3A = arith.index_cast %scan3A_40 : i32 to index
      %get3A_41 = arith.constant 0 : index
      %get3A_42 = tpu.vector_load %arg9[%get3A, %get3A_41] {strides = array<i32>} : memref<32x1024xf32, #tpu.memory_space<vmem>>, vector<16xf32>,
      %get3A_43 = arith.index_cast %scan3A_40 : i32 to index
      %get3A_44 = arith.constant 0 : index
      %get3A_45 = tpu.vector_load %arg10[%get3A_43, %get3A_44] {strides = array<i32>} : memref<32x1024xf32, #tpu.memory_space<vmem>>, vector<16xf32>,
      %add3A_46 = arith.addf %get3A_42, %get3A_45 : vector<16xf32>
      %get3A_47 = arith.index_cast %scan3A_40 : i32 to index
      %get3A_48 = arith.constant 0 : index
      %get3A_49 = tpu.vector_load %arg11[%get3A_47, %get3A_48] {strides = array<i32>} : memref<32x1024xf32, #tpu.memory_space<vmem>>, vector<16xf32>,
      %add3A_50 = arith.addf %add3A_46, %get3A_49 : vector<16xf32>
      %swap3A = arith.index_cast %scan3A_40 : i32 to index
      %swap3A_51 = arith.constant 0 : index
      %swap3A_52 = tpu.vector_load %arg9[%swap3A, %swap3A_51] {strides = array<i32>} : memref<32x1024xf32, #tpu.memory_space<vmem>>, vector<16xf32>,
      tpu.vector_store %arg9[%swap3A, %swap3A_51], %add3A_50 {strides = array<i32>} : memref<32x1024xf32, #tpu.memory_space<vmem>>, vector<16xf32>,
      %get3A_53 = arith.index_cast %scan3A_40 : i32 to index
      %get3A_54 = arith.constant 16 : index
      %get3A_55 = tpu.vector_load %arg9[%get3A_53, %get3A_54] {strides = array<i32>} : memref<32x1024xf32, #tpu.memory_space<vmem>>, vector<16xf32>,
      %get3A_56 = arith.index_cast %scan3A_40 : i32 to index
      %get3A_57 = arith.constant 16 : index
      %get3A_58 = tpu.vector_load %arg10[%get3A_56, %get3A_57] {strides = array<i32>} : memref<32x1024xf32, #tpu.memory_space<vmem>>, vector<16xf32>,
      %add3A_59 = arith.addf %get3A_55, %get3A_58 : vector<16xf32>
      %get3A_60 = arith.index_cast %scan3A_40 : i32 to index
      %get3A_61 = arith.constant 16 : index
      %get3A_62 = tpu.vector_load %arg11[%get3A_60, %get3A_61] {strides = array<i32>} : memref<32x1024xf32, #tpu.memory_space<vmem>>, vector<16xf32>,
      %add3A_63 = arith.addf %add3A_59, %get3A_62 : vector<16xf32>
      %swap3A_64 = arith.index_cast %scan3A_40 : i32 to index
      %swap3A_65 = arith.constant 16 : index
      %swap3A_66 = tpu.vector_load %arg9[%swap3A_64, %swap3A_65] {strides = array<i32>} : memref<32x1024xf32, #tpu.memory_space<vmem>>, vector<16xf32>,
      tpu.vector_store %arg9[%swap3A_64, %swap3A_65], %add3A_63 {strides = array<i32>} : memref<32x1024xf32, #tpu.memory_space<vmem>>, vector<16xf32>,
      %get3A_67 = arith.index_cast %scan3A_40 : i32 to index
      %get3A_68 = arith.constant 32 : index
      %get3A_69 = tpu.vector_load %arg9[%get3A_67, %get3A_68] {strides = array<i32>} : memref<32x1024xf32, #tpu.memory_space<vmem>>, vector<16xf32>,
      %get3A_70 = arith.index_cast %scan3A_40 : i32 to index
      %get3A_71 = arith.constant 32 : index
      %get3A_72 = tpu.vector_load %arg10[%get3A_70, %get3A_71] {strides = array<i32>} : memref<32x1024xf32, #tpu.memory_space<vmem>>, vector<16xf32>,
      %add3A_73 = arith.addf %get3A_69, %get3A_72 : vector<16xf32>
      %get3A_74 = arith.index_cast %scan3A_40 : i32 to index
      %get3A_75 = arith.constant 32 : index
      %get3A_76 = tpu.vector_load %arg11[%get3A_74, %get3A_75] {strides = array<i32>} : memref<32x1024xf32, #tpu.memory_space<vmem>>, vector<16xf32>,
      %add3A_77 = arith.addf %add3A_73, %get3A_76 : vector<16xf32>
      %swap3A_78 = arith.index_cast %scan3A_40 : i32 to index
      %swap3A_79 = arith.constant 32 : index
      %swap3A_80 = tpu.vector_load %arg9[%swap3A_78, %swap3A_79] {strides = array<i32>} : memref<32x1024xf32, #tpu.memory_space<vmem>>, vector<16xf32>,
      tpu.vector_store %arg9[%swap3A_78, %swap3A_79], %add3A_77 {strides = array<i32>} : memref<32x1024xf32, #tpu.memory_space<vmem>>, vector<16xf32>,
      %get3A_81 = arith.index_cast %scan3A_40 : i32 to index
      %get3A_82 = arith.constant 48 : index
      %get3A_83 = tpu.vector_load %arg9[%get3A_81, %get3A_82] {strides = array<i32>} : memref<32x1024xf32, #tpu.memory_space<vmem>>, vector<16xf32>,
      %get3A_84 = arith.index_cast %scan3A_40 : i32 to index
      %get3A_85 = arith.constant 48 : index
      %get3A_86 = tpu.vector_load %arg10[%get3A_84, %get3A_85] {strides = array<i32>} : memref<32x1024xf32, #tpu.memory_space<vmem>>, vector<16xf32>,
      %add3A_87 = arith.addf %get3A_83, %get3A_86 : vector<16xf32>
      %get3A_88 = arith.index_cast %scan3A_40 : i32 to index
      %get3A_89 = arith.constant 48 : index
      %get3A_90 = tpu.vector_load %arg11[%get3A_88, %get3A_89] {strides = array<i32>} : memref<32x1024xf32, #tpu.memory_space<vmem>>, vector<16xf32>,
      %add3A_91 = arith.addf %add3A_87, %get3A_90 : vector<16xf32>
      %swap3A_92 = arith.index_cast %scan3A_40 : i32 to index
      %swap3A_93 = arith.constant 48 : index
      %swap3A_94 = tpu.vector_load %arg9[%swap3A_92, %swap3A_93] {strides = array<i32>} : memref<32x1024xf32, #tpu.memory_space<vmem>>, vector<16xf32>,
      tpu.vector_store %arg9[%swap3A_92, %swap3A_93], %add3A_91 {strides = array<i32>} : memref<32x1024xf32, #tpu.memory_space<vmem>>, vector<16xf32>,
      %get3A_95 = arith.index_cast %scan3A_40 : i32 to index
      %get3A_96 = arith.constant 64 : index
      %get3A_97 = tpu.vector_load %arg9[%get3A_95, %get3A_96] {strides = array<i32>} : memref<32x1024xf32, #tpu.memory_space<vmem>>, vector<16xf32>,
      %get3A_98 = arith.index_cast %scan3A_40 : i32 to index
      %get3A_99 = arith.constant 64 : index
      %get3A_100 = tpu.vector_load %arg10[%get3A_98, %get3A_99] {strides = array<i32>} : memref<32x1024xf32, #tpu.memory_space<vmem>>, vector<16xf32>,
      %add3A_101 = arith.addf %get3A_97, %get3A_100 : vector<16xf32>
      %get3A_102 = arith.index_cast %scan3A_40 : i32 to index
      %get3A_103 = arith.constant 64 : index
      %get3A_104 = tpu.vector_load %arg11[%get3A_102, %get3A_103] {strides = array<i32>} : memref<32x1024xf32, #tpu.memory_space<vmem>>, vector<16xf32>,
      %add3A_105 = arith.addf %add3A_101, %get3A_104 : vector<16xf32>
      %swap3A_106 = arith.index_cast %scan3A_40 : i32 to index
      %swap3A_107 = arith.constant 64 : index
      %swap3A_108 = tpu.vector_load %arg9[%swap3A_106, %swap3A_107] {strides = array<i32>} : memref<32x1024xf32, #tpu.memory_space<vmem>>, vector<16xf32>,
      tpu.vector_store %arg9[%swap3A_106, %swap3A_107], %add3A_105 {strides = array<i32>} : memref<32x1024xf32, #tpu.memory_space<vmem>>, vector<16xf32>,
      %get3A_109 = arith.index_cast %scan3A_40 : i32 to index
      %get3A_110 = arith.constant 80 : index
      %get3A_111 = tpu.vector_load %arg9[%get3A_109, %get3A_110] {strides = array<i32>} : memref<32x1024xf32, #tpu.memory_space<vmem>>, vector<16xf32>,
      %get3A_112 = arith.index_cast %scan3A_40 : i32 to index
      %get3A_113 = arith.constant 80 : index
      %get3A_114 = tpu.vector_load %arg10[%get3A_112, %get3A_113] {strides = array<i32>} : memref<32x1024xf32, #tpu.memory_space<vmem>>, vector<16xf32>,
      %add3A_115 = arith.addf %get3A_111, %get3A_114 : vector<16xf32>
      %get3A_116 = arith.index_cast %scan3A_40 : i32 to index
      %get3A_117 = arith.constant 80 : index
      %get3A_118 = tpu.vector_load %arg11[%get3A_116, %get3A_117] {strides = array<i32>} : memref<32x1024xf32, #tpu.memory_space<vmem>>, vector<16xf32>,
      %add3A_119 = arith.addf %add3A_115, %get3A_118 : vector<16xf32>
      %swap3A_120 = arith.index_cast %scan3A_40 : i32 to index
      %swap3A_121 = arith.constant 80 : index
      %swap3A_122 = tpu.vector_load %arg9[%swap3A_120, %swap3A_121] {strides = array<i32>} : memref<32x1024xf32, #tpu.memory_space<vmem>>, vector<16xf32>,
      tpu.vector_store %arg9[%swap3A_120, %swap3A_121], %add3A_119 {strides = array<i32>} : memref<32x1024xf32, #tpu.memory_space<vmem>>, vector<16xf32>,
      %get3A_123 = arith.index_cast %scan3A_40 : i32 to index
      %get3A_124 = arith.constant 96 : index
      %get3A_125 = tpu.vector_load %arg9[%get3A_123, %get3A_124] {strides = array<i32>} : memref<32x1024xf32, #tpu.memory_space<vmem>>, vector<16xf32>,
      %get3A_126 = arith.index_cast %scan3A_40 : i32 to index
      %get3A_127 = arith.constant 96 : index
      %get3A_128 = tpu.vector_load %arg10[%get3A_126, %get3A_127] {strides = array<i32>} : memref<32x1024xf32, #tpu.memory_space<vmem>>, vector<16xf32>,
      %add3A_129 = arith.addf %get3A_125, %get3A_128 : vector<16xf32>
      %get3A_130 = arith.index_cast %scan3A_40 : i32 to index
      %get3A_131 = arith.constant 96 : index
      %get3A_132 = tpu.vector_load %arg11[%get3A_130, %get3A_131] {strides = array<i32>} : memref<32x1024xf32, #tpu.memory_space<vmem>>, vector<16xf32>,
      %add3A_133 = arith.addf %add3A_129, %get3A_132 : vector<16xf32>
      %swap3A_134 = arith.index_cast %scan3A_40 : i32 to index
      %swap3A_135 = arith.constant 96 : index
      %swap3A_136 = tpu.vector_load %arg9[%swap3A_134, %swap3A_135] {strides = array<i32>} : memref<32x1024xf32, #tpu.memory_space<vmem>>, vector<16xf32>,
      tpu.vector_store %arg9[%swap3A_134, %swap3A_135], %add3A_133 {strides = array<i32>} : memref<32x1024xf32, #tpu.memory_space<vmem>>, vector<16xf32>,
      %get3A_137 = arith.index_cast %scan3A_40 : i32 to index
      %get3A_138 = arith.constant 112 : index
      %get3A_139 = tpu.vector_load %arg9[%get3A_137, %get3A_138] {strides = array<i32>} : memref<32x1024xf32, #tpu.memory_space<vmem>>, vector<16xf32>,
      %get3A_140 = arith.index_cast %scan3A_40 : i32 to index
      %get3A_141 = arith.constant 112 : index
      %get3A_142 = tpu.vector_load %arg10[%get3A_140, %get3A_141] {strides = array<i32>} : memref<32x1024xf32, #tpu.memory_space<vmem>>, vector<16xf32>,
      %add3A_143 = arith.addf %get3A_139, %get3A_142 : vector<16xf32>
      %get3A_144 = arith.index_cast %scan3A_40 : i32 to index
      %get3A_145 = arith.constant 112 : index
      %get3A_146 = tpu.vector_load %arg11[%get3A_144, %get3A_145] {strides = array<i32>} : memref<32x1024xf32, #tpu.memory_space<vmem>>, vector<16xf32>,
      %add3A_147 = arith.addf %add3A_143, %get3A_146 : vector<16xf32>
      %swap3A_148 = arith.index_cast %scan3A_40 : i32 to index
      %swap3A_149 = arith.constant 112 : index
      %swap3A_150 = tpu.vector_load %arg9[%swap3A_148, %swap3A_149] {strides = array<i32>} : memref<32x1024xf32, #tpu.memory_space<vmem>>, vector<16xf32>,
      tpu.vector_store %arg9[%swap3A_148, %swap3A_149], %add3A_147 {strides = array<i32>} : memref<32x1024xf32, #tpu.memory_space<vmem>>, vector<16xf32>,
      %get3A_151 = arith.index_cast %scan3A_40 : i32 to index
      %get3A_152 = arith.constant 128 : index
      %get3A_153 = tpu.vector_load %arg9[%get3A_151, %get3A_152] {strides = array<i32>} : memref<32x1024xf32, #tpu.memory_space<vmem>>, vector<16xf32>,
      %get3A_154 = arith.index_cast %scan3A_40 : i32 to index
      %get3A_155 = arith.constant 128 : index
      %get3A_156 = tpu.vector_load %arg10[%get3A_154, %get3A_155] {strides = array<i32>} : memref<32x1024xf32, #tpu.memory_space<vmem>>, vector<16xf32>,
      %add3A_157 = arith.addf %get3A_153, %get3A_156 : vector<16xf32>
      %get3A_158 = arith.index_cast %scan3A_40 : i32 to index
      %get3A_159 = arith.constant 128 : index
      %get3A_160 = tpu.vector_load %arg11[%get3A_158, %get3A_159] {strides = array<i32>} : memref<32x1024xf32, #tpu.memory_space<vmem>>, vector<16xf32>,
      %add3A_161 = arith.addf %add3A_157, %get3A_160 : vector<16xf32>
      %swap3A_162 = arith.index_cast %scan3A_40 : i32 to index
      %swap3A_163 = arith.constant 128 : index
      %swap3A_164 = tpu.vector_load %arg9[%swap3A_162, %swap3A_163] {strides = array<i32>} : memref<32x1024xf32, #tpu.memory_space<vmem>>, vector<16xf32>,
      tpu.vector_store %arg9[%swap3A_162, %swap3A_163], %add3A_161 {strides = array<i32>} : memref<32x1024xf32, #tpu.memory_space<vmem>>, vector<16xf32>,
      %get3A_165 = arith.index_cast %scan3A_40 : i32 to index
      %get3A_166 = arith.constant 144 : index
      %get3A_167 = tpu.vector_load %arg9[%get3A_165, %get3A_166] {strides = array<i32>} : memref<32x1024xf32, #tpu.memory_space<vmem>>, vector<16xf32>,
      %get3A_168 = arith.index_cast %scan3A_40 : i32 to index
      %get3A_169 = arith.constant 144 : index
      %get3A_170 = tpu.vector_load %arg10[%get3A_168, %get3A_169] {strides = array<i32>} : memref<32x1024xf32, #tpu.memory_space<vmem>>, vector<16xf32>,
      %add3A_171 = arith.addf %get3A_167, %get3A_170 : vector<16xf32>
      %get3A_172 = arith.index_cast %scan3A_40 : i32 to index
      %get3A_173 = arith.constant 144 : index
      %get3A_174 = tpu.vector_load %arg11[%get3A_172, %get3A_173] {strides = array<i32>} : memref<32x1024xf32, #tpu.memory_space<vmem>>, vector<16xf32>,
      %add3A_175 = arith.addf %add3A_171, %get3A_174 : vector<16xf32>
      %swap3A_176 = arith.index_cast %scan3A_40 : i32 to index
      %swap3A_177 = arith.constant 144 : index
      %swap3A_178 = tpu.vector_load %arg9[%swap3A_176, %swap3A_177] {strides = array<i32>} : memref<32x1024xf32, #tpu.memory_space<vmem>>, vector<16xf32>,
      tpu.vector_store %arg9[%swap3A_176, %swap3A_177], %add3A_175 {strides = array<i32>} : memref<32x1024xf32, #tpu.memory_space<vmem>>, vector<16xf32>,
      %get3A_179 = arith.index_cast %scan3A_40 : i32 to index
      %get3A_180 = arith.constant 160 : index
      %get3A_181 = tpu.vector_load %arg9[%get3A_179, %get3A_180] {strides = array<i32>} : memref<32x1024xf32, #tpu.memory_space<vmem>>, vector<16xf32>,
      %get3A_182 = arith.index_cast %scan3A_40 : i32 to index
      %get3A_183 = arith.constant 160 : index
      %get3A_184 = tpu.vector_load %arg10[%get3A_182, %get3A_183] {strides = array<i32>} : memref<32x1024xf32, #tpu.memory_space<vmem>>, vector<16xf32>,
      %add3A_185 = arith.addf %get3A_181, %get3A_184 : vector<16xf32>
      %get3A_186 = arith.index_cast %scan3A_40 : i32 to index
      %get3A_187 = arith.constant 160 : index
      %get3A_188 = tpu.vector_load %arg11[%get3A_186, %get3A_187] {strides = array<i32>} : memref<32x1024xf32, #tpu.memory_space<vmem>>, vector<16xf32>,
      %add3A_189 = arith.addf %add3A_185, %get3A_188 : vector<16xf32>
      %swap3A_190 = arith.index_cast %scan3A_40 : i32 to index
      %swap3A_191 = arith.constant 160 : index
      %swap3A_192 = tpu.vector_load %arg9[%swap3A_190, %swap3A_191] {strides = array<i32>} : memref<32x1024xf32, #tpu.memory_space<vmem>>, vector<16xf32>,
      tpu.vector_store %arg9[%swap3A_190, %swap3A_191], %add3A_189 {strides = array<i32>} : memref<32x1024xf32, #tpu.memory_space<vmem>>, vector<16xf32>,
      %get3A_193 = arith.index_cast %scan3A_40 : i32 to index
      %get3A_194 = arith.constant 176 : index
      %get3A_195 = tpu.vector_load %arg9[%get3A_193, %get3A_194] {strides = array<i32>} : memref<32x1024xf32, #tpu.memory_space<vmem>>, vector<16xf32>,
      %get3A_196 = arith.index_cast %scan3A_40 : i32 to index
      %get3A_197 = arith.constant 176 : index
      %get3A_198 = tpu.vector_load %arg10[%get3A_196, %get3A_197] {strides = array<i32>} : memref<32x1024xf32, #tpu.memory_space<vmem>>, vector<16xf32>,
      %add3A_199 = arith.addf %get3A_195, %get3A_198 : vector<16xf32>
      %get3A_200 = arith.index_cast %scan3A_40 : i32 to index
      %get3A_201 = arith.constant 176 : index
      %get3A_202 = tpu.vector_load %arg11[%get3A_200, %get3A_201] {strides = array<i32>} : memref<32x1024xf32, #tpu.memory_space<vmem>>, vector<16xf32>,
      %add3A_203 = arith.addf %add3A_199, %get3A_202 : vector<16xf32>
      %swap3A_204 = arith.index_cast %scan3A_40 : i32 to index
      %swap3A_205 = arith.constant 176 : index
      %swap3A_206 = tpu.vector_load %arg9[%swap3A_204, %swap3A_205] {strides = array<i32>} : memref<32x1024xf32, #tpu.memory_space<vmem>>, vector<16xf32>,
      tpu.vector_store %arg9[%swap3A_204, %swap3A_205], %add3A_203 {strides = array<i32>} : memref<32x1024xf32, #tpu.memory_space<vmem>>, vector<16xf32>,
      %get3A_207 = arith.index_cast %scan3A_40 : i32 to index
      %get3A_208 = arith.constant 192 : index
      %get3A_209 = tpu.vector_load %arg9[%get3A_207, %get3A_208] {strides = array<i32>} : memref<32x1024xf32, #tpu.memory_space<vmem>>, vector<16xf32>,
      %get3A_210 = arith.index_cast %scan3A_40 : i32 to index
      %get3A_211 = arith.constant 192 : index
      %get3A_212 = tpu.vector_load %arg10[%get3A_210, %get3A_211] {strides = array<i32>} : memref<32x1024xf32, #tpu.memory_space<vmem>>, vector<16xf32>,
      %add3A_213 = arith.addf %get3A_209, %get3A_212 : vector<16xf32>
      %get3A_214 = arith.index_cast %scan3A_40 : i32 to index
      %get3A_215 = arith.constant 192 : index
      %get3A_216 = tpu.vector_load %arg11[%get3A_214, %get3A_215] {strides = array<i32>} : memref<32x1024xf32, #tpu.memory_space<vmem>>, vector<16xf32>,
      %add3A_217 = arith.addf %add3A_213, %get3A_216 : vector<16xf32>
      %swap3A_218 = arith.index_cast %scan3A_40 : i32 to index
      %swap3A_219 = arith.constant 192 : index
      %swap3A_220 = tpu.vector_load %arg9[%swap3A_218, %swap3A_219] {strides = array<i32>} : memref<32x1024xf32, #tpu.memory_space<vmem>>, vector<16xf32>,
      tpu.vector_store %arg9[%swap3A_218, %swap3A_219], %add3A_217 {strides = array<i32>} : memref<32x1024xf32, #tpu.memory_space<vmem>>, vector<16xf32>,
      %get3A_221 = arith.index_cast %scan3A_40 : i32 to index
      %get3A_222 = arith.constant 208 : index
      %get3A_223 = tpu.vector_load %arg9[%get3A_221, %get3A_222] {strides = array<i32>} : memref<32x1024xf32, #tpu.memory_space<vmem>>, vector<16xf32>,
      %get3A_224 = arith.index_cast %scan3A_40 : i32 to index
      %get3A_225 = arith.constant 208 : index
      %get3A_226 = tpu.vector_load %arg10[%get3A_224, %get3A_225] {strides = array<i32>} : memref<32x1024xf32, #tpu.memory_space<vmem>>, vector<16xf32>,
      %add3A_227 = arith.addf %get3A_223, %get3A_226 : vector<16xf32>
      %get3A_228 = arith.index_cast %scan3A_40 : i32 to index
      %get3A_229 = arith.constant 208 : index
      %get3A_230 = tpu.vector_load %arg11[%get3A_228, %get3A_229] {strides = array<i32>} : memref<32x1024xf32, #tpu.memory_space<vmem>>, vector<16xf32>,
      %add3A_231 = arith.addf %add3A_227, %get3A_230 : vector<16xf32>
      %swap3A_232 = arith.index_cast %scan3A_40 : i32 to index
      %swap3A_233 = arith.constant 208 : index
      %swap3A_234 = tpu.vector_load %arg9[%swap3A_232, %swap3A_233] {strides = array<i32>} : memref<32x1024xf32, #tpu.memory_space<vmem>>, vector<16xf32>,
      tpu.vector_store %arg9[%swap3A_232, %swap3A_233], %add3A_231 {strides = array<i32>} : memref<32x1024xf32, #tpu.memory_space<vmem>>, vector<16xf32>,
      %get3A_235 = arith.index_cast %scan3A_40 : i32 to index
      %get3A_236 = arith.constant 224 : index
      %get3A_237 = tpu.vector_load %arg9[%get3A_235, %get3A_236] {strides = array<i32>} : memref<32x1024xf32, #tpu.memory_space<vmem>>, vector<16xf32>,
      %get3A_238 = arith.index_cast %scan3A_40 : i32 to index
      %get3A_239 = arith.constant 224 : index
      %get3A_240 = tpu.vector_load %arg10[%get3A_238, %get3A_239] {strides = array<i32>} : memref<32x1024xf32, #tpu.memory_space<vmem>>, vector<16xf32>,
      %add3A_241 = arith.addf %get3A_237, %get3A_240 : vector<16xf32>
      %get3A_242 = arith.index_cast %scan3A_40 : i32 to index
      %get3A_243 = arith.constant 224 : index
      %get3A_244 = tpu.vector_load %arg11[%get3A_242, %get3A_243] {strides = array<i32>} : memref<32x1024xf32, #tpu.memory_space<vmem>>, vector<16xf32>,
      %add3A_245 = arith.addf %add3A_241, %get3A_244 : vector<16xf32>
      %swap3A_246 = arith.index_cast %scan3A_40 : i32 to index
      %swap3A_247 = arith.constant 224 : index
      %swap3A_248 = tpu.vector_load %arg9[%swap3A_246, %swap3A_247] {strides = array<i32>} : memref<32x1024xf32, #tpu.memory_space<vmem>>, vector<16xf32>,
      tpu.vector_store %arg9[%swap3A_246, %swap3A_247], %add3A_245 {strides = array<i32>} : memref<32x1024xf32, #tpu.memory_space<vmem>>, vector<16xf32>,
      %get3A_249 = arith.index_cast %scan3A_40 : i32 to index
      %get3A_250 = arith.constant 240 : index
      %get3A_251 = tpu.vector_load %arg9[%get3A_249, %get3A_250] {strides = array<i32>} : memref<32x1024xf32, #tpu.memory_space<vmem>>, vector<16xf32>,
      %get3A_252 = arith.index_cast %scan3A_40 : i32 to index
      %get3A_253 = arith.constant 240 : index
      %get3A_254 = tpu.vector_load %arg10[%get3A_252, %get3A_253] {strides = array<i32>} : memref<32x1024xf32, #tpu.memory_space<vmem>>, vector<16xf32>,
      %add3A_255 = arith.addf %get3A_251, %get3A_254 : vector<16xf32>
      %get3A_256 = arith.index_cast %scan3A_40 : i32 to index
      %get3A_257 = arith.constant 240 : index
      %get3A_258 = tpu.vector_load %arg11[%get3A_256, %get3A_257] {strides = array<i32>} : memref<32x1024xf32, #tpu.memory_space<vmem>>, vector<16xf32>,
      %add3A_259 = arith.addf %add3A_255, %get3A_258 : vector<16xf32>
      %swap3A_260 = arith.index_cast %scan3A_40 : i32 to index
      %swap3A_261 = arith.constant 240 : index
      %swap3A_262 = tpu.vector_load %arg9[%swap3A_260, %swap3A_261] {strides = array<i32>} : memref<32x1024xf32, #tpu.memory_space<vmem>>, vector<16xf32>,
      tpu.vector_store %arg9[%swap3A_260, %swap3A_261], %add3A_259 {strides = array<i32>} : memref<32x1024xf32, #tpu.memory_space<vmem>>, vector<16xf32>,
      %get3A_263 = arith.index_cast %scan3A_40 : i32 to index
      %get3A_264 = arith.constant 256 : index
      %get3A_265 = tpu.vector_load %arg9[%get3A_263, %get3A_264] {strides = array<i32>} : memref<32x1024xf32, #tpu.memory_space<vmem>>, vector<16xf32>,
      %get3A_266 = arith.index_cast %scan3A_40 : i32 to index
      %get3A_267 = arith.constant 256 : index
      %get3A_268 = tpu.vector_load %arg10[%get3A_266, %get3A_267] {strides = array<i32>} : memref<32x1024xf32, #tpu.memory_space<vmem>>, vector<16xf32>,
      %add3A_269 = arith.addf %get3A_265, %get3A_268 : vector<16xf32>
      %get3A_270 = arith.index_cast %scan3A_40 : i32 to index
      %get3A_271 = arith.constant 256 : index
      %get3A_272 = tpu.vector_load %arg11[%get3A_270, %get3A_271] {strides = array<i32>} : memref<32x1024xf32, #tpu.memory_space<vmem>>, vector<16xf32>,
      %add3A_273 = arith.addf %add3A_269, %get3A_272 : vector<16xf32>
      %swap3A_274 = arith.index_cast %scan3A_40 : i32 to index
      %swap3A_275 = arith.constant 256 : index
      %swap3A_276 = tpu.vector_load %arg9[%swap3A_274, %swap3A_275] {strides = array<i32>} : memref<32x1024xf32, #tpu.memory_space<vmem>>, vector<16xf32>,
      tpu.vector_store %arg9[%swap3A_274, %swap3A_275], %add3A_273 {strides = array<i32>} : memref<32x1024xf32, #tpu.memory_space<vmem>>, vector<16xf32>,
      %get3A_277 = arith.index_cast %scan3A_40 : i32 to index
      %get3A_278 = arith.constant 272 : index
      %get3A_279 = tpu.vector_load %arg9[%get3A_277, %get3A_278] {strides = array<i32>} : memref<32x1024xf32, #tpu.memory_space<vmem>>, vector<16xf32>,
      %get3A_280 = arith.index_cast %scan3A_40 : i32 to index
      %get3A_281 = arith.constant 272 : index
      %get3A_282 = tpu.vector_load %arg10[%get3A_280, %get3A_281] {strides = array<i32>} : memref<32x1024xf32, #tpu.memory_space<vmem>>, vector<16xf32>,
      %add3A_283 = arith.addf %get3A_279, %get3A_282 : vector<16xf32>
      %get3A_284 = arith.index_cast %scan3A_40 : i32 to index
      %get3A_285 = arith.constant 272 : index
      %get3A_286 = tpu.vector_load %arg11[%get3A_284, %get3A_285] {strides = array<i32>} : memref<32x1024xf32, #tpu.memory_space<vmem>>, vector<16xf32>,
      %add3A_287 = arith.addf %add3A_283, %get3A_286 : vector<16xf32>
      %swap3A_288 = arith.index_cast %scan3A_40 : i32 to index
      %swap3A_289 = arith.constant 272 : index
      %swap3A_290 = tpu.vector_load %arg9[%swap3A_288, %swap3A_289] {strides = array<i32>} : memref<32x1024xf32, #tpu.memory_space<vmem>>, vector<16xf32>,
      tpu.vector_store %arg9[%swap3A_288, %swap3A_289], %add3A_287 {strides = array<i32>} : memref<32x1024xf32, #tpu.memory_space<vmem>>, vector<16xf32>,
      %get3A_291 = arith.index_cast %scan3A_40 : i32 to index
      %get3A_292 = arith.constant 288 : index
      %get3A_293 = tpu.vector_load %arg9[%get3A_291, %get3A_292] {strides = array<i32>} : memref<32x1024xf32, #tpu.memory_space<vmem>>, vector<16xf32>,
      %get3A_294 = arith.index_cast %scan3A_40 : i32 to index
      %get3A_295 = arith.constant 288 : index
      %get3A_296 = tpu.vector_load %arg10[%get3A_294, %get3A_295] {strides = array<i32>} : memref<32x1024xf32, #tpu.memory_space<vmem>>, vector<16xf32>,
      %add3A_297 = arith.addf %get3A_293, %get3A_296 : vector<16xf32>
      %get3A_298 = arith.index_cast %scan3A_40 : i32 to index
      %get3A_299 = arith.constant 288 : index
      %get3A_300 = tpu.vector_load %arg11[%get3A_298, %get3A_299] {strides = array<i32>} : memref<32x1024xf32, #tpu.memory_space<vmem>>, vector<16xf32>,
      %add3A_301 = arith.addf %add3A_297, %get3A_300 : vector<16xf32>
      %swap3A_302 = arith.index_cast %scan3A_40 : i32 to index
      %swap3A_303 = arith.constant 288 : index
      %swap3A_304 = tpu.vector_load %arg9[%swap3A_302, %swap3A_303] {strides = array<i32>} : memref<32x1024xf32, #tpu.memory_space<vmem>>, vector<16xf32>,
      tpu.vector_store %arg9[%swap3A_302, %swap3A_303], %add3A_301 {strides = array<i32>} : memref<32x1024xf32, #tpu.memory_space<vmem>>, vector<16xf32>,
      %get3A_305 = arith.index_cast %scan3A_40 : i32 to index
      %get3A_306 = arith.constant 304 : index
      %get3A_307 = tpu.vector_load %arg9[%get3A_305, %get3A_306] {strides = array<i32>} : memref<32x1024xf32, #tpu.memory_space<vmem>>, vector<16xf32>,
      %get3A_308 = arith.index_cast %scan3A_40 : i32 to index
      %get3A_309 = arith.constant 304 : index
      %get3A_310 = tpu.vector_load %arg10[%get3A_308, %get3A_309] {strides = array<i32>} : memref<32x1024xf32, #tpu.memory_space<vmem>>, vector<16xf32>,
      %add3A_311 = arith.addf %get3A_307, %get3A_310 : vector<16xf32>
      %get3A_312 = arith.index_cast %scan3A_40 : i32 to index
      %get3A_313 = arith.constant 304 : index
      %get3A_314 = tpu.vector_load %arg11[%get3A_312, %get3A_313] {strides = array<i32>} : memref<32x1024xf32, #tpu.memory_space<vmem>>, vector<16xf32>,
      %add3A_315 = arith.addf %add3A_311, %get3A_314 : vector<16xf32>
      %swap3A_316 = arith.index_cast %scan3A_40 : i32 to index
      %swap3A_317 = arith.constant 304 : index
      %swap3A_318 = tpu.vector_load %arg9[%swap3A_316, %swap3A_317] {strides = array<i32>} : memref<32x1024xf32, #tpu.memory_space<vmem>>, vector<16xf32>,
      tpu.vector_store %arg9[%swap3A_316, %swap3A_317], %add3A_315 {strides = array<i32>} : memref<32x1024xf32, #tpu.memory_space<vmem>>, vector<16xf32>,
      %get3A_319 = arith.index_cast %scan3A_40 : i32 to index
      %get3A_320 = arith.constant 320 : index
      %get3A_321 = tpu.vector_load %arg9[%get3A_319, %get3A_320] {strides = array<i32>} : memref<32x1024xf32, #tpu.memory_space<vmem>>, vector<16xf32>,
      %get3A_322 = arith.index_cast %scan3A_40 : i32 to index
      %get3A_323 = arith.constant 320 : index
      %get3A_324 = tpu.vector_load %arg10[%get3A_322, %get3A_323] {strides = array<i32>} : memref<32x1024xf32, #tpu.memory_space<vmem>>, vector<16xf32>,
      %add3A_325 = arith.addf %get3A_321, %get3A_324 : vector<16xf32>
      %get3A_326 = arith.index_cast %scan3A_40 : i32 to index
      %get3A_327 = arith.constant 320 : index
      %get3A_328 = tpu.vector_load %arg11[%get3A_326, %get3A_327] {strides = array<i32>} : memref<32x1024xf32, #tpu.memory_space<vmem>>, vector<16xf32>,
      %add3A_329 = arith.addf %add3A_325, %get3A_328 : vector<16xf32>
      %swap3A_330 = arith.index_cast %scan3A_40 : i32 to index
      %swap3A_331 = arith.constant 320 : index
      %swap3A_332 = tpu.vector_load %arg9[%swap3A_330, %swap3A_331] {strides = array<i32>} : memref<32x1024xf32, #tpu.memory_space<vmem>>, vector<16xf32>,
      tpu.vector_store %arg9[%swap3A_330, %swap3A_331], %add3A_329 {strides = array<i32>} : memref<32x1024xf32, #tpu.memory_space<vmem>>, vector<16xf32>,
      %get3A_333 = arith.index_cast %scan3A_40 : i32 to index
      %get3A_334 = arith.constant 336 : index
      %get3A_335 = tpu.vector_load %arg9[%get3A_333, %get3A_334] {strides = array<i32>} : memref<32x1024xf32, #tpu.memory_space<vmem>>, vector<16xf32>,
      %get3A_336 = arith.index_cast %scan3A_40 : i32 to index
      %get3A_337 = arith.constant 336 : index
      %get3A_338 = tpu.vector_load %arg10[%get3A_336, %get3A_337] {strides = array<i32>} : memref<32x1024xf32, #tpu.memory_space<vmem>>, vector<16xf32>,
      %add3A_339 = arith.addf %get3A_335, %get3A_338 : vector<16xf32>
      %get3A_340 = arith.index_cast %scan3A_40 : i32 to index
      %get3A_341 = arith.constant 336 : index
      %get3A_342 = tpu.vector_load %arg11[%get3A_340, %get3A_341] {strides = array<i32>} : memref<32x1024xf32, #tpu.memory_space<vmem>>, vector<16xf32>,
      %add3A_343 = arith.addf %add3A_339, %get3A_342 : vector<16xf32>
      %swap3A_344 = arith.index_cast %scan3A_40 : i32 to index
      %swap3A_345 = arith.constant 336 : index
      %swap3A_346 = tpu.vector_load %arg9[%swap3A_344, %swap3A_345] {strides = array<i32>} : memref<32x1024xf32, #tpu.memory_space<vmem>>, vector<16xf32>,
      tpu.vector_store %arg9[%swap3A_344, %swap3A_345], %add3A_343 {strides = array<i32>} : memref<32x1024xf32, #tpu.memory_space<vmem>>, vector<16xf32>,
      %get3A_347 = arith.index_cast %scan3A_40 : i32 to index
      %get3A_348 = arith.constant 352 : index
      %get3A_349 = tpu.vector_load %arg9[%get3A_347, %get3A_348] {strides = array<i32>} : memref<32x1024xf32, #tpu.memory_space<vmem>>, vector<16xf32>,
      %get3A_350 = arith.index_cast %scan3A_40 : i32 to index
      %get3A_351 = arith.constant 352 : index
      %get3A_352 = tpu.vector_load %arg10[%get3A_350, %get3A_351] {strides = array<i32>} : memref<32x1024xf32, #tpu.memory_space<vmem>>, vector<16xf32>,
      %add3A_353 = arith.addf %get3A_349, %get3A_352 : vector<16xf32>
      %get3A_354 = arith.index_cast %scan3A_40 : i32 to index
      %get3A_355 = arith.constant 352 : index
      %get3A_356 = tpu.vector_load %arg11[%get3A_354, %get3A_355] {strides = array<i32>} : memref<32x1024xf32, #tpu.memory_space<vmem>>, vector<16xf32>,
      %add3A_357 = arith.addf %add3A_353, %get3A_356 : vector<16xf32>
      %swap3A_358 = arith.index_cast %scan3A_40 : i32 to index
      %swap3A_359 = arith.constant 352 : index
      %swap3A_360 = tpu.vector_load %arg9[%swap3A_358, %swap3A_359] {strides = array<i32>} : memref<32x1024xf32, #tpu.memory_space<vmem>>, vector<16xf32>,
      tpu.vector_store %arg9[%swap3A_358, %swap3A_359], %add3A_357 {strides = array<i32>} : memref<32x1024xf32, #tpu.memory_space<vmem>>, vector<16xf32>,
      %get3A_361 = arith.index_cast %scan3A_40 : i32 to index
      %get3A_362 = arith.constant 368 : index
      %get3A_363 = tpu.vector_load %arg9[%get3A_361, %get3A_362] {strides = array<i32>} : memref<32x1024xf32, #tpu.memory_space<vmem>>, vector<16xf32>,
      %get3A_364 = arith.index_cast %scan3A_40 : i32 to index
      %get3A_365 = arith.constant 368 : index
      %get3A_366 = tpu.vector_load %arg10[%get3A_364, %get3A_365] {strides = array<i32>} : memref<32x1024xf32, #tpu.memory_space<vmem>>, vector<16xf32>,
      %add3A_367 = arith.addf %get3A_363, %get3A_366 : vector<16xf32>
      %get3A_368 = arith.index_cast %scan3A_40 : i32 to index
      %get3A_369 = arith.constant 368 : index
      %get3A_370 = tpu.vector_load %arg11[%get3A_368, %get3A_369] {strides = array<i32>} : memref<32x1024xf32, #tpu.memory_space<vmem>>, vector<16xf32>,
      %add3A_371 = arith.addf %add3A_367, %get3A_370 : vector<16xf32>
      %swap3A_372 = arith.index_cast %scan3A_40 : i32 to index
      %swap3A_373 = arith.constant 368 : index
      %swap3A_374 = tpu.vector_load %arg9[%swap3A_372, %swap3A_373] {strides = array<i32>} : memref<32x1024xf32, #tpu.memory_space<vmem>>, vector<16xf32>,
      tpu.vector_store %arg9[%swap3A_372, %swap3A_373], %add3A_371 {strides = array<i32>} : memref<32x1024xf32, #tpu.memory_space<vmem>>, vector<16xf32>,
      %get3A_375 = arith.index_cast %scan3A_40 : i32 to index
      %get3A_376 = arith.constant 384 : index
      %get3A_377 = tpu.vector_load %arg9[%get3A_375, %get3A_376] {strides = array<i32>} : memref<32x1024xf32, #tpu.memory_space<vmem>>, vector<16xf32>,
      %get3A_378 = arith.index_cast %scan3A_40 : i32 to index
      %get3A_379 = arith.constant 384 : index
      %get3A_380 = tpu.vector_load %arg10[%get3A_378, %get3A_379] {strides = array<i32>} : memref<32x1024xf32, #tpu.memory_space<vmem>>, vector<16xf32>,
      %add3A_381 = arith.addf %get3A_377, %get3A_380 : vector<16xf32>
      %get3A_382 = arith.index_cast %scan3A_40 : i32 to index
      %get3A_383 = arith.constant 384 : index
      %get3A_384 = tpu.vector_load %arg11[%get3A_382, %get3A_383] {strides = array<i32>} : memref<32x1024xf32, #tpu.memory_space<vmem>>, vector<16xf32>,
      %add3A_385 = arith.addf %add3A_381, %get3A_384 : vector<16xf32>
      %swap3A_386 = arith.index_cast %scan3A_40 : i32 to index
      %swap3A_387 = arith.constant 384 : index
      %swap3A_388 = tpu.vector_load %arg9[%swap3A_386, %swap3A_387] {strides = array<i32>} : memref<32x1024xf32, #tpu.memory_space<vmem>>, vector<16xf32>,
      tpu.vector_store %arg9[%swap3A_386, %swap3A_387], %add3A_385 {strides = array<i32>} : memref<32x1024xf32, #tpu.memory_space<vmem>>, vector<16xf32>,
      %get3A_389 = arith.index_cast %scan3A_40 : i32 to index
      %get3A_390 = arith.constant 400 : index
      %get3A_391 = tpu.vector_load %arg9[%get3A_389, %get3A_390] {strides = array<i32>} : memref<32x1024xf32, #tpu.memory_space<vmem>>, vector<16xf32>,
      %get3A_392 = arith.index_cast %scan3A_40 : i32 to index
      %get3A_393 = arith.constant 400 : index
      %get3A_394 = tpu.vector_load %arg10[%get3A_392, %get3A_393] {strides = array<i32>} : memref<32x1024xf32, #tpu.memory_space<vmem>>, vector<16xf32>,
      %add3A_395 = arith.addf %get3A_391, %get3A_394 : vector<16xf32>
      %get3A_396 = arith.index_cast %scan3A_40 : i32 to index
      %get3A_397 = arith.constant 400 : index
      %get3A_398 = tpu.vector_load %arg11[%get3A_396, %get3A_397] {strides = array<i32>} : memref<32x1024xf32, #tpu.memory_space<vmem>>, vector<16xf32>,
      %add3A_399 = arith.addf %add3A_395, %get3A_398 : vector<16xf32>
      %swap3A_400 = arith.index_cast %scan3A_40 : i32 to index
      %swap3A_401 = arith.constant 400 : index
      %swap3A_402 = tpu.vector_load %arg9[%swap3A_400, %swap3A_401] {strides = array<i32>} : memref<32x1024xf32, #tpu.memory_space<vmem>>, vector<16xf32>,
      tpu.vector_store %arg9[%swap3A_400, %swap3A_401], %add3A_399 {strides = array<i32>} : memref<32x1024xf32, #tpu.memory_space<vmem>>, vector<16xf32>,
      %get3A_403 = arith.index_cast %scan3A_40 : i32 to index
      %get3A_404 = arith.constant 416 : index
      %get3A_405 = tpu.vector_load %arg9[%get3A_403, %get3A_404] {strides = array<i32>} : memref<32x1024xf32, #tpu.memory_space<vmem>>, vector<16xf32>,
      %get3A_406 = arith.index_cast %scan3A_40 : i32 to index
      %get3A_407 = arith.constant 416 : index
      %get3A_408 = tpu.vector_load %arg10[%get3A_406, %get3A_407] {strides = array<i32>} : memref<32x1024xf32, #tpu.memory_space<vmem>>, vector<16xf32>,
      %add3A_409 = arith.addf %get3A_405, %get3A_408 : vector<16xf32>
      %get3A_410 = arith.index_cast %scan3A_40 : i32 to index
      %get3A_411 = arith.constant 416 : index
      %get3A_412 = tpu.vector_load %arg11[%get3A_410, %get3A_411] {strides = array<i32>} : memref<32x1024xf32, #tpu.memory_space<vmem>>, vector<16xf32>,
      %add3A_413 = arith.addf %add3A_409, %get3A_412 : vector<16xf32>
      %swap3A_414 = arith.index_cast %scan3A_40 : i32 to index
      %swap3A_415 = arith.constant 416 : index
      %swap3A_416 = tpu.vector_load %arg9[%swap3A_414, %swap3A_415] {strides = array<i32>} : memref<32x1024xf32, #tpu.memory_space<vmem>>, vector<16xf32>,
      tpu.vector_store %arg9[%swap3A_414, %swap3A_415], %add3A_413 {strides = array<i32>} : memref<32x1024xf32, #tpu.memory_space<vmem>>, vector<16xf32>,
      %get3A_417 = arith.index_cast %scan3A_40 : i32 to index
      %get3A_418 = arith.constant 432 : index
      %get3A_419 = tpu.vector_load %arg9[%get3A_417, %get3A_418] {strides = array<i32>} : memref<32x1024xf32, #tpu.memory_space<vmem>>, vector<16xf32>,
      %get3A_420 = arith.index_cast %scan3A_40 : i32 to index
      %get3A_421 = arith.constant 432 : index
      %get3A_422 = tpu.vector_load %arg10[%get3A_420, %get3A_421] {strides = array<i32>} : memref<32x1024xf32, #tpu.memory_space<vmem>>, vector<16xf32>,
      %add3A_423 = arith.addf %get3A_419, %get3A_422 : vector<16xf32>
      %get3A_424 = arith.index_cast %scan3A_40 : i32 to index
      %get3A_425 = arith.constant 432 : index
      %get3A_426 = tpu.vector_load %arg11[%get3A_424, %get3A_425] {strides = array<i32>} : memref<32x1024xf32, #tpu.memory_space<vmem>>, vector<16xf32>,
      %add3A_427 = arith.addf %add3A_423, %get3A_426 : vector<16xf32>
      %swap3A_428 = arith.index_cast %scan3A_40 : i32 to index
      %swap3A_429 = arith.constant 432 : index
      %swap3A_430 = tpu.vector_load %arg9[%swap3A_428, %swap3A_429] {strides = array<i32>} : memref<32x1024xf32, #tpu.memory_space<vmem>>, vector<16xf32>,
      tpu.vector_store %arg9[%swap3A_428, %swap3A_429], %add3A_427 {strides = array<i32>} : memref<32x1024xf32, #tpu.memory_space<vmem>>, vector<16xf32>,
      %get3A_431 = arith.index_cast %scan3A_40 : i32 to index
      %get3A_432 = arith.constant 448 : index
      %get3A_433 = tpu.vector_load %arg9[%get3A_431, %get3A_432] {strides = array<i32>} : memref<32x1024xf32, #tpu.memory_space<vmem>>, vector<16xf32>,
      %get3A_434 = arith.index_cast %scan3A_40 : i32 to index
      %get3A_435 = arith.constant 448 : index
      %get3A_436 = tpu.vector_load %arg10[%get3A_434, %get3A_435] {strides = array<i32>} : memref<32x1024xf32, #tpu.memory_space<vmem>>, vector<16xf32>,
      %add3A_437 = arith.addf %get3A_433, %get3A_436 : vector<16xf32>
      %get3A_438 = arith.index_cast %scan3A_40 : i32 to index
      %get3A_439 = arith.constant 448 : index
      %get3A_440 = tpu.vector_load %arg11[%get3A_438, %get3A_439] {strides = array<i32>} : memref<32x1024xf32, #tpu.memory_space<vmem>>, vector<16xf32>,
      %add3A_441 = arith.addf %add3A_437, %get3A_440 : vector<16xf32>
      %swap3A_442 = arith.index_cast %scan3A_40 : i32 to index
      %swap3A_443 = arith.constant 448 : index
      %swap3A_444 = tpu.vector_load %arg9[%swap3A_442, %swap3A_443] {strides = array<i32>} : memref<32x1024xf32, #tpu.memory_space<vmem>>, vector<16xf32>,
      tpu.vector_store %arg9[%swap3A_442, %swap3A_443], %add3A_441 {strides = array<i32>} : memref<32x1024xf32, #tpu.memory_space<vmem>>, vector<16xf32>,
      %get3A_445 = arith.index_cast %scan3A_40 : i32 to index
      %get3A_446 = arith.constant 464 : index
      %get3A_447 = tpu.vector_load %arg9[%get3A_445, %get3A_446] {strides = array<i32>} : memref<32x1024xf32, #tpu.memory_space<vmem>>, vector<16xf32>,
      %get3A_448 = arith.index_cast %scan3A_40 : i32 to index
      %get3A_449 = arith.constant 464 : index
      %get3A_450 = tpu.vector_load %arg10[%get3A_448, %get3A_449] {strides = array<i32>} : memref<32x1024xf32, #tpu.memory_space<vmem>>, vector<16xf32>,
      %add3A_451 = arith.addf %get3A_447, %get3A_450 : vector<16xf32>
      %get3A_452 = arith.index_cast %scan3A_40 : i32 to index
      %get3A_453 = arith.constant 464 : index
      %get3A_454 = tpu.vector_load %arg11[%get3A_452, %get3A_453] {strides = array<i32>} : memref<32x1024xf32, #tpu.memory_space<vmem>>, vector<16xf32>,
      %add3A_455 = arith.addf %add3A_451, %get3A_454 : vector<16xf32>
      %swap3A_456 = arith.index_cast %scan3A_40 : i32 to index
      %swap3A_457 = arith.constant 464 : index
      %swap3A_458 = tpu.vector_load %arg9[%swap3A_456, %swap3A_457] {strides = array<i32>} : memref<32x1024xf32, #tpu.memory_space<vmem>>, vector<16xf32>,
      tpu.vector_store %arg9[%swap3A_456, %swap3A_457], %add3A_455 {strides = array<i32>} : memref<32x1024xf32, #tpu.memory_space<vmem>>, vector<16xf32>,
      %get3A_459 = arith.index_cast %scan3A_40 : i32 to index
      %get3A_460 = arith.constant 480 : index
      %get3A_461 = tpu.vector_load %arg9[%get3A_459, %get3A_460] {strides = array<i32>} : memref<32x1024xf32, #tpu.memory_space<vmem>>, vector<16xf32>,
      %get3A_462 = arith.index_cast %scan3A_40 : i32 to index
      %get3A_463 = arith.constant 480 : index
      %get3A_464 = tpu.vector_load %arg10[%get3A_462, %get3A_463] {strides = array<i32>} : memref<32x1024xf32, #tpu.memory_space<vmem>>, vector<16xf32>,
      %add3A_465 = arith.addf %get3A_461, %get3A_464 : vector<16xf32>
      %get3A_466 = arith.index_cast %scan3A_40 : i32 to index
      %get3A_467 = arith.constant 480 : index
      %get3A_468 = tpu.vector_load %arg11[%get3A_466, %get3A_467] {strides = array<i32>} : memref<32x1024xf32, #tpu.memory_space<vmem>>, vector<16xf32>,
      %add3A_469 = arith.addf %add3A_465, %get3A_468 : vector<16xf32>
      %swap3A_470 = arith.index_cast %scan3A_40 : i32 to index
      %swap3A_471 = arith.constant 480 : index
      %swap3A_472 = tpu.vector_load %arg9[%swap3A_470, %swap3A_471] {strides = array<i32>} : memref<32x1024xf32, #tpu.memory_space<vmem>>, vector<16xf32>,
      tpu.vector_store %arg9[%swap3A_470, %swap3A_471], %add3A_469 {strides = array<i32>} : memref<32x1024xf32, #tpu.memory_space<vmem>>, vector<16xf32>,
      %get3A_473 = arith.index_cast %scan3A_40 : i32 to index
      %get3A_474 = arith.constant 496 : index
      %get3A_475 = tpu.vector_load %arg9[%get3A_473, %get3A_474] {strides = array<i32>} : memref<32x1024xf32, #tpu.memory_space<vmem>>, vector<16xf32>,
      %get3A_476 = arith.index_cast %scan3A_40 : i32 to index
      %get3A_477 = arith.constant 496 : index
      %get3A_478 = tpu.vector_load %arg10[%get3A_476, %get3A_477] {strides = array<i32>} : memref<32x1024xf32, #tpu.memory_space<vmem>>, vector<16xf32>,
      %add3A_479 = arith.addf %get3A_475, %get3A_478 : vector<16xf32>
      %get3A_480 = arith.index_cast %scan3A_40 : i32 to index
      %get3A_481 = arith.constant 496 : index
      %get3A_482 = tpu.vector_load %arg11[%get3A_480, %get3A_481] {strides = array<i32>} : memref<32x1024xf32, #tpu.memory_space<vmem>>, vector<16xf32>,
      %add3A_483 = arith.addf %add3A_479, %get3A_482 : vector<16xf32>
      %swap3A_484 = arith.index_cast %scan3A_40 : i32 to index
      %swap3A_485 = arith.constant 496 : index
      %swap3A_486 = tpu.vector_load %arg9[%swap3A_484, %swap3A_485] {strides = array<i32>} : memref<32x1024xf32, #tpu.memory_space<vmem>>, vector<16xf32>,
      tpu.vector_store %arg9[%swap3A_484, %swap3A_485], %add3A_483 {strides = array<i32>} : memref<32x1024xf32, #tpu.memory_space<vmem>>, vector<16xf32>,
      %get3A_487 = arith.index_cast %scan3A_40 : i32 to index
      %get3A_488 = arith.constant 512 : index
      %get3A_489 = tpu.vector_load %arg9[%get3A_487, %get3A_488] {strides = array<i32>} : memref<32x1024xf32, #tpu.memory_space<vmem>>, vector<16xf32>,
      %get3A_490 = arith.index_cast %scan3A_40 : i32 to index
      %get3A_491 = arith.constant 512 : index
      %get3A_492 = tpu.vector_load %arg10[%get3A_490, %get3A_491] {strides = array<i32>} : memref<32x1024xf32, #tpu.memory_space<vmem>>, vector<16xf32>,
      %add3A_493 = arith.addf %get3A_489, %get3A_492 : vector<16xf32>
      %get3A_494 = arith.index_cast %scan3A_40 : i32 to index
      %get3A_495 = arith.constant 512 : index
      %get3A_496 = tpu.vector_load %arg11[%get3A_494, %get3A_495] {strides = array<i32>} : memref<32x1024xf32, #tpu.memory_space<vmem>>, vector<16xf32>,
      %add3A_497 = arith.addf %add3A_493, %get3A_496 : vector<16xf32>
      %swap3A_498 = arith.index_cast %scan3A_40 : i32 to index
      %swap3A_499 = arith.constant 512 : index
      %swap3A_500 = tpu.vector_load %arg9[%swap3A_498, %swap3A_499] {strides = array<i32>} : memref<32x1024xf32, #tpu.memory_space<vmem>>, vector<16xf32>,
      tpu.vector_store %arg9[%swap3A_498, %swap3A_499], %add3A_497 {strides = array<i32>} : memref<32x1024xf32, #tpu.memory_space<vmem>>, vector<16xf32>,
      %get3A_501 = arith.index_cast %scan3A_40 : i32 to index
      %get3A_502 = arith.constant 528 : index
      %get3A_503 = tpu.vector_load %arg9[%get3A_501, %get3A_502] {strides = array<i32>} : memref<32x1024xf32, #tpu.memory_space<vmem>>, vector<16xf32>,
      %get3A_504 = arith.index_cast %scan3A_40 : i32 to index
      %get3A_505 = arith.constant 528 : index
      %get3A_506 = tpu.vector_load %arg10[%get3A_504, %get3A_505] {strides = array<i32>} : memref<32x1024xf32, #tpu.memory_space<vmem>>, vector<16xf32>,
      %add3A_507 = arith.addf %get3A_503, %get3A_506 : vector<16xf32>
      %get3A_508 = arith.index_cast %scan3A_40 : i32 to index
      %get3A_509 = arith.constant 528 : index
      %get3A_510 = tpu.vector_load %arg11[%get3A_508, %get3A_509] {strides = array<i32>} : memref<32x1024xf32, #tpu.memory_space<vmem>>, vector<16xf32>,
      %add3A_511 = arith.addf %add3A_507, %get3A_510 : vector<16xf32>
      %swap3A_512 = arith.index_cast %scan3A_40 : i32 to index
      %swap3A_513 = arith.constant 528 : index
      %swap3A_514 = tpu.vector_load %arg9[%swap3A_512, %swap3A_513] {strides = array<i32>} : memref<32x1024xf32, #tpu.memory_space<vmem>>, vector<16xf32>,
      tpu.vector_store %arg9[%swap3A_512, %swap3A_513], %add3A_511 {strides = array<i32>} : memref<32x1024xf32, #tpu.memory_space<vmem>>, vector<16xf32>,
      %get3A_515 = arith.index_cast %scan3A_40 : i32 to index
      %get3A_516 = arith.constant 544 : index
      %get3A_517 = tpu.vector_load %arg9[%get3A_515, %get3A_516] {strides = array<i32>} : memref<32x1024xf32, #tpu.memory_space<vmem>>, vector<16xf32>,
      %get3A_518 = arith.index_cast %scan3A_40 : i32 to index
      %get3A_519 = arith.constant 544 : index
      %get3A_520 = tpu.vector_load %arg10[%get3A_518, %get3A_519] {strides = array<i32>} : memref<32x1024xf32, #tpu.memory_space<vmem>>, vector<16xf32>,
      %add3A_521 = arith.addf %get3A_517, %get3A_520 : vector<16xf32>
      %get3A_522 = arith.index_cast %scan3A_40 : i32 to index
      %get3A_523 = arith.constant 544 : index
      %get3A_524 = tpu.vector_load %arg11[%get3A_522, %get3A_523] {strides = array<i32>} : memref<32x1024xf32, #tpu.memory_space<vmem>>, vector<16xf32>,
      %add3A_525 = arith.addf %add3A_521, %get3A_524 : vector<16xf32>
      %swap3A_526 = arith.index_cast %scan3A_40 : i32 to index
      %swap3A_527 = arith.constant 544 : index
      %swap3A_528 = tpu.vector_load %arg9[%swap3A_526, %swap3A_527] {strides = array<i32>} : memref<32x1024xf32, #tpu.memory_space<vmem>>, vector<16xf32>,
      tpu.vector_store %arg9[%swap3A_526, %swap3A_527], %add3A_525 {strides = array<i32>} : memref<32x1024xf32, #tpu.memory_space<vmem>>, vector<16xf32>,
      %get3A_529 = arith.index_cast %scan3A_40 : i32 to index
      %get3A_530 = arith.constant 560 : index
      %get3A_531 = tpu.vector_load %arg9[%get3A_529, %get3A_530] {strides = array<i32>} : memref<32x1024xf32, #tpu.memory_space<vmem>>, vector<16xf32>,
      %get3A_532 = arith.index_cast %scan3A_40 : i32 to index
      %get3A_533 = arith.constant 560 : index
      %get3A_534 = tpu.vector_load %arg10[%get3A_532, %get3A_533] {strides = array<i32>} : memref<32x1024xf32, #tpu.memory_space<vmem>>, vector<16xf32>,
      %add3A_535 = arith.addf %get3A_531, %get3A_534 : vector<16xf32>
      %get3A_536 = arith.index_cast %scan3A_40 : i32 to index
      %get3A_537 = arith.constant 560 : index
      %get3A_538 = tpu.vector_load %arg11[%get3A_536, %get3A_537] {strides = array<i32>} : memref<32x1024xf32, #tpu.memory_space<vmem>>, vector<16xf32>,
      %add3A_539 = arith.addf %add3A_535, %get3A_538 : vector<16xf32>
      %swap3A_540 = arith.index_cast %scan3A_40 : i32 to index
      %swap3A_541 = arith.constant 560 : index
      %swap3A_542 = tpu.vector_load %arg9[%swap3A_540, %swap3A_541] {strides = array<i32>} : memref<32x1024xf32, #tpu.memory_space<vmem>>, vector<16xf32>,
      tpu.vector_store %arg9[%swap3A_540, %swap3A_541], %add3A_539 {strides = array<i32>} : memref<32x1024xf32, #tpu.memory_space<vmem>>, vector<16xf32>,
      %get3A_543 = arith.index_cast %scan3A_40 : i32 to index
      %get3A_544 = arith.constant 576 : index
      %get3A_545 = tpu.vector_load %arg9[%get3A_543, %get3A_544] {strides = array<i32>} : memref<32x1024xf32, #tpu.memory_space<vmem>>, vector<16xf32>,
      %get3A_546 = arith.index_cast %scan3A_40 : i32 to index
      %get3A_547 = arith.constant 576 : index
      %get3A_548 = tpu.vector_load %arg10[%get3A_546, %get3A_547] {strides = array<i32>} : memref<32x1024xf32, #tpu.memory_space<vmem>>, vector<16xf32>,
      %add3A_549 = arith.addf %get3A_545, %get3A_548 : vector<16xf32>
      %get3A_550 = arith.index_cast %scan3A_40 : i32 to index
      %get3A_551 = arith.constant 576 : index
      %get3A_552 = tpu.vector_load %arg11[%get3A_550, %get3A_551] {strides = array<i32>} : memref<32x1024xf32, #tpu.memory_space<vmem>>, vector<16xf32>,
      %add3A_553 = arith.addf %add3A_549, %get3A_552 : vector<16xf32>
      %swap3A_554 = arith.index_cast %scan3A_40 : i32 to index
      %swap3A_555 = arith.constant 576 : index
      %swap3A_556 = tpu.vector_load %arg9[%swap3A_554, %swap3A_555] {strides = array<i32>} : memref<32x1024xf32, #tpu.memory_space<vmem>>, vector<16xf32>,
      tpu.vector_store %arg9[%swap3A_554, %swap3A_555], %add3A_553 {strides = array<i32>} : memref<32x1024xf32, #tpu.memory_space<vmem>>, vector<16xf32>,
      %get3A_557 = arith.index_cast %scan3A_40 : i32 to index
      %get3A_558 = arith.constant 592 : index
      %get3A_559 = tpu.vector_load %arg9[%get3A_557, %get3A_558] {strides = array<i32>} : memref<32x1024xf32, #tpu.memory_space<vmem>>, vector<16xf32>,
      %get3A_560 = arith.index_cast %scan3A_40 : i32 to index
      %get3A_561 = arith.constant 592 : index
      %get3A_562 = tpu.vector_load %arg10[%get3A_560, %get3A_561] {strides = array<i32>} : memref<32x1024xf32, #tpu.memory_space<vmem>>, vector<16xf32>,
      %add3A_563 = arith.addf %get3A_559, %get3A_562 : vector<16xf32>
      %get3A_564 = arith.index_cast %scan3A_40 : i32 to index
      %get3A_565 = arith.constant 592 : index
      %get3A_566 = tpu.vector_load %arg11[%get3A_564, %get3A_565] {strides = array<i32>} : memref<32x1024xf32, #tpu.memory_space<vmem>>, vector<16xf32>,
      %add3A_567 = arith.addf %add3A_563, %get3A_566 : vector<16xf32>
      %swap3A_568 = arith.index_cast %scan3A_40 : i32 to index
      %swap3A_569 = arith.constant 592 : index
      %swap3A_570 = tpu.vector_load %arg9[%swap3A_568, %swap3A_569] {strides = array<i32>} : memref<32x1024xf32, #tpu.memory_space<vmem>>, vector<16xf32>,
      tpu.vector_store %arg9[%swap3A_568, %swap3A_569], %add3A_567 {strides = array<i32>} : memref<32x1024xf32, #tpu.memory_space<vmem>>, vector<16xf32>,
      %get3A_571 = arith.index_cast %scan3A_40 : i32 to index
      %get3A_572 = arith.constant 608 : index
      %get3A_573 = tpu.vector_load %arg9[%get3A_571, %get3A_572] {strides = array<i32>} : memref<32x1024xf32, #tpu.memory_space<vmem>>, vector<16xf32>,
      %get3A_574 = arith.index_cast %scan3A_40 : i32 to index
      %get3A_575 = arith.constant 608 : index
      %get3A_576 = tpu.vector_load %arg10[%get3A_574, %get3A_575] {strides = array<i32>} : memref<32x1024xf32, #tpu.memory_space<vmem>>, vector<16xf32>,
      %add3A_577 = arith.addf %get3A_573, %get3A_576 : vector<16xf32>
      %get3A_578 = arith.index_cast %scan3A_40 : i32 to index
      %get3A_579 = arith.constant 608 : index
      %get3A_580 = tpu.vector_load %arg11[%get3A_578, %get3A_579] {strides = array<i32>} : memref<32x1024xf32, #tpu.memory_space<vmem>>, vector<16xf32>,
      %add3A_581 = arith.addf %add3A_577, %get3A_580 : vector<16xf32>
      %swap3A_582 = arith.index_cast %scan3A_40 : i32 to index
      %swap3A_583 = arith.constant 608 : index
      %swap3A_584 = tpu.vector_load %arg9[%swap3A_582, %swap3A_583] {strides = array<i32>} : memref<32x1024xf32, #tpu.memory_space<vmem>>, vector<16xf32>,
      tpu.vector_store %arg9[%swap3A_582, %swap3A_583], %add3A_581 {strides = array<i32>} : memref<32x1024xf32, #tpu.memory_space<vmem>>, vector<16xf32>,
      %get3A_585 = arith.index_cast %scan3A_40 : i32 to index
      %get3A_586 = arith.constant 624 : index
      %get3A_587 = tpu.vector_load %arg9[%get3A_585, %get3A_586] {strides = array<i32>} : memref<32x1024xf32, #tpu.memory_space<vmem>>, vector<16xf32>,
      %get3A_588 = arith.index_cast %scan3A_40 : i32 to index
      %get3A_589 = arith.constant 624 : index
      %get3A_590 = tpu.vector_load %arg10[%get3A_588, %get3A_589] {strides = array<i32>} : memref<32x1024xf32, #tpu.memory_space<vmem>>, vector<16xf32>,
      %add3A_591 = arith.addf %get3A_587, %get3A_590 : vector<16xf32>
      %get3A_592 = arith.index_cast %scan3A_40 : i32 to index
      %get3A_593 = arith.constant 624 : index
      %get3A_594 = tpu.vector_load %arg11[%get3A_592, %get3A_593] {strides = array<i32>} : memref<32x1024xf32, #tpu.memory_space<vmem>>, vector<16xf32>,
      %add3A_595 = arith.addf %add3A_591, %get3A_594 : vector<16xf32>
      %swap3A_596 = arith.index_cast %scan3A_40 : i32 to index
      %swap3A_597 = arith.constant 624 : index
      %swap3A_598 = tpu.vector_load %arg9[%swap3A_596, %swap3A_597] {strides = array<i32>} : memref<32x1024xf32, #tpu.memory_space<vmem>>, vector<16xf32>,
      tpu.vector_store %arg9[%swap3A_596, %swap3A_597], %add3A_595 {strides = array<i32>} : memref<32x1024xf32, #tpu.memory_space<vmem>>, vector<16xf32>,
      %get3A_599 = arith.index_cast %scan3A_40 : i32 to index
      %get3A_600 = arith.constant 640 : index
      %get3A_601 = tpu.vector_load %arg9[%get3A_599, %get3A_600] {strides = array<i32>} : memref<32x1024xf32, #tpu.memory_space<vmem>>, vector<16xf32>,
      %get3A_602 = arith.index_cast %scan3A_40 : i32 to index
      %get3A_603 = arith.constant 640 : index
      %get3A_604 = tpu.vector_load %arg10[%get3A_602, %get3A_603] {strides = array<i32>} : memref<32x1024xf32, #tpu.memory_space<vmem>>, vector<16xf32>,
      %add3A_605 = arith.addf %get3A_601, %get3A_604 : vector<16xf32>
      %get3A_606 = arith.index_cast %scan3A_40 : i32 to index
      %get3A_607 = arith.constant 640 : index
      %get3A_608 = tpu.vector_load %arg11[%get3A_606, %get3A_607] {strides = array<i32>} : memref<32x1024xf32, #tpu.memory_space<vmem>>, vector<16xf32>,
      %add3A_609 = arith.addf %add3A_605, %get3A_608 : vector<16xf32>
      %swap3A_610 = arith.index_cast %scan3A_40 : i32 to index
      %swap3A_611 = arith.constant 640 : index
      %swap3A_612 = tpu.vector_load %arg9[%swap3A_610, %swap3A_611] {strides = array<i32>} : memref<32x1024xf32, #tpu.memory_space<vmem>>, vector<16xf32>,
      tpu.vector_store %arg9[%swap3A_610, %swap3A_611], %add3A_609 {strides = array<i32>} : memref<32x1024xf32, #tpu.memory_space<vmem>>, vector<16xf32>,
      %get3A_613 = arith.index_cast %scan3A_40 : i32 to index
      %get3A_614 = arith.constant 656 : index
      %get3A_615 = tpu.vector_load %arg9[%get3A_613, %get3A_614] {strides = array<i32>} : memref<32x1024xf32, #tpu.memory_space<vmem>>, vector<16xf32>,
      %get3A_616 = arith.index_cast %scan3A_40 : i32 to index
      %get3A_617 = arith.constant 656 : index
      %get3A_618 = tpu.vector_load %arg10[%get3A_616, %get3A_617] {strides = array<i32>} : memref<32x1024xf32, #tpu.memory_space<vmem>>, vector<16xf32>,
      %add3A_619 = arith.addf %get3A_615, %get3A_618 : vector<16xf32>
      %get3A_620 = arith.index_cast %scan3A_40 : i32 to index
      %get3A_621 = arith.constant 656 : index
      %get3A_622 = tpu.vector_load %arg11[%get3A_620, %get3A_621] {strides = array<i32>} : memref<32x1024xf32, #tpu.memory_space<vmem>>, vector<16xf32>,
      %add3A_623 = arith.addf %add3A_619, %get3A_622 : vector<16xf32>
      %swap3A_624 = arith.index_cast %scan3A_40 : i32 to index
      %swap3A_625 = arith.constant 656 : index
      %swap3A_626 = tpu.vector_load %arg9[%swap3A_624, %swap3A_625] {strides = array<i32>} : memref<32x1024xf32, #tpu.memory_space<vmem>>, vector<16xf32>,
      tpu.vector_store %arg9[%swap3A_624, %swap3A_625], %add3A_623 {strides = array<i32>} : memref<32x1024xf32, #tpu.memory_space<vmem>>, vector<16xf32>,
      %get3A_627 = arith.index_cast %scan3A_40 : i32 to index
      %get3A_628 = arith.constant 672 : index
      %get3A_629 = tpu.vector_load %arg9[%get3A_627, %get3A_628] {strides = array<i32>} : memref<32x1024xf32, #tpu.memory_space<vmem>>, vector<16xf32>,
      %get3A_630 = arith.index_cast %scan3A_40 : i32 to index
      %get3A_631 = arith.constant 672 : index
      %get3A_632 = tpu.vector_load %arg10[%get3A_630, %get3A_631] {strides = array<i32>} : memref<32x1024xf32, #tpu.memory_space<vmem>>, vector<16xf32>,
      %add3A_633 = arith.addf %get3A_629, %get3A_632 : vector<16xf32>
      %get3A_634 = arith.index_cast %scan3A_40 : i32 to index
      %get3A_635 = arith.constant 672 : index
      %get3A_636 = tpu.vector_load %arg11[%get3A_634, %get3A_635] {strides = array<i32>} : memref<32x1024xf32, #tpu.memory_space<vmem>>, vector<16xf32>,
      %add3A_637 = arith.addf %add3A_633, %get3A_636 : vector<16xf32>
      %swap3A_638 = arith.index_cast %scan3A_40 : i32 to index
      %swap3A_639 = arith.constant 672 : index
      %swap3A_640 = tpu.vector_load %arg9[%swap3A_638, %swap3A_639] {strides = array<i32>} : memref<32x1024xf32, #tpu.memory_space<vmem>>, vector<16xf32>,
      tpu.vector_store %arg9[%swap3A_638, %swap3A_639], %add3A_637 {strides = array<i32>} : memref<32x1024xf32, #tpu.memory_space<vmem>>, vector<16xf32>,
      %get3A_641 = arith.index_cast %scan3A_40 : i32 to index
      %get3A_642 = arith.constant 688 : index
      %get3A_643 = tpu.vector_load %arg9[%get3A_641, %get3A_642] {strides = array<i32>} : memref<32x1024xf32, #tpu.memory_space<vmem>>, vector<16xf32>,
      %get3A_644 = arith.index_cast %scan3A_40 : i32 to index
      %get3A_645 = arith.constant 688 : index
      %get3A_646 = tpu.vector_load %arg10[%get3A_644, %get3A_645] {strides = array<i32>} : memref<32x1024xf32, #tpu.memory_space<vmem>>, vector<16xf32>,
      %add3A_647 = arith.addf %get3A_643, %get3A_646 : vector<16xf32>
      %get3A_648 = arith.index_cast %scan3A_40 : i32 to index
      %get3A_649 = arith.constant 688 : index
      %get3A_650 = tpu.vector_load %arg11[%get3A_648, %get3A_649] {strides = array<i32>} : memref<32x1024xf32, #tpu.memory_space<vmem>>, vector<16xf32>,
      %add3A_651 = arith.addf %add3A_647, %get3A_650 : vector<16xf32>
      %swap3A_652 = arith.index_cast %scan3A_40 : i32 to index
      %swap3A_653 = arith.constant 688 : index
      %swap3A_654 = tpu.vector_load %arg9[%swap3A_652, %swap3A_653] {strides = array<i32>} : memref<32x1024xf32, #tpu.memory_space<vmem>>, vector<16xf32>,
      tpu.vector_store %arg9[%swap3A_652, %swap3A_653], %add3A_651 {strides = array<i32>} : memref<32x1024xf32, #tpu.memory_space<vmem>>, vector<16xf32>,
      %get3A_655 = arith.index_cast %scan3A_40 : i32 to index
      %get3A_656 = arith.constant 704 : index
      %get3A_657 = tpu.vector_load %arg9[%get3A_655, %get3A_656] {strides = array<i32>} : memref<32x1024xf32, #tpu.memory_space<vmem>>, vector<16xf32>,
      %get3A_658 = arith.index_cast %scan3A_40 : i32 to index
      %get3A_659 = arith.constant 704 : index
      %get3A_660 = tpu.vector_load %arg10[%get3A_658, %get3A_659] {strides = array<i32>} : memref<32x1024xf32, #tpu.memory_space<vmem>>, vector<16xf32>,
      %add3A_661 = arith.addf %get3A_657, %get3A_660 : vector<16xf32>
      %get3A_662 = arith.index_cast %scan3A_40 : i32 to index
      %get3A_663 = arith.constant 704 : index
      %get3A_664 = tpu.vector_load %arg11[%get3A_662, %get3A_663] {strides = array<i32>} : memref<32x1024xf32, #tpu.memory_space<vmem>>, vector<16xf32>,
      %add3A_665 = arith.addf %add3A_661, %get3A_664 : vector<16xf32>
      %swap3A_666 = arith.index_cast %scan3A_40 : i32 to index
      %swap3A_667 = arith.constant 704 : index
      %swap3A_668 = tpu.vector_load %arg9[%swap3A_666, %swap3A_667] {strides = array<i32>} : memref<32x1024xf32, #tpu.memory_space<vmem>>, vector<16xf32>,
      tpu.vector_store %arg9[%swap3A_666, %swap3A_667], %add3A_665 {strides = array<i32>} : memref<32x1024xf32, #tpu.memory_space<vmem>>, vector<16xf32>,
      %get3A_669 = arith.index_cast %scan3A_40 : i32 to index
      %get3A_670 = arith.constant 720 : index
      %get3A_671 = tpu.vector_load %arg9[%get3A_669, %get3A_670] {strides = array<i32>} : memref<32x1024xf32, #tpu.memory_space<vmem>>, vector<16xf32>,
      %get3A_672 = arith.index_cast %scan3A_40 : i32 to index
      %get3A_673 = arith.constant 720 : index
      %get3A_674 = tpu.vector_load %arg10[%get3A_672, %get3A_673] {strides = array<i32>} : memref<32x1024xf32, #tpu.memory_space<vmem>>, vector<16xf32>,
      %add3A_675 = arith.addf %get3A_671, %get3A_674 : vector<16xf32>
      %get3A_676 = arith.index_cast %scan3A_40 : i32 to index
      %get3A_677 = arith.constant 720 : index
      %get3A_678 = tpu.vector_load %arg11[%get3A_676, %get3A_677] {strides = array<i32>} : memref<32x1024xf32, #tpu.memory_space<vmem>>, vector<16xf32>,
      %add3A_679 = arith.addf %add3A_675, %get3A_678 : vector<16xf32>
      %swap3A_680 = arith.index_cast %scan3A_40 : i32 to index
      %swap3A_681 = arith.constant 720 : index
      %swap3A_682 = tpu.vector_load %arg9[%swap3A_680, %swap3A_681] {strides = array<i32>} : memref<32x1024xf32, #tpu.memory_space<vmem>>, vector<16xf32>,
      tpu.vector_store %arg9[%swap3A_680, %swap3A_681], %add3A_679 {strides = array<i32>} : memref<32x1024xf32, #tpu.memory_space<vmem>>, vector<16xf32>,
      %get3A_683 = arith.index_cast %scan3A_40 : i32 to index
      %get3A_684 = arith.constant 736 : index
      %get3A_685 = tpu.vector_load %arg9[%get3A_683, %get3A_684] {strides = array<i32>} : memref<32x1024xf32, #tpu.memory_space<vmem>>, vector<16xf32>,
      %get3A_686 = arith.index_cast %scan3A_40 : i32 to index
      %get3A_687 = arith.constant 736 : index
      %get3A_688 = tpu.vector_load %arg10[%get3A_686, %get3A_687] {strides = array<i32>} : memref<32x1024xf32, #tpu.memory_space<vmem>>, vector<16xf32>,
      %add3A_689 = arith.addf %get3A_685, %get3A_688 : vector<16xf32>
      %get3A_690 = arith.index_cast %scan3A_40 : i32 to index
      %get3A_691 = arith.constant 736 : index
      %get3A_692 = tpu.vector_load %arg11[%get3A_690, %get3A_691] {strides = array<i32>} : memref<32x1024xf32, #tpu.memory_space<vmem>>, vector<16xf32>,
      %add3A_693 = arith.addf %add3A_689, %get3A_692 : vector<16xf32>
      %swap3A_694 = arith.index_cast %scan3A_40 : i32 to index
      %swap3A_695 = arith.constant 736 : index
      %swap3A_696 = tpu.vector_load %arg9[%swap3A_694, %swap3A_695] {strides = array<i32>} : memref<32x1024xf32, #tpu.memory_space<vmem>>, vector<16xf32>,
      tpu.vector_store %arg9[%swap3A_694, %swap3A_695], %add3A_693 {strides = array<i32>} : memref<32x1024xf32, #tpu.memory_space<vmem>>, vector<16xf32>,
      %get3A_697 = arith.index_cast %scan3A_40 : i32 to index
      %get3A_698 = arith.constant 752 : index
      %get3A_699 = tpu.vector_load %arg9[%get3A_697, %get3A_698] {strides = array<i32>} : memref<32x1024xf32, #tpu.memory_space<vmem>>, vector<16xf32>,
      %get3A_700 = arith.index_cast %scan3A_40 : i32 to index
      %get3A_701 = arith.constant 752 : index
      %get3A_702 = tpu.vector_load %arg10[%get3A_700, %get3A_701] {strides = array<i32>} : memref<32x1024xf32, #tpu.memory_space<vmem>>, vector<16xf32>,
      %add3A_703 = arith.addf %get3A_699, %get3A_702 : vector<16xf32>
      %get3A_704 = arith.index_cast %scan3A_40 : i32 to index
      %get3A_705 = arith.constant 752 : index
      %get3A_706 = tpu.vector_load %arg11[%get3A_704, %get3A_705] {strides = array<i32>} : memref<32x1024xf32, #tpu.memory_space<vmem>>, vector<16xf32>,
      %add3A_707 = arith.addf %add3A_703, %get3A_706 : vector<16xf32>
      %swap3A_708 = arith.index_cast %scan3A_40 : i32 to index
      %swap3A_709 = arith.constant 752 : index
      %swap3A_710 = tpu.vector_load %arg9[%swap3A_708, %swap3A_709] {strides = array<i32>} : memref<32x1024xf32, #tpu.memory_space<vmem>>, vector<16xf32>,
      tpu.vector_store %arg9[%swap3A_708, %swap3A_709], %add3A_707 {strides = array<i32>} : memref<32x1024xf32, #tpu.memory_space<vmem>>, vector<16xf32>,
      %get3A_711 = arith.index_cast %scan3A_40 : i32 to index
      %get3A_712 = arith.constant 768 : index
      %get3A_713 = tpu.vector_load %arg9[%get3A_711, %get3A_712] {strides = array<i32>} : memref<32x1024xf32, #tpu.memory_space<vmem>>, vector<16xf32>,
      %get3A_714 = arith.index_cast %scan3A_40 : i32 to index
      %get3A_715 = arith.constant 768 : index
      %get3A_716 = tpu.vector_load %arg10[%get3A_714, %get3A_715] {strides = array<i32>} : memref<32x1024xf32, #tpu.memory_space<vmem>>, vector<16xf32>,
      %add3A_717 = arith.addf %get3A_713, %get3A_716 : vector<16xf32>
      %get3A_718 = arith.index_cast %scan3A_40 : i32 to index
      %get3A_719 = arith.constant 768 : index
      %get3A_720 = tpu.vector_load %arg11[%get3A_718, %get3A_719] {strides = array<i32>} : memref<32x1024xf32, #tpu.memory_space<vmem>>, vector<16xf32>,
      %add3A_721 = arith.addf %add3A_717, %get3A_720 : vector<16xf32>
      %swap3A_722 = arith.index_cast %scan3A_40 : i32 to index
      %swap3A_723 = arith.constant 768 : index
      %swap3A_724 = tpu.vector_load %arg9[%swap3A_722, %swap3A_723] {strides = array<i32>} : memref<32x1024xf32, #tpu.memory_space<vmem>>, vector<16xf32>,
      tpu.vector_store %arg9[%swap3A_722, %swap3A_723], %add3A_721 {strides = array<i32>} : memref<32x1024xf32, #tpu.memory_space<vmem>>, vector<16xf32>,
      %get3A_725 = arith.index_cast %scan3A_40 : i32 to index
      %get3A_726 = arith.constant 784 : index
      %get3A_727 = tpu.vector_load %arg9[%get3A_725, %get3A_726] {strides = array<i32>} : memref<32x1024xf32, #tpu.memory_space<vmem>>, vector<16xf32>,
      %get3A_728 = arith.index_cast %scan3A_40 : i32 to index
      %get3A_729 = arith.constant 784 : index
      %get3A_730 = tpu.vector_load %arg10[%get3A_728, %get3A_729] {strides = array<i32>} : memref<32x1024xf32, #tpu.memory_space<vmem>>, vector<16xf32>,
      %add3A_731 = arith.addf %get3A_727, %get3A_730 : vector<16xf32>
      %get3A_732 = arith.index_cast %scan3A_40 : i32 to index
      %get3A_733 = arith.constant 784 : index
      %get3A_734 = tpu.vector_load %arg11[%get3A_732, %get3A_733] {strides = array<i32>} : memref<32x1024xf32, #tpu.memory_space<vmem>>, vector<16xf32>,
      %add3A_735 = arith.addf %add3A_731, %get3A_734 : vector<16xf32>
      %swap3A_736 = arith.index_cast %scan3A_40 : i32 to index
      %swap3A_737 = arith.constant 784 : index
      %swap3A_738 = tpu.vector_load %arg9[%swap3A_736, %swap3A_737] {strides = array<i32>} : memref<32x1024xf32, #tpu.memory_space<vmem>>, vector<16xf32>,
      tpu.vector_store %arg9[%swap3A_736, %swap3A_737], %add3A_735 {strides = array<i32>} : memref<32x1024xf32, #tpu.memory_space<vmem>>, vector<16xf32>,
      %get3A_739 = arith.index_cast %scan3A_40 : i32 to index
      %get3A_740 = arith.constant 800 : index
      %get3A_741 = tpu.vector_load %arg9[%get3A_739, %get3A_740] {strides = array<i32>} : memref<32x1024xf32, #tpu.memory_space<vmem>>, vector<16xf32>,
      %get3A_742 = arith.index_cast %scan3A_40 : i32 to index
      %get3A_743 = arith.constant 800 : index
      %get3A_744 = tpu.vector_load %arg10[%get3A_742, %get3A_743] {strides = array<i32>} : memref<32x1024xf32, #tpu.memory_space<vmem>>, vector<16xf32>,
      %add3A_745 = arith.addf %get3A_741, %get3A_744 : vector<16xf32>
      %get3A_746 = arith.index_cast %scan3A_40 : i32 to index
      %get3A_747 = arith.constant 800 : index
      %get3A_748 = tpu.vector_load %arg11[%get3A_746, %get3A_747] {strides = array<i32>} : memref<32x1024xf32, #tpu.memory_space<vmem>>, vector<16xf32>,
      %add3A_749 = arith.addf %add3A_745, %get3A_748 : vector<16xf32>
      %swap3A_750 = arith.index_cast %scan3A_40 : i32 to index
      %swap3A_751 = arith.constant 800 : index
      %swap3A_752 = tpu.vector_load %arg9[%swap3A_750, %swap3A_751] {strides = array<i32>} : memref<32x1024xf32, #tpu.memory_space<vmem>>, vector<16xf32>,
      tpu.vector_store %arg9[%swap3A_750, %swap3A_751], %add3A_749 {strides = array<i32>} : memref<32x1024xf32, #tpu.memory_space<vmem>>, vector<16xf32>,
      %get3A_753 = arith.index_cast %scan3A_40 : i32 to index
      %get3A_754 = arith.constant 816 : index
      %get3A_755 = tpu.vector_load %arg9[%get3A_753, %get3A_754] {strides = array<i32>} : memref<32x1024xf32, #tpu.memory_space<vmem>>, vector<16xf32>,
      %get3A_756 = arith.index_cast %scan3A_40 : i32 to index
      %get3A_757 = arith.constant 816 : index
      %get3A_758 = tpu.vector_load %arg10[%get3A_756, %get3A_757] {strides = array<i32>} : memref<32x1024xf32, #tpu.memory_space<vmem>>, vector<16xf32>,
      %add3A_759 = arith.addf %get3A_755, %get3A_758 : vector<16xf32>
      %get3A_760 = arith.index_cast %scan3A_40 : i32 to index
      %get3A_761 = arith.constant 816 : index
      %get3A_762 = tpu.vector_load %arg11[%get3A_760, %get3A_761] {strides = array<i32>} : memref<32x1024xf32, #tpu.memory_space<vmem>>, vector<16xf32>,
      %add3A_763 = arith.addf %add3A_759, %get3A_762 : vector<16xf32>
      %swap3A_764 = arith.index_cast %scan3A_40 : i32 to index
      %swap3A_765 = arith.constant 816 : index
      %swap3A_766 = tpu.vector_load %arg9[%swap3A_764, %swap3A_765] {strides = array<i32>} : memref<32x1024xf32, #tpu.memory_space<vmem>>, vector<16xf32>,
      tpu.vector_store %arg9[%swap3A_764, %swap3A_765], %add3A_763 {strides = array<i32>} : memref<32x1024xf32, #tpu.memory_space<vmem>>, vector<16xf32>,
      %get3A_767 = arith.index_cast %scan3A_40 : i32 to index
      %get3A_768 = arith.constant 832 : index
      %get3A_769 = tpu.vector_load %arg9[%get3A_767, %get3A_768] {strides = array<i32>} : memref<32x1024xf32, #tpu.memory_space<vmem>>, vector<16xf32>,
      %get3A_770 = arith.index_cast %scan3A_40 : i32 to index
      %get3A_771 = arith.constant 832 : index
      %get3A_772 = tpu.vector_load %arg10[%get3A_770, %get3A_771] {strides = array<i32>} : memref<32x1024xf32, #tpu.memory_space<vmem>>, vector<16xf32>,
      %add3A_773 = arith.addf %get3A_769, %get3A_772 : vector<16xf32>
      %get3A_774 = arith.index_cast %scan3A_40 : i32 to index
      %get3A_775 = arith.constant 832 : index
      %get3A_776 = tpu.vector_load %arg11[%get3A_774, %get3A_775] {strides = array<i32>} : memref<32x1024xf32, #tpu.memory_space<vmem>>, vector<16xf32>,
      %add3A_777 = arith.addf %add3A_773, %get3A_776 : vector<16xf32>
      %swap3A_778 = arith.index_cast %scan3A_40 : i32 to index
      %swap3A_779 = arith.constant 832 : index
      %swap3A_780 = tpu.vector_load %arg9[%swap3A_778, %swap3A_779] {strides = array<i32>} : memref<32x1024xf32, #tpu.memory_space<vmem>>, vector<16xf32>,
      tpu.vector_store %arg9[%swap3A_778, %swap3A_779], %add3A_777 {strides = array<i32>} : memref<32x1024xf32, #tpu.memory_space<vmem>>, vector<16xf32>,
      %get3A_781 = arith.index_cast %scan3A_40 : i32 to index
      %get3A_782 = arith.constant 848 : index
      %get3A_783 = tpu.vector_load %arg9[%get3A_781, %get3A_782] {strides = array<i32>} : memref<32x1024xf32, #tpu.memory_space<vmem>>, vector<16xf32>,
      %get3A_784 = arith.index_cast %scan3A_40 : i32 to index
      %get3A_785 = arith.constant 848 : index
      %get3A_786 = tpu.vector_load %arg10[%get3A_784, %get3A_785] {strides = array<i32>} : memref<32x1024xf32, #tpu.memory_space<vmem>>, vector<16xf32>,
      %add3A_787 = arith.addf %get3A_783, %get3A_786 : vector<16xf32>
      %get3A_788 = arith.index_cast %scan3A_40 : i32 to index
      %get3A_789 = arith.constant 848 : index
      %get3A_790 = tpu.vector_load %arg11[%get3A_788, %get3A_789] {strides = array<i32>} : memref<32x1024xf32, #tpu.memory_space<vmem>>, vector<16xf32>,
      %add3A_791 = arith.addf %add3A_787, %get3A_790 : vector<16xf32>
      %swap3A_792 = arith.index_cast %scan3A_40 : i32 to index
      %swap3A_793 = arith.constant 848 : index
      %swap3A_794 = tpu.vector_load %arg9[%swap3A_792, %swap3A_793] {strides = array<i32>} : memref<32x1024xf32, #tpu.memory_space<vmem>>, vector<16xf32>,
      tpu.vector_store %arg9[%swap3A_792, %swap3A_793], %add3A_791 {strides = array<i32>} : memref<32x1024xf32, #tpu.memory_space<vmem>>, vector<16xf32>,
      %get3A_795 = arith.index_cast %scan3A_40 : i32 to index
      %get3A_796 = arith.constant 864 : index
      %get3A_797 = tpu.vector_load %arg9[%get3A_795, %get3A_796] {strides = array<i32>} : memref<32x1024xf32, #tpu.memory_space<vmem>>, vector<16xf32>,
      %get3A_798 = arith.index_cast %scan3A_40 : i32 to index
      %get3A_799 = arith.constant 864 : index
      %get3A_800 = tpu.vector_load %arg10[%get3A_798, %get3A_799] {strides = array<i32>} : memref<32x1024xf32, #tpu.memory_space<vmem>>, vector<16xf32>,
      %add3A_801 = arith.addf %get3A_797, %get3A_800 : vector<16xf32>
      %get3A_802 = arith.index_cast %scan3A_40 : i32 to index
      %get3A_803 = arith.constant 864 : index
      %get3A_804 = tpu.vector_load %arg11[%get3A_802, %get3A_803] {strides = array<i32>} : memref<32x1024xf32, #tpu.memory_space<vmem>>, vector<16xf32>,
      %add3A_805 = arith.addf %add3A_801, %get3A_804 : vector<16xf32>
      %swap3A_806 = arith.index_cast %scan3A_40 : i32 to index
      %swap3A_807 = arith.constant 864 : index
      %swap3A_808 = tpu.vector_load %arg9[%swap3A_806, %swap3A_807] {strides = array<i32>} : memref<32x1024xf32, #tpu.memory_space<vmem>>, vector<16xf32>,
      tpu.vector_store %arg9[%swap3A_806, %swap3A_807], %add3A_805 {strides = array<i32>} : memref<32x1024xf32, #tpu.memory_space<vmem>>, vector<16xf32>,
      %get3A_809 = arith.index_cast %scan3A_40 : i32 to index
      %get3A_810 = arith.constant 880 : index
      %get3A_811 = tpu.vector_load %arg9[%get3A_809, %get3A_810] {strides = array<i32>} : memref<32x1024xf32, #tpu.memory_space<vmem>>, vector<16xf32>,
      %get3A_812 = arith.index_cast %scan3A_40 : i32 to index
      %get3A_813 = arith.constant 880 : index
      %get3A_814 = tpu.vector_load %arg10[%get3A_812, %get3A_813] {strides = array<i32>} : memref<32x1024xf32, #tpu.memory_space<vmem>>, vector<16xf32>,
      %add3A_815 = arith.addf %get3A_811, %get3A_814 : vector<16xf32>
      %get3A_816 = arith.index_cast %scan3A_40 : i32 to index
      %get3A_817 = arith.constant 880 : index
      %get3A_818 = tpu.vector_load %arg11[%get3A_816, %get3A_817] {strides = array<i32>} : memref<32x1024xf32, #tpu.memory_space<vmem>>, vector<16xf32>,
      %add3A_819 = arith.addf %add3A_815, %get3A_818 : vector<16xf32>
      %swap3A_820 = arith.index_cast %scan3A_40 : i32 to index
      %swap3A_821 = arith.constant 880 : index
      %swap3A_822 = tpu.vector_load %arg9[%swap3A_820, %swap3A_821] {strides = array<i32>} : memref<32x1024xf32, #tpu.memory_space<vmem>>, vector<16xf32>,
      tpu.vector_store %arg9[%swap3A_820, %swap3A_821], %add3A_819 {strides = array<i32>} : memref<32x1024xf32, #tpu.memory_space<vmem>>, vector<16xf32>,
      %get3A_823 = arith.index_cast %scan3A_40 : i32 to index
      %get3A_824 = arith.constant 896 : index
      %get3A_825 = tpu.vector_load %arg9[%get3A_823, %get3A_824] {strides = array<i32>} : memref<32x1024xf32, #tpu.memory_space<vmem>>, vector<16xf32>,
      %get3A_826 = arith.index_cast %scan3A_40 : i32 to index
      %get3A_827 = arith.constant 896 : index
      %get3A_828 = tpu.vector_load %arg10[%get3A_826, %get3A_827] {strides = array<i32>} : memref<32x1024xf32, #tpu.memory_space<vmem>>, vector<16xf32>,
      %add3A_829 = arith.addf %get3A_825, %get3A_828 : vector<16xf32>
      %get3A_830 = arith.index_cast %scan3A_40 : i32 to index
      %get3A_831 = arith.constant 896 : index
      %get3A_832 = tpu.vector_load %arg11[%get3A_830, %get3A_831] {strides = array<i32>} : memref<32x1024xf32, #tpu.memory_space<vmem>>, vector<16xf32>,
      %add3A_833 = arith.addf %add3A_829, %get3A_832 : vector<16xf32>
      %swap3A_834 = arith.index_cast %scan3A_40 : i32 to index
      %swap3A_835 = arith.constant 896 : index
      %swap3A_836 = tpu.vector_load %arg9[%swap3A_834, %swap3A_835] {strides = array<i32>} : memref<32x1024xf32, #tpu.memory_space<vmem>>, vector<16xf32>,
      tpu.vector_store %arg9[%swap3A_834, %swap3A_835], %add3A_833 {strides = array<i32>} : memref<32x1024xf32, #tpu.memory_space<vmem>>, vector<16xf32>,
      %get3A_837 = arith.index_cast %scan3A_40 : i32 to index
      %get3A_838 = arith.constant 912 : index
      %get3A_839 = tpu.vector_load %arg9[%get3A_837, %get3A_838] {strides = array<i32>} : memref<32x1024xf32, #tpu.memory_space<vmem>>, vector<16xf32>,
      %get3A_840 = arith.index_cast %scan3A_40 : i32 to index
      %get3A_841 = arith.constant 912 : index
      %get3A_842 = tpu.vector_load %arg10[%get3A_840, %get3A_841] {strides = array<i32>} : memref<32x1024xf32, #tpu.memory_space<vmem>>, vector<16xf32>,
      %add3A_843 = arith.addf %get3A_839, %get3A_842 : vector<16xf32>
      %get3A_844 = arith.index_cast %scan3A_40 : i32 to index
      %get3A_845 = arith.constant 912 : index
      %get3A_846 = tpu.vector_load %arg11[%get3A_844, %get3A_845] {strides = array<i32>} : memref<32x1024xf32, #tpu.memory_space<vmem>>, vector<16xf32>,
      %add3A_847 = arith.addf %add3A_843, %get3A_846 : vector<16xf32>
      %swap3A_848 = arith.index_cast %scan3A_40 : i32 to index
      %swap3A_849 = arith.constant 912 : index
      %swap3A_850 = tpu.vector_load %arg9[%swap3A_848, %swap3A_849] {strides = array<i32>} : memref<32x1024xf32, #tpu.memory_space<vmem>>, vector<16xf32>,
      tpu.vector_store %arg9[%swap3A_848, %swap3A_849], %add3A_847 {strides = array<i32>} : memref<32x1024xf32, #tpu.memory_space<vmem>>, vector<16xf32>,
      %get3A_851 = arith.index_cast %scan3A_40 : i32 to index
      %get3A_852 = arith.constant 928 : index
      %get3A_853 = tpu.vector_load %arg9[%get3A_851, %get3A_852] {strides = array<i32>} : memref<32x1024xf32, #tpu.memory_space<vmem>>, vector<16xf32>,
      %get3A_854 = arith.index_cast %scan3A_40 : i32 to index
      %get3A_855 = arith.constant 928 : index
      %get3A_856 = tpu.vector_load %arg10[%get3A_854, %get3A_855] {strides = array<i32>} : memref<32x1024xf32, #tpu.memory_space<vmem>>, vector<16xf32>,
      %add3A_857 = arith.addf %get3A_853, %get3A_856 : vector<16xf32>
      %get3A_858 = arith.index_cast %scan3A_40 : i32 to index
      %get3A_859 = arith.constant 928 : index
      %get3A_860 = tpu.vector_load %arg11[%get3A_858, %get3A_859] {strides = array<i32>} : memref<32x1024xf32, #tpu.memory_space<vmem>>, vector<16xf32>,
      %add3A_861 = arith.addf %add3A_857, %get3A_860 : vector<16xf32>
      %swap3A_862 = arith.index_cast %scan3A_40 : i32 to index
      %swap3A_863 = arith.constant 928 : index
      %swap3A_864 = tpu.vector_load %arg9[%swap3A_862, %swap3A_863] {strides = array<i32>} : memref<32x1024xf32, #tpu.memory_space<vmem>>, vector<16xf32>,
      tpu.vector_store %arg9[%swap3A_862, %swap3A_863], %add3A_861 {strides = array<i32>} : memref<32x1024xf32, #tpu.memory_space<vmem>>, vector<16xf32>,
      %get3A_865 = arith.index_cast %scan3A_40 : i32 to index
      %get3A_866 = arith.constant 944 : index
      %get3A_867 = tpu.vector_load %arg9[%get3A_865, %get3A_866] {strides = array<i32>} : memref<32x1024xf32, #tpu.memory_space<vmem>>, vector<16xf32>,
      %get3A_868 = arith.index_cast %scan3A_40 : i32 to index
      %get3A_869 = arith.constant 944 : index
      %get3A_870 = tpu.vector_load %arg10[%get3A_868, %get3A_869] {strides = array<i32>} : memref<32x1024xf32, #tpu.memory_space<vmem>>, vector<16xf32>,
      %add3A_871 = arith.addf %get3A_867, %get3A_870 : vector<16xf32>
      %get3A_872 = arith.index_cast %scan3A_40 : i32 to index
      %get3A_873 = arith.constant 944 : index
      %get3A_874 = tpu.vector_load %arg11[%get3A_872, %get3A_873] {strides = array<i32>} : memref<32x1024xf32, #tpu.memory_space<vmem>>, vector<16xf32>,
      %add3A_875 = arith.addf %add3A_871, %get3A_874 : vector<16xf32>
      %swap3A_876 = arith.index_cast %scan3A_40 : i32 to index
      %swap3A_877 = arith.constant 944 : index
      %swap3A_878 = tpu.vector_load %arg9[%swap3A_876, %swap3A_877] {strides = array<i32>} : memref<32x1024xf32, #tpu.memory_space<vmem>>, vector<16xf32>,
      tpu.vector_store %arg9[%swap3A_876, %swap3A_877], %add3A_875 {strides = array<i32>} : memref<32x1024xf32, #tpu.memory_space<vmem>>, vector<16xf32>,
      %get3A_879 = arith.index_cast %scan3A_40 : i32 to index
      %get3A_880 = arith.constant 960 : index
      %get3A_881 = tpu.vector_load %arg9[%get3A_879, %get3A_880] {strides = array<i32>} : memref<32x1024xf32, #tpu.memory_space<vmem>>, vector<16xf32>,
      %get3A_882 = arith.index_cast %scan3A_40 : i32 to index
      %get3A_883 = arith.constant 960 : index
      %get3A_884 = tpu.vector_load %arg10[%get3A_882, %get3A_883] {strides = array<i32>} : memref<32x1024xf32, #tpu.memory_space<vmem>>, vector<16xf32>,
      %add3A_885 = arith.addf %get3A_881, %get3A_884 : vector<16xf32>
      %get3A_886 = arith.index_cast %scan3A_40 : i32 to index
      %get3A_887 = arith.constant 960 : index
      %get3A_888 = tpu.vector_load %arg11[%get3A_886, %get3A_887] {strides = array<i32>} : memref<32x1024xf32, #tpu.memory_space<vmem>>, vector<16xf32>,
      %add3A_889 = arith.addf %add3A_885, %get3A_888 : vector<16xf32>
      %swap3A_890 = arith.index_cast %scan3A_40 : i32 to index
      %swap3A_891 = arith.constant 960 : index
      %swap3A_892 = tpu.vector_load %arg9[%swap3A_890, %swap3A_891] {strides = array<i32>} : memref<32x1024xf32, #tpu.memory_space<vmem>>, vector<16xf32>,
      tpu.vector_store %arg9[%swap3A_890, %swap3A_891], %add3A_889 {strides = array<i32>} : memref<32x1024xf32, #tpu.memory_space<vmem>>, vector<16xf32>,
      %get3A_893 = arith.index_cast %scan3A_40 : i32 to index
      %get3A_894 = arith.constant 976 : index
      %get3A_895 = tpu.vector_load %arg9[%get3A_893, %get3A_894] {strides = array<i32>} : memref<32x1024xf32, #tpu.memory_space<vmem>>, vector<16xf32>,
      %get3A_896 = arith.index_cast %scan3A_40 : i32 to index
      %get3A_897 = arith.constant 976 : index
      %get3A_898 = tpu.vector_load %arg10[%get3A_896, %get3A_897] {strides = array<i32>} : memref<32x1024xf32, #tpu.memory_space<vmem>>, vector<16xf32>,
      %add3A_899 = arith.addf %get3A_895, %get3A_898 : vector<16xf32>
      %get3A_900 = arith.index_cast %scan3A_40 : i32 to index
      %get3A_901 = arith.constant 976 : index
      %get3A_902 = tpu.vector_load %arg11[%get3A_900, %get3A_901] {strides = array<i32>} : memref<32x1024xf32, #tpu.memory_space<vmem>>, vector<16xf32>,
      %add3A_903 = arith.addf %add3A_899, %get3A_902 : vector<16xf32>
      %swap3A_904 = arith.index_cast %scan3A_40 : i32 to index
      %swap3A_905 = arith.constant 976 : index
      %swap3A_906 = tpu.vector_load %arg9[%swap3A_904, %swap3A_905] {strides = array<i32>} : memref<32x1024xf32, #tpu.memory_space<vmem>>, vector<16xf32>,
      tpu.vector_store %arg9[%swap3A_904, %swap3A_905], %add3A_903 {strides = array<i32>} : memref<32x1024xf32, #tpu.memory_space<vmem>>, vector<16xf32>,
      %get3A_907 = arith.index_cast %scan3A_40 : i32 to index
      %get3A_908 = arith.constant 992 : index
      %get3A_909 = tpu.vector_load %arg9[%get3A_907, %get3A_908] {strides = array<i32>} : memref<32x1024xf32, #tpu.memory_space<vmem>>, vector<16xf32>,
      %get3A_910 = arith.index_cast %scan3A_40 : i32 to index
      %get3A_911 = arith.constant 992 : index
      %get3A_912 = tpu.vector_load %arg10[%get3A_910, %get3A_911] {strides = array<i32>} : memref<32x1024xf32, #tpu.memory_space<vmem>>, vector<16xf32>,
      %add3A_913 = arith.addf %get3A_909, %get3A_912 : vector<16xf32>
      %get3A_914 = arith.index_cast %scan3A_40 : i32 to index
      %get3A_915 = arith.constant 992 : index
      %get3A_916 = tpu.vector_load %arg11[%get3A_914, %get3A_915] {strides = array<i32>} : memref<32x1024xf32, #tpu.memory_space<vmem>>, vector<16xf32>,
      %add3A_917 = arith.addf %add3A_913, %get3A_916 : vector<16xf32>
      %swap3A_918 = arith.index_cast %scan3A_40 : i32 to index
      %swap3A_919 = arith.constant 992 : index
      %swap3A_920 = tpu.vector_load %arg9[%swap3A_918, %swap3A_919] {strides = array<i32>} : memref<32x1024xf32, #tpu.memory_space<vmem>>, vector<16xf32>,
      tpu.vector_store %arg9[%swap3A_918, %swap3A_919], %add3A_917 {strides = array<i32>} : memref<32x1024xf32, #tpu.memory_space<vmem>>, vector<16xf32>,
      %get3A_921 = arith.index_cast %scan3A_40 : i32 to index
      %get3A_922 = arith.constant 1008 : index
      %get3A_923 = tpu.vector_load %arg9[%get3A_921, %get3A_922] {strides = array<i32>} : memref<32x1024xf32, #tpu.memory_space<vmem>>, vector<16xf32>,
      %get3A_924 = arith.index_cast %scan3A_40 : i32 to index
      %get3A_925 = arith.constant 1008 : index
      %get3A_926 = tpu.vector_load %arg10[%get3A_924, %get3A_925] {strides = array<i32>} : memref<32x1024xf32, #tpu.memory_space<vmem>>, vector<16xf32>,
      %add3A_927 = arith.addf %get3A_923, %get3A_926 : vector<16xf32>
      %get3A_928 = arith.index_cast %scan3A_40 : i32 to index
      %get3A_929 = arith.constant 1008 : index
      %get3A_930 = tpu.vector_load %arg11[%get3A_928, %get3A_929] {strides = array<i32>} : memref<32x1024xf32, #tpu.memory_space<vmem>>, vector<16xf32>,
      %add3A_931 = arith.addf %add3A_927, %get3A_930 : vector<16xf32>
      %swap3A_932 = arith.index_cast %scan3A_40 : i32 to index
      %swap3A_933 = arith.constant 1008 : index
      %swap3A_934 = tpu.vector_load %arg9[%swap3A_932, %swap3A_933] {strides = array<i32>} : memref<32x1024xf32, #tpu.memory_space<vmem>>, vector<16xf32>,
      tpu.vector_store %arg9[%swap3A_932, %swap3A_933], %add3A_931 {strides = array<i32>} : memref<32x1024xf32, #tpu.memory_space<vmem>>, vector<16xf32>,
    }
    %scan3A_19 = arith.constant 32 : i32
    "tpu.region"() ({
      %run_scoped3A = tpu.sem_alloc : memref<!tpu.dma_semaphore, #tpu.memory_space<semaphore_mem>>
      %dma_start3A_40 = arith.constant 0 : i32
      %dma_start3A_41 = tpu.memref_slice %arg6[%add3A_4, %dma_start3A_40] : memref<2048x1024xf32, #tpu.memory_space<hbm>> -> memref<32x1024xf32, #tpu.memory_space<hbm>>
      %dma_start3A_42 = arith.constant 0 : i32
      %dma_start3A_43 = tpu.memref_slice %arg6[%add3A_4, %dma_start3A_42] : memref<2048x1024xf32, #tpu.memory_space<hbm>> -> memref<32x1024xf32, #tpu.memory_space<hbm>>
      tpu.enqueue_dma source(%arg9 : memref<32x1024xf32, #tpu.memory_space<vmem>>) target(%dma_start3A_43 : memref<32x1024xf32, #tpu.memory_space<hbm>>) target_semaphore(%run_scoped3A : memref<!tpu.dma_semaphore, #tpu.memory_space<semaphore_mem>>)
      %dma_wait3A_44 = arith.constant 0 : i32
      %dma_wait3A_45 = tpu.memref_slice %arg6[%add3A_4, %dma_wait3A_44] : memref<2048x1024xf32, #tpu.memory_space<hbm>> -> memref<32x1024xf32, #tpu.memory_space<hbm>>
      %dma_wait3A_46 = arith.constant 0 : i32
      %dma_wait3A_47 = tpu.memref_slice %arg6[%add3A_4, %dma_wait3A_46] : memref<2048x1024xf32, #tpu.memory_space<hbm>> -> memref<32x1024xf32, #tpu.memory_space<hbm>>
      tpu.wait_dma2 semaphore(%run_scoped3A : memref<!tpu.dma_semaphore, #tpu.memory_space<semaphore_mem>>) src(%arg9 : memref<32x1024xf32, #tpu.memory_space<vmem>>) dst(%dma_wait3A_47 : memref<32x1024xf32, #tpu.memory_space<hbm>>)
      tpu.yield
    }) : () -> ()
    %add3A_20 = arith.constant 32 : i32
    %add3A_21 = arith.addi %mul3A_2, %add3A_20 : i32
    "tpu.region"() ({
      %run_scoped3A = tpu.sem_alloc : memref<!tpu.dma_semaphore, #tpu.memory_space<semaphore_mem>>
      %dma_start3A_40 = tpu.memref_slice %arg2[%add3A_21] : memref<2048xi32, #tpu.memory_space<hbm>> -> memref<32xi32, #tpu.memory_space<hbm>>
      %dma_start3A_41 = tpu.memref_slice %arg2[%add3A_21] : memref<2048xi32, #tpu.memory_space<hbm>> -> memref<32xi32, #tpu.memory_space<hbm>>
      tpu.enqueue_dma source(%dma_start3A_41 : memref<32xi32, #tpu.memory_space<hbm>>) target(%arg7 : memref<32xi32, #tpu.memory_space<vmem>>) target_semaphore(%run_scoped3A : memref<!tpu.dma_semaphore, #tpu.memory_space<semaphore_mem>>)
      %dma_wait3A_42 = tpu.memref_slice %arg2[%add3A_21] : memref<2048xi32, #tpu.memory_space<hbm>> -> memref<32xi32, #tpu.memory_space<hbm>>
      %dma_wait3A_43 = tpu.memref_slice %arg2[%add3A_21] : memref<2048xi32, #tpu.memory_space<hbm>> -> memref<32xi32, #tpu.memory_space<hbm>>
      tpu.wait_dma2 semaphore(%run_scoped3A : memref<!tpu.dma_semaphore, #tpu.memory_space<semaphore_mem>>) src(%dma_wait3A_43 : memref<32xi32, #tpu.memory_space<hbm>>) dst(%arg7 : memref<32xi32, #tpu.memory_space<vmem>>)
      tpu.yield
    }) : () -> ()
    "tpu.region"() ({
      %run_scoped3A = tpu.sem_alloc : memref<!tpu.dma_semaphore, #tpu.memory_space<semaphore_mem>>
      %dma_start3A_40 = tpu.memref_slice %arg3[%add3A_21] : memref<2048xi32, #tpu.memory_space<hbm>> -> memref<32xi32, #tpu.memory_space<hbm>>
      %dma_start3A_41 = tpu.memref_slice %arg3[%add3A_21] : memref<2048xi32, #tpu.memory_space<hbm>> -> memref<32xi32, #tpu.memory_space<hbm>>
      tpu.enqueue_dma source(%dma_start3A_41 : memref<32xi32, #tpu.memory_space<hbm>>) target(%arg8 : memref<32xi32, #tpu.memory_space<vmem>>) target_semaphore(%run_scoped3A : memref<!tpu.dma_semaphore, #tpu.memory_space<semaphore_mem>>)
      %dma_wait3A_42 = tpu.memref_slice %arg3[%add3A_21] : memref<2048xi32, #tpu.memory_space<hbm>> -> memref<32xi32, #tpu.memory_space<hbm>>
      %dma_wait3A_43 = tpu.memref_slice %arg3[%add3A_21] : memref<2048xi32, #tpu.memory_space<hbm>> -> memref<32xi32, #tpu.memory_space<hbm>>
      tpu.wait_dma2 semaphore(%run_scoped3A : memref<!tpu.dma_semaphore, #tpu.memory_space<semaphore_mem>>) src(%dma_wait3A_43 : memref<32xi32, #tpu.memory_space<hbm>>) dst(%arg8 : memref<32xi32, #tpu.memory_space<vmem>>)
      tpu.yield
    }) : () -> ()
    %dma_start3A_22 = arith.constant 0 : i32
    %dma_start3A_23 = arith.constant 0 : i32
    %dma_start3A_24 = tpu.memref_slice %arg4[%dma_start3A_22, %dma_start3A_23] : memref<6144x1024xf32, #tpu.memory_space<hbm>> -> memref<6144x1024xf32, #tpu.memory_space<hbm>>
    tpu.enqueue_indirect_dma source(%dma_start3A_24 : memref<6144x1024xf32, #tpu.memory_space<hbm>>) target(%arg9 : memref<32x1024xf32, #tpu.memory_space<vmem>>) offsets(%arg7 : memref<32xi32, #tpu.memory_space<vmem>>) semaphore(%arg12 : memref<!tpu.dma_semaphore, #tpu.memory_space<semaphore_mem>>)
    %dma_start3A_25 = arith.constant 0 : i32
    %dma_start3A_26 = arith.constant 0 : i32
    %dma_start3A_27 = tpu.memref_slice %arg4[%dma_start3A_25, %dma_start3A_26] : memref<6144x1024xf32, #tpu.memory_space<hbm>> -> memref<6144x1024xf32, #tpu.memory_space<hbm>>
    tpu.enqueue_indirect_dma source(%dma_start3A_27 : memref<6144x1024xf32, #tpu.memory_space<hbm>>) target(%arg10 : memref<32x1024xf32, #tpu.memory_space<vmem>>) offsets(%arg8 : memref<32xi32, #tpu.memory_space<vmem>>) semaphore(%arg13 : memref<!tpu.dma_semaphore, #tpu.memory_space<semaphore_mem>>)
    "tpu.region"() ({
      %run_scoped3A = tpu.sem_alloc : memref<!tpu.dma_semaphore, #tpu.memory_space<semaphore_mem>>
      %dma_start3A_40 = arith.constant 0 : i32
      %dma_start3A_41 = tpu.memref_slice %arg5[%add3A_21, %dma_start3A_40] : memref<2048x1024xf32, #tpu.memory_space<hbm>> -> memref<32x1024xf32, #tpu.memory_space<hbm>>
      %dma_start3A_42 = arith.constant 0 : i32
      %dma_start3A_43 = tpu.memref_slice %arg5[%add3A_21, %dma_start3A_42] : memref<2048x1024xf32, #tpu.memory_space<hbm>> -> memref<32x1024xf32, #tpu.memory_space<hbm>>
      tpu.enqueue_dma source(%dma_start3A_43 : memref<32x1024xf32, #tpu.memory_space<hbm>>) target(%arg11 : memref<32x1024xf32, #tpu.memory_space<vmem>>) target_semaphore(%run_scoped3A : memref<!tpu.dma_semaphore, #tpu.memory_space<semaphore_mem>>)
      %dma_wait3A_44 = arith.constant 0 : i32
      %dma_wait3A_45 = tpu.memref_slice %arg5[%add3A_21, %dma_wait3A_44] : memref<2048x1024xf32, #tpu.memory_space<hbm>> -> memref<32x1024xf32, #tpu.memory_space<hbm>>
      %dma_wait3A_46 = arith.constant 0 : i32
      %dma_wait3A_47 = tpu.memref_slice %arg5[%add3A_21, %dma_wait3A_46] : memref<2048x1024xf32, #tpu.memory_space<hbm>> -> memref<32x1024xf32, #tpu.memory_space<hbm>>
      tpu.wait_dma2 semaphore(%run_scoped3A : memref<!tpu.dma_semaphore, #tpu.memory_space<semaphore_mem>>) src(%dma_wait3A_47 : memref<32x1024xf32, #tpu.memory_space<hbm>>) dst(%arg11 : memref<32x1024xf32, #tpu.memory_space<vmem>>)
      tpu.yield
    }) : () -> ()
    %dma_wait3A_28 = arith.constant 0 : i32
    %dma_wait3A_29 = arith.constant 0 : i32
    %dma_wait3A_30 = tpu.memref_slice %arg4[%dma_wait3A_28, %dma_wait3A_29] : memref<6144x1024xf32, #tpu.memory_space<hbm>> -> memref<6144x1024xf32, #tpu.memory_space<hbm>>
    tpu.wait_indirect_dma semaphore(%arg12 : memref<!tpu.dma_semaphore, #tpu.memory_space<semaphore_mem>>) src(%dma_wait3A_30 : memref<6144x1024xf32, #tpu.memory_space<hbm>>) dst(%arg9 : memref<32x1024xf32, #tpu.memory_space<vmem>>)
    %dma_wait3A_31 = arith.constant 0 : i32
    %dma_wait3A_32 = arith.constant 0 : i32
    %dma_wait3A_33 = tpu.memref_slice %arg4[%dma_wait3A_31, %dma_wait3A_32] : memref<6144x1024xf32, #tpu.memory_space<hbm>> -> memref<6144x1024xf32, #tpu.memory_space<hbm>>
    tpu.wait_indirect_dma semaphore(%arg13 : memref<!tpu.dma_semaphore, #tpu.memory_space<semaphore_mem>>) src(%dma_wait3A_33 : memref<6144x1024xf32, #tpu.memory_space<hbm>>) dst(%arg10 : memref<32x1024xf32, #tpu.memory_space<vmem>>)
    %scan3A_34 = arith.constant 0 : i32
    %scan3A_35 = arith.constant 0 : i32
    %scan3A_36 = arith.constant 32 : i32
    %scan3A_37 = arith.addi %scan3A_35, %scan3A_36 : i32
    %scan3A_38 = arith.constant 1 : i32
    scf.for %scan3A_40 = %scan3A_35 to %scan3A_37 step %scan3A_38  : i32 {
      %get3A = arith.index_cast %scan3A_40 : i32 to index
      %get3A_41 = arith.constant 0 : index
      %get3A_42 = tpu.vector_load %arg9[%get3A, %get3A_41] {strides = array<i32>} : memref<32x1024xf32, #tpu.memory_space<vmem>>, vector<16xf32>,
      %get3A_43 = arith.index_cast %scan3A_40 : i32 to index
      %get3A_44 = arith.constant 0 : index
      %get3A_45 = tpu.vector_load %arg10[%get3A_43, %get3A_44] {strides = array<i32>} : memref<32x1024xf32, #tpu.memory_space<vmem>>, vector<16xf32>,
      %add3A_46 = arith.addf %get3A_42, %get3A_45 : vector<16xf32>
      %get3A_47 = arith.index_cast %scan3A_40 : i32 to index
      %get3A_48 = arith.constant 0 : index
      %get3A_49 = tpu.vector_load %arg11[%get3A_47, %get3A_48] {strides = array<i32>} : memref<32x1024xf32, #tpu.memory_space<vmem>>, vector<16xf32>,
      %add3A_50 = arith.addf %add3A_46, %get3A_49 : vector<16xf32>
      %swap3A = arith.index_cast %scan3A_40 : i32 to index
      %swap3A_51 = arith.constant 0 : index
      %swap3A_52 = tpu.vector_load %arg9[%swap3A, %swap3A_51] {strides = array<i32>} : memref<32x1024xf32, #tpu.memory_space<vmem>>, vector<16xf32>,
      tpu.vector_store %arg9[%swap3A, %swap3A_51], %add3A_50 {strides = array<i32>} : memref<32x1024xf32, #tpu.memory_space<vmem>>, vector<16xf32>,
      %get3A_53 = arith.index_cast %scan3A_40 : i32 to index
      %get3A_54 = arith.constant 16 : index
      %get3A_55 = tpu.vector_load %arg9[%get3A_53, %get3A_54] {strides = array<i32>} : memref<32x1024xf32, #tpu.memory_space<vmem>>, vector<16xf32>,
      %get3A_56 = arith.index_cast %scan3A_40 : i32 to index
      %get3A_57 = arith.constant 16 : index
      %get3A_58 = tpu.vector_load %arg10[%get3A_56, %get3A_57] {strides = array<i32>} : memref<32x1024xf32, #tpu.memory_space<vmem>>, vector<16xf32>,
      %add3A_59 = arith.addf %get3A_55, %get3A_58 : vector<16xf32>
      %get3A_60 = arith.index_cast %scan3A_40 : i32 to index
      %get3A_61 = arith.constant 16 : index
      %get3A_62 = tpu.vector_load %arg11[%get3A_60, %get3A_61] {strides = array<i32>} : memref<32x1024xf32, #tpu.memory_space<vmem>>, vector<16xf32>,
      %add3A_63 = arith.addf %add3A_59, %get3A_62 : vector<16xf32>
      %swap3A_64 = arith.index_cast %scan3A_40 : i32 to index
      %swap3A_65 = arith.constant 16 : index
      %swap3A_66 = tpu.vector_load %arg9[%swap3A_64, %swap3A_65] {strides = array<i32>} : memref<32x1024xf32, #tpu.memory_space<vmem>>, vector<16xf32>,
      tpu.vector_store %arg9[%swap3A_64, %swap3A_65], %add3A_63 {strides = array<i32>} : memref<32x1024xf32, #tpu.memory_space<vmem>>, vector<16xf32>,
      %get3A_67 = arith.index_cast %scan3A_40 : i32 to index
      %get3A_68 = arith.constant 32 : index
      %get3A_69 = tpu.vector_load %arg9[%get3A_67, %get3A_68] {strides = array<i32>} : memref<32x1024xf32, #tpu.memory_space<vmem>>, vector<16xf32>,
      %get3A_70 = arith.index_cast %scan3A_40 : i32 to index
      %get3A_71 = arith.constant 32 : index
      %get3A_72 = tpu.vector_load %arg10[%get3A_70, %get3A_71] {strides = array<i32>} : memref<32x1024xf32, #tpu.memory_space<vmem>>, vector<16xf32>,
      %add3A_73 = arith.addf %get3A_69, %get3A_72 : vector<16xf32>
      %get3A_74 = arith.index_cast %scan3A_40 : i32 to index
      %get3A_75 = arith.constant 32 : index
      %get3A_76 = tpu.vector_load %arg11[%get3A_74, %get3A_75] {strides = array<i32>} : memref<32x1024xf32, #tpu.memory_space<vmem>>, vector<16xf32>,
      %add3A_77 = arith.addf %add3A_73, %get3A_76 : vector<16xf32>
      %swap3A_78 = arith.index_cast %scan3A_40 : i32 to index
      %swap3A_79 = arith.constant 32 : index
      %swap3A_80 = tpu.vector_load %arg9[%swap3A_78, %swap3A_79] {strides = array<i32>} : memref<32x1024xf32, #tpu.memory_space<vmem>>, vector<16xf32>,
      tpu.vector_store %arg9[%swap3A_78, %swap3A_79], %add3A_77 {strides = array<i32>} : memref<32x1024xf32, #tpu.memory_space<vmem>>, vector<16xf32>,
      %get3A_81 = arith.index_cast %scan3A_40 : i32 to index
      %get3A_82 = arith.constant 48 : index
      %get3A_83 = tpu.vector_load %arg9[%get3A_81, %get3A_82] {strides = array<i32>} : memref<32x1024xf32, #tpu.memory_space<vmem>>, vector<16xf32>,
      %get3A_84 = arith.index_cast %scan3A_40 : i32 to index
      %get3A_85 = arith.constant 48 : index
      %get3A_86 = tpu.vector_load %arg10[%get3A_84, %get3A_85] {strides = array<i32>} : memref<32x1024xf32, #tpu.memory_space<vmem>>, vector<16xf32>,
      %add3A_87 = arith.addf %get3A_83, %get3A_86 : vector<16xf32>
      %get3A_88 = arith.index_cast %scan3A_40 : i32 to index
      %get3A_89 = arith.constant 48 : index
      %get3A_90 = tpu.vector_load %arg11[%get3A_88, %get3A_89] {strides = array<i32>} : memref<32x1024xf32, #tpu.memory_space<vmem>>, vector<16xf32>,
      %add3A_91 = arith.addf %add3A_87, %get3A_90 : vector<16xf32>
      %swap3A_92 = arith.index_cast %scan3A_40 : i32 to index
      %swap3A_93 = arith.constant 48 : index
      %swap3A_94 = tpu.vector_load %arg9[%swap3A_92, %swap3A_93] {strides = array<i32>} : memref<32x1024xf32, #tpu.memory_space<vmem>>, vector<16xf32>,
      tpu.vector_store %arg9[%swap3A_92, %swap3A_93], %add3A_91 {strides = array<i32>} : memref<32x1024xf32, #tpu.memory_space<vmem>>, vector<16xf32>,
      %get3A_95 = arith.index_cast %scan3A_40 : i32 to index
      %get3A_96 = arith.constant 64 : index
      %get3A_97 = tpu.vector_load %arg9[%get3A_95, %get3A_96] {strides = array<i32>} : memref<32x1024xf32, #tpu.memory_space<vmem>>, vector<16xf32>,
      %get3A_98 = arith.index_cast %scan3A_40 : i32 to index
      %get3A_99 = arith.constant 64 : index
      %get3A_100 = tpu.vector_load %arg10[%get3A_98, %get3A_99] {strides = array<i32>} : memref<32x1024xf32, #tpu.memory_space<vmem>>, vector<16xf32>,
      %add3A_101 = arith.addf %get3A_97, %get3A_100 : vector<16xf32>
      %get3A_102 = arith.index_cast %scan3A_40 : i32 to index
      %get3A_103 = arith.constant 64 : index
      %get3A_104 = tpu.vector_load %arg11[%get3A_102, %get3A_103] {strides = array<i32>} : memref<32x1024xf32, #tpu.memory_space<vmem>>, vector<16xf32>,
      %add3A_105 = arith.addf %add3A_101, %get3A_104 : vector<16xf32>
      %swap3A_106 = arith.index_cast %scan3A_40 : i32 to index
      %swap3A_107 = arith.constant 64 : index
      %swap3A_108 = tpu.vector_load %arg9[%swap3A_106, %swap3A_107] {strides = array<i32>} : memref<32x1024xf32, #tpu.memory_space<vmem>>, vector<16xf32>,
      tpu.vector_store %arg9[%swap3A_106, %swap3A_107], %add3A_105 {strides = array<i32>} : memref<32x1024xf32, #tpu.memory_space<vmem>>, vector<16xf32>,
      %get3A_109 = arith.index_cast %scan3A_40 : i32 to index
      %get3A_110 = arith.constant 80 : index
      %get3A_111 = tpu.vector_load %arg9[%get3A_109, %get3A_110] {strides = array<i32>} : memref<32x1024xf32, #tpu.memory_space<vmem>>, vector<16xf32>,
      %get3A_112 = arith.index_cast %scan3A_40 : i32 to index
      %get3A_113 = arith.constant 80 : index
      %get3A_114 = tpu.vector_load %arg10[%get3A_112, %get3A_113] {strides = array<i32>} : memref<32x1024xf32, #tpu.memory_space<vmem>>, vector<16xf32>,
      %add3A_115 = arith.addf %get3A_111, %get3A_114 : vector<16xf32>
      %get3A_116 = arith.index_cast %scan3A_40 : i32 to index
      %get3A_117 = arith.constant 80 : index
      %get3A_118 = tpu.vector_load %arg11[%get3A_116, %get3A_117] {strides = array<i32>} : memref<32x1024xf32, #tpu.memory_space<vmem>>, vector<16xf32>,
      %add3A_119 = arith.addf %add3A_115, %get3A_118 : vector<16xf32>
      %swap3A_120 = arith.index_cast %scan3A_40 : i32 to index
      %swap3A_121 = arith.constant 80 : index
      %swap3A_122 = tpu.vector_load %arg9[%swap3A_120, %swap3A_121] {strides = array<i32>} : memref<32x1024xf32, #tpu.memory_space<vmem>>, vector<16xf32>,
      tpu.vector_store %arg9[%swap3A_120, %swap3A_121], %add3A_119 {strides = array<i32>} : memref<32x1024xf32, #tpu.memory_space<vmem>>, vector<16xf32>,
      %get3A_123 = arith.index_cast %scan3A_40 : i32 to index
      %get3A_124 = arith.constant 96 : index
      %get3A_125 = tpu.vector_load %arg9[%get3A_123, %get3A_124] {strides = array<i32>} : memref<32x1024xf32, #tpu.memory_space<vmem>>, vector<16xf32>,
      %get3A_126 = arith.index_cast %scan3A_40 : i32 to index
      %get3A_127 = arith.constant 96 : index
      %get3A_128 = tpu.vector_load %arg10[%get3A_126, %get3A_127] {strides = array<i32>} : memref<32x1024xf32, #tpu.memory_space<vmem>>, vector<16xf32>,
      %add3A_129 = arith.addf %get3A_125, %get3A_128 : vector<16xf32>
      %get3A_130 = arith.index_cast %scan3A_40 : i32 to index
      %get3A_131 = arith.constant 96 : index
      %get3A_132 = tpu.vector_load %arg11[%get3A_130, %get3A_131] {strides = array<i32>} : memref<32x1024xf32, #tpu.memory_space<vmem>>, vector<16xf32>,
      %add3A_133 = arith.addf %add3A_129, %get3A_132 : vector<16xf32>
      %swap3A_134 = arith.index_cast %scan3A_40 : i32 to index
      %swap3A_135 = arith.constant 96 : index
      %swap3A_136 = tpu.vector_load %arg9[%swap3A_134, %swap3A_135] {strides = array<i32>} : memref<32x1024xf32, #tpu.memory_space<vmem>>, vector<16xf32>,
      tpu.vector_store %arg9[%swap3A_134, %swap3A_135], %add3A_133 {strides = array<i32>} : memref<32x1024xf32, #tpu.memory_space<vmem>>, vector<16xf32>,
      %get3A_137 = arith.index_cast %scan3A_40 : i32 to index
      %get3A_138 = arith.constant 112 : index
      %get3A_139 = tpu.vector_load %arg9[%get3A_137, %get3A_138] {strides = array<i32>} : memref<32x1024xf32, #tpu.memory_space<vmem>>, vector<16xf32>,
      %get3A_140 = arith.index_cast %scan3A_40 : i32 to index
      %get3A_141 = arith.constant 112 : index
      %get3A_142 = tpu.vector_load %arg10[%get3A_140, %get3A_141] {strides = array<i32>} : memref<32x1024xf32, #tpu.memory_space<vmem>>, vector<16xf32>,
      %add3A_143 = arith.addf %get3A_139, %get3A_142 : vector<16xf32>
      %get3A_144 = arith.index_cast %scan3A_40 : i32 to index
      %get3A_145 = arith.constant 112 : index
      %get3A_146 = tpu.vector_load %arg11[%get3A_144, %get3A_145] {strides = array<i32>} : memref<32x1024xf32, #tpu.memory_space<vmem>>, vector<16xf32>,
      %add3A_147 = arith.addf %add3A_143, %get3A_146 : vector<16xf32>
      %swap3A_148 = arith.index_cast %scan3A_40 : i32 to index
      %swap3A_149 = arith.constant 112 : index
      %swap3A_150 = tpu.vector_load %arg9[%swap3A_148, %swap3A_149] {strides = array<i32>} : memref<32x1024xf32, #tpu.memory_space<vmem>>, vector<16xf32>,
      tpu.vector_store %arg9[%swap3A_148, %swap3A_149], %add3A_147 {strides = array<i32>} : memref<32x1024xf32, #tpu.memory_space<vmem>>, vector<16xf32>,
      %get3A_151 = arith.index_cast %scan3A_40 : i32 to index
      %get3A_152 = arith.constant 128 : index
      %get3A_153 = tpu.vector_load %arg9[%get3A_151, %get3A_152] {strides = array<i32>} : memref<32x1024xf32, #tpu.memory_space<vmem>>, vector<16xf32>,
      %get3A_154 = arith.index_cast %scan3A_40 : i32 to index
      %get3A_155 = arith.constant 128 : index
      %get3A_156 = tpu.vector_load %arg10[%get3A_154, %get3A_155] {strides = array<i32>} : memref<32x1024xf32, #tpu.memory_space<vmem>>, vector<16xf32>,
      %add3A_157 = arith.addf %get3A_153, %get3A_156 : vector<16xf32>
      %get3A_158 = arith.index_cast %scan3A_40 : i32 to index
      %get3A_159 = arith.constant 128 : index
      %get3A_160 = tpu.vector_load %arg11[%get3A_158, %get3A_159] {strides = array<i32>} : memref<32x1024xf32, #tpu.memory_space<vmem>>, vector<16xf32>,
      %add3A_161 = arith.addf %add3A_157, %get3A_160 : vector<16xf32>
      %swap3A_162 = arith.index_cast %scan3A_40 : i32 to index
      %swap3A_163 = arith.constant 128 : index
      %swap3A_164 = tpu.vector_load %arg9[%swap3A_162, %swap3A_163] {strides = array<i32>} : memref<32x1024xf32, #tpu.memory_space<vmem>>, vector<16xf32>,
      tpu.vector_store %arg9[%swap3A_162, %swap3A_163], %add3A_161 {strides = array<i32>} : memref<32x1024xf32, #tpu.memory_space<vmem>>, vector<16xf32>,
      %get3A_165 = arith.index_cast %scan3A_40 : i32 to index
      %get3A_166 = arith.constant 144 : index
      %get3A_167 = tpu.vector_load %arg9[%get3A_165, %get3A_166] {strides = array<i32>} : memref<32x1024xf32, #tpu.memory_space<vmem>>, vector<16xf32>,
      %get3A_168 = arith.index_cast %scan3A_40 : i32 to index
      %get3A_169 = arith.constant 144 : index
      %get3A_170 = tpu.vector_load %arg10[%get3A_168, %get3A_169] {strides = array<i32>} : memref<32x1024xf32, #tpu.memory_space<vmem>>, vector<16xf32>,
      %add3A_171 = arith.addf %get3A_167, %get3A_170 : vector<16xf32>
      %get3A_172 = arith.index_cast %scan3A_40 : i32 to index
      %get3A_173 = arith.constant 144 : index
      %get3A_174 = tpu.vector_load %arg11[%get3A_172, %get3A_173] {strides = array<i32>} : memref<32x1024xf32, #tpu.memory_space<vmem>>, vector<16xf32>,
      %add3A_175 = arith.addf %add3A_171, %get3A_174 : vector<16xf32>
      %swap3A_176 = arith.index_cast %scan3A_40 : i32 to index
      %swap3A_177 = arith.constant 144 : index
      %swap3A_178 = tpu.vector_load %arg9[%swap3A_176, %swap3A_177] {strides = array<i32>} : memref<32x1024xf32, #tpu.memory_space<vmem>>, vector<16xf32>,
      tpu.vector_store %arg9[%swap3A_176, %swap3A_177], %add3A_175 {strides = array<i32>} : memref<32x1024xf32, #tpu.memory_space<vmem>>, vector<16xf32>,
      %get3A_179 = arith.index_cast %scan3A_40 : i32 to index
      %get3A_180 = arith.constant 160 : index
      %get3A_181 = tpu.vector_load %arg9[%get3A_179, %get3A_180] {strides = array<i32>} : memref<32x1024xf32, #tpu.memory_space<vmem>>, vector<16xf32>,
      %get3A_182 = arith.index_cast %scan3A_40 : i32 to index
      %get3A_183 = arith.constant 160 : index
      %get3A_184 = tpu.vector_load %arg10[%get3A_182, %get3A_183] {strides = array<i32>} : memref<32x1024xf32, #tpu.memory_space<vmem>>, vector<16xf32>,
      %add3A_185 = arith.addf %get3A_181, %get3A_184 : vector<16xf32>
      %get3A_186 = arith.index_cast %scan3A_40 : i32 to index
      %get3A_187 = arith.constant 160 : index
      %get3A_188 = tpu.vector_load %arg11[%get3A_186, %get3A_187] {strides = array<i32>} : memref<32x1024xf32, #tpu.memory_space<vmem>>, vector<16xf32>,
      %add3A_189 = arith.addf %add3A_185, %get3A_188 : vector<16xf32>
      %swap3A_190 = arith.index_cast %scan3A_40 : i32 to index
      %swap3A_191 = arith.constant 160 : index
      %swap3A_192 = tpu.vector_load %arg9[%swap3A_190, %swap3A_191] {strides = array<i32>} : memref<32x1024xf32, #tpu.memory_space<vmem>>, vector<16xf32>,
      tpu.vector_store %arg9[%swap3A_190, %swap3A_191], %add3A_189 {strides = array<i32>} : memref<32x1024xf32, #tpu.memory_space<vmem>>, vector<16xf32>,
      %get3A_193 = arith.index_cast %scan3A_40 : i32 to index
      %get3A_194 = arith.constant 176 : index
      %get3A_195 = tpu.vector_load %arg9[%get3A_193, %get3A_194] {strides = array<i32>} : memref<32x1024xf32, #tpu.memory_space<vmem>>, vector<16xf32>,
      %get3A_196 = arith.index_cast %scan3A_40 : i32 to index
      %get3A_197 = arith.constant 176 : index
      %get3A_198 = tpu.vector_load %arg10[%get3A_196, %get3A_197] {strides = array<i32>} : memref<32x1024xf32, #tpu.memory_space<vmem>>, vector<16xf32>,
      %add3A_199 = arith.addf %get3A_195, %get3A_198 : vector<16xf32>
      %get3A_200 = arith.index_cast %scan3A_40 : i32 to index
      %get3A_201 = arith.constant 176 : index
      %get3A_202 = tpu.vector_load %arg11[%get3A_200, %get3A_201] {strides = array<i32>} : memref<32x1024xf32, #tpu.memory_space<vmem>>, vector<16xf32>,
      %add3A_203 = arith.addf %add3A_199, %get3A_202 : vector<16xf32>
      %swap3A_204 = arith.index_cast %scan3A_40 : i32 to index
      %swap3A_205 = arith.constant 176 : index
      %swap3A_206 = tpu.vector_load %arg9[%swap3A_204, %swap3A_205] {strides = array<i32>} : memref<32x1024xf32, #tpu.memory_space<vmem>>, vector<16xf32>,
      tpu.vector_store %arg9[%swap3A_204, %swap3A_205], %add3A_203 {strides = array<i32>} : memref<32x1024xf32, #tpu.memory_space<vmem>>, vector<16xf32>,
      %get3A_207 = arith.index_cast %scan3A_40 : i32 to index
      %get3A_208 = arith.constant 192 : index
      %get3A_209 = tpu.vector_load %arg9[%get3A_207, %get3A_208] {strides = array<i32>} : memref<32x1024xf32, #tpu.memory_space<vmem>>, vector<16xf32>,
      %get3A_210 = arith.index_cast %scan3A_40 : i32 to index
      %get3A_211 = arith.constant 192 : index
      %get3A_212 = tpu.vector_load %arg10[%get3A_210, %get3A_211] {strides = array<i32>} : memref<32x1024xf32, #tpu.memory_space<vmem>>, vector<16xf32>,
      %add3A_213 = arith.addf %get3A_209, %get3A_212 : vector<16xf32>
      %get3A_214 = arith.index_cast %scan3A_40 : i32 to index
      %get3A_215 = arith.constant 192 : index
      %get3A_216 = tpu.vector_load %arg11[%get3A_214, %get3A_215] {strides = array<i32>} : memref<32x1024xf32, #tpu.memory_space<vmem>>, vector<16xf32>,
      %add3A_217 = arith.addf %add3A_213, %get3A_216 : vector<16xf32>
      %swap3A_218 = arith.index_cast %scan3A_40 : i32 to index
      %swap3A_219 = arith.constant 192 : index
      %swap3A_220 = tpu.vector_load %arg9[%swap3A_218, %swap3A_219] {strides = array<i32>} : memref<32x1024xf32, #tpu.memory_space<vmem>>, vector<16xf32>,
      tpu.vector_store %arg9[%swap3A_218, %swap3A_219], %add3A_217 {strides = array<i32>} : memref<32x1024xf32, #tpu.memory_space<vmem>>, vector<16xf32>,
      %get3A_221 = arith.index_cast %scan3A_40 : i32 to index
      %get3A_222 = arith.constant 208 : index
      %get3A_223 = tpu.vector_load %arg9[%get3A_221, %get3A_222] {strides = array<i32>} : memref<32x1024xf32, #tpu.memory_space<vmem>>, vector<16xf32>,
      %get3A_224 = arith.index_cast %scan3A_40 : i32 to index
      %get3A_225 = arith.constant 208 : index
      %get3A_226 = tpu.vector_load %arg10[%get3A_224, %get3A_225] {strides = array<i32>} : memref<32x1024xf32, #tpu.memory_space<vmem>>, vector<16xf32>,
      %add3A_227 = arith.addf %get3A_223, %get3A_226 : vector<16xf32>
      %get3A_228 = arith.index_cast %scan3A_40 : i32 to index
      %get3A_229 = arith.constant 208 : index
      %get3A_230 = tpu.vector_load %arg11[%get3A_228, %get3A_229] {strides = array<i32>} : memref<32x1024xf32, #tpu.memory_space<vmem>>, vector<16xf32>,
      %add3A_231 = arith.addf %add3A_227, %get3A_230 : vector<16xf32>
      %swap3A_232 = arith.index_cast %scan3A_40 : i32 to index
      %swap3A_233 = arith.constant 208 : index
      %swap3A_234 = tpu.vector_load %arg9[%swap3A_232, %swap3A_233] {strides = array<i32>} : memref<32x1024xf32, #tpu.memory_space<vmem>>, vector<16xf32>,
      tpu.vector_store %arg9[%swap3A_232, %swap3A_233], %add3A_231 {strides = array<i32>} : memref<32x1024xf32, #tpu.memory_space<vmem>>, vector<16xf32>,
      %get3A_235 = arith.index_cast %scan3A_40 : i32 to index
      %get3A_236 = arith.constant 224 : index
      %get3A_237 = tpu.vector_load %arg9[%get3A_235, %get3A_236] {strides = array<i32>} : memref<32x1024xf32, #tpu.memory_space<vmem>>, vector<16xf32>,
      %get3A_238 = arith.index_cast %scan3A_40 : i32 to index
      %get3A_239 = arith.constant 224 : index
      %get3A_240 = tpu.vector_load %arg10[%get3A_238, %get3A_239] {strides = array<i32>} : memref<32x1024xf32, #tpu.memory_space<vmem>>, vector<16xf32>,
      %add3A_241 = arith.addf %get3A_237, %get3A_240 : vector<16xf32>
      %get3A_242 = arith.index_cast %scan3A_40 : i32 to index
      %get3A_243 = arith.constant 224 : index
      %get3A_244 = tpu.vector_load %arg11[%get3A_242, %get3A_243] {strides = array<i32>} : memref<32x1024xf32, #tpu.memory_space<vmem>>, vector<16xf32>,
      %add3A_245 = arith.addf %add3A_241, %get3A_244 : vector<16xf32>
      %swap3A_246 = arith.index_cast %scan3A_40 : i32 to index
      %swap3A_247 = arith.constant 224 : index
      %swap3A_248 = tpu.vector_load %arg9[%swap3A_246, %swap3A_247] {strides = array<i32>} : memref<32x1024xf32, #tpu.memory_space<vmem>>, vector<16xf32>,
      tpu.vector_store %arg9[%swap3A_246, %swap3A_247], %add3A_245 {strides = array<i32>} : memref<32x1024xf32, #tpu.memory_space<vmem>>, vector<16xf32>,
      %get3A_249 = arith.index_cast %scan3A_40 : i32 to index
      %get3A_250 = arith.constant 240 : index
      %get3A_251 = tpu.vector_load %arg9[%get3A_249, %get3A_250] {strides = array<i32>} : memref<32x1024xf32, #tpu.memory_space<vmem>>, vector<16xf32>,
      %get3A_252 = arith.index_cast %scan3A_40 : i32 to index
      %get3A_253 = arith.constant 240 : index
      %get3A_254 = tpu.vector_load %arg10[%get3A_252, %get3A_253] {strides = array<i32>} : memref<32x1024xf32, #tpu.memory_space<vmem>>, vector<16xf32>,
      %add3A_255 = arith.addf %get3A_251, %get3A_254 : vector<16xf32>
      %get3A_256 = arith.index_cast %scan3A_40 : i32 to index
      %get3A_257 = arith.constant 240 : index
      %get3A_258 = tpu.vector_load %arg11[%get3A_256, %get3A_257] {strides = array<i32>} : memref<32x1024xf32, #tpu.memory_space<vmem>>, vector<16xf32>,
      %add3A_259 = arith.addf %add3A_255, %get3A_258 : vector<16xf32>
      %swap3A_260 = arith.index_cast %scan3A_40 : i32 to index
      %swap3A_261 = arith.constant 240 : index
      %swap3A_262 = tpu.vector_load %arg9[%swap3A_260, %swap3A_261] {strides = array<i32>} : memref<32x1024xf32, #tpu.memory_space<vmem>>, vector<16xf32>,
      tpu.vector_store %arg9[%swap3A_260, %swap3A_261], %add3A_259 {strides = array<i32>} : memref<32x1024xf32, #tpu.memory_space<vmem>>, vector<16xf32>,
      %get3A_263 = arith.index_cast %scan3A_40 : i32 to index
      %get3A_264 = arith.constant 256 : index
      %get3A_265 = tpu.vector_load %arg9[%get3A_263, %get3A_264] {strides = array<i32>} : memref<32x1024xf32, #tpu.memory_space<vmem>>, vector<16xf32>,
      %get3A_266 = arith.index_cast %scan3A_40 : i32 to index
      %get3A_267 = arith.constant 256 : index
      %get3A_268 = tpu.vector_load %arg10[%get3A_266, %get3A_267] {strides = array<i32>} : memref<32x1024xf32, #tpu.memory_space<vmem>>, vector<16xf32>,
      %add3A_269 = arith.addf %get3A_265, %get3A_268 : vector<16xf32>
      %get3A_270 = arith.index_cast %scan3A_40 : i32 to index
      %get3A_271 = arith.constant 256 : index
      %get3A_272 = tpu.vector_load %arg11[%get3A_270, %get3A_271] {strides = array<i32>} : memref<32x1024xf32, #tpu.memory_space<vmem>>, vector<16xf32>,
      %add3A_273 = arith.addf %add3A_269, %get3A_272 : vector<16xf32>
      %swap3A_274 = arith.index_cast %scan3A_40 : i32 to index
      %swap3A_275 = arith.constant 256 : index
      %swap3A_276 = tpu.vector_load %arg9[%swap3A_274, %swap3A_275] {strides = array<i32>} : memref<32x1024xf32, #tpu.memory_space<vmem>>, vector<16xf32>,
      tpu.vector_store %arg9[%swap3A_274, %swap3A_275], %add3A_273 {strides = array<i32>} : memref<32x1024xf32, #tpu.memory_space<vmem>>, vector<16xf32>,
      %get3A_277 = arith.index_cast %scan3A_40 : i32 to index
      %get3A_278 = arith.constant 272 : index
      %get3A_279 = tpu.vector_load %arg9[%get3A_277, %get3A_278] {strides = array<i32>} : memref<32x1024xf32, #tpu.memory_space<vmem>>, vector<16xf32>,
      %get3A_280 = arith.index_cast %scan3A_40 : i32 to index
      %get3A_281 = arith.constant 272 : index
      %get3A_282 = tpu.vector_load %arg10[%get3A_280, %get3A_281] {strides = array<i32>} : memref<32x1024xf32, #tpu.memory_space<vmem>>, vector<16xf32>,
      %add3A_283 = arith.addf %get3A_279, %get3A_282 : vector<16xf32>
      %get3A_284 = arith.index_cast %scan3A_40 : i32 to index
      %get3A_285 = arith.constant 272 : index
      %get3A_286 = tpu.vector_load %arg11[%get3A_284, %get3A_285] {strides = array<i32>} : memref<32x1024xf32, #tpu.memory_space<vmem>>, vector<16xf32>,
      %add3A_287 = arith.addf %add3A_283, %get3A_286 : vector<16xf32>
      %swap3A_288 = arith.index_cast %scan3A_40 : i32 to index
      %swap3A_289 = arith.constant 272 : index
      %swap3A_290 = tpu.vector_load %arg9[%swap3A_288, %swap3A_289] {strides = array<i32>} : memref<32x1024xf32, #tpu.memory_space<vmem>>, vector<16xf32>,
      tpu.vector_store %arg9[%swap3A_288, %swap3A_289], %add3A_287 {strides = array<i32>} : memref<32x1024xf32, #tpu.memory_space<vmem>>, vector<16xf32>,
      %get3A_291 = arith.index_cast %scan3A_40 : i32 to index
      %get3A_292 = arith.constant 288 : index
      %get3A_293 = tpu.vector_load %arg9[%get3A_291, %get3A_292] {strides = array<i32>} : memref<32x1024xf32, #tpu.memory_space<vmem>>, vector<16xf32>,
      %get3A_294 = arith.index_cast %scan3A_40 : i32 to index
      %get3A_295 = arith.constant 288 : index
      %get3A_296 = tpu.vector_load %arg10[%get3A_294, %get3A_295] {strides = array<i32>} : memref<32x1024xf32, #tpu.memory_space<vmem>>, vector<16xf32>,
      %add3A_297 = arith.addf %get3A_293, %get3A_296 : vector<16xf32>
      %get3A_298 = arith.index_cast %scan3A_40 : i32 to index
      %get3A_299 = arith.constant 288 : index
      %get3A_300 = tpu.vector_load %arg11[%get3A_298, %get3A_299] {strides = array<i32>} : memref<32x1024xf32, #tpu.memory_space<vmem>>, vector<16xf32>,
      %add3A_301 = arith.addf %add3A_297, %get3A_300 : vector<16xf32>
      %swap3A_302 = arith.index_cast %scan3A_40 : i32 to index
      %swap3A_303 = arith.constant 288 : index
      %swap3A_304 = tpu.vector_load %arg9[%swap3A_302, %swap3A_303] {strides = array<i32>} : memref<32x1024xf32, #tpu.memory_space<vmem>>, vector<16xf32>,
      tpu.vector_store %arg9[%swap3A_302, %swap3A_303], %add3A_301 {strides = array<i32>} : memref<32x1024xf32, #tpu.memory_space<vmem>>, vector<16xf32>,
      %get3A_305 = arith.index_cast %scan3A_40 : i32 to index
      %get3A_306 = arith.constant 304 : index
      %get3A_307 = tpu.vector_load %arg9[%get3A_305, %get3A_306] {strides = array<i32>} : memref<32x1024xf32, #tpu.memory_space<vmem>>, vector<16xf32>,
      %get3A_308 = arith.index_cast %scan3A_40 : i32 to index
      %get3A_309 = arith.constant 304 : index
      %get3A_310 = tpu.vector_load %arg10[%get3A_308, %get3A_309] {strides = array<i32>} : memref<32x1024xf32, #tpu.memory_space<vmem>>, vector<16xf32>,
      %add3A_311 = arith.addf %get3A_307, %get3A_310 : vector<16xf32>
      %get3A_312 = arith.index_cast %scan3A_40 : i32 to index
      %get3A_313 = arith.constant 304 : index
      %get3A_314 = tpu.vector_load %arg11[%get3A_312, %get3A_313] {strides = array<i32>} : memref<32x1024xf32, #tpu.memory_space<vmem>>, vector<16xf32>,
      %add3A_315 = arith.addf %add3A_311, %get3A_314 : vector<16xf32>
      %swap3A_316 = arith.index_cast %scan3A_40 : i32 to index
      %swap3A_317 = arith.constant 304 : index
      %swap3A_318 = tpu.vector_load %arg9[%swap3A_316, %swap3A_317] {strides = array<i32>} : memref<32x1024xf32, #tpu.memory_space<vmem>>, vector<16xf32>,
      tpu.vector_store %arg9[%swap3A_316, %swap3A_317], %add3A_315 {strides = array<i32>} : memref<32x1024xf32, #tpu.memory_space<vmem>>, vector<16xf32>,
      %get3A_319 = arith.index_cast %scan3A_40 : i32 to index
      %get3A_320 = arith.constant 320 : index
      %get3A_321 = tpu.vector_load %arg9[%get3A_319, %get3A_320] {strides = array<i32>} : memref<32x1024xf32, #tpu.memory_space<vmem>>, vector<16xf32>,
      %get3A_322 = arith.index_cast %scan3A_40 : i32 to index
      %get3A_323 = arith.constant 320 : index
      %get3A_324 = tpu.vector_load %arg10[%get3A_322, %get3A_323] {strides = array<i32>} : memref<32x1024xf32, #tpu.memory_space<vmem>>, vector<16xf32>,
      %add3A_325 = arith.addf %get3A_321, %get3A_324 : vector<16xf32>
      %get3A_326 = arith.index_cast %scan3A_40 : i32 to index
      %get3A_327 = arith.constant 320 : index
      %get3A_328 = tpu.vector_load %arg11[%get3A_326, %get3A_327] {strides = array<i32>} : memref<32x1024xf32, #tpu.memory_space<vmem>>, vector<16xf32>,
      %add3A_329 = arith.addf %add3A_325, %get3A_328 : vector<16xf32>
      %swap3A_330 = arith.index_cast %scan3A_40 : i32 to index
      %swap3A_331 = arith.constant 320 : index
      %swap3A_332 = tpu.vector_load %arg9[%swap3A_330, %swap3A_331] {strides = array<i32>} : memref<32x1024xf32, #tpu.memory_space<vmem>>, vector<16xf32>,
      tpu.vector_store %arg9[%swap3A_330, %swap3A_331], %add3A_329 {strides = array<i32>} : memref<32x1024xf32, #tpu.memory_space<vmem>>, vector<16xf32>,
      %get3A_333 = arith.index_cast %scan3A_40 : i32 to index
      %get3A_334 = arith.constant 336 : index
      %get3A_335 = tpu.vector_load %arg9[%get3A_333, %get3A_334] {strides = array<i32>} : memref<32x1024xf32, #tpu.memory_space<vmem>>, vector<16xf32>,
      %get3A_336 = arith.index_cast %scan3A_40 : i32 to index
      %get3A_337 = arith.constant 336 : index
      %get3A_338 = tpu.vector_load %arg10[%get3A_336, %get3A_337] {strides = array<i32>} : memref<32x1024xf32, #tpu.memory_space<vmem>>, vector<16xf32>,
      %add3A_339 = arith.addf %get3A_335, %get3A_338 : vector<16xf32>
      %get3A_340 = arith.index_cast %scan3A_40 : i32 to index
      %get3A_341 = arith.constant 336 : index
      %get3A_342 = tpu.vector_load %arg11[%get3A_340, %get3A_341] {strides = array<i32>} : memref<32x1024xf32, #tpu.memory_space<vmem>>, vector<16xf32>,
      %add3A_343 = arith.addf %add3A_339, %get3A_342 : vector<16xf32>
      %swap3A_344 = arith.index_cast %scan3A_40 : i32 to index
      %swap3A_345 = arith.constant 336 : index
      %swap3A_346 = tpu.vector_load %arg9[%swap3A_344, %swap3A_345] {strides = array<i32>} : memref<32x1024xf32, #tpu.memory_space<vmem>>, vector<16xf32>,
      tpu.vector_store %arg9[%swap3A_344, %swap3A_345], %add3A_343 {strides = array<i32>} : memref<32x1024xf32, #tpu.memory_space<vmem>>, vector<16xf32>,
      %get3A_347 = arith.index_cast %scan3A_40 : i32 to index
      %get3A_348 = arith.constant 352 : index
      %get3A_349 = tpu.vector_load %arg9[%get3A_347, %get3A_348] {strides = array<i32>} : memref<32x1024xf32, #tpu.memory_space<vmem>>, vector<16xf32>,
      %get3A_350 = arith.index_cast %scan3A_40 : i32 to index
      %get3A_351 = arith.constant 352 : index
      %get3A_352 = tpu.vector_load %arg10[%get3A_350, %get3A_351] {strides = array<i32>} : memref<32x1024xf32, #tpu.memory_space<vmem>>, vector<16xf32>,
      %add3A_353 = arith.addf %get3A_349, %get3A_352 : vector<16xf32>
      %get3A_354 = arith.index_cast %scan3A_40 : i32 to index
      %get3A_355 = arith.constant 352 : index
      %get3A_356 = tpu.vector_load %arg11[%get3A_354, %get3A_355] {strides = array<i32>} : memref<32x1024xf32, #tpu.memory_space<vmem>>, vector<16xf32>,
      %add3A_357 = arith.addf %add3A_353, %get3A_356 : vector<16xf32>
      %swap3A_358 = arith.index_cast %scan3A_40 : i32 to index
      %swap3A_359 = arith.constant 352 : index
      %swap3A_360 = tpu.vector_load %arg9[%swap3A_358, %swap3A_359] {strides = array<i32>} : memref<32x1024xf32, #tpu.memory_space<vmem>>, vector<16xf32>,
      tpu.vector_store %arg9[%swap3A_358, %swap3A_359], %add3A_357 {strides = array<i32>} : memref<32x1024xf32, #tpu.memory_space<vmem>>, vector<16xf32>,
      %get3A_361 = arith.index_cast %scan3A_40 : i32 to index
      %get3A_362 = arith.constant 368 : index
      %get3A_363 = tpu.vector_load %arg9[%get3A_361, %get3A_362] {strides = array<i32>} : memref<32x1024xf32, #tpu.memory_space<vmem>>, vector<16xf32>,
      %get3A_364 = arith.index_cast %scan3A_40 : i32 to index
      %get3A_365 = arith.constant 368 : index
      %get3A_366 = tpu.vector_load %arg10[%get3A_364, %get3A_365] {strides = array<i32>} : memref<32x1024xf32, #tpu.memory_space<vmem>>, vector<16xf32>,
      %add3A_367 = arith.addf %get3A_363, %get3A_366 : vector<16xf32>
      %get3A_368 = arith.index_cast %scan3A_40 : i32 to index
      %get3A_369 = arith.constant 368 : index
      %get3A_370 = tpu.vector_load %arg11[%get3A_368, %get3A_369] {strides = array<i32>} : memref<32x1024xf32, #tpu.memory_space<vmem>>, vector<16xf32>,
      %add3A_371 = arith.addf %add3A_367, %get3A_370 : vector<16xf32>
      %swap3A_372 = arith.index_cast %scan3A_40 : i32 to index
      %swap3A_373 = arith.constant 368 : index
      %swap3A_374 = tpu.vector_load %arg9[%swap3A_372, %swap3A_373] {strides = array<i32>} : memref<32x1024xf32, #tpu.memory_space<vmem>>, vector<16xf32>,
      tpu.vector_store %arg9[%swap3A_372, %swap3A_373], %add3A_371 {strides = array<i32>} : memref<32x1024xf32, #tpu.memory_space<vmem>>, vector<16xf32>,
      %get3A_375 = arith.index_cast %scan3A_40 : i32 to index
      %get3A_376 = arith.constant 384 : index
      %get3A_377 = tpu.vector_load %arg9[%get3A_375, %get3A_376] {strides = array<i32>} : memref<32x1024xf32, #tpu.memory_space<vmem>>, vector<16xf32>,
      %get3A_378 = arith.index_cast %scan3A_40 : i32 to index
      %get3A_379 = arith.constant 384 : index
      %get3A_380 = tpu.vector_load %arg10[%get3A_378, %get3A_379] {strides = array<i32>} : memref<32x1024xf32, #tpu.memory_space<vmem>>, vector<16xf32>,
      %add3A_381 = arith.addf %get3A_377, %get3A_380 : vector<16xf32>
      %get3A_382 = arith.index_cast %scan3A_40 : i32 to index
      %get3A_383 = arith.constant 384 : index
      %get3A_384 = tpu.vector_load %arg11[%get3A_382, %get3A_383] {strides = array<i32>} : memref<32x1024xf32, #tpu.memory_space<vmem>>, vector<16xf32>,
      %add3A_385 = arith.addf %add3A_381, %get3A_384 : vector<16xf32>
      %swap3A_386 = arith.index_cast %scan3A_40 : i32 to index
      %swap3A_387 = arith.constant 384 : index
      %swap3A_388 = tpu.vector_load %arg9[%swap3A_386, %swap3A_387] {strides = array<i32>} : memref<32x1024xf32, #tpu.memory_space<vmem>>, vector<16xf32>,
      tpu.vector_store %arg9[%swap3A_386, %swap3A_387], %add3A_385 {strides = array<i32>} : memref<32x1024xf32, #tpu.memory_space<vmem>>, vector<16xf32>,
      %get3A_389 = arith.index_cast %scan3A_40 : i32 to index
      %get3A_390 = arith.constant 400 : index
      %get3A_391 = tpu.vector_load %arg9[%get3A_389, %get3A_390] {strides = array<i32>} : memref<32x1024xf32, #tpu.memory_space<vmem>>, vector<16xf32>,
      %get3A_392 = arith.index_cast %scan3A_40 : i32 to index
      %get3A_393 = arith.constant 400 : index
      %get3A_394 = tpu.vector_load %arg10[%get3A_392, %get3A_393] {strides = array<i32>} : memref<32x1024xf32, #tpu.memory_space<vmem>>, vector<16xf32>,
      %add3A_395 = arith.addf %get3A_391, %get3A_394 : vector<16xf32>
      %get3A_396 = arith.index_cast %scan3A_40 : i32 to index
      %get3A_397 = arith.constant 400 : index
      %get3A_398 = tpu.vector_load %arg11[%get3A_396, %get3A_397] {strides = array<i32>} : memref<32x1024xf32, #tpu.memory_space<vmem>>, vector<16xf32>,
      %add3A_399 = arith.addf %add3A_395, %get3A_398 : vector<16xf32>
      %swap3A_400 = arith.index_cast %scan3A_40 : i32 to index
      %swap3A_401 = arith.constant 400 : index
      %swap3A_402 = tpu.vector_load %arg9[%swap3A_400, %swap3A_401] {strides = array<i32>} : memref<32x1024xf32, #tpu.memory_space<vmem>>, vector<16xf32>,
      tpu.vector_store %arg9[%swap3A_400, %swap3A_401], %add3A_399 {strides = array<i32>} : memref<32x1024xf32, #tpu.memory_space<vmem>>, vector<16xf32>,
      %get3A_403 = arith.index_cast %scan3A_40 : i32 to index
      %get3A_404 = arith.constant 416 : index
      %get3A_405 = tpu.vector_load %arg9[%get3A_403, %get3A_404] {strides = array<i32>} : memref<32x1024xf32, #tpu.memory_space<vmem>>, vector<16xf32>,
      %get3A_406 = arith.index_cast %scan3A_40 : i32 to index
      %get3A_407 = arith.constant 416 : index
      %get3A_408 = tpu.vector_load %arg10[%get3A_406, %get3A_407] {strides = array<i32>} : memref<32x1024xf32, #tpu.memory_space<vmem>>, vector<16xf32>,
      %add3A_409 = arith.addf %get3A_405, %get3A_408 : vector<16xf32>
      %get3A_410 = arith.index_cast %scan3A_40 : i32 to index
      %get3A_411 = arith.constant 416 : index
      %get3A_412 = tpu.vector_load %arg11[%get3A_410, %get3A_411] {strides = array<i32>} : memref<32x1024xf32, #tpu.memory_space<vmem>>, vector<16xf32>,
      %add3A_413 = arith.addf %add3A_409, %get3A_412 : vector<16xf32>
      %swap3A_414 = arith.index_cast %scan3A_40 : i32 to index
      %swap3A_415 = arith.constant 416 : index
      %swap3A_416 = tpu.vector_load %arg9[%swap3A_414, %swap3A_415] {strides = array<i32>} : memref<32x1024xf32, #tpu.memory_space<vmem>>, vector<16xf32>,
      tpu.vector_store %arg9[%swap3A_414, %swap3A_415], %add3A_413 {strides = array<i32>} : memref<32x1024xf32, #tpu.memory_space<vmem>>, vector<16xf32>,
      %get3A_417 = arith.index_cast %scan3A_40 : i32 to index
      %get3A_418 = arith.constant 432 : index
      %get3A_419 = tpu.vector_load %arg9[%get3A_417, %get3A_418] {strides = array<i32>} : memref<32x1024xf32, #tpu.memory_space<vmem>>, vector<16xf32>,
      %get3A_420 = arith.index_cast %scan3A_40 : i32 to index
      %get3A_421 = arith.constant 432 : index
      %get3A_422 = tpu.vector_load %arg10[%get3A_420, %get3A_421] {strides = array<i32>} : memref<32x1024xf32, #tpu.memory_space<vmem>>, vector<16xf32>,
      %add3A_423 = arith.addf %get3A_419, %get3A_422 : vector<16xf32>
      %get3A_424 = arith.index_cast %scan3A_40 : i32 to index
      %get3A_425 = arith.constant 432 : index
      %get3A_426 = tpu.vector_load %arg11[%get3A_424, %get3A_425] {strides = array<i32>} : memref<32x1024xf32, #tpu.memory_space<vmem>>, vector<16xf32>,
      %add3A_427 = arith.addf %add3A_423, %get3A_426 : vector<16xf32>
      %swap3A_428 = arith.index_cast %scan3A_40 : i32 to index
      %swap3A_429 = arith.constant 432 : index
      %swap3A_430 = tpu.vector_load %arg9[%swap3A_428, %swap3A_429] {strides = array<i32>} : memref<32x1024xf32, #tpu.memory_space<vmem>>, vector<16xf32>,
      tpu.vector_store %arg9[%swap3A_428, %swap3A_429], %add3A_427 {strides = array<i32>} : memref<32x1024xf32, #tpu.memory_space<vmem>>, vector<16xf32>,
      %get3A_431 = arith.index_cast %scan3A_40 : i32 to index
      %get3A_432 = arith.constant 448 : index
      %get3A_433 = tpu.vector_load %arg9[%get3A_431, %get3A_432] {strides = array<i32>} : memref<32x1024xf32, #tpu.memory_space<vmem>>, vector<16xf32>,
      %get3A_434 = arith.index_cast %scan3A_40 : i32 to index
      %get3A_435 = arith.constant 448 : index
      %get3A_436 = tpu.vector_load %arg10[%get3A_434, %get3A_435] {strides = array<i32>} : memref<32x1024xf32, #tpu.memory_space<vmem>>, vector<16xf32>,
      %add3A_437 = arith.addf %get3A_433, %get3A_436 : vector<16xf32>
      %get3A_438 = arith.index_cast %scan3A_40 : i32 to index
      %get3A_439 = arith.constant 448 : index
      %get3A_440 = tpu.vector_load %arg11[%get3A_438, %get3A_439] {strides = array<i32>} : memref<32x1024xf32, #tpu.memory_space<vmem>>, vector<16xf32>,
      %add3A_441 = arith.addf %add3A_437, %get3A_440 : vector<16xf32>
      %swap3A_442 = arith.index_cast %scan3A_40 : i32 to index
      %swap3A_443 = arith.constant 448 : index
      %swap3A_444 = tpu.vector_load %arg9[%swap3A_442, %swap3A_443] {strides = array<i32>} : memref<32x1024xf32, #tpu.memory_space<vmem>>, vector<16xf32>,
      tpu.vector_store %arg9[%swap3A_442, %swap3A_443], %add3A_441 {strides = array<i32>} : memref<32x1024xf32, #tpu.memory_space<vmem>>, vector<16xf32>,
      %get3A_445 = arith.index_cast %scan3A_40 : i32 to index
      %get3A_446 = arith.constant 464 : index
      %get3A_447 = tpu.vector_load %arg9[%get3A_445, %get3A_446] {strides = array<i32>} : memref<32x1024xf32, #tpu.memory_space<vmem>>, vector<16xf32>,
      %get3A_448 = arith.index_cast %scan3A_40 : i32 to index
      %get3A_449 = arith.constant 464 : index
      %get3A_450 = tpu.vector_load %arg10[%get3A_448, %get3A_449] {strides = array<i32>} : memref<32x1024xf32, #tpu.memory_space<vmem>>, vector<16xf32>,
      %add3A_451 = arith.addf %get3A_447, %get3A_450 : vector<16xf32>
      %get3A_452 = arith.index_cast %scan3A_40 : i32 to index
      %get3A_453 = arith.constant 464 : index
      %get3A_454 = tpu.vector_load %arg11[%get3A_452, %get3A_453] {strides = array<i32>} : memref<32x1024xf32, #tpu.memory_space<vmem>>, vector<16xf32>,
      %add3A_455 = arith.addf %add3A_451, %get3A_454 : vector<16xf32>
      %swap3A_456 = arith.index_cast %scan3A_40 : i32 to index
      %swap3A_457 = arith.constant 464 : index
      %swap3A_458 = tpu.vector_load %arg9[%swap3A_456, %swap3A_457] {strides = array<i32>} : memref<32x1024xf32, #tpu.memory_space<vmem>>, vector<16xf32>,
      tpu.vector_store %arg9[%swap3A_456, %swap3A_457], %add3A_455 {strides = array<i32>} : memref<32x1024xf32, #tpu.memory_space<vmem>>, vector<16xf32>,
      %get3A_459 = arith.index_cast %scan3A_40 : i32 to index
      %get3A_460 = arith.constant 480 : index
      %get3A_461 = tpu.vector_load %arg9[%get3A_459, %get3A_460] {strides = array<i32>} : memref<32x1024xf32, #tpu.memory_space<vmem>>, vector<16xf32>,
      %get3A_462 = arith.index_cast %scan3A_40 : i32 to index
      %get3A_463 = arith.constant 480 : index
      %get3A_464 = tpu.vector_load %arg10[%get3A_462, %get3A_463] {strides = array<i32>} : memref<32x1024xf32, #tpu.memory_space<vmem>>, vector<16xf32>,
      %add3A_465 = arith.addf %get3A_461, %get3A_464 : vector<16xf32>
      %get3A_466 = arith.index_cast %scan3A_40 : i32 to index
      %get3A_467 = arith.constant 480 : index
      %get3A_468 = tpu.vector_load %arg11[%get3A_466, %get3A_467] {strides = array<i32>} : memref<32x1024xf32, #tpu.memory_space<vmem>>, vector<16xf32>,
      %add3A_469 = arith.addf %add3A_465, %get3A_468 : vector<16xf32>
      %swap3A_470 = arith.index_cast %scan3A_40 : i32 to index
      %swap3A_471 = arith.constant 480 : index
      %swap3A_472 = tpu.vector_load %arg9[%swap3A_470, %swap3A_471] {strides = array<i32>} : memref<32x1024xf32, #tpu.memory_space<vmem>>, vector<16xf32>,
      tpu.vector_store %arg9[%swap3A_470, %swap3A_471], %add3A_469 {strides = array<i32>} : memref<32x1024xf32, #tpu.memory_space<vmem>>, vector<16xf32>,
      %get3A_473 = arith.index_cast %scan3A_40 : i32 to index
      %get3A_474 = arith.constant 496 : index
      %get3A_475 = tpu.vector_load %arg9[%get3A_473, %get3A_474] {strides = array<i32>} : memref<32x1024xf32, #tpu.memory_space<vmem>>, vector<16xf32>,
      %get3A_476 = arith.index_cast %scan3A_40 : i32 to index
      %get3A_477 = arith.constant 496 : index
      %get3A_478 = tpu.vector_load %arg10[%get3A_476, %get3A_477] {strides = array<i32>} : memref<32x1024xf32, #tpu.memory_space<vmem>>, vector<16xf32>,
      %add3A_479 = arith.addf %get3A_475, %get3A_478 : vector<16xf32>
      %get3A_480 = arith.index_cast %scan3A_40 : i32 to index
      %get3A_481 = arith.constant 496 : index
      %get3A_482 = tpu.vector_load %arg11[%get3A_480, %get3A_481] {strides = array<i32>} : memref<32x1024xf32, #tpu.memory_space<vmem>>, vector<16xf32>,
      %add3A_483 = arith.addf %add3A_479, %get3A_482 : vector<16xf32>
      %swap3A_484 = arith.index_cast %scan3A_40 : i32 to index
      %swap3A_485 = arith.constant 496 : index
      %swap3A_486 = tpu.vector_load %arg9[%swap3A_484, %swap3A_485] {strides = array<i32>} : memref<32x1024xf32, #tpu.memory_space<vmem>>, vector<16xf32>,
      tpu.vector_store %arg9[%swap3A_484, %swap3A_485], %add3A_483 {strides = array<i32>} : memref<32x1024xf32, #tpu.memory_space<vmem>>, vector<16xf32>,
      %get3A_487 = arith.index_cast %scan3A_40 : i32 to index
      %get3A_488 = arith.constant 512 : index
      %get3A_489 = tpu.vector_load %arg9[%get3A_487, %get3A_488] {strides = array<i32>} : memref<32x1024xf32, #tpu.memory_space<vmem>>, vector<16xf32>,
      %get3A_490 = arith.index_cast %scan3A_40 : i32 to index
      %get3A_491 = arith.constant 512 : index
      %get3A_492 = tpu.vector_load %arg10[%get3A_490, %get3A_491] {strides = array<i32>} : memref<32x1024xf32, #tpu.memory_space<vmem>>, vector<16xf32>,
      %add3A_493 = arith.addf %get3A_489, %get3A_492 : vector<16xf32>
      %get3A_494 = arith.index_cast %scan3A_40 : i32 to index
      %get3A_495 = arith.constant 512 : index
      %get3A_496 = tpu.vector_load %arg11[%get3A_494, %get3A_495] {strides = array<i32>} : memref<32x1024xf32, #tpu.memory_space<vmem>>, vector<16xf32>,
      %add3A_497 = arith.addf %add3A_493, %get3A_496 : vector<16xf32>
      %swap3A_498 = arith.index_cast %scan3A_40 : i32 to index
      %swap3A_499 = arith.constant 512 : index
      %swap3A_500 = tpu.vector_load %arg9[%swap3A_498, %swap3A_499] {strides = array<i32>} : memref<32x1024xf32, #tpu.memory_space<vmem>>, vector<16xf32>,
      tpu.vector_store %arg9[%swap3A_498, %swap3A_499], %add3A_497 {strides = array<i32>} : memref<32x1024xf32, #tpu.memory_space<vmem>>, vector<16xf32>,
      %get3A_501 = arith.index_cast %scan3A_40 : i32 to index
      %get3A_502 = arith.constant 528 : index
      %get3A_503 = tpu.vector_load %arg9[%get3A_501, %get3A_502] {strides = array<i32>} : memref<32x1024xf32, #tpu.memory_space<vmem>>, vector<16xf32>,
      %get3A_504 = arith.index_cast %scan3A_40 : i32 to index
      %get3A_505 = arith.constant 528 : index
      %get3A_506 = tpu.vector_load %arg10[%get3A_504, %get3A_505] {strides = array<i32>} : memref<32x1024xf32, #tpu.memory_space<vmem>>, vector<16xf32>,
      %add3A_507 = arith.addf %get3A_503, %get3A_506 : vector<16xf32>
      %get3A_508 = arith.index_cast %scan3A_40 : i32 to index
      %get3A_509 = arith.constant 528 : index
      %get3A_510 = tpu.vector_load %arg11[%get3A_508, %get3A_509] {strides = array<i32>} : memref<32x1024xf32, #tpu.memory_space<vmem>>, vector<16xf32>,
      %add3A_511 = arith.addf %add3A_507, %get3A_510 : vector<16xf32>
      %swap3A_512 = arith.index_cast %scan3A_40 : i32 to index
      %swap3A_513 = arith.constant 528 : index
      %swap3A_514 = tpu.vector_load %arg9[%swap3A_512, %swap3A_513] {strides = array<i32>} : memref<32x1024xf32, #tpu.memory_space<vmem>>, vector<16xf32>,
      tpu.vector_store %arg9[%swap3A_512, %swap3A_513], %add3A_511 {strides = array<i32>} : memref<32x1024xf32, #tpu.memory_space<vmem>>, vector<16xf32>,
      %get3A_515 = arith.index_cast %scan3A_40 : i32 to index
      %get3A_516 = arith.constant 544 : index
      %get3A_517 = tpu.vector_load %arg9[%get3A_515, %get3A_516] {strides = array<i32>} : memref<32x1024xf32, #tpu.memory_space<vmem>>, vector<16xf32>,
      %get3A_518 = arith.index_cast %scan3A_40 : i32 to index
      %get3A_519 = arith.constant 544 : index
      %get3A_520 = tpu.vector_load %arg10[%get3A_518, %get3A_519] {strides = array<i32>} : memref<32x1024xf32, #tpu.memory_space<vmem>>, vector<16xf32>,
      %add3A_521 = arith.addf %get3A_517, %get3A_520 : vector<16xf32>
      %get3A_522 = arith.index_cast %scan3A_40 : i32 to index
      %get3A_523 = arith.constant 544 : index
      %get3A_524 = tpu.vector_load %arg11[%get3A_522, %get3A_523] {strides = array<i32>} : memref<32x1024xf32, #tpu.memory_space<vmem>>, vector<16xf32>,
      %add3A_525 = arith.addf %add3A_521, %get3A_524 : vector<16xf32>
      %swap3A_526 = arith.index_cast %scan3A_40 : i32 to index
      %swap3A_527 = arith.constant 544 : index
      %swap3A_528 = tpu.vector_load %arg9[%swap3A_526, %swap3A_527] {strides = array<i32>} : memref<32x1024xf32, #tpu.memory_space<vmem>>, vector<16xf32>,
      tpu.vector_store %arg9[%swap3A_526, %swap3A_527], %add3A_525 {strides = array<i32>} : memref<32x1024xf32, #tpu.memory_space<vmem>>, vector<16xf32>,
      %get3A_529 = arith.index_cast %scan3A_40 : i32 to index
      %get3A_530 = arith.constant 560 : index
      %get3A_531 = tpu.vector_load %arg9[%get3A_529, %get3A_530] {strides = array<i32>} : memref<32x1024xf32, #tpu.memory_space<vmem>>, vector<16xf32>,
      %get3A_532 = arith.index_cast %scan3A_40 : i32 to index
      %get3A_533 = arith.constant 560 : index
      %get3A_534 = tpu.vector_load %arg10[%get3A_532, %get3A_533] {strides = array<i32>} : memref<32x1024xf32, #tpu.memory_space<vmem>>, vector<16xf32>,
      %add3A_535 = arith.addf %get3A_531, %get3A_534 : vector<16xf32>
      %get3A_536 = arith.index_cast %scan3A_40 : i32 to index
      %get3A_537 = arith.constant 560 : index
      %get3A_538 = tpu.vector_load %arg11[%get3A_536, %get3A_537] {strides = array<i32>} : memref<32x1024xf32, #tpu.memory_space<vmem>>, vector<16xf32>,
      %add3A_539 = arith.addf %add3A_535, %get3A_538 : vector<16xf32>
      %swap3A_540 = arith.index_cast %scan3A_40 : i32 to index
      %swap3A_541 = arith.constant 560 : index
      %swap3A_542 = tpu.vector_load %arg9[%swap3A_540, %swap3A_541] {strides = array<i32>} : memref<32x1024xf32, #tpu.memory_space<vmem>>, vector<16xf32>,
      tpu.vector_store %arg9[%swap3A_540, %swap3A_541], %add3A_539 {strides = array<i32>} : memref<32x1024xf32, #tpu.memory_space<vmem>>, vector<16xf32>,
      %get3A_543 = arith.index_cast %scan3A_40 : i32 to index
      %get3A_544 = arith.constant 576 : index
      %get3A_545 = tpu.vector_load %arg9[%get3A_543, %get3A_544] {strides = array<i32>} : memref<32x1024xf32, #tpu.memory_space<vmem>>, vector<16xf32>,
      %get3A_546 = arith.index_cast %scan3A_40 : i32 to index
      %get3A_547 = arith.constant 576 : index
      %get3A_548 = tpu.vector_load %arg10[%get3A_546, %get3A_547] {strides = array<i32>} : memref<32x1024xf32, #tpu.memory_space<vmem>>, vector<16xf32>,
      %add3A_549 = arith.addf %get3A_545, %get3A_548 : vector<16xf32>
      %get3A_550 = arith.index_cast %scan3A_40 : i32 to index
      %get3A_551 = arith.constant 576 : index
      %get3A_552 = tpu.vector_load %arg11[%get3A_550, %get3A_551] {strides = array<i32>} : memref<32x1024xf32, #tpu.memory_space<vmem>>, vector<16xf32>,
      %add3A_553 = arith.addf %add3A_549, %get3A_552 : vector<16xf32>
      %swap3A_554 = arith.index_cast %scan3A_40 : i32 to index
      %swap3A_555 = arith.constant 576 : index
      %swap3A_556 = tpu.vector_load %arg9[%swap3A_554, %swap3A_555] {strides = array<i32>} : memref<32x1024xf32, #tpu.memory_space<vmem>>, vector<16xf32>,
      tpu.vector_store %arg9[%swap3A_554, %swap3A_555], %add3A_553 {strides = array<i32>} : memref<32x1024xf32, #tpu.memory_space<vmem>>, vector<16xf32>,
      %get3A_557 = arith.index_cast %scan3A_40 : i32 to index
      %get3A_558 = arith.constant 592 : index
      %get3A_559 = tpu.vector_load %arg9[%get3A_557, %get3A_558] {strides = array<i32>} : memref<32x1024xf32, #tpu.memory_space<vmem>>, vector<16xf32>,
      %get3A_560 = arith.index_cast %scan3A_40 : i32 to index
      %get3A_561 = arith.constant 592 : index
      %get3A_562 = tpu.vector_load %arg10[%get3A_560, %get3A_561] {strides = array<i32>} : memref<32x1024xf32, #tpu.memory_space<vmem>>, vector<16xf32>,
      %add3A_563 = arith.addf %get3A_559, %get3A_562 : vector<16xf32>
      %get3A_564 = arith.index_cast %scan3A_40 : i32 to index
      %get3A_565 = arith.constant 592 : index
      %get3A_566 = tpu.vector_load %arg11[%get3A_564, %get3A_565] {strides = array<i32>} : memref<32x1024xf32, #tpu.memory_space<vmem>>, vector<16xf32>,
      %add3A_567 = arith.addf %add3A_563, %get3A_566 : vector<16xf32>
      %swap3A_568 = arith.index_cast %scan3A_40 : i32 to index
      %swap3A_569 = arith.constant 592 : index
      %swap3A_570 = tpu.vector_load %arg9[%swap3A_568, %swap3A_569] {strides = array<i32>} : memref<32x1024xf32, #tpu.memory_space<vmem>>, vector<16xf32>,
      tpu.vector_store %arg9[%swap3A_568, %swap3A_569], %add3A_567 {strides = array<i32>} : memref<32x1024xf32, #tpu.memory_space<vmem>>, vector<16xf32>,
      %get3A_571 = arith.index_cast %scan3A_40 : i32 to index
      %get3A_572 = arith.constant 608 : index
      %get3A_573 = tpu.vector_load %arg9[%get3A_571, %get3A_572] {strides = array<i32>} : memref<32x1024xf32, #tpu.memory_space<vmem>>, vector<16xf32>,
      %get3A_574 = arith.index_cast %scan3A_40 : i32 to index
      %get3A_575 = arith.constant 608 : index
      %get3A_576 = tpu.vector_load %arg10[%get3A_574, %get3A_575] {strides = array<i32>} : memref<32x1024xf32, #tpu.memory_space<vmem>>, vector<16xf32>,
      %add3A_577 = arith.addf %get3A_573, %get3A_576 : vector<16xf32>
      %get3A_578 = arith.index_cast %scan3A_40 : i32 to index
      %get3A_579 = arith.constant 608 : index
      %get3A_580 = tpu.vector_load %arg11[%get3A_578, %get3A_579] {strides = array<i32>} : memref<32x1024xf32, #tpu.memory_space<vmem>>, vector<16xf32>,
      %add3A_581 = arith.addf %add3A_577, %get3A_580 : vector<16xf32>
      %swap3A_582 = arith.index_cast %scan3A_40 : i32 to index
      %swap3A_583 = arith.constant 608 : index
      %swap3A_584 = tpu.vector_load %arg9[%swap3A_582, %swap3A_583] {strides = array<i32>} : memref<32x1024xf32, #tpu.memory_space<vmem>>, vector<16xf32>,
      tpu.vector_store %arg9[%swap3A_582, %swap3A_583], %add3A_581 {strides = array<i32>} : memref<32x1024xf32, #tpu.memory_space<vmem>>, vector<16xf32>,
      %get3A_585 = arith.index_cast %scan3A_40 : i32 to index
      %get3A_586 = arith.constant 624 : index
      %get3A_587 = tpu.vector_load %arg9[%get3A_585, %get3A_586] {strides = array<i32>} : memref<32x1024xf32, #tpu.memory_space<vmem>>, vector<16xf32>,
      %get3A_588 = arith.index_cast %scan3A_40 : i32 to index
      %get3A_589 = arith.constant 624 : index
      %get3A_590 = tpu.vector_load %arg10[%get3A_588, %get3A_589] {strides = array<i32>} : memref<32x1024xf32, #tpu.memory_space<vmem>>, vector<16xf32>,
      %add3A_591 = arith.addf %get3A_587, %get3A_590 : vector<16xf32>
      %get3A_592 = arith.index_cast %scan3A_40 : i32 to index
      %get3A_593 = arith.constant 624 : index
      %get3A_594 = tpu.vector_load %arg11[%get3A_592, %get3A_593] {strides = array<i32>} : memref<32x1024xf32, #tpu.memory_space<vmem>>, vector<16xf32>,
      %add3A_595 = arith.addf %add3A_591, %get3A_594 : vector<16xf32>
      %swap3A_596 = arith.index_cast %scan3A_40 : i32 to index
      %swap3A_597 = arith.constant 624 : index
      %swap3A_598 = tpu.vector_load %arg9[%swap3A_596, %swap3A_597] {strides = array<i32>} : memref<32x1024xf32, #tpu.memory_space<vmem>>, vector<16xf32>,
      tpu.vector_store %arg9[%swap3A_596, %swap3A_597], %add3A_595 {strides = array<i32>} : memref<32x1024xf32, #tpu.memory_space<vmem>>, vector<16xf32>,
      %get3A_599 = arith.index_cast %scan3A_40 : i32 to index
      %get3A_600 = arith.constant 640 : index
      %get3A_601 = tpu.vector_load %arg9[%get3A_599, %get3A_600] {strides = array<i32>} : memref<32x1024xf32, #tpu.memory_space<vmem>>, vector<16xf32>,
      %get3A_602 = arith.index_cast %scan3A_40 : i32 to index
      %get3A_603 = arith.constant 640 : index
      %get3A_604 = tpu.vector_load %arg10[%get3A_602, %get3A_603] {strides = array<i32>} : memref<32x1024xf32, #tpu.memory_space<vmem>>, vector<16xf32>,
      %add3A_605 = arith.addf %get3A_601, %get3A_604 : vector<16xf32>
      %get3A_606 = arith.index_cast %scan3A_40 : i32 to index
      %get3A_607 = arith.constant 640 : index
      %get3A_608 = tpu.vector_load %arg11[%get3A_606, %get3A_607] {strides = array<i32>} : memref<32x1024xf32, #tpu.memory_space<vmem>>, vector<16xf32>,
      %add3A_609 = arith.addf %add3A_605, %get3A_608 : vector<16xf32>
      %swap3A_610 = arith.index_cast %scan3A_40 : i32 to index
      %swap3A_611 = arith.constant 640 : index
      %swap3A_612 = tpu.vector_load %arg9[%swap3A_610, %swap3A_611] {strides = array<i32>} : memref<32x1024xf32, #tpu.memory_space<vmem>>, vector<16xf32>,
      tpu.vector_store %arg9[%swap3A_610, %swap3A_611], %add3A_609 {strides = array<i32>} : memref<32x1024xf32, #tpu.memory_space<vmem>>, vector<16xf32>,
      %get3A_613 = arith.index_cast %scan3A_40 : i32 to index
      %get3A_614 = arith.constant 656 : index
      %get3A_615 = tpu.vector_load %arg9[%get3A_613, %get3A_614] {strides = array<i32>} : memref<32x1024xf32, #tpu.memory_space<vmem>>, vector<16xf32>,
      %get3A_616 = arith.index_cast %scan3A_40 : i32 to index
      %get3A_617 = arith.constant 656 : index
      %get3A_618 = tpu.vector_load %arg10[%get3A_616, %get3A_617] {strides = array<i32>} : memref<32x1024xf32, #tpu.memory_space<vmem>>, vector<16xf32>,
      %add3A_619 = arith.addf %get3A_615, %get3A_618 : vector<16xf32>
      %get3A_620 = arith.index_cast %scan3A_40 : i32 to index
      %get3A_621 = arith.constant 656 : index
      %get3A_622 = tpu.vector_load %arg11[%get3A_620, %get3A_621] {strides = array<i32>} : memref<32x1024xf32, #tpu.memory_space<vmem>>, vector<16xf32>,
      %add3A_623 = arith.addf %add3A_619, %get3A_622 : vector<16xf32>
      %swap3A_624 = arith.index_cast %scan3A_40 : i32 to index
      %swap3A_625 = arith.constant 656 : index
      %swap3A_626 = tpu.vector_load %arg9[%swap3A_624, %swap3A_625] {strides = array<i32>} : memref<32x1024xf32, #tpu.memory_space<vmem>>, vector<16xf32>,
      tpu.vector_store %arg9[%swap3A_624, %swap3A_625], %add3A_623 {strides = array<i32>} : memref<32x1024xf32, #tpu.memory_space<vmem>>, vector<16xf32>,
      %get3A_627 = arith.index_cast %scan3A_40 : i32 to index
      %get3A_628 = arith.constant 672 : index
      %get3A_629 = tpu.vector_load %arg9[%get3A_627, %get3A_628] {strides = array<i32>} : memref<32x1024xf32, #tpu.memory_space<vmem>>, vector<16xf32>,
      %get3A_630 = arith.index_cast %scan3A_40 : i32 to index
      %get3A_631 = arith.constant 672 : index
      %get3A_632 = tpu.vector_load %arg10[%get3A_630, %get3A_631] {strides = array<i32>} : memref<32x1024xf32, #tpu.memory_space<vmem>>, vector<16xf32>,
      %add3A_633 = arith.addf %get3A_629, %get3A_632 : vector<16xf32>
      %get3A_634 = arith.index_cast %scan3A_40 : i32 to index
      %get3A_635 = arith.constant 672 : index
      %get3A_636 = tpu.vector_load %arg11[%get3A_634, %get3A_635] {strides = array<i32>} : memref<32x1024xf32, #tpu.memory_space<vmem>>, vector<16xf32>,
      %add3A_637 = arith.addf %add3A_633, %get3A_636 : vector<16xf32>
      %swap3A_638 = arith.index_cast %scan3A_40 : i32 to index
      %swap3A_639 = arith.constant 672 : index
      %swap3A_640 = tpu.vector_load %arg9[%swap3A_638, %swap3A_639] {strides = array<i32>} : memref<32x1024xf32, #tpu.memory_space<vmem>>, vector<16xf32>,
      tpu.vector_store %arg9[%swap3A_638, %swap3A_639], %add3A_637 {strides = array<i32>} : memref<32x1024xf32, #tpu.memory_space<vmem>>, vector<16xf32>,
      %get3A_641 = arith.index_cast %scan3A_40 : i32 to index
      %get3A_642 = arith.constant 688 : index
      %get3A_643 = tpu.vector_load %arg9[%get3A_641, %get3A_642] {strides = array<i32>} : memref<32x1024xf32, #tpu.memory_space<vmem>>, vector<16xf32>,
      %get3A_644 = arith.index_cast %scan3A_40 : i32 to index
      %get3A_645 = arith.constant 688 : index
      %get3A_646 = tpu.vector_load %arg10[%get3A_644, %get3A_645] {strides = array<i32>} : memref<32x1024xf32, #tpu.memory_space<vmem>>, vector<16xf32>,
      %add3A_647 = arith.addf %get3A_643, %get3A_646 : vector<16xf32>
      %get3A_648 = arith.index_cast %scan3A_40 : i32 to index
      %get3A_649 = arith.constant 688 : index
      %get3A_650 = tpu.vector_load %arg11[%get3A_648, %get3A_649] {strides = array<i32>} : memref<32x1024xf32, #tpu.memory_space<vmem>>, vector<16xf32>,
      %add3A_651 = arith.addf %add3A_647, %get3A_650 : vector<16xf32>
      %swap3A_652 = arith.index_cast %scan3A_40 : i32 to index
      %swap3A_653 = arith.constant 688 : index
      %swap3A_654 = tpu.vector_load %arg9[%swap3A_652, %swap3A_653] {strides = array<i32>} : memref<32x1024xf32, #tpu.memory_space<vmem>>, vector<16xf32>,
      tpu.vector_store %arg9[%swap3A_652, %swap3A_653], %add3A_651 {strides = array<i32>} : memref<32x1024xf32, #tpu.memory_space<vmem>>, vector<16xf32>,
      %get3A_655 = arith.index_cast %scan3A_40 : i32 to index
      %get3A_656 = arith.constant 704 : index
      %get3A_657 = tpu.vector_load %arg9[%get3A_655, %get3A_656] {strides = array<i32>} : memref<32x1024xf32, #tpu.memory_space<vmem>>, vector<16xf32>,
      %get3A_658 = arith.index_cast %scan3A_40 : i32 to index
      %get3A_659 = arith.constant 704 : index
      %get3A_660 = tpu.vector_load %arg10[%get3A_658, %get3A_659] {strides = array<i32>} : memref<32x1024xf32, #tpu.memory_space<vmem>>, vector<16xf32>,
      %add3A_661 = arith.addf %get3A_657, %get3A_660 : vector<16xf32>
      %get3A_662 = arith.index_cast %scan3A_40 : i32 to index
      %get3A_663 = arith.constant 704 : index
      %get3A_664 = tpu.vector_load %arg11[%get3A_662, %get3A_663] {strides = array<i32>} : memref<32x1024xf32, #tpu.memory_space<vmem>>, vector<16xf32>,
      %add3A_665 = arith.addf %add3A_661, %get3A_664 : vector<16xf32>
      %swap3A_666 = arith.index_cast %scan3A_40 : i32 to index
      %swap3A_667 = arith.constant 704 : index
      %swap3A_668 = tpu.vector_load %arg9[%swap3A_666, %swap3A_667] {strides = array<i32>} : memref<32x1024xf32, #tpu.memory_space<vmem>>, vector<16xf32>,
      tpu.vector_store %arg9[%swap3A_666, %swap3A_667], %add3A_665 {strides = array<i32>} : memref<32x1024xf32, #tpu.memory_space<vmem>>, vector<16xf32>,
      %get3A_669 = arith.index_cast %scan3A_40 : i32 to index
      %get3A_670 = arith.constant 720 : index
      %get3A_671 = tpu.vector_load %arg9[%get3A_669, %get3A_670] {strides = array<i32>} : memref<32x1024xf32, #tpu.memory_space<vmem>>, vector<16xf32>,
      %get3A_672 = arith.index_cast %scan3A_40 : i32 to index
      %get3A_673 = arith.constant 720 : index
      %get3A_674 = tpu.vector_load %arg10[%get3A_672, %get3A_673] {strides = array<i32>} : memref<32x1024xf32, #tpu.memory_space<vmem>>, vector<16xf32>,
      %add3A_675 = arith.addf %get3A_671, %get3A_674 : vector<16xf32>
      %get3A_676 = arith.index_cast %scan3A_40 : i32 to index
      %get3A_677 = arith.constant 720 : index
      %get3A_678 = tpu.vector_load %arg11[%get3A_676, %get3A_677] {strides = array<i32>} : memref<32x1024xf32, #tpu.memory_space<vmem>>, vector<16xf32>,
      %add3A_679 = arith.addf %add3A_675, %get3A_678 : vector<16xf32>
      %swap3A_680 = arith.index_cast %scan3A_40 : i32 to index
      %swap3A_681 = arith.constant 720 : index
      %swap3A_682 = tpu.vector_load %arg9[%swap3A_680, %swap3A_681] {strides = array<i32>} : memref<32x1024xf32, #tpu.memory_space<vmem>>, vector<16xf32>,
      tpu.vector_store %arg9[%swap3A_680, %swap3A_681], %add3A_679 {strides = array<i32>} : memref<32x1024xf32, #tpu.memory_space<vmem>>, vector<16xf32>,
      %get3A_683 = arith.index_cast %scan3A_40 : i32 to index
      %get3A_684 = arith.constant 736 : index
      %get3A_685 = tpu.vector_load %arg9[%get3A_683, %get3A_684] {strides = array<i32>} : memref<32x1024xf32, #tpu.memory_space<vmem>>, vector<16xf32>,
      %get3A_686 = arith.index_cast %scan3A_40 : i32 to index
      %get3A_687 = arith.constant 736 : index
      %get3A_688 = tpu.vector_load %arg10[%get3A_686, %get3A_687] {strides = array<i32>} : memref<32x1024xf32, #tpu.memory_space<vmem>>, vector<16xf32>,
      %add3A_689 = arith.addf %get3A_685, %get3A_688 : vector<16xf32>
      %get3A_690 = arith.index_cast %scan3A_40 : i32 to index
      %get3A_691 = arith.constant 736 : index
      %get3A_692 = tpu.vector_load %arg11[%get3A_690, %get3A_691] {strides = array<i32>} : memref<32x1024xf32, #tpu.memory_space<vmem>>, vector<16xf32>,
      %add3A_693 = arith.addf %add3A_689, %get3A_692 : vector<16xf32>
      %swap3A_694 = arith.index_cast %scan3A_40 : i32 to index
      %swap3A_695 = arith.constant 736 : index
      %swap3A_696 = tpu.vector_load %arg9[%swap3A_694, %swap3A_695] {strides = array<i32>} : memref<32x1024xf32, #tpu.memory_space<vmem>>, vector<16xf32>,
      tpu.vector_store %arg9[%swap3A_694, %swap3A_695], %add3A_693 {strides = array<i32>} : memref<32x1024xf32, #tpu.memory_space<vmem>>, vector<16xf32>,
      %get3A_697 = arith.index_cast %scan3A_40 : i32 to index
      %get3A_698 = arith.constant 752 : index
      %get3A_699 = tpu.vector_load %arg9[%get3A_697, %get3A_698] {strides = array<i32>} : memref<32x1024xf32, #tpu.memory_space<vmem>>, vector<16xf32>,
      %get3A_700 = arith.index_cast %scan3A_40 : i32 to index
      %get3A_701 = arith.constant 752 : index
      %get3A_702 = tpu.vector_load %arg10[%get3A_700, %get3A_701] {strides = array<i32>} : memref<32x1024xf32, #tpu.memory_space<vmem>>, vector<16xf32>,
      %add3A_703 = arith.addf %get3A_699, %get3A_702 : vector<16xf32>
      %get3A_704 = arith.index_cast %scan3A_40 : i32 to index
      %get3A_705 = arith.constant 752 : index
      %get3A_706 = tpu.vector_load %arg11[%get3A_704, %get3A_705] {strides = array<i32>} : memref<32x1024xf32, #tpu.memory_space<vmem>>, vector<16xf32>,
      %add3A_707 = arith.addf %add3A_703, %get3A_706 : vector<16xf32>
      %swap3A_708 = arith.index_cast %scan3A_40 : i32 to index
      %swap3A_709 = arith.constant 752 : index
      %swap3A_710 = tpu.vector_load %arg9[%swap3A_708, %swap3A_709] {strides = array<i32>} : memref<32x1024xf32, #tpu.memory_space<vmem>>, vector<16xf32>,
      tpu.vector_store %arg9[%swap3A_708, %swap3A_709], %add3A_707 {strides = array<i32>} : memref<32x1024xf32, #tpu.memory_space<vmem>>, vector<16xf32>,
      %get3A_711 = arith.index_cast %scan3A_40 : i32 to index
      %get3A_712 = arith.constant 768 : index
      %get3A_713 = tpu.vector_load %arg9[%get3A_711, %get3A_712] {strides = array<i32>} : memref<32x1024xf32, #tpu.memory_space<vmem>>, vector<16xf32>,
      %get3A_714 = arith.index_cast %scan3A_40 : i32 to index
      %get3A_715 = arith.constant 768 : index
      %get3A_716 = tpu.vector_load %arg10[%get3A_714, %get3A_715] {strides = array<i32>} : memref<32x1024xf32, #tpu.memory_space<vmem>>, vector<16xf32>,
      %add3A_717 = arith.addf %get3A_713, %get3A_716 : vector<16xf32>
      %get3A_718 = arith.index_cast %scan3A_40 : i32 to index
      %get3A_719 = arith.constant 768 : index
      %get3A_720 = tpu.vector_load %arg11[%get3A_718, %get3A_719] {strides = array<i32>} : memref<32x1024xf32, #tpu.memory_space<vmem>>, vector<16xf32>,
      %add3A_721 = arith.addf %add3A_717, %get3A_720 : vector<16xf32>
      %swap3A_722 = arith.index_cast %scan3A_40 : i32 to index
      %swap3A_723 = arith.constant 768 : index
      %swap3A_724 = tpu.vector_load %arg9[%swap3A_722, %swap3A_723] {strides = array<i32>} : memref<32x1024xf32, #tpu.memory_space<vmem>>, vector<16xf32>,
      tpu.vector_store %arg9[%swap3A_722, %swap3A_723], %add3A_721 {strides = array<i32>} : memref<32x1024xf32, #tpu.memory_space<vmem>>, vector<16xf32>,
      %get3A_725 = arith.index_cast %scan3A_40 : i32 to index
      %get3A_726 = arith.constant 784 : index
      %get3A_727 = tpu.vector_load %arg9[%get3A_725, %get3A_726] {strides = array<i32>} : memref<32x1024xf32, #tpu.memory_space<vmem>>, vector<16xf32>,
      %get3A_728 = arith.index_cast %scan3A_40 : i32 to index
      %get3A_729 = arith.constant 784 : index
      %get3A_730 = tpu.vector_load %arg10[%get3A_728, %get3A_729] {strides = array<i32>} : memref<32x1024xf32, #tpu.memory_space<vmem>>, vector<16xf32>,
      %add3A_731 = arith.addf %get3A_727, %get3A_730 : vector<16xf32>
      %get3A_732 = arith.index_cast %scan3A_40 : i32 to index
      %get3A_733 = arith.constant 784 : index
      %get3A_734 = tpu.vector_load %arg11[%get3A_732, %get3A_733] {strides = array<i32>} : memref<32x1024xf32, #tpu.memory_space<vmem>>, vector<16xf32>,
      %add3A_735 = arith.addf %add3A_731, %get3A_734 : vector<16xf32>
      %swap3A_736 = arith.index_cast %scan3A_40 : i32 to index
      %swap3A_737 = arith.constant 784 : index
      %swap3A_738 = tpu.vector_load %arg9[%swap3A_736, %swap3A_737] {strides = array<i32>} : memref<32x1024xf32, #tpu.memory_space<vmem>>, vector<16xf32>,
      tpu.vector_store %arg9[%swap3A_736, %swap3A_737], %add3A_735 {strides = array<i32>} : memref<32x1024xf32, #tpu.memory_space<vmem>>, vector<16xf32>,
      %get3A_739 = arith.index_cast %scan3A_40 : i32 to index
      %get3A_740 = arith.constant 800 : index
      %get3A_741 = tpu.vector_load %arg9[%get3A_739, %get3A_740] {strides = array<i32>} : memref<32x1024xf32, #tpu.memory_space<vmem>>, vector<16xf32>,
      %get3A_742 = arith.index_cast %scan3A_40 : i32 to index
      %get3A_743 = arith.constant 800 : index
      %get3A_744 = tpu.vector_load %arg10[%get3A_742, %get3A_743] {strides = array<i32>} : memref<32x1024xf32, #tpu.memory_space<vmem>>, vector<16xf32>,
      %add3A_745 = arith.addf %get3A_741, %get3A_744 : vector<16xf32>
      %get3A_746 = arith.index_cast %scan3A_40 : i32 to index
      %get3A_747 = arith.constant 800 : index
      %get3A_748 = tpu.vector_load %arg11[%get3A_746, %get3A_747] {strides = array<i32>} : memref<32x1024xf32, #tpu.memory_space<vmem>>, vector<16xf32>,
      %add3A_749 = arith.addf %add3A_745, %get3A_748 : vector<16xf32>
      %swap3A_750 = arith.index_cast %scan3A_40 : i32 to index
      %swap3A_751 = arith.constant 800 : index
      %swap3A_752 = tpu.vector_load %arg9[%swap3A_750, %swap3A_751] {strides = array<i32>} : memref<32x1024xf32, #tpu.memory_space<vmem>>, vector<16xf32>,
      tpu.vector_store %arg9[%swap3A_750, %swap3A_751], %add3A_749 {strides = array<i32>} : memref<32x1024xf32, #tpu.memory_space<vmem>>, vector<16xf32>,
      %get3A_753 = arith.index_cast %scan3A_40 : i32 to index
      %get3A_754 = arith.constant 816 : index
      %get3A_755 = tpu.vector_load %arg9[%get3A_753, %get3A_754] {strides = array<i32>} : memref<32x1024xf32, #tpu.memory_space<vmem>>, vector<16xf32>,
      %get3A_756 = arith.index_cast %scan3A_40 : i32 to index
      %get3A_757 = arith.constant 816 : index
      %get3A_758 = tpu.vector_load %arg10[%get3A_756, %get3A_757] {strides = array<i32>} : memref<32x1024xf32, #tpu.memory_space<vmem>>, vector<16xf32>,
      %add3A_759 = arith.addf %get3A_755, %get3A_758 : vector<16xf32>
      %get3A_760 = arith.index_cast %scan3A_40 : i32 to index
      %get3A_761 = arith.constant 816 : index
      %get3A_762 = tpu.vector_load %arg11[%get3A_760, %get3A_761] {strides = array<i32>} : memref<32x1024xf32, #tpu.memory_space<vmem>>, vector<16xf32>,
      %add3A_763 = arith.addf %add3A_759, %get3A_762 : vector<16xf32>
      %swap3A_764 = arith.index_cast %scan3A_40 : i32 to index
      %swap3A_765 = arith.constant 816 : index
      %swap3A_766 = tpu.vector_load %arg9[%swap3A_764, %swap3A_765] {strides = array<i32>} : memref<32x1024xf32, #tpu.memory_space<vmem>>, vector<16xf32>,
      tpu.vector_store %arg9[%swap3A_764, %swap3A_765], %add3A_763 {strides = array<i32>} : memref<32x1024xf32, #tpu.memory_space<vmem>>, vector<16xf32>,
      %get3A_767 = arith.index_cast %scan3A_40 : i32 to index
      %get3A_768 = arith.constant 832 : index
      %get3A_769 = tpu.vector_load %arg9[%get3A_767, %get3A_768] {strides = array<i32>} : memref<32x1024xf32, #tpu.memory_space<vmem>>, vector<16xf32>,
      %get3A_770 = arith.index_cast %scan3A_40 : i32 to index
      %get3A_771 = arith.constant 832 : index
      %get3A_772 = tpu.vector_load %arg10[%get3A_770, %get3A_771] {strides = array<i32>} : memref<32x1024xf32, #tpu.memory_space<vmem>>, vector<16xf32>,
      %add3A_773 = arith.addf %get3A_769, %get3A_772 : vector<16xf32>
      %get3A_774 = arith.index_cast %scan3A_40 : i32 to index
      %get3A_775 = arith.constant 832 : index
      %get3A_776 = tpu.vector_load %arg11[%get3A_774, %get3A_775] {strides = array<i32>} : memref<32x1024xf32, #tpu.memory_space<vmem>>, vector<16xf32>,
      %add3A_777 = arith.addf %add3A_773, %get3A_776 : vector<16xf32>
      %swap3A_778 = arith.index_cast %scan3A_40 : i32 to index
      %swap3A_779 = arith.constant 832 : index
      %swap3A_780 = tpu.vector_load %arg9[%swap3A_778, %swap3A_779] {strides = array<i32>} : memref<32x1024xf32, #tpu.memory_space<vmem>>, vector<16xf32>,
      tpu.vector_store %arg9[%swap3A_778, %swap3A_779], %add3A_777 {strides = array<i32>} : memref<32x1024xf32, #tpu.memory_space<vmem>>, vector<16xf32>,
      %get3A_781 = arith.index_cast %scan3A_40 : i32 to index
      %get3A_782 = arith.constant 848 : index
      %get3A_783 = tpu.vector_load %arg9[%get3A_781, %get3A_782] {strides = array<i32>} : memref<32x1024xf32, #tpu.memory_space<vmem>>, vector<16xf32>,
      %get3A_784 = arith.index_cast %scan3A_40 : i32 to index
      %get3A_785 = arith.constant 848 : index
      %get3A_786 = tpu.vector_load %arg10[%get3A_784, %get3A_785] {strides = array<i32>} : memref<32x1024xf32, #tpu.memory_space<vmem>>, vector<16xf32>,
      %add3A_787 = arith.addf %get3A_783, %get3A_786 : vector<16xf32>
      %get3A_788 = arith.index_cast %scan3A_40 : i32 to index
      %get3A_789 = arith.constant 848 : index
      %get3A_790 = tpu.vector_load %arg11[%get3A_788, %get3A_789] {strides = array<i32>} : memref<32x1024xf32, #tpu.memory_space<vmem>>, vector<16xf32>,
      %add3A_791 = arith.addf %add3A_787, %get3A_790 : vector<16xf32>
      %swap3A_792 = arith.index_cast %scan3A_40 : i32 to index
      %swap3A_793 = arith.constant 848 : index
      %swap3A_794 = tpu.vector_load %arg9[%swap3A_792, %swap3A_793] {strides = array<i32>} : memref<32x1024xf32, #tpu.memory_space<vmem>>, vector<16xf32>,
      tpu.vector_store %arg9[%swap3A_792, %swap3A_793], %add3A_791 {strides = array<i32>} : memref<32x1024xf32, #tpu.memory_space<vmem>>, vector<16xf32>,
      %get3A_795 = arith.index_cast %scan3A_40 : i32 to index
      %get3A_796 = arith.constant 864 : index
      %get3A_797 = tpu.vector_load %arg9[%get3A_795, %get3A_796] {strides = array<i32>} : memref<32x1024xf32, #tpu.memory_space<vmem>>, vector<16xf32>,
      %get3A_798 = arith.index_cast %scan3A_40 : i32 to index
      %get3A_799 = arith.constant 864 : index
      %get3A_800 = tpu.vector_load %arg10[%get3A_798, %get3A_799] {strides = array<i32>} : memref<32x1024xf32, #tpu.memory_space<vmem>>, vector<16xf32>,
      %add3A_801 = arith.addf %get3A_797, %get3A_800 : vector<16xf32>
      %get3A_802 = arith.index_cast %scan3A_40 : i32 to index
      %get3A_803 = arith.constant 864 : index
      %get3A_804 = tpu.vector_load %arg11[%get3A_802, %get3A_803] {strides = array<i32>} : memref<32x1024xf32, #tpu.memory_space<vmem>>, vector<16xf32>,
      %add3A_805 = arith.addf %add3A_801, %get3A_804 : vector<16xf32>
      %swap3A_806 = arith.index_cast %scan3A_40 : i32 to index
      %swap3A_807 = arith.constant 864 : index
      %swap3A_808 = tpu.vector_load %arg9[%swap3A_806, %swap3A_807] {strides = array<i32>} : memref<32x1024xf32, #tpu.memory_space<vmem>>, vector<16xf32>,
      tpu.vector_store %arg9[%swap3A_806, %swap3A_807], %add3A_805 {strides = array<i32>} : memref<32x1024xf32, #tpu.memory_space<vmem>>, vector<16xf32>,
      %get3A_809 = arith.index_cast %scan3A_40 : i32 to index
      %get3A_810 = arith.constant 880 : index
      %get3A_811 = tpu.vector_load %arg9[%get3A_809, %get3A_810] {strides = array<i32>} : memref<32x1024xf32, #tpu.memory_space<vmem>>, vector<16xf32>,
      %get3A_812 = arith.index_cast %scan3A_40 : i32 to index
      %get3A_813 = arith.constant 880 : index
      %get3A_814 = tpu.vector_load %arg10[%get3A_812, %get3A_813] {strides = array<i32>} : memref<32x1024xf32, #tpu.memory_space<vmem>>, vector<16xf32>,
      %add3A_815 = arith.addf %get3A_811, %get3A_814 : vector<16xf32>
      %get3A_816 = arith.index_cast %scan3A_40 : i32 to index
      %get3A_817 = arith.constant 880 : index
      %get3A_818 = tpu.vector_load %arg11[%get3A_816, %get3A_817] {strides = array<i32>} : memref<32x1024xf32, #tpu.memory_space<vmem>>, vector<16xf32>,
      %add3A_819 = arith.addf %add3A_815, %get3A_818 : vector<16xf32>
      %swap3A_820 = arith.index_cast %scan3A_40 : i32 to index
      %swap3A_821 = arith.constant 880 : index
      %swap3A_822 = tpu.vector_load %arg9[%swap3A_820, %swap3A_821] {strides = array<i32>} : memref<32x1024xf32, #tpu.memory_space<vmem>>, vector<16xf32>,
      tpu.vector_store %arg9[%swap3A_820, %swap3A_821], %add3A_819 {strides = array<i32>} : memref<32x1024xf32, #tpu.memory_space<vmem>>, vector<16xf32>,
      %get3A_823 = arith.index_cast %scan3A_40 : i32 to index
      %get3A_824 = arith.constant 896 : index
      %get3A_825 = tpu.vector_load %arg9[%get3A_823, %get3A_824] {strides = array<i32>} : memref<32x1024xf32, #tpu.memory_space<vmem>>, vector<16xf32>,
      %get3A_826 = arith.index_cast %scan3A_40 : i32 to index
      %get3A_827 = arith.constant 896 : index
      %get3A_828 = tpu.vector_load %arg10[%get3A_826, %get3A_827] {strides = array<i32>} : memref<32x1024xf32, #tpu.memory_space<vmem>>, vector<16xf32>,
      %add3A_829 = arith.addf %get3A_825, %get3A_828 : vector<16xf32>
      %get3A_830 = arith.index_cast %scan3A_40 : i32 to index
      %get3A_831 = arith.constant 896 : index
      %get3A_832 = tpu.vector_load %arg11[%get3A_830, %get3A_831] {strides = array<i32>} : memref<32x1024xf32, #tpu.memory_space<vmem>>, vector<16xf32>,
      %add3A_833 = arith.addf %add3A_829, %get3A_832 : vector<16xf32>
      %swap3A_834 = arith.index_cast %scan3A_40 : i32 to index
      %swap3A_835 = arith.constant 896 : index
      %swap3A_836 = tpu.vector_load %arg9[%swap3A_834, %swap3A_835] {strides = array<i32>} : memref<32x1024xf32, #tpu.memory_space<vmem>>, vector<16xf32>,
      tpu.vector_store %arg9[%swap3A_834, %swap3A_835], %add3A_833 {strides = array<i32>} : memref<32x1024xf32, #tpu.memory_space<vmem>>, vector<16xf32>,
      %get3A_837 = arith.index_cast %scan3A_40 : i32 to index
      %get3A_838 = arith.constant 912 : index
      %get3A_839 = tpu.vector_load %arg9[%get3A_837, %get3A_838] {strides = array<i32>} : memref<32x1024xf32, #tpu.memory_space<vmem>>, vector<16xf32>,
      %get3A_840 = arith.index_cast %scan3A_40 : i32 to index
      %get3A_841 = arith.constant 912 : index
      %get3A_842 = tpu.vector_load %arg10[%get3A_840, %get3A_841] {strides = array<i32>} : memref<32x1024xf32, #tpu.memory_space<vmem>>, vector<16xf32>,
      %add3A_843 = arith.addf %get3A_839, %get3A_842 : vector<16xf32>
      %get3A_844 = arith.index_cast %scan3A_40 : i32 to index
      %get3A_845 = arith.constant 912 : index
      %get3A_846 = tpu.vector_load %arg11[%get3A_844, %get3A_845] {strides = array<i32>} : memref<32x1024xf32, #tpu.memory_space<vmem>>, vector<16xf32>,
      %add3A_847 = arith.addf %add3A_843, %get3A_846 : vector<16xf32>
      %swap3A_848 = arith.index_cast %scan3A_40 : i32 to index
      %swap3A_849 = arith.constant 912 : index
      %swap3A_850 = tpu.vector_load %arg9[%swap3A_848, %swap3A_849] {strides = array<i32>} : memref<32x1024xf32, #tpu.memory_space<vmem>>, vector<16xf32>,
      tpu.vector_store %arg9[%swap3A_848, %swap3A_849], %add3A_847 {strides = array<i32>} : memref<32x1024xf32, #tpu.memory_space<vmem>>, vector<16xf32>,
      %get3A_851 = arith.index_cast %scan3A_40 : i32 to index
      %get3A_852 = arith.constant 928 : index
      %get3A_853 = tpu.vector_load %arg9[%get3A_851, %get3A_852] {strides = array<i32>} : memref<32x1024xf32, #tpu.memory_space<vmem>>, vector<16xf32>,
      %get3A_854 = arith.index_cast %scan3A_40 : i32 to index
      %get3A_855 = arith.constant 928 : index
      %get3A_856 = tpu.vector_load %arg10[%get3A_854, %get3A_855] {strides = array<i32>} : memref<32x1024xf32, #tpu.memory_space<vmem>>, vector<16xf32>,
      %add3A_857 = arith.addf %get3A_853, %get3A_856 : vector<16xf32>
      %get3A_858 = arith.index_cast %scan3A_40 : i32 to index
      %get3A_859 = arith.constant 928 : index
      %get3A_860 = tpu.vector_load %arg11[%get3A_858, %get3A_859] {strides = array<i32>} : memref<32x1024xf32, #tpu.memory_space<vmem>>, vector<16xf32>,
      %add3A_861 = arith.addf %add3A_857, %get3A_860 : vector<16xf32>
      %swap3A_862 = arith.index_cast %scan3A_40 : i32 to index
      %swap3A_863 = arith.constant 928 : index
      %swap3A_864 = tpu.vector_load %arg9[%swap3A_862, %swap3A_863] {strides = array<i32>} : memref<32x1024xf32, #tpu.memory_space<vmem>>, vector<16xf32>,
      tpu.vector_store %arg9[%swap3A_862, %swap3A_863], %add3A_861 {strides = array<i32>} : memref<32x1024xf32, #tpu.memory_space<vmem>>, vector<16xf32>,
      %get3A_865 = arith.index_cast %scan3A_40 : i32 to index
      %get3A_866 = arith.constant 944 : index
      %get3A_867 = tpu.vector_load %arg9[%get3A_865, %get3A_866] {strides = array<i32>} : memref<32x1024xf32, #tpu.memory_space<vmem>>, vector<16xf32>,
      %get3A_868 = arith.index_cast %scan3A_40 : i32 to index
      %get3A_869 = arith.constant 944 : index
      %get3A_870 = tpu.vector_load %arg10[%get3A_868, %get3A_869] {strides = array<i32>} : memref<32x1024xf32, #tpu.memory_space<vmem>>, vector<16xf32>,
      %add3A_871 = arith.addf %get3A_867, %get3A_870 : vector<16xf32>
      %get3A_872 = arith.index_cast %scan3A_40 : i32 to index
      %get3A_873 = arith.constant 944 : index
      %get3A_874 = tpu.vector_load %arg11[%get3A_872, %get3A_873] {strides = array<i32>} : memref<32x1024xf32, #tpu.memory_space<vmem>>, vector<16xf32>,
      %add3A_875 = arith.addf %add3A_871, %get3A_874 : vector<16xf32>
      %swap3A_876 = arith.index_cast %scan3A_40 : i32 to index
      %swap3A_877 = arith.constant 944 : index
      %swap3A_878 = tpu.vector_load %arg9[%swap3A_876, %swap3A_877] {strides = array<i32>} : memref<32x1024xf32, #tpu.memory_space<vmem>>, vector<16xf32>,
      tpu.vector_store %arg9[%swap3A_876, %swap3A_877], %add3A_875 {strides = array<i32>} : memref<32x1024xf32, #tpu.memory_space<vmem>>, vector<16xf32>,
      %get3A_879 = arith.index_cast %scan3A_40 : i32 to index
      %get3A_880 = arith.constant 960 : index
      %get3A_881 = tpu.vector_load %arg9[%get3A_879, %get3A_880] {strides = array<i32>} : memref<32x1024xf32, #tpu.memory_space<vmem>>, vector<16xf32>,
      %get3A_882 = arith.index_cast %scan3A_40 : i32 to index
      %get3A_883 = arith.constant 960 : index
      %get3A_884 = tpu.vector_load %arg10[%get3A_882, %get3A_883] {strides = array<i32>} : memref<32x1024xf32, #tpu.memory_space<vmem>>, vector<16xf32>,
      %add3A_885 = arith.addf %get3A_881, %get3A_884 : vector<16xf32>
      %get3A_886 = arith.index_cast %scan3A_40 : i32 to index
      %get3A_887 = arith.constant 960 : index
      %get3A_888 = tpu.vector_load %arg11[%get3A_886, %get3A_887] {strides = array<i32>} : memref<32x1024xf32, #tpu.memory_space<vmem>>, vector<16xf32>,
      %add3A_889 = arith.addf %add3A_885, %get3A_888 : vector<16xf32>
      %swap3A_890 = arith.index_cast %scan3A_40 : i32 to index
      %swap3A_891 = arith.constant 960 : index
      %swap3A_892 = tpu.vector_load %arg9[%swap3A_890, %swap3A_891] {strides = array<i32>} : memref<32x1024xf32, #tpu.memory_space<vmem>>, vector<16xf32>,
      tpu.vector_store %arg9[%swap3A_890, %swap3A_891], %add3A_889 {strides = array<i32>} : memref<32x1024xf32, #tpu.memory_space<vmem>>, vector<16xf32>,
      %get3A_893 = arith.index_cast %scan3A_40 : i32 to index
      %get3A_894 = arith.constant 976 : index
      %get3A_895 = tpu.vector_load %arg9[%get3A_893, %get3A_894] {strides = array<i32>} : memref<32x1024xf32, #tpu.memory_space<vmem>>, vector<16xf32>,
      %get3A_896 = arith.index_cast %scan3A_40 : i32 to index
      %get3A_897 = arith.constant 976 : index
      %get3A_898 = tpu.vector_load %arg10[%get3A_896, %get3A_897] {strides = array<i32>} : memref<32x1024xf32, #tpu.memory_space<vmem>>, vector<16xf32>,
      %add3A_899 = arith.addf %get3A_895, %get3A_898 : vector<16xf32>
      %get3A_900 = arith.index_cast %scan3A_40 : i32 to index
      %get3A_901 = arith.constant 976 : index
      %get3A_902 = tpu.vector_load %arg11[%get3A_900, %get3A_901] {strides = array<i32>} : memref<32x1024xf32, #tpu.memory_space<vmem>>, vector<16xf32>,
      %add3A_903 = arith.addf %add3A_899, %get3A_902 : vector<16xf32>
      %swap3A_904 = arith.index_cast %scan3A_40 : i32 to index
      %swap3A_905 = arith.constant 976 : index
      %swap3A_906 = tpu.vector_load %arg9[%swap3A_904, %swap3A_905] {strides = array<i32>} : memref<32x1024xf32, #tpu.memory_space<vmem>>, vector<16xf32>,
      tpu.vector_store %arg9[%swap3A_904, %swap3A_905], %add3A_903 {strides = array<i32>} : memref<32x1024xf32, #tpu.memory_space<vmem>>, vector<16xf32>,
      %get3A_907 = arith.index_cast %scan3A_40 : i32 to index
      %get3A_908 = arith.constant 992 : index
      %get3A_909 = tpu.vector_load %arg9[%get3A_907, %get3A_908] {strides = array<i32>} : memref<32x1024xf32, #tpu.memory_space<vmem>>, vector<16xf32>,
      %get3A_910 = arith.index_cast %scan3A_40 : i32 to index
      %get3A_911 = arith.constant 992 : index
      %get3A_912 = tpu.vector_load %arg10[%get3A_910, %get3A_911] {strides = array<i32>} : memref<32x1024xf32, #tpu.memory_space<vmem>>, vector<16xf32>,
      %add3A_913 = arith.addf %get3A_909, %get3A_912 : vector<16xf32>
      %get3A_914 = arith.index_cast %scan3A_40 : i32 to index
      %get3A_915 = arith.constant 992 : index
      %get3A_916 = tpu.vector_load %arg11[%get3A_914, %get3A_915] {strides = array<i32>} : memref<32x1024xf32, #tpu.memory_space<vmem>>, vector<16xf32>,
      %add3A_917 = arith.addf %add3A_913, %get3A_916 : vector<16xf32>
      %swap3A_918 = arith.index_cast %scan3A_40 : i32 to index
      %swap3A_919 = arith.constant 992 : index
      %swap3A_920 = tpu.vector_load %arg9[%swap3A_918, %swap3A_919] {strides = array<i32>} : memref<32x1024xf32, #tpu.memory_space<vmem>>, vector<16xf32>,
      tpu.vector_store %arg9[%swap3A_918, %swap3A_919], %add3A_917 {strides = array<i32>} : memref<32x1024xf32, #tpu.memory_space<vmem>>, vector<16xf32>,
      %get3A_921 = arith.index_cast %scan3A_40 : i32 to index
      %get3A_922 = arith.constant 1008 : index
      %get3A_923 = tpu.vector_load %arg9[%get3A_921, %get3A_922] {strides = array<i32>} : memref<32x1024xf32, #tpu.memory_space<vmem>>, vector<16xf32>,
      %get3A_924 = arith.index_cast %scan3A_40 : i32 to index
      %get3A_925 = arith.constant 1008 : index
      %get3A_926 = tpu.vector_load %arg10[%get3A_924, %get3A_925] {strides = array<i32>} : memref<32x1024xf32, #tpu.memory_space<vmem>>, vector<16xf32>,
      %add3A_927 = arith.addf %get3A_923, %get3A_926 : vector<16xf32>
      %get3A_928 = arith.index_cast %scan3A_40 : i32 to index
      %get3A_929 = arith.constant 1008 : index
      %get3A_930 = tpu.vector_load %arg11[%get3A_928, %get3A_929] {strides = array<i32>} : memref<32x1024xf32, #tpu.memory_space<vmem>>, vector<16xf32>,
      %add3A_931 = arith.addf %add3A_927, %get3A_930 : vector<16xf32>
      %swap3A_932 = arith.index_cast %scan3A_40 : i32 to index
      %swap3A_933 = arith.constant 1008 : index
      %swap3A_934 = tpu.vector_load %arg9[%swap3A_932, %swap3A_933] {strides = array<i32>} : memref<32x1024xf32, #tpu.memory_space<vmem>>, vector<16xf32>,
      tpu.vector_store %arg9[%swap3A_932, %swap3A_933], %add3A_931 {strides = array<i32>} : memref<32x1024xf32, #tpu.memory_space<vmem>>, vector<16xf32>,
    }
    %scan3A_39 = arith.constant 32 : i32
    "tpu.region"() ({
      %run_scoped3A = tpu.sem_alloc : memref<!tpu.dma_semaphore, #tpu.memory_space<semaphore_mem>>
      %dma_start3A_40 = arith.constant 0 : i32
      %dma_start3A_41 = tpu.memref_slice %arg6[%add3A_21, %dma_start3A_40] : memref<2048x1024xf32, #tpu.memory_space<hbm>> -> memref<32x1024xf32, #tpu.memory_space<hbm>>
      %dma_start3A_42 = arith.constant 0 : i32
      %dma_start3A_43 = tpu.memref_slice %arg6[%add3A_21, %dma_start3A_42] : memref<2048x1024xf32, #tpu.memory_space<hbm>> -> memref<32x1024xf32, #tpu.memory_space<hbm>>
      tpu.enqueue_dma source(%arg9 : memref<32x1024xf32, #tpu.memory_space<vmem>>) target(%dma_start3A_43 : memref<32x1024xf32, #tpu.memory_space<hbm>>) target_semaphore(%run_scoped3A : memref<!tpu.dma_semaphore, #tpu.memory_space<semaphore_mem>>)
      %dma_wait3A_44 = arith.constant 0 : i32
      %dma_wait3A_45 = tpu.memref_slice %arg6[%add3A_21, %dma_wait3A_44] : memref<2048x1024xf32, #tpu.memory_space<hbm>> -> memref<32x1024xf32, #tpu.memory_space<hbm>>
      %dma_wait3A_46 = arith.constant 0 : i32
      %dma_wait3A_47 = tpu.memref_slice %arg6[%add3A_21, %dma_wait3A_46] : memref<2048x1024xf32, #tpu.memory_space<hbm>> -> memref<32x1024xf32, #tpu.memory_space<hbm>>
      tpu.wait_dma2 semaphore(%run_scoped3A : memref<!tpu.dma_semaphore, #tpu.memory_space<semaphore_mem>>) src(%arg9 : memref<32x1024xf32, #tpu.memory_space<vmem>>) dst(%dma_wait3A_47 : memref<32x1024xf32, #tpu.memory_space<hbm>>)
      tpu.yield
    }) : () -> ()
    return
  }
}

#map = affine_map<(d0, d1) -> (0, 0)>
#map1 = affine_map<(d0, d1) -> (0)>
module attributes {stable_mosaic.version = 14 : i64} {
  func.func @_dispatch_kernel(%arg0: i32, %arg1: i32, %arg2: memref<32x128xi32, #tpu.memory_space<hbm>>, %arg3: memref<32x128xf32, #tpu.memory_space<hbm>>, %arg4: memref<2048x1024xf32, #tpu.memory_space<hbm>>, %arg5: memref<6144xi32, #tpu.memory_space<hbm>>, %arg6: memref<6144xf32, #tpu.memory_space<hbm>>, %arg7: memref<6144x1024xf32, #tpu.memory_space<hbm>>, %arg8: memref<6144xf32, #tpu.memory_space<hbm>>, %arg9: memref<2x128xi32, #tpu.memory_space<vmem>>, %arg10: memref<2x128xf32, #tpu.memory_space<vmem>>, %arg11: memref<2x128xi32, #tpu.memory_space<vmem>>, %arg12: memref<192xi32, #tpu.memory_space<vmem>>, %arg13: memref<384xi32, #tpu.memory_space<vmem>>, %arg14: memref<384xf32, #tpu.memory_space<vmem>>, %arg15: memref<24x1024xf32, #tpu.memory_space<vmem>>, %arg16: memref<24x1024xf32, #tpu.memory_space<vmem>>, %arg17: memref<24x1024xf32, #tpu.memory_space<vmem>>, %arg18: memref<24x1024xf32, #tpu.memory_space<vmem>>, %arg19: memref<6144xi32, #tpu.memory_space<vmem_shared>>, %arg20: memref<6144xf32, #tpu.memory_space<vmem_shared>>, %arg21: memref<!tpu.dma_semaphore, #tpu.memory_space<semaphore_mem>>, %arg22: memref<!tpu.dma_semaphore, #tpu.memory_space<semaphore_mem>>, %arg23: memref<!tpu.dma_semaphore, #tpu.memory_space<semaphore_mem>>, %arg24: memref<!tpu.dma_semaphore, #tpu.memory_space<semaphore_mem>>, %arg25: memref<!tpu.dma_semaphore, #tpu.memory_space<semaphore_mem>>, %arg26: memref<!tpu.dma_semaphore, #tpu.memory_space<semaphore_mem>>, %arg27: memref<!tpu.dma_semaphore, #tpu.memory_space<semaphore_mem>>, %arg28: memref<!tpu.dma_semaphore, #tpu.memory_space<semaphore_mem>>) attributes {dimension_semantics = [#tpu.dimension_semantics<core_parallel>, #tpu.dimension_semantics<subcore_parallel>], iteration_bounds = array<i64: 2, 16>, scalar_prefetch = 0 : i64, scratch_operands = 20 : i64, tpu.core_type = #tpu.core_type<sc_vector_subcore>, window_params = [{transform_indices = #map}, {transform_indices = #map}, {transform_indices = #map}, {transform_indices = #map1}, {transform_indices = #map1}, {transform_indices = #map}, {transform_indices = #map1}]} {
    %mul3A = arith.constant 16 : i32
    %mul3A_0 = arith.muli %arg0, %mul3A : i32
    %add3A = arith.addi %mul3A_0, %arg1 : i32
    %mul3A_1 = arith.constant 384 : i32
    %mul3A_2 = arith.muli %arg1, %mul3A_1 : i32
    "tpu.region"() ({
      %run_scoped3A_438 = tpu.sem_alloc : memref<!tpu.dma_semaphore, #tpu.memory_space<semaphore_mem>>
      %dma_start3A_439 = tpu.memref_slice %arg5[%mul3A_2] : memref<6144xi32, #tpu.memory_space<hbm>> -> memref<384xi32, #tpu.memory_space<hbm>>
      %dma_start3A_440 = tpu.memref_slice %arg5[%mul3A_2] : memref<6144xi32, #tpu.memory_space<hbm>> -> memref<384xi32, #tpu.memory_space<hbm>>
      tpu.enqueue_dma source(%dma_start3A_440 : memref<384xi32, #tpu.memory_space<hbm>>) target(%arg13 : memref<384xi32, #tpu.memory_space<vmem>>) target_semaphore(%run_scoped3A_438 : memref<!tpu.dma_semaphore, #tpu.memory_space<semaphore_mem>>)
      %dma_wait3A_441 = tpu.memref_slice %arg5[%mul3A_2] : memref<6144xi32, #tpu.memory_space<hbm>> -> memref<384xi32, #tpu.memory_space<hbm>>
      %dma_wait3A_442 = tpu.memref_slice %arg5[%mul3A_2] : memref<6144xi32, #tpu.memory_space<hbm>> -> memref<384xi32, #tpu.memory_space<hbm>>
      tpu.wait_dma2 semaphore(%run_scoped3A_438 : memref<!tpu.dma_semaphore, #tpu.memory_space<semaphore_mem>>) src(%dma_wait3A_442 : memref<384xi32, #tpu.memory_space<hbm>>) dst(%arg13 : memref<384xi32, #tpu.memory_space<vmem>>)
      tpu.yield
    }) : () -> ()
    %mul3A_3 = arith.constant 384 : i32
    %mul3A_4 = arith.muli %arg1, %mul3A_3 : i32
    "tpu.region"() ({
      %run_scoped3A_438 = tpu.sem_alloc : memref<!tpu.dma_semaphore, #tpu.memory_space<semaphore_mem>>
      %dma_start3A_439 = tpu.memref_slice %arg6[%mul3A_4] : memref<6144xf32, #tpu.memory_space<hbm>> -> memref<384xf32, #tpu.memory_space<hbm>>
      %dma_start3A_440 = tpu.memref_slice %arg6[%mul3A_4] : memref<6144xf32, #tpu.memory_space<hbm>> -> memref<384xf32, #tpu.memory_space<hbm>>
      tpu.enqueue_dma source(%dma_start3A_440 : memref<384xf32, #tpu.memory_space<hbm>>) target(%arg14 : memref<384xf32, #tpu.memory_space<vmem>>) target_semaphore(%run_scoped3A_438 : memref<!tpu.dma_semaphore, #tpu.memory_space<semaphore_mem>>)
      %dma_wait3A_441 = tpu.memref_slice %arg6[%mul3A_4] : memref<6144xf32, #tpu.memory_space<hbm>> -> memref<384xf32, #tpu.memory_space<hbm>>
      %dma_wait3A_442 = tpu.memref_slice %arg6[%mul3A_4] : memref<6144xf32, #tpu.memory_space<hbm>> -> memref<384xf32, #tpu.memory_space<hbm>>
      tpu.wait_dma2 semaphore(%run_scoped3A_438 : memref<!tpu.dma_semaphore, #tpu.memory_space<semaphore_mem>>) src(%dma_wait3A_442 : memref<384xf32, #tpu.memory_space<hbm>>) dst(%arg14 : memref<384xf32, #tpu.memory_space<vmem>>)
      tpu.yield
    }) : () -> ()
    %mul3A_5 = arith.constant 384 : i32
    %mul3A_6 = arith.muli %arg1, %mul3A_5 : i32
    "tpu.region"() ({
      %run_scoped3A_438 = tpu.sem_alloc : memref<!tpu.dma_semaphore, #tpu.memory_space<semaphore_mem>>
      %dma_start3A_439 = tpu.memref_slice %arg19[%mul3A_6] : memref<6144xi32, #tpu.memory_space<vmem_shared>> -> memref<384xi32, #tpu.memory_space<vmem_shared>>
      %dma_start3A_440 = tpu.memref_slice %arg19[%mul3A_6] : memref<6144xi32, #tpu.memory_space<vmem_shared>> -> memref<384xi32, #tpu.memory_space<vmem_shared>>
      tpu.enqueue_dma source(%arg13 : memref<384xi32, #tpu.memory_space<vmem>>) target(%dma_start3A_440 : memref<384xi32, #tpu.memory_space<vmem_shared>>) target_semaphore(%run_scoped3A_438 : memref<!tpu.dma_semaphore, #tpu.memory_space<semaphore_mem>>)
      %dma_wait3A_441 = tpu.memref_slice %arg19[%mul3A_6] : memref<6144xi32, #tpu.memory_space<vmem_shared>> -> memref<384xi32, #tpu.memory_space<vmem_shared>>
      %dma_wait3A_442 = tpu.memref_slice %arg19[%mul3A_6] : memref<6144xi32, #tpu.memory_space<vmem_shared>> -> memref<384xi32, #tpu.memory_space<vmem_shared>>
      tpu.wait_dma2 semaphore(%run_scoped3A_438 : memref<!tpu.dma_semaphore, #tpu.memory_space<semaphore_mem>>) src(%arg13 : memref<384xi32, #tpu.memory_space<vmem>>) dst(%dma_wait3A_442 : memref<384xi32, #tpu.memory_space<vmem_shared>>)
      tpu.yield
    }) : () -> ()
    %mul3A_7 = arith.constant 384 : i32
    %mul3A_8 = arith.muli %arg1, %mul3A_7 : i32
    "tpu.region"() ({
      %run_scoped3A_438 = tpu.sem_alloc : memref<!tpu.dma_semaphore, #tpu.memory_space<semaphore_mem>>
      %dma_start3A_439 = tpu.memref_slice %arg20[%mul3A_8] : memref<6144xf32, #tpu.memory_space<vmem_shared>> -> memref<384xf32, #tpu.memory_space<vmem_shared>>
      %dma_start3A_440 = tpu.memref_slice %arg20[%mul3A_8] : memref<6144xf32, #tpu.memory_space<vmem_shared>> -> memref<384xf32, #tpu.memory_space<vmem_shared>>
      tpu.enqueue_dma source(%arg14 : memref<384xf32, #tpu.memory_space<vmem>>) target(%dma_start3A_440 : memref<384xf32, #tpu.memory_space<vmem_shared>>) target_semaphore(%run_scoped3A_438 : memref<!tpu.dma_semaphore, #tpu.memory_space<semaphore_mem>>)
      %dma_wait3A_441 = tpu.memref_slice %arg20[%mul3A_8] : memref<6144xf32, #tpu.memory_space<vmem_shared>> -> memref<384xf32, #tpu.memory_space<vmem_shared>>
      %dma_wait3A_442 = tpu.memref_slice %arg20[%mul3A_8] : memref<6144xf32, #tpu.memory_space<vmem_shared>> -> memref<384xf32, #tpu.memory_space<vmem_shared>>
      tpu.wait_dma2 semaphore(%run_scoped3A_438 : memref<!tpu.dma_semaphore, #tpu.memory_space<semaphore_mem>>) src(%arg14 : memref<384xf32, #tpu.memory_space<vmem>>) dst(%dma_wait3A_442 : memref<384xf32, #tpu.memory_space<vmem_shared>>)
      tpu.yield
    }) : () -> ()
    %mul3A_9 = arith.constant 2 : i32
    %mul3A_10 = arith.muli %arg1, %mul3A_9 : i32
    "tpu.region"() ({
      %run_scoped3A_438 = tpu.sem_alloc : memref<!tpu.dma_semaphore, #tpu.memory_space<semaphore_mem>>
      %dma_start3A_439 = arith.constant 0 : i32
      %dma_start3A_440 = tpu.memref_slice %arg2[%mul3A_10, %dma_start3A_439] : memref<32x128xi32, #tpu.memory_space<hbm>> -> memref<2x128xi32, #tpu.memory_space<hbm>>
      %dma_start3A_441 = arith.constant 0 : i32
      %dma_start3A_442 = tpu.memref_slice %arg2[%mul3A_10, %dma_start3A_441] : memref<32x128xi32, #tpu.memory_space<hbm>> -> memref<2x128xi32, #tpu.memory_space<hbm>>
      tpu.enqueue_dma source(%dma_start3A_442 : memref<2x128xi32, #tpu.memory_space<hbm>>) target(%arg9 : memref<2x128xi32, #tpu.memory_space<vmem>>) target_semaphore(%run_scoped3A_438 : memref<!tpu.dma_semaphore, #tpu.memory_space<semaphore_mem>>)
      %dma_wait3A_443 = arith.constant 0 : i32
      %dma_wait3A_444 = tpu.memref_slice %arg2[%mul3A_10, %dma_wait3A_443] : memref<32x128xi32, #tpu.memory_space<hbm>> -> memref<2x128xi32, #tpu.memory_space<hbm>>
      %dma_wait3A_445 = arith.constant 0 : i32
      %dma_wait3A_446 = tpu.memref_slice %arg2[%mul3A_10, %dma_wait3A_445] : memref<32x128xi32, #tpu.memory_space<hbm>> -> memref<2x128xi32, #tpu.memory_space<hbm>>
      tpu.wait_dma2 semaphore(%run_scoped3A_438 : memref<!tpu.dma_semaphore, #tpu.memory_space<semaphore_mem>>) src(%dma_wait3A_446 : memref<2x128xi32, #tpu.memory_space<hbm>>) dst(%arg9 : memref<2x128xi32, #tpu.memory_space<vmem>>)
      tpu.yield
    }) : () -> ()
    %mul3A_11 = arith.constant 2 : i32
    %mul3A_12 = arith.muli %arg1, %mul3A_11 : i32
    "tpu.region"() ({
      %run_scoped3A_438 = tpu.sem_alloc : memref<!tpu.dma_semaphore, #tpu.memory_space<semaphore_mem>>
      %dma_start3A_439 = arith.constant 0 : i32
      %dma_start3A_440 = tpu.memref_slice %arg3[%mul3A_12, %dma_start3A_439] : memref<32x128xf32, #tpu.memory_space<hbm>> -> memref<2x128xf32, #tpu.memory_space<hbm>>
      %dma_start3A_441 = arith.constant 0 : i32
      %dma_start3A_442 = tpu.memref_slice %arg3[%mul3A_12, %dma_start3A_441] : memref<32x128xf32, #tpu.memory_space<hbm>> -> memref<2x128xf32, #tpu.memory_space<hbm>>
      tpu.enqueue_dma source(%dma_start3A_442 : memref<2x128xf32, #tpu.memory_space<hbm>>) target(%arg10 : memref<2x128xf32, #tpu.memory_space<vmem>>) target_semaphore(%run_scoped3A_438 : memref<!tpu.dma_semaphore, #tpu.memory_space<semaphore_mem>>)
      %dma_wait3A_443 = arith.constant 0 : i32
      %dma_wait3A_444 = tpu.memref_slice %arg3[%mul3A_12, %dma_wait3A_443] : memref<32x128xf32, #tpu.memory_space<hbm>> -> memref<2x128xf32, #tpu.memory_space<hbm>>
      %dma_wait3A_445 = arith.constant 0 : i32
      %dma_wait3A_446 = tpu.memref_slice %arg3[%mul3A_12, %dma_wait3A_445] : memref<32x128xf32, #tpu.memory_space<hbm>> -> memref<2x128xf32, #tpu.memory_space<hbm>>
      tpu.wait_dma2 semaphore(%run_scoped3A_438 : memref<!tpu.dma_semaphore, #tpu.memory_space<semaphore_mem>>) src(%dma_wait3A_446 : memref<2x128xf32, #tpu.memory_space<hbm>>) dst(%arg10 : memref<2x128xf32, #tpu.memory_space<vmem>>)
      tpu.yield
    }) : () -> ()
    %iota3A = tpu.iota {dimensions = array<i32: 0>} : vector<16xi32>
    %mul3A_13 = arith.constant 256 : i32
    %mul3A_14 = arith.muli %arg1, %mul3A_13 : i32
    %add3A_15 = arith.constant 0 : i32
    %add3A_16 = arith.addi %mul3A_14, %add3A_15 : i32
    %add3A_17 = arith.constant 0 : i32
    %add3A_18 = arith.addi %add3A_16, %add3A_17 : i32
    %add3A_19 = vector.broadcast %add3A_18 : i32 to vector<16xi32>
    %add3A_20 = arith.addi %iota3A, %add3A_19 : vector<16xi32>
    %and3A = arith.constant 2047 : i32
    %and3A_21 = vector.broadcast %and3A : i32 to vector<16xi32>
    %and3A_22 = arith.andi %add3A_20, %and3A_21 : vector<16xi32>
    %swap3A = arith.constant 0 : i32
    %swap3A_23 = arith.index_cast %swap3A : i32 to index
    %swap3A_24 = arith.constant 0 : index
    %swap3A_25 = tpu.vector_load %arg11[%swap3A_23, %swap3A_24] {strides = array<i32>} : memref<2x128xi32, #tpu.memory_space<vmem>>, vector<16xi32>,
    tpu.vector_store %arg11[%swap3A_23, %swap3A_24], %and3A_22 {strides = array<i32>} : memref<2x128xi32, #tpu.memory_space<vmem>>, vector<16xi32>,
    %iota3A_26 = tpu.iota {dimensions = array<i32: 0>} : vector<16xi32>
    %mul3A_27 = arith.constant 256 : i32
    %mul3A_28 = arith.muli %arg1, %mul3A_27 : i32
    %add3A_29 = arith.constant 0 : i32
    %add3A_30 = arith.addi %mul3A_28, %add3A_29 : i32
    %add3A_31 = arith.constant 16 : i32
    %add3A_32 = arith.addi %add3A_30, %add3A_31 : i32
    %add3A_33 = vector.broadcast %add3A_32 : i32 to vector<16xi32>
    %add3A_34 = arith.addi %iota3A_26, %add3A_33 : vector<16xi32>
    %and3A_35 = arith.constant 2047 : i32
    %and3A_36 = vector.broadcast %and3A_35 : i32 to vector<16xi32>
    %and3A_37 = arith.andi %add3A_34, %and3A_36 : vector<16xi32>
    %swap3A_38 = arith.constant 0 : i32
    %swap3A_39 = arith.index_cast %swap3A_38 : i32 to index
    %swap3A_40 = arith.constant 16 : index
    %swap3A_41 = tpu.vector_load %arg11[%swap3A_39, %swap3A_40] {strides = array<i32>} : memref<2x128xi32, #tpu.memory_space<vmem>>, vector<16xi32>,
    tpu.vector_store %arg11[%swap3A_39, %swap3A_40], %and3A_37 {strides = array<i32>} : memref<2x128xi32, #tpu.memory_space<vmem>>, vector<16xi32>,
    %iota3A_42 = tpu.iota {dimensions = array<i32: 0>} : vector<16xi32>
    %mul3A_43 = arith.constant 256 : i32
    %mul3A_44 = arith.muli %arg1, %mul3A_43 : i32
    %add3A_45 = arith.constant 0 : i32
    %add3A_46 = arith.addi %mul3A_44, %add3A_45 : i32
    %add3A_47 = arith.constant 32 : i32
    %add3A_48 = arith.addi %add3A_46, %add3A_47 : i32
    %add3A_49 = vector.broadcast %add3A_48 : i32 to vector<16xi32>
    %add3A_50 = arith.addi %iota3A_42, %add3A_49 : vector<16xi32>
    %and3A_51 = arith.constant 2047 : i32
    %and3A_52 = vector.broadcast %and3A_51 : i32 to vector<16xi32>
    %and3A_53 = arith.andi %add3A_50, %and3A_52 : vector<16xi32>
    %swap3A_54 = arith.constant 0 : i32
    %swap3A_55 = arith.index_cast %swap3A_54 : i32 to index
    %swap3A_56 = arith.constant 32 : index
    %swap3A_57 = tpu.vector_load %arg11[%swap3A_55, %swap3A_56] {strides = array<i32>} : memref<2x128xi32, #tpu.memory_space<vmem>>, vector<16xi32>,
    tpu.vector_store %arg11[%swap3A_55, %swap3A_56], %and3A_53 {strides = array<i32>} : memref<2x128xi32, #tpu.memory_space<vmem>>, vector<16xi32>,
    %iota3A_58 = tpu.iota {dimensions = array<i32: 0>} : vector<16xi32>
    %mul3A_59 = arith.constant 256 : i32
    %mul3A_60 = arith.muli %arg1, %mul3A_59 : i32
    %add3A_61 = arith.constant 0 : i32
    %add3A_62 = arith.addi %mul3A_60, %add3A_61 : i32
    %add3A_63 = arith.constant 48 : i32
    %add3A_64 = arith.addi %add3A_62, %add3A_63 : i32
    %add3A_65 = vector.broadcast %add3A_64 : i32 to vector<16xi32>
    %add3A_66 = arith.addi %iota3A_58, %add3A_65 : vector<16xi32>
    %and3A_67 = arith.constant 2047 : i32
    %and3A_68 = vector.broadcast %and3A_67 : i32 to vector<16xi32>
    %and3A_69 = arith.andi %add3A_66, %and3A_68 : vector<16xi32>
    %swap3A_70 = arith.constant 0 : i32
    %swap3A_71 = arith.index_cast %swap3A_70 : i32 to index
    %swap3A_72 = arith.constant 48 : index
    %swap3A_73 = tpu.vector_load %arg11[%swap3A_71, %swap3A_72] {strides = array<i32>} : memref<2x128xi32, #tpu.memory_space<vmem>>, vector<16xi32>,
    tpu.vector_store %arg11[%swap3A_71, %swap3A_72], %and3A_69 {strides = array<i32>} : memref<2x128xi32, #tpu.memory_space<vmem>>, vector<16xi32>,
    %iota3A_74 = tpu.iota {dimensions = array<i32: 0>} : vector<16xi32>
    %mul3A_75 = arith.constant 256 : i32
    %mul3A_76 = arith.muli %arg1, %mul3A_75 : i32
    %add3A_77 = arith.constant 0 : i32
    %add3A_78 = arith.addi %mul3A_76, %add3A_77 : i32
    %add3A_79 = arith.constant 64 : i32
    %add3A_80 = arith.addi %add3A_78, %add3A_79 : i32
    %add3A_81 = vector.broadcast %add3A_80 : i32 to vector<16xi32>
    %add3A_82 = arith.addi %iota3A_74, %add3A_81 : vector<16xi32>
    %and3A_83 = arith.constant 2047 : i32
    %and3A_84 = vector.broadcast %and3A_83 : i32 to vector<16xi32>
    %and3A_85 = arith.andi %add3A_82, %and3A_84 : vector<16xi32>
    %swap3A_86 = arith.constant 0 : i32
    %swap3A_87 = arith.index_cast %swap3A_86 : i32 to index
    %swap3A_88 = arith.constant 64 : index
    %swap3A_89 = tpu.vector_load %arg11[%swap3A_87, %swap3A_88] {strides = array<i32>} : memref<2x128xi32, #tpu.memory_space<vmem>>, vector<16xi32>,
    tpu.vector_store %arg11[%swap3A_87, %swap3A_88], %and3A_85 {strides = array<i32>} : memref<2x128xi32, #tpu.memory_space<vmem>>, vector<16xi32>,
    %iota3A_90 = tpu.iota {dimensions = array<i32: 0>} : vector<16xi32>
    %mul3A_91 = arith.constant 256 : i32
    %mul3A_92 = arith.muli %arg1, %mul3A_91 : i32
    %add3A_93 = arith.constant 0 : i32
    %add3A_94 = arith.addi %mul3A_92, %add3A_93 : i32
    %add3A_95 = arith.constant 80 : i32
    %add3A_96 = arith.addi %add3A_94, %add3A_95 : i32
    %add3A_97 = vector.broadcast %add3A_96 : i32 to vector<16xi32>
    %add3A_98 = arith.addi %iota3A_90, %add3A_97 : vector<16xi32>
    %and3A_99 = arith.constant 2047 : i32
    %and3A_100 = vector.broadcast %and3A_99 : i32 to vector<16xi32>
    %and3A_101 = arith.andi %add3A_98, %and3A_100 : vector<16xi32>
    %swap3A_102 = arith.constant 0 : i32
    %swap3A_103 = arith.index_cast %swap3A_102 : i32 to index
    %swap3A_104 = arith.constant 80 : index
    %swap3A_105 = tpu.vector_load %arg11[%swap3A_103, %swap3A_104] {strides = array<i32>} : memref<2x128xi32, #tpu.memory_space<vmem>>, vector<16xi32>,
    tpu.vector_store %arg11[%swap3A_103, %swap3A_104], %and3A_101 {strides = array<i32>} : memref<2x128xi32, #tpu.memory_space<vmem>>, vector<16xi32>,
    %iota3A_106 = tpu.iota {dimensions = array<i32: 0>} : vector<16xi32>
    %mul3A_107 = arith.constant 256 : i32
    %mul3A_108 = arith.muli %arg1, %mul3A_107 : i32
    %add3A_109 = arith.constant 0 : i32
    %add3A_110 = arith.addi %mul3A_108, %add3A_109 : i32
    %add3A_111 = arith.constant 96 : i32
    %add3A_112 = arith.addi %add3A_110, %add3A_111 : i32
    %add3A_113 = vector.broadcast %add3A_112 : i32 to vector<16xi32>
    %add3A_114 = arith.addi %iota3A_106, %add3A_113 : vector<16xi32>
    %and3A_115 = arith.constant 2047 : i32
    %and3A_116 = vector.broadcast %and3A_115 : i32 to vector<16xi32>
    %and3A_117 = arith.andi %add3A_114, %and3A_116 : vector<16xi32>
    %swap3A_118 = arith.constant 0 : i32
    %swap3A_119 = arith.index_cast %swap3A_118 : i32 to index
    %swap3A_120 = arith.constant 96 : index
    %swap3A_121 = tpu.vector_load %arg11[%swap3A_119, %swap3A_120] {strides = array<i32>} : memref<2x128xi32, #tpu.memory_space<vmem>>, vector<16xi32>,
    tpu.vector_store %arg11[%swap3A_119, %swap3A_120], %and3A_117 {strides = array<i32>} : memref<2x128xi32, #tpu.memory_space<vmem>>, vector<16xi32>,
    %iota3A_122 = tpu.iota {dimensions = array<i32: 0>} : vector<16xi32>
    %mul3A_123 = arith.constant 256 : i32
    %mul3A_124 = arith.muli %arg1, %mul3A_123 : i32
    %add3A_125 = arith.constant 0 : i32
    %add3A_126 = arith.addi %mul3A_124, %add3A_125 : i32
    %add3A_127 = arith.constant 112 : i32
    %add3A_128 = arith.addi %add3A_126, %add3A_127 : i32
    %add3A_129 = vector.broadcast %add3A_128 : i32 to vector<16xi32>
    %add3A_130 = arith.addi %iota3A_122, %add3A_129 : vector<16xi32>
    %and3A_131 = arith.constant 2047 : i32
    %and3A_132 = vector.broadcast %and3A_131 : i32 to vector<16xi32>
    %and3A_133 = arith.andi %add3A_130, %and3A_132 : vector<16xi32>
    %swap3A_134 = arith.constant 0 : i32
    %swap3A_135 = arith.index_cast %swap3A_134 : i32 to index
    %swap3A_136 = arith.constant 112 : index
    %swap3A_137 = tpu.vector_load %arg11[%swap3A_135, %swap3A_136] {strides = array<i32>} : memref<2x128xi32, #tpu.memory_space<vmem>>, vector<16xi32>,
    tpu.vector_store %arg11[%swap3A_135, %swap3A_136], %and3A_133 {strides = array<i32>} : memref<2x128xi32, #tpu.memory_space<vmem>>, vector<16xi32>,
    %iota3A_138 = tpu.iota {dimensions = array<i32: 0>} : vector<16xi32>
    %mul3A_139 = arith.constant 256 : i32
    %mul3A_140 = arith.muli %arg1, %mul3A_139 : i32
    %add3A_141 = arith.constant 128 : i32
    %add3A_142 = arith.addi %mul3A_140, %add3A_141 : i32
    %add3A_143 = arith.constant 0 : i32
    %add3A_144 = arith.addi %add3A_142, %add3A_143 : i32
    %add3A_145 = vector.broadcast %add3A_144 : i32 to vector<16xi32>
    %add3A_146 = arith.addi %iota3A_138, %add3A_145 : vector<16xi32>
    %and3A_147 = arith.constant 2047 : i32
    %and3A_148 = vector.broadcast %and3A_147 : i32 to vector<16xi32>
    %and3A_149 = arith.andi %add3A_146, %and3A_148 : vector<16xi32>
    %swap3A_150 = arith.constant 1 : i32
    %swap3A_151 = arith.index_cast %swap3A_150 : i32 to index
    %swap3A_152 = arith.constant 0 : index
    %swap3A_153 = tpu.vector_load %arg11[%swap3A_151, %swap3A_152] {strides = array<i32>} : memref<2x128xi32, #tpu.memory_space<vmem>>, vector<16xi32>,
    tpu.vector_store %arg11[%swap3A_151, %swap3A_152], %and3A_149 {strides = array<i32>} : memref<2x128xi32, #tpu.memory_space<vmem>>, vector<16xi32>,
    %iota3A_154 = tpu.iota {dimensions = array<i32: 0>} : vector<16xi32>
    %mul3A_155 = arith.constant 256 : i32
    %mul3A_156 = arith.muli %arg1, %mul3A_155 : i32
    %add3A_157 = arith.constant 128 : i32
    %add3A_158 = arith.addi %mul3A_156, %add3A_157 : i32
    %add3A_159 = arith.constant 16 : i32
    %add3A_160 = arith.addi %add3A_158, %add3A_159 : i32
    %add3A_161 = vector.broadcast %add3A_160 : i32 to vector<16xi32>
    %add3A_162 = arith.addi %iota3A_154, %add3A_161 : vector<16xi32>
    %and3A_163 = arith.constant 2047 : i32
    %and3A_164 = vector.broadcast %and3A_163 : i32 to vector<16xi32>
    %and3A_165 = arith.andi %add3A_162, %and3A_164 : vector<16xi32>
    %swap3A_166 = arith.constant 1 : i32
    %swap3A_167 = arith.index_cast %swap3A_166 : i32 to index
    %swap3A_168 = arith.constant 16 : index
    %swap3A_169 = tpu.vector_load %arg11[%swap3A_167, %swap3A_168] {strides = array<i32>} : memref<2x128xi32, #tpu.memory_space<vmem>>, vector<16xi32>,
    tpu.vector_store %arg11[%swap3A_167, %swap3A_168], %and3A_165 {strides = array<i32>} : memref<2x128xi32, #tpu.memory_space<vmem>>, vector<16xi32>,
    %iota3A_170 = tpu.iota {dimensions = array<i32: 0>} : vector<16xi32>
    %mul3A_171 = arith.constant 256 : i32
    %mul3A_172 = arith.muli %arg1, %mul3A_171 : i32
    %add3A_173 = arith.constant 128 : i32
    %add3A_174 = arith.addi %mul3A_172, %add3A_173 : i32
    %add3A_175 = arith.constant 32 : i32
    %add3A_176 = arith.addi %add3A_174, %add3A_175 : i32
    %add3A_177 = vector.broadcast %add3A_176 : i32 to vector<16xi32>
    %add3A_178 = arith.addi %iota3A_170, %add3A_177 : vector<16xi32>
    %and3A_179 = arith.constant 2047 : i32
    %and3A_180 = vector.broadcast %and3A_179 : i32 to vector<16xi32>
    %and3A_181 = arith.andi %add3A_178, %and3A_180 : vector<16xi32>
    %swap3A_182 = arith.constant 1 : i32
    %swap3A_183 = arith.index_cast %swap3A_182 : i32 to index
    %swap3A_184 = arith.constant 32 : index
    %swap3A_185 = tpu.vector_load %arg11[%swap3A_183, %swap3A_184] {strides = array<i32>} : memref<2x128xi32, #tpu.memory_space<vmem>>, vector<16xi32>,
    tpu.vector_store %arg11[%swap3A_183, %swap3A_184], %and3A_181 {strides = array<i32>} : memref<2x128xi32, #tpu.memory_space<vmem>>, vector<16xi32>,
    %iota3A_186 = tpu.iota {dimensions = array<i32: 0>} : vector<16xi32>
    %mul3A_187 = arith.constant 256 : i32
    %mul3A_188 = arith.muli %arg1, %mul3A_187 : i32
    %add3A_189 = arith.constant 128 : i32
    %add3A_190 = arith.addi %mul3A_188, %add3A_189 : i32
    %add3A_191 = arith.constant 48 : i32
    %add3A_192 = arith.addi %add3A_190, %add3A_191 : i32
    %add3A_193 = vector.broadcast %add3A_192 : i32 to vector<16xi32>
    %add3A_194 = arith.addi %iota3A_186, %add3A_193 : vector<16xi32>
    %and3A_195 = arith.constant 2047 : i32
    %and3A_196 = vector.broadcast %and3A_195 : i32 to vector<16xi32>
    %and3A_197 = arith.andi %add3A_194, %and3A_196 : vector<16xi32>
    %swap3A_198 = arith.constant 1 : i32
    %swap3A_199 = arith.index_cast %swap3A_198 : i32 to index
    %swap3A_200 = arith.constant 48 : index
    %swap3A_201 = tpu.vector_load %arg11[%swap3A_199, %swap3A_200] {strides = array<i32>} : memref<2x128xi32, #tpu.memory_space<vmem>>, vector<16xi32>,
    tpu.vector_store %arg11[%swap3A_199, %swap3A_200], %and3A_197 {strides = array<i32>} : memref<2x128xi32, #tpu.memory_space<vmem>>, vector<16xi32>,
    %iota3A_202 = tpu.iota {dimensions = array<i32: 0>} : vector<16xi32>
    %mul3A_203 = arith.constant 256 : i32
    %mul3A_204 = arith.muli %arg1, %mul3A_203 : i32
    %add3A_205 = arith.constant 128 : i32
    %add3A_206 = arith.addi %mul3A_204, %add3A_205 : i32
    %add3A_207 = arith.constant 64 : i32
    %add3A_208 = arith.addi %add3A_206, %add3A_207 : i32
    %add3A_209 = vector.broadcast %add3A_208 : i32 to vector<16xi32>
    %add3A_210 = arith.addi %iota3A_202, %add3A_209 : vector<16xi32>
    %and3A_211 = arith.constant 2047 : i32
    %and3A_212 = vector.broadcast %and3A_211 : i32 to vector<16xi32>
    %and3A_213 = arith.andi %add3A_210, %and3A_212 : vector<16xi32>
    %swap3A_214 = arith.constant 1 : i32
    %swap3A_215 = arith.index_cast %swap3A_214 : i32 to index
    %swap3A_216 = arith.constant 64 : index
    %swap3A_217 = tpu.vector_load %arg11[%swap3A_215, %swap3A_216] {strides = array<i32>} : memref<2x128xi32, #tpu.memory_space<vmem>>, vector<16xi32>,
    tpu.vector_store %arg11[%swap3A_215, %swap3A_216], %and3A_213 {strides = array<i32>} : memref<2x128xi32, #tpu.memory_space<vmem>>, vector<16xi32>,
    %iota3A_218 = tpu.iota {dimensions = array<i32: 0>} : vector<16xi32>
    %mul3A_219 = arith.constant 256 : i32
    %mul3A_220 = arith.muli %arg1, %mul3A_219 : i32
    %add3A_221 = arith.constant 128 : i32
    %add3A_222 = arith.addi %mul3A_220, %add3A_221 : i32
    %add3A_223 = arith.constant 80 : i32
    %add3A_224 = arith.addi %add3A_222, %add3A_223 : i32
    %add3A_225 = vector.broadcast %add3A_224 : i32 to vector<16xi32>
    %add3A_226 = arith.addi %iota3A_218, %add3A_225 : vector<16xi32>
    %and3A_227 = arith.constant 2047 : i32
    %and3A_228 = vector.broadcast %and3A_227 : i32 to vector<16xi32>
    %and3A_229 = arith.andi %add3A_226, %and3A_228 : vector<16xi32>
    %swap3A_230 = arith.constant 1 : i32
    %swap3A_231 = arith.index_cast %swap3A_230 : i32 to index
    %swap3A_232 = arith.constant 80 : index
    %swap3A_233 = tpu.vector_load %arg11[%swap3A_231, %swap3A_232] {strides = array<i32>} : memref<2x128xi32, #tpu.memory_space<vmem>>, vector<16xi32>,
    tpu.vector_store %arg11[%swap3A_231, %swap3A_232], %and3A_229 {strides = array<i32>} : memref<2x128xi32, #tpu.memory_space<vmem>>, vector<16xi32>,
    %iota3A_234 = tpu.iota {dimensions = array<i32: 0>} : vector<16xi32>
    %mul3A_235 = arith.constant 256 : i32
    %mul3A_236 = arith.muli %arg1, %mul3A_235 : i32
    %add3A_237 = arith.constant 128 : i32
    %add3A_238 = arith.addi %mul3A_236, %add3A_237 : i32
    %add3A_239 = arith.constant 96 : i32
    %add3A_240 = arith.addi %add3A_238, %add3A_239 : i32
    %add3A_241 = vector.broadcast %add3A_240 : i32 to vector<16xi32>
    %add3A_242 = arith.addi %iota3A_234, %add3A_241 : vector<16xi32>
    %and3A_243 = arith.constant 2047 : i32
    %and3A_244 = vector.broadcast %and3A_243 : i32 to vector<16xi32>
    %and3A_245 = arith.andi %add3A_242, %and3A_244 : vector<16xi32>
    %swap3A_246 = arith.constant 1 : i32
    %swap3A_247 = arith.index_cast %swap3A_246 : i32 to index
    %swap3A_248 = arith.constant 96 : index
    %swap3A_249 = tpu.vector_load %arg11[%swap3A_247, %swap3A_248] {strides = array<i32>} : memref<2x128xi32, #tpu.memory_space<vmem>>, vector<16xi32>,
    tpu.vector_store %arg11[%swap3A_247, %swap3A_248], %and3A_245 {strides = array<i32>} : memref<2x128xi32, #tpu.memory_space<vmem>>, vector<16xi32>,
    %iota3A_250 = tpu.iota {dimensions = array<i32: 0>} : vector<16xi32>
    %mul3A_251 = arith.constant 256 : i32
    %mul3A_252 = arith.muli %arg1, %mul3A_251 : i32
    %add3A_253 = arith.constant 128 : i32
    %add3A_254 = arith.addi %mul3A_252, %add3A_253 : i32
    %add3A_255 = arith.constant 112 : i32
    %add3A_256 = arith.addi %add3A_254, %add3A_255 : i32
    %add3A_257 = vector.broadcast %add3A_256 : i32 to vector<16xi32>
    %add3A_258 = arith.addi %iota3A_250, %add3A_257 : vector<16xi32>
    %and3A_259 = arith.constant 2047 : i32
    %and3A_260 = vector.broadcast %and3A_259 : i32 to vector<16xi32>
    %and3A_261 = arith.andi %add3A_258, %and3A_260 : vector<16xi32>
    %swap3A_262 = arith.constant 1 : i32
    %swap3A_263 = arith.index_cast %swap3A_262 : i32 to index
    %swap3A_264 = arith.constant 112 : index
    %swap3A_265 = tpu.vector_load %arg11[%swap3A_263, %swap3A_264] {strides = array<i32>} : memref<2x128xi32, #tpu.memory_space<vmem>>, vector<16xi32>,
    tpu.vector_store %arg11[%swap3A_263, %swap3A_264], %and3A_261 {strides = array<i32>} : memref<2x128xi32, #tpu.memory_space<vmem>>, vector<16xi32>,
    %barrier3A = arith.constant 0 : index
    tpu.barrier barrier_id(%barrier3A)
    %run_scoped3A = arith.constant 0 : i32
    %run_scoped3A_266 = arith.constant 0 : i32
    "tpu.region"() ({
      %run_scoped3A_438 = tpu.sem_alloc : memref<!tpu.dma_semaphore, #tpu.memory_space<semaphore_mem>>
      %dma_start3A_439 = arith.constant 0 : i32
      %dma_start3A_440 = tpu.memref_slice %arg11[%run_scoped3A, %dma_start3A_439] : memref<2x128xi32, #tpu.memory_space<vmem>> -> memref<1x128xi32, #tpu.memory_space<vmem>>
      %dma_start3A_441 = tpu.memref_squeeze %dma_start3A_440 : memref<1x128xi32, #tpu.memory_space<vmem>> -> memref<128xi32, #tpu.memory_space<vmem>>
      %dma_start3A_442 = arith.constant 0 : i32
      %dma_start3A_443 = tpu.memref_slice %arg9[%run_scoped3A_266, %dma_start3A_442] : memref<2x128xi32, #tpu.memory_space<vmem>> -> memref<1x128xi32, #tpu.memory_space<vmem>>
      %dma_start3A_444 = tpu.memref_squeeze %dma_start3A_443 : memref<1x128xi32, #tpu.memory_space<vmem>> -> memref<128xi32, #tpu.memory_space<vmem>>
      %dma_start3A_445 = arith.constant 0 : i32
      %dma_start3A_446 = tpu.memref_slice %arg19[%dma_start3A_445] : memref<6144xi32, #tpu.memory_space<vmem_shared>> -> memref<6144xi32, #tpu.memory_space<vmem_shared>>
      tpu.enqueue_indirect_dma source(%dma_start3A_441 : memref<128xi32, #tpu.memory_space<vmem>>) target(%dma_start3A_446 : memref<6144xi32, #tpu.memory_space<vmem_shared>>) offsets(%dma_start3A_444 : memref<128xi32, #tpu.memory_space<vmem>>) semaphore(%run_scoped3A_438 : memref<!tpu.dma_semaphore, #tpu.memory_space<semaphore_mem>>) {add = true}
      %dma_wait3A_447 = arith.constant 0 : i32
      %dma_wait3A_448 = tpu.memref_slice %arg11[%run_scoped3A, %dma_wait3A_447] : memref<2x128xi32, #tpu.memory_space<vmem>> -> memref<1x128xi32, #tpu.memory_space<vmem>>
      %dma_wait3A_449 = tpu.memref_squeeze %dma_wait3A_448 : memref<1x128xi32, #tpu.memory_space<vmem>> -> memref<128xi32, #tpu.memory_space<vmem>>
      %dma_wait3A_450 = arith.constant 0 : i32
      %dma_wait3A_451 = tpu.memref_slice %arg9[%run_scoped3A_266, %dma_wait3A_450] : memref<2x128xi32, #tpu.memory_space<vmem>> -> memref<1x128xi32, #tpu.memory_space<vmem>>
      %dma_wait3A_452 = tpu.memref_squeeze %dma_wait3A_451 : memref<1x128xi32, #tpu.memory_space<vmem>> -> memref<128xi32, #tpu.memory_space<vmem>>
      %dma_wait3A_453 = arith.constant 0 : i32
      %dma_wait3A_454 = tpu.memref_slice %arg19[%dma_wait3A_453] : memref<6144xi32, #tpu.memory_space<vmem_shared>> -> memref<6144xi32, #tpu.memory_space<vmem_shared>>
      tpu.wait_indirect_dma semaphore(%run_scoped3A_438 : memref<!tpu.dma_semaphore, #tpu.memory_space<semaphore_mem>>) src(%dma_wait3A_449 : memref<128xi32, #tpu.memory_space<vmem>>) dst(%dma_wait3A_454 : memref<6144xi32, #tpu.memory_space<vmem_shared>>)
      tpu.yield
    }) : () -> ()
    %run_scoped3A_267 = arith.constant 0 : i32
    %run_scoped3A_268 = arith.constant 0 : i32
    "tpu.region"() ({
      %run_scoped3A_438 = tpu.sem_alloc : memref<!tpu.dma_semaphore, #tpu.memory_space<semaphore_mem>>
      %dma_start3A_439 = arith.constant 0 : i32
      %dma_start3A_440 = tpu.memref_slice %arg10[%run_scoped3A_267, %dma_start3A_439] : memref<2x128xf32, #tpu.memory_space<vmem>> -> memref<1x128xf32, #tpu.memory_space<vmem>>
      %dma_start3A_441 = tpu.memref_squeeze %dma_start3A_440 : memref<1x128xf32, #tpu.memory_space<vmem>> -> memref<128xf32, #tpu.memory_space<vmem>>
      %dma_start3A_442 = arith.constant 0 : i32
      %dma_start3A_443 = tpu.memref_slice %arg9[%run_scoped3A_268, %dma_start3A_442] : memref<2x128xi32, #tpu.memory_space<vmem>> -> memref<1x128xi32, #tpu.memory_space<vmem>>
      %dma_start3A_444 = tpu.memref_squeeze %dma_start3A_443 : memref<1x128xi32, #tpu.memory_space<vmem>> -> memref<128xi32, #tpu.memory_space<vmem>>
      %dma_start3A_445 = arith.constant 0 : i32
      %dma_start3A_446 = tpu.memref_slice %arg20[%dma_start3A_445] : memref<6144xf32, #tpu.memory_space<vmem_shared>> -> memref<6144xf32, #tpu.memory_space<vmem_shared>>
      tpu.enqueue_indirect_dma source(%dma_start3A_441 : memref<128xf32, #tpu.memory_space<vmem>>) target(%dma_start3A_446 : memref<6144xf32, #tpu.memory_space<vmem_shared>>) offsets(%dma_start3A_444 : memref<128xi32, #tpu.memory_space<vmem>>) semaphore(%run_scoped3A_438 : memref<!tpu.dma_semaphore, #tpu.memory_space<semaphore_mem>>) {add = true}
      %dma_wait3A_447 = arith.constant 0 : i32
      %dma_wait3A_448 = tpu.memref_slice %arg10[%run_scoped3A_267, %dma_wait3A_447] : memref<2x128xf32, #tpu.memory_space<vmem>> -> memref<1x128xf32, #tpu.memory_space<vmem>>
      %dma_wait3A_449 = tpu.memref_squeeze %dma_wait3A_448 : memref<1x128xf32, #tpu.memory_space<vmem>> -> memref<128xf32, #tpu.memory_space<vmem>>
      %dma_wait3A_450 = arith.constant 0 : i32
      %dma_wait3A_451 = tpu.memref_slice %arg9[%run_scoped3A_268, %dma_wait3A_450] : memref<2x128xi32, #tpu.memory_space<vmem>> -> memref<1x128xi32, #tpu.memory_space<vmem>>
      %dma_wait3A_452 = tpu.memref_squeeze %dma_wait3A_451 : memref<1x128xi32, #tpu.memory_space<vmem>> -> memref<128xi32, #tpu.memory_space<vmem>>
      %dma_wait3A_453 = arith.constant 0 : i32
      %dma_wait3A_454 = tpu.memref_slice %arg20[%dma_wait3A_453] : memref<6144xf32, #tpu.memory_space<vmem_shared>> -> memref<6144xf32, #tpu.memory_space<vmem_shared>>
      tpu.wait_indirect_dma semaphore(%run_scoped3A_438 : memref<!tpu.dma_semaphore, #tpu.memory_space<semaphore_mem>>) src(%dma_wait3A_449 : memref<128xf32, #tpu.memory_space<vmem>>) dst(%dma_wait3A_454 : memref<6144xf32, #tpu.memory_space<vmem_shared>>)
      tpu.yield
    }) : () -> ()
    %run_scoped3A_269 = arith.constant 1 : i32
    %run_scoped3A_270 = arith.constant 1 : i32
    "tpu.region"() ({
      %run_scoped3A_438 = tpu.sem_alloc : memref<!tpu.dma_semaphore, #tpu.memory_space<semaphore_mem>>
      %dma_start3A_439 = arith.constant 0 : i32
      %dma_start3A_440 = tpu.memref_slice %arg11[%run_scoped3A_269, %dma_start3A_439] : memref<2x128xi32, #tpu.memory_space<vmem>> -> memref<1x128xi32, #tpu.memory_space<vmem>>
      %dma_start3A_441 = tpu.memref_squeeze %dma_start3A_440 : memref<1x128xi32, #tpu.memory_space<vmem>> -> memref<128xi32, #tpu.memory_space<vmem>>
      %dma_start3A_442 = arith.constant 0 : i32
      %dma_start3A_443 = tpu.memref_slice %arg9[%run_scoped3A_270, %dma_start3A_442] : memref<2x128xi32, #tpu.memory_space<vmem>> -> memref<1x128xi32, #tpu.memory_space<vmem>>
      %dma_start3A_444 = tpu.memref_squeeze %dma_start3A_443 : memref<1x128xi32, #tpu.memory_space<vmem>> -> memref<128xi32, #tpu.memory_space<vmem>>
      %dma_start3A_445 = arith.constant 0 : i32
      %dma_start3A_446 = tpu.memref_slice %arg19[%dma_start3A_445] : memref<6144xi32, #tpu.memory_space<vmem_shared>> -> memref<6144xi32, #tpu.memory_space<vmem_shared>>
      tpu.enqueue_indirect_dma source(%dma_start3A_441 : memref<128xi32, #tpu.memory_space<vmem>>) target(%dma_start3A_446 : memref<6144xi32, #tpu.memory_space<vmem_shared>>) offsets(%dma_start3A_444 : memref<128xi32, #tpu.memory_space<vmem>>) semaphore(%run_scoped3A_438 : memref<!tpu.dma_semaphore, #tpu.memory_space<semaphore_mem>>) {add = true}
      %dma_wait3A_447 = arith.constant 0 : i32
      %dma_wait3A_448 = tpu.memref_slice %arg11[%run_scoped3A_269, %dma_wait3A_447] : memref<2x128xi32, #tpu.memory_space<vmem>> -> memref<1x128xi32, #tpu.memory_space<vmem>>
      %dma_wait3A_449 = tpu.memref_squeeze %dma_wait3A_448 : memref<1x128xi32, #tpu.memory_space<vmem>> -> memref<128xi32, #tpu.memory_space<vmem>>
      %dma_wait3A_450 = arith.constant 0 : i32
      %dma_wait3A_451 = tpu.memref_slice %arg9[%run_scoped3A_270, %dma_wait3A_450] : memref<2x128xi32, #tpu.memory_space<vmem>> -> memref<1x128xi32, #tpu.memory_space<vmem>>
      %dma_wait3A_452 = tpu.memref_squeeze %dma_wait3A_451 : memref<1x128xi32, #tpu.memory_space<vmem>> -> memref<128xi32, #tpu.memory_space<vmem>>
      %dma_wait3A_453 = arith.constant 0 : i32
      %dma_wait3A_454 = tpu.memref_slice %arg19[%dma_wait3A_453] : memref<6144xi32, #tpu.memory_space<vmem_shared>> -> memref<6144xi32, #tpu.memory_space<vmem_shared>>
      tpu.wait_indirect_dma semaphore(%run_scoped3A_438 : memref<!tpu.dma_semaphore, #tpu.memory_space<semaphore_mem>>) src(%dma_wait3A_449 : memref<128xi32, #tpu.memory_space<vmem>>) dst(%dma_wait3A_454 : memref<6144xi32, #tpu.memory_space<vmem_shared>>)
      tpu.yield
    }) : () -> ()
    %run_scoped3A_271 = arith.constant 1 : i32
    %run_scoped3A_272 = arith.constant 1 : i32
    "tpu.region"() ({
      %run_scoped3A_438 = tpu.sem_alloc : memref<!tpu.dma_semaphore, #tpu.memory_space<semaphore_mem>>
      %dma_start3A_439 = arith.constant 0 : i32
      %dma_start3A_440 = tpu.memref_slice %arg10[%run_scoped3A_271, %dma_start3A_439] : memref<2x128xf32, #tpu.memory_space<vmem>> -> memref<1x128xf32, #tpu.memory_space<vmem>>
      %dma_start3A_441 = tpu.memref_squeeze %dma_start3A_440 : memref<1x128xf32, #tpu.memory_space<vmem>> -> memref<128xf32, #tpu.memory_space<vmem>>
      %dma_start3A_442 = arith.constant 0 : i32
      %dma_start3A_443 = tpu.memref_slice %arg9[%run_scoped3A_272, %dma_start3A_442] : memref<2x128xi32, #tpu.memory_space<vmem>> -> memref<1x128xi32, #tpu.memory_space<vmem>>
      %dma_start3A_444 = tpu.memref_squeeze %dma_start3A_443 : memref<1x128xi32, #tpu.memory_space<vmem>> -> memref<128xi32, #tpu.memory_space<vmem>>
      %dma_start3A_445 = arith.constant 0 : i32
      %dma_start3A_446 = tpu.memref_slice %arg20[%dma_start3A_445] : memref<6144xf32, #tpu.memory_space<vmem_shared>> -> memref<6144xf32, #tpu.memory_space<vmem_shared>>
      tpu.enqueue_indirect_dma source(%dma_start3A_441 : memref<128xf32, #tpu.memory_space<vmem>>) target(%dma_start3A_446 : memref<6144xf32, #tpu.memory_space<vmem_shared>>) offsets(%dma_start3A_444 : memref<128xi32, #tpu.memory_space<vmem>>) semaphore(%run_scoped3A_438 : memref<!tpu.dma_semaphore, #tpu.memory_space<semaphore_mem>>) {add = true}
      %dma_wait3A_447 = arith.constant 0 : i32
      %dma_wait3A_448 = tpu.memref_slice %arg10[%run_scoped3A_271, %dma_wait3A_447] : memref<2x128xf32, #tpu.memory_space<vmem>> -> memref<1x128xf32, #tpu.memory_space<vmem>>
      %dma_wait3A_449 = tpu.memref_squeeze %dma_wait3A_448 : memref<1x128xf32, #tpu.memory_space<vmem>> -> memref<128xf32, #tpu.memory_space<vmem>>
      %dma_wait3A_450 = arith.constant 0 : i32
      %dma_wait3A_451 = tpu.memref_slice %arg9[%run_scoped3A_272, %dma_wait3A_450] : memref<2x128xi32, #tpu.memory_space<vmem>> -> memref<1x128xi32, #tpu.memory_space<vmem>>
      %dma_wait3A_452 = tpu.memref_squeeze %dma_wait3A_451 : memref<1x128xi32, #tpu.memory_space<vmem>> -> memref<128xi32, #tpu.memory_space<vmem>>
      %dma_wait3A_453 = arith.constant 0 : i32
      %dma_wait3A_454 = tpu.memref_slice %arg20[%dma_wait3A_453] : memref<6144xf32, #tpu.memory_space<vmem_shared>> -> memref<6144xf32, #tpu.memory_space<vmem_shared>>
      tpu.wait_indirect_dma semaphore(%run_scoped3A_438 : memref<!tpu.dma_semaphore, #tpu.memory_space<semaphore_mem>>) src(%dma_wait3A_449 : memref<128xf32, #tpu.memory_space<vmem>>) dst(%dma_wait3A_454 : memref<6144xf32, #tpu.memory_space<vmem_shared>>)
      tpu.yield
    }) : () -> ()
    %barrier3A_273 = arith.constant 0 : index
    tpu.barrier barrier_id(%barrier3A_273)
    %eq3A = arith.constant 0 : i32
    %eq3A_274 = arith.cmpi eq, %add3A, %eq3A : i32
    %convert_element_type3A = arith.extui %eq3A_274 : i1 to i32
    %cond3A = arith.constant 0 : i32
    %cond3A_275 = arith.cmpi ne, %convert_element_type3A, %cond3A : i32
    scf.if %cond3A_275 {
      "tpu.region"() ({
        %run_scoped3A_438 = tpu.sem_alloc : memref<!tpu.dma_semaphore, #tpu.memory_space<semaphore_mem>>
        tpu.enqueue_dma source(%arg20 : memref<6144xf32, #tpu.memory_space<vmem_shared>>) target(%arg8 : memref<6144xf32, #tpu.memory_space<hbm>>) target_semaphore(%run_scoped3A_438 : memref<!tpu.dma_semaphore, #tpu.memory_space<semaphore_mem>>)
        tpu.wait_dma2 semaphore(%run_scoped3A_438 : memref<!tpu.dma_semaphore, #tpu.memory_space<semaphore_mem>>) src(%arg20 : memref<6144xf32, #tpu.memory_space<vmem_shared>>) dst(%arg8 : memref<6144xf32, #tpu.memory_space<hbm>>)
        tpu.yield
      }) : () -> ()
    } else {
    }
    %mul3A_276 = arith.constant 192 : i32
    %mul3A_277 = arith.muli %add3A, %mul3A_276 : i32
    "tpu.region"() ({
      %run_scoped3A_438 = tpu.sem_alloc : memref<!tpu.dma_semaphore, #tpu.memory_space<semaphore_mem>>
      %dma_start3A_439 = tpu.memref_slice %arg19[%mul3A_277] : memref<6144xi32, #tpu.memory_space<vmem_shared>> -> memref<192xi32, #tpu.memory_space<vmem_shared>>
      %dma_start3A_440 = tpu.memref_slice %arg19[%mul3A_277] : memref<6144xi32, #tpu.memory_space<vmem_shared>> -> memref<192xi32, #tpu.memory_space<vmem_shared>>
      tpu.enqueue_dma source(%dma_start3A_440 : memref<192xi32, #tpu.memory_space<vmem_shared>>) target(%arg12 : memref<192xi32, #tpu.memory_space<vmem>>) target_semaphore(%run_scoped3A_438 : memref<!tpu.dma_semaphore, #tpu.memory_space<semaphore_mem>>)
      %dma_wait3A_441 = tpu.memref_slice %arg19[%mul3A_277] : memref<6144xi32, #tpu.memory_space<vmem_shared>> -> memref<192xi32, #tpu.memory_space<vmem_shared>>
      %dma_wait3A_442 = tpu.memref_slice %arg19[%mul3A_277] : memref<6144xi32, #tpu.memory_space<vmem_shared>> -> memref<192xi32, #tpu.memory_space<vmem_shared>>
      tpu.wait_dma2 semaphore(%run_scoped3A_438 : memref<!tpu.dma_semaphore, #tpu.memory_space<semaphore_mem>>) src(%dma_wait3A_442 : memref<192xi32, #tpu.memory_space<vmem_shared>>) dst(%arg12 : memref<192xi32, #tpu.memory_space<vmem>>)
      tpu.yield
    }) : () -> ()
    %mul3A_278 = arith.constant 192 : i32
    %mul3A_279 = arith.muli %add3A, %mul3A_278 : i32
    %dma_start3A = arith.constant 0 : i32
    %dma_start3A_280 = tpu.memref_slice %arg12[%dma_start3A] : memref<192xi32, #tpu.memory_space<vmem>> -> memref<24xi32, #tpu.memory_space<vmem>>
    %dma_start3A_281 = arith.constant 0 : i32
    %dma_start3A_282 = arith.constant 0 : i32
    %dma_start3A_283 = tpu.memref_slice %arg4[%dma_start3A_281, %dma_start3A_282] : memref<2048x1024xf32, #tpu.memory_space<hbm>> -> memref<2048x1024xf32, #tpu.memory_space<hbm>>
    tpu.enqueue_indirect_dma source(%dma_start3A_283 : memref<2048x1024xf32, #tpu.memory_space<hbm>>) target(%arg15 : memref<24x1024xf32, #tpu.memory_space<vmem>>) offsets(%dma_start3A_280 : memref<24xi32, #tpu.memory_space<vmem>>) semaphore(%arg21 : memref<!tpu.dma_semaphore, #tpu.memory_space<semaphore_mem>>)
    %dma_start3A_284 = arith.constant 24 : i32
    %dma_start3A_285 = tpu.memref_slice %arg12[%dma_start3A_284] : memref<192xi32, #tpu.memory_space<vmem>> -> memref<24xi32, #tpu.memory_space<vmem>>
    %dma_start3A_286 = arith.constant 0 : i32
    %dma_start3A_287 = arith.constant 0 : i32
    %dma_start3A_288 = tpu.memref_slice %arg4[%dma_start3A_286, %dma_start3A_287] : memref<2048x1024xf32, #tpu.memory_space<hbm>> -> memref<2048x1024xf32, #tpu.memory_space<hbm>>
    tpu.enqueue_indirect_dma source(%dma_start3A_288 : memref<2048x1024xf32, #tpu.memory_space<hbm>>) target(%arg16 : memref<24x1024xf32, #tpu.memory_space<vmem>>) offsets(%dma_start3A_285 : memref<24xi32, #tpu.memory_space<vmem>>) semaphore(%arg22 : memref<!tpu.dma_semaphore, #tpu.memory_space<semaphore_mem>>)
    %dma_start3A_289 = arith.constant 48 : i32
    %dma_start3A_290 = tpu.memref_slice %arg12[%dma_start3A_289] : memref<192xi32, #tpu.memory_space<vmem>> -> memref<24xi32, #tpu.memory_space<vmem>>
    %dma_start3A_291 = arith.constant 0 : i32
    %dma_start3A_292 = arith.constant 0 : i32
    %dma_start3A_293 = tpu.memref_slice %arg4[%dma_start3A_291, %dma_start3A_292] : memref<2048x1024xf32, #tpu.memory_space<hbm>> -> memref<2048x1024xf32, #tpu.memory_space<hbm>>
    tpu.enqueue_indirect_dma source(%dma_start3A_293 : memref<2048x1024xf32, #tpu.memory_space<hbm>>) target(%arg17 : memref<24x1024xf32, #tpu.memory_space<vmem>>) offsets(%dma_start3A_290 : memref<24xi32, #tpu.memory_space<vmem>>) semaphore(%arg23 : memref<!tpu.dma_semaphore, #tpu.memory_space<semaphore_mem>>)
    %dma_start3A_294 = arith.constant 72 : i32
    %dma_start3A_295 = tpu.memref_slice %arg12[%dma_start3A_294] : memref<192xi32, #tpu.memory_space<vmem>> -> memref<24xi32, #tpu.memory_space<vmem>>
    %dma_start3A_296 = arith.constant 0 : i32
    %dma_start3A_297 = arith.constant 0 : i32
    %dma_start3A_298 = tpu.memref_slice %arg4[%dma_start3A_296, %dma_start3A_297] : memref<2048x1024xf32, #tpu.memory_space<hbm>> -> memref<2048x1024xf32, #tpu.memory_space<hbm>>
    tpu.enqueue_indirect_dma source(%dma_start3A_298 : memref<2048x1024xf32, #tpu.memory_space<hbm>>) target(%arg18 : memref<24x1024xf32, #tpu.memory_space<vmem>>) offsets(%dma_start3A_295 : memref<24xi32, #tpu.memory_space<vmem>>) semaphore(%arg24 : memref<!tpu.dma_semaphore, #tpu.memory_space<semaphore_mem>>)
    %dma_wait3A = arith.constant 0 : i32
    %dma_wait3A_299 = tpu.memref_slice %arg12[%dma_wait3A] : memref<192xi32, #tpu.memory_space<vmem>> -> memref<24xi32, #tpu.memory_space<vmem>>
    %dma_wait3A_300 = arith.constant 0 : i32
    %dma_wait3A_301 = arith.constant 0 : i32
    %dma_wait3A_302 = tpu.memref_slice %arg4[%dma_wait3A_300, %dma_wait3A_301] : memref<2048x1024xf32, #tpu.memory_space<hbm>> -> memref<2048x1024xf32, #tpu.memory_space<hbm>>
    tpu.wait_indirect_dma semaphore(%arg21 : memref<!tpu.dma_semaphore, #tpu.memory_space<semaphore_mem>>) src(%dma_wait3A_302 : memref<2048x1024xf32, #tpu.memory_space<hbm>>) dst(%arg15 : memref<24x1024xf32, #tpu.memory_space<vmem>>)
    %add3A_303 = arith.constant 0 : i32
    %add3A_304 = arith.addi %mul3A_279, %add3A_303 : i32
    %dma_start3A_305 = arith.constant 0 : i32
    %dma_start3A_306 = tpu.memref_slice %arg7[%add3A_304, %dma_start3A_305] : memref<6144x1024xf32, #tpu.memory_space<hbm>> -> memref<24x1024xf32, #tpu.memory_space<hbm>>
    %dma_start3A_307 = arith.constant 0 : i32
    %dma_start3A_308 = tpu.memref_slice %arg7[%add3A_304, %dma_start3A_307] : memref<6144x1024xf32, #tpu.memory_space<hbm>> -> memref<24x1024xf32, #tpu.memory_space<hbm>>
    tpu.enqueue_dma source(%arg15 : memref<24x1024xf32, #tpu.memory_space<vmem>>) target(%dma_start3A_308 : memref<24x1024xf32, #tpu.memory_space<hbm>>) target_semaphore(%arg25 : memref<!tpu.dma_semaphore, #tpu.memory_space<semaphore_mem>>)
    %dma_wait3A_309 = arith.constant 0 : i32
    %dma_wait3A_310 = tpu.memref_slice %arg7[%add3A_304, %dma_wait3A_309] : memref<6144x1024xf32, #tpu.memory_space<hbm>> -> memref<24x1024xf32, #tpu.memory_space<hbm>>
    %dma_wait3A_311 = arith.constant 0 : i32
    %dma_wait3A_312 = tpu.memref_slice %arg7[%add3A_304, %dma_wait3A_311] : memref<6144x1024xf32, #tpu.memory_space<hbm>> -> memref<24x1024xf32, #tpu.memory_space<hbm>>
    tpu.wait_dma2 semaphore(%arg25 : memref<!tpu.dma_semaphore, #tpu.memory_space<semaphore_mem>>) src(%arg15 : memref<24x1024xf32, #tpu.memory_space<vmem>>) dst(%dma_wait3A_312 : memref<24x1024xf32, #tpu.memory_space<hbm>>)
    %dma_start3A_313 = arith.constant 96 : i32
    %dma_start3A_314 = tpu.memref_slice %arg12[%dma_start3A_313] : memref<192xi32, #tpu.memory_space<vmem>> -> memref<24xi32, #tpu.memory_space<vmem>>
    %dma_start3A_315 = arith.constant 0 : i32
    %dma_start3A_316 = arith.constant 0 : i32
    %dma_start3A_317 = tpu.memref_slice %arg4[%dma_start3A_315, %dma_start3A_316] : memref<2048x1024xf32, #tpu.memory_space<hbm>> -> memref<2048x1024xf32, #tpu.memory_space<hbm>>
    tpu.enqueue_indirect_dma source(%dma_start3A_317 : memref<2048x1024xf32, #tpu.memory_space<hbm>>) target(%arg15 : memref<24x1024xf32, #tpu.memory_space<vmem>>) offsets(%dma_start3A_314 : memref<24xi32, #tpu.memory_space<vmem>>) semaphore(%arg21 : memref<!tpu.dma_semaphore, #tpu.memory_space<semaphore_mem>>)
    %dma_wait3A_318 = arith.constant 24 : i32
    %dma_wait3A_319 = tpu.memref_slice %arg12[%dma_wait3A_318] : memref<192xi32, #tpu.memory_space<vmem>> -> memref<24xi32, #tpu.memory_space<vmem>>
    %dma_wait3A_320 = arith.constant 0 : i32
    %dma_wait3A_321 = arith.constant 0 : i32
    %dma_wait3A_322 = tpu.memref_slice %arg4[%dma_wait3A_320, %dma_wait3A_321] : memref<2048x1024xf32, #tpu.memory_space<hbm>> -> memref<2048x1024xf32, #tpu.memory_space<hbm>>
    tpu.wait_indirect_dma semaphore(%arg22 : memref<!tpu.dma_semaphore, #tpu.memory_space<semaphore_mem>>) src(%dma_wait3A_322 : memref<2048x1024xf32, #tpu.memory_space<hbm>>) dst(%arg16 : memref<24x1024xf32, #tpu.memory_space<vmem>>)
    %add3A_323 = arith.constant 24 : i32
    %add3A_324 = arith.addi %mul3A_279, %add3A_323 : i32
    %dma_start3A_325 = arith.constant 0 : i32
    %dma_start3A_326 = tpu.memref_slice %arg7[%add3A_324, %dma_start3A_325] : memref<6144x1024xf32, #tpu.memory_space<hbm>> -> memref<24x1024xf32, #tpu.memory_space<hbm>>
    %dma_start3A_327 = arith.constant 0 : i32
    %dma_start3A_328 = tpu.memref_slice %arg7[%add3A_324, %dma_start3A_327] : memref<6144x1024xf32, #tpu.memory_space<hbm>> -> memref<24x1024xf32, #tpu.memory_space<hbm>>
    tpu.enqueue_dma source(%arg16 : memref<24x1024xf32, #tpu.memory_space<vmem>>) target(%dma_start3A_328 : memref<24x1024xf32, #tpu.memory_space<hbm>>) target_semaphore(%arg26 : memref<!tpu.dma_semaphore, #tpu.memory_space<semaphore_mem>>)
    %dma_wait3A_329 = arith.constant 0 : i32
    %dma_wait3A_330 = tpu.memref_slice %arg7[%add3A_324, %dma_wait3A_329] : memref<6144x1024xf32, #tpu.memory_space<hbm>> -> memref<24x1024xf32, #tpu.memory_space<hbm>>
    %dma_wait3A_331 = arith.constant 0 : i32
    %dma_wait3A_332 = tpu.memref_slice %arg7[%add3A_324, %dma_wait3A_331] : memref<6144x1024xf32, #tpu.memory_space<hbm>> -> memref<24x1024xf32, #tpu.memory_space<hbm>>
    tpu.wait_dma2 semaphore(%arg26 : memref<!tpu.dma_semaphore, #tpu.memory_space<semaphore_mem>>) src(%arg16 : memref<24x1024xf32, #tpu.memory_space<vmem>>) dst(%dma_wait3A_332 : memref<24x1024xf32, #tpu.memory_space<hbm>>)
    %dma_start3A_333 = arith.constant 120 : i32
    %dma_start3A_334 = tpu.memref_slice %arg12[%dma_start3A_333] : memref<192xi32, #tpu.memory_space<vmem>> -> memref<24xi32, #tpu.memory_space<vmem>>
    %dma_start3A_335 = arith.constant 0 : i32
    %dma_start3A_336 = arith.constant 0 : i32
    %dma_start3A_337 = tpu.memref_slice %arg4[%dma_start3A_335, %dma_start3A_336] : memref<2048x1024xf32, #tpu.memory_space<hbm>> -> memref<2048x1024xf32, #tpu.memory_space<hbm>>
    tpu.enqueue_indirect_dma source(%dma_start3A_337 : memref<2048x1024xf32, #tpu.memory_space<hbm>>) target(%arg16 : memref<24x1024xf32, #tpu.memory_space<vmem>>) offsets(%dma_start3A_334 : memref<24xi32, #tpu.memory_space<vmem>>) semaphore(%arg22 : memref<!tpu.dma_semaphore, #tpu.memory_space<semaphore_mem>>)
    %dma_wait3A_338 = arith.constant 48 : i32
    %dma_wait3A_339 = tpu.memref_slice %arg12[%dma_wait3A_338] : memref<192xi32, #tpu.memory_space<vmem>> -> memref<24xi32, #tpu.memory_space<vmem>>
    %dma_wait3A_340 = arith.constant 0 : i32
    %dma_wait3A_341 = arith.constant 0 : i32
    %dma_wait3A_342 = tpu.memref_slice %arg4[%dma_wait3A_340, %dma_wait3A_341] : memref<2048x1024xf32, #tpu.memory_space<hbm>> -> memref<2048x1024xf32, #tpu.memory_space<hbm>>
    tpu.wait_indirect_dma semaphore(%arg23 : memref<!tpu.dma_semaphore, #tpu.memory_space<semaphore_mem>>) src(%dma_wait3A_342 : memref<2048x1024xf32, #tpu.memory_space<hbm>>) dst(%arg17 : memref<24x1024xf32, #tpu.memory_space<vmem>>)
    %add3A_343 = arith.constant 48 : i32
    %add3A_344 = arith.addi %mul3A_279, %add3A_343 : i32
    %dma_start3A_345 = arith.constant 0 : i32
    %dma_start3A_346 = tpu.memref_slice %arg7[%add3A_344, %dma_start3A_345] : memref<6144x1024xf32, #tpu.memory_space<hbm>> -> memref<24x1024xf32, #tpu.memory_space<hbm>>
    %dma_start3A_347 = arith.constant 0 : i32
    %dma_start3A_348 = tpu.memref_slice %arg7[%add3A_344, %dma_start3A_347] : memref<6144x1024xf32, #tpu.memory_space<hbm>> -> memref<24x1024xf32, #tpu.memory_space<hbm>>
    tpu.enqueue_dma source(%arg17 : memref<24x1024xf32, #tpu.memory_space<vmem>>) target(%dma_start3A_348 : memref<24x1024xf32, #tpu.memory_space<hbm>>) target_semaphore(%arg27 : memref<!tpu.dma_semaphore, #tpu.memory_space<semaphore_mem>>)
    %dma_wait3A_349 = arith.constant 0 : i32
    %dma_wait3A_350 = tpu.memref_slice %arg7[%add3A_344, %dma_wait3A_349] : memref<6144x1024xf32, #tpu.memory_space<hbm>> -> memref<24x1024xf32, #tpu.memory_space<hbm>>
    %dma_wait3A_351 = arith.constant 0 : i32
    %dma_wait3A_352 = tpu.memref_slice %arg7[%add3A_344, %dma_wait3A_351] : memref<6144x1024xf32, #tpu.memory_space<hbm>> -> memref<24x1024xf32, #tpu.memory_space<hbm>>
    tpu.wait_dma2 semaphore(%arg27 : memref<!tpu.dma_semaphore, #tpu.memory_space<semaphore_mem>>) src(%arg17 : memref<24x1024xf32, #tpu.memory_space<vmem>>) dst(%dma_wait3A_352 : memref<24x1024xf32, #tpu.memory_space<hbm>>)
    %dma_start3A_353 = arith.constant 144 : i32
    %dma_start3A_354 = tpu.memref_slice %arg12[%dma_start3A_353] : memref<192xi32, #tpu.memory_space<vmem>> -> memref<24xi32, #tpu.memory_space<vmem>>
    %dma_start3A_355 = arith.constant 0 : i32
    %dma_start3A_356 = arith.constant 0 : i32
    %dma_start3A_357 = tpu.memref_slice %arg4[%dma_start3A_355, %dma_start3A_356] : memref<2048x1024xf32, #tpu.memory_space<hbm>> -> memref<2048x1024xf32, #tpu.memory_space<hbm>>
    tpu.enqueue_indirect_dma source(%dma_start3A_357 : memref<2048x1024xf32, #tpu.memory_space<hbm>>) target(%arg17 : memref<24x1024xf32, #tpu.memory_space<vmem>>) offsets(%dma_start3A_354 : memref<24xi32, #tpu.memory_space<vmem>>) semaphore(%arg23 : memref<!tpu.dma_semaphore, #tpu.memory_space<semaphore_mem>>)
    %dma_wait3A_358 = arith.constant 72 : i32
    %dma_wait3A_359 = tpu.memref_slice %arg12[%dma_wait3A_358] : memref<192xi32, #tpu.memory_space<vmem>> -> memref<24xi32, #tpu.memory_space<vmem>>
    %dma_wait3A_360 = arith.constant 0 : i32
    %dma_wait3A_361 = arith.constant 0 : i32
    %dma_wait3A_362 = tpu.memref_slice %arg4[%dma_wait3A_360, %dma_wait3A_361] : memref<2048x1024xf32, #tpu.memory_space<hbm>> -> memref<2048x1024xf32, #tpu.memory_space<hbm>>
    tpu.wait_indirect_dma semaphore(%arg24 : memref<!tpu.dma_semaphore, #tpu.memory_space<semaphore_mem>>) src(%dma_wait3A_362 : memref<2048x1024xf32, #tpu.memory_space<hbm>>) dst(%arg18 : memref<24x1024xf32, #tpu.memory_space<vmem>>)
    %add3A_363 = arith.constant 72 : i32
    %add3A_364 = arith.addi %mul3A_279, %add3A_363 : i32
    %dma_start3A_365 = arith.constant 0 : i32
    %dma_start3A_366 = tpu.memref_slice %arg7[%add3A_364, %dma_start3A_365] : memref<6144x1024xf32, #tpu.memory_space<hbm>> -> memref<24x1024xf32, #tpu.memory_space<hbm>>
    %dma_start3A_367 = arith.constant 0 : i32
    %dma_start3A_368 = tpu.memref_slice %arg7[%add3A_364, %dma_start3A_367] : memref<6144x1024xf32, #tpu.memory_space<hbm>> -> memref<24x1024xf32, #tpu.memory_space<hbm>>
    tpu.enqueue_dma source(%arg18 : memref<24x1024xf32, #tpu.memory_space<vmem>>) target(%dma_start3A_368 : memref<24x1024xf32, #tpu.memory_space<hbm>>) target_semaphore(%arg28 : memref<!tpu.dma_semaphore, #tpu.memory_space<semaphore_mem>>)
    %dma_wait3A_369 = arith.constant 0 : i32
    %dma_wait3A_370 = tpu.memref_slice %arg7[%add3A_364, %dma_wait3A_369] : memref<6144x1024xf32, #tpu.memory_space<hbm>> -> memref<24x1024xf32, #tpu.memory_space<hbm>>
    %dma_wait3A_371 = arith.constant 0 : i32
    %dma_wait3A_372 = tpu.memref_slice %arg7[%add3A_364, %dma_wait3A_371] : memref<6144x1024xf32, #tpu.memory_space<hbm>> -> memref<24x1024xf32, #tpu.memory_space<hbm>>
    tpu.wait_dma2 semaphore(%arg28 : memref<!tpu.dma_semaphore, #tpu.memory_space<semaphore_mem>>) src(%arg18 : memref<24x1024xf32, #tpu.memory_space<vmem>>) dst(%dma_wait3A_372 : memref<24x1024xf32, #tpu.memory_space<hbm>>)
    %dma_start3A_373 = arith.constant 168 : i32
    %dma_start3A_374 = tpu.memref_slice %arg12[%dma_start3A_373] : memref<192xi32, #tpu.memory_space<vmem>> -> memref<24xi32, #tpu.memory_space<vmem>>
    %dma_start3A_375 = arith.constant 0 : i32
    %dma_start3A_376 = arith.constant 0 : i32
    %dma_start3A_377 = tpu.memref_slice %arg4[%dma_start3A_375, %dma_start3A_376] : memref<2048x1024xf32, #tpu.memory_space<hbm>> -> memref<2048x1024xf32, #tpu.memory_space<hbm>>
    tpu.enqueue_indirect_dma source(%dma_start3A_377 : memref<2048x1024xf32, #tpu.memory_space<hbm>>) target(%arg18 : memref<24x1024xf32, #tpu.memory_space<vmem>>) offsets(%dma_start3A_374 : memref<24xi32, #tpu.memory_space<vmem>>) semaphore(%arg24 : memref<!tpu.dma_semaphore, #tpu.memory_space<semaphore_mem>>)
    %dma_wait3A_378 = arith.constant 96 : i32
    %dma_wait3A_379 = tpu.memref_slice %arg12[%dma_wait3A_378] : memref<192xi32, #tpu.memory_space<vmem>> -> memref<24xi32, #tpu.memory_space<vmem>>
    %dma_wait3A_380 = arith.constant 0 : i32
    %dma_wait3A_381 = arith.constant 0 : i32
    %dma_wait3A_382 = tpu.memref_slice %arg4[%dma_wait3A_380, %dma_wait3A_381] : memref<2048x1024xf32, #tpu.memory_space<hbm>> -> memref<2048x1024xf32, #tpu.memory_space<hbm>>
    tpu.wait_indirect_dma semaphore(%arg21 : memref<!tpu.dma_semaphore, #tpu.memory_space<semaphore_mem>>) src(%dma_wait3A_382 : memref<2048x1024xf32, #tpu.memory_space<hbm>>) dst(%arg15 : memref<24x1024xf32, #tpu.memory_space<vmem>>)
    %add3A_383 = arith.constant 96 : i32
    %add3A_384 = arith.addi %mul3A_279, %add3A_383 : i32
    %dma_start3A_385 = arith.constant 0 : i32
    %dma_start3A_386 = tpu.memref_slice %arg7[%add3A_384, %dma_start3A_385] : memref<6144x1024xf32, #tpu.memory_space<hbm>> -> memref<24x1024xf32, #tpu.memory_space<hbm>>
    %dma_start3A_387 = arith.constant 0 : i32
    %dma_start3A_388 = tpu.memref_slice %arg7[%add3A_384, %dma_start3A_387] : memref<6144x1024xf32, #tpu.memory_space<hbm>> -> memref<24x1024xf32, #tpu.memory_space<hbm>>
    tpu.enqueue_dma source(%arg15 : memref<24x1024xf32, #tpu.memory_space<vmem>>) target(%dma_start3A_388 : memref<24x1024xf32, #tpu.memory_space<hbm>>) target_semaphore(%arg25 : memref<!tpu.dma_semaphore, #tpu.memory_space<semaphore_mem>>)
    %dma_wait3A_389 = arith.constant 120 : i32
    %dma_wait3A_390 = tpu.memref_slice %arg12[%dma_wait3A_389] : memref<192xi32, #tpu.memory_space<vmem>> -> memref<24xi32, #tpu.memory_space<vmem>>
    %dma_wait3A_391 = arith.constant 0 : i32
    %dma_wait3A_392 = arith.constant 0 : i32
    %dma_wait3A_393 = tpu.memref_slice %arg4[%dma_wait3A_391, %dma_wait3A_392] : memref<2048x1024xf32, #tpu.memory_space<hbm>> -> memref<2048x1024xf32, #tpu.memory_space<hbm>>
    tpu.wait_indirect_dma semaphore(%arg22 : memref<!tpu.dma_semaphore, #tpu.memory_space<semaphore_mem>>) src(%dma_wait3A_393 : memref<2048x1024xf32, #tpu.memory_space<hbm>>) dst(%arg16 : memref<24x1024xf32, #tpu.memory_space<vmem>>)
    %add3A_394 = arith.constant 120 : i32
    %add3A_395 = arith.addi %mul3A_279, %add3A_394 : i32
    %dma_start3A_396 = arith.constant 0 : i32
    %dma_start3A_397 = tpu.memref_slice %arg7[%add3A_395, %dma_start3A_396] : memref<6144x1024xf32, #tpu.memory_space<hbm>> -> memref<24x1024xf32, #tpu.memory_space<hbm>>
    %dma_start3A_398 = arith.constant 0 : i32
    %dma_start3A_399 = tpu.memref_slice %arg7[%add3A_395, %dma_start3A_398] : memref<6144x1024xf32, #tpu.memory_space<hbm>> -> memref<24x1024xf32, #tpu.memory_space<hbm>>
    tpu.enqueue_dma source(%arg16 : memref<24x1024xf32, #tpu.memory_space<vmem>>) target(%dma_start3A_399 : memref<24x1024xf32, #tpu.memory_space<hbm>>) target_semaphore(%arg26 : memref<!tpu.dma_semaphore, #tpu.memory_space<semaphore_mem>>)
    %dma_wait3A_400 = arith.constant 144 : i32
    %dma_wait3A_401 = tpu.memref_slice %arg12[%dma_wait3A_400] : memref<192xi32, #tpu.memory_space<vmem>> -> memref<24xi32, #tpu.memory_space<vmem>>
    %dma_wait3A_402 = arith.constant 0 : i32
    %dma_wait3A_403 = arith.constant 0 : i32
    %dma_wait3A_404 = tpu.memref_slice %arg4[%dma_wait3A_402, %dma_wait3A_403] : memref<2048x1024xf32, #tpu.memory_space<hbm>> -> memref<2048x1024xf32, #tpu.memory_space<hbm>>
    tpu.wait_indirect_dma semaphore(%arg23 : memref<!tpu.dma_semaphore, #tpu.memory_space<semaphore_mem>>) src(%dma_wait3A_404 : memref<2048x1024xf32, #tpu.memory_space<hbm>>) dst(%arg17 : memref<24x1024xf32, #tpu.memory_space<vmem>>)
    %add3A_405 = arith.constant 144 : i32
    %add3A_406 = arith.addi %mul3A_279, %add3A_405 : i32
    %dma_start3A_407 = arith.constant 0 : i32
    %dma_start3A_408 = tpu.memref_slice %arg7[%add3A_406, %dma_start3A_407] : memref<6144x1024xf32, #tpu.memory_space<hbm>> -> memref<24x1024xf32, #tpu.memory_space<hbm>>
    %dma_start3A_409 = arith.constant 0 : i32
    %dma_start3A_410 = tpu.memref_slice %arg7[%add3A_406, %dma_start3A_409] : memref<6144x1024xf32, #tpu.memory_space<hbm>> -> memref<24x1024xf32, #tpu.memory_space<hbm>>
    tpu.enqueue_dma source(%arg17 : memref<24x1024xf32, #tpu.memory_space<vmem>>) target(%dma_start3A_410 : memref<24x1024xf32, #tpu.memory_space<hbm>>) target_semaphore(%arg27 : memref<!tpu.dma_semaphore, #tpu.memory_space<semaphore_mem>>)
    %dma_wait3A_411 = arith.constant 168 : i32
    %dma_wait3A_412 = tpu.memref_slice %arg12[%dma_wait3A_411] : memref<192xi32, #tpu.memory_space<vmem>> -> memref<24xi32, #tpu.memory_space<vmem>>
    %dma_wait3A_413 = arith.constant 0 : i32
    %dma_wait3A_414 = arith.constant 0 : i32
    %dma_wait3A_415 = tpu.memref_slice %arg4[%dma_wait3A_413, %dma_wait3A_414] : memref<2048x1024xf32, #tpu.memory_space<hbm>> -> memref<2048x1024xf32, #tpu.memory_space<hbm>>
    tpu.wait_indirect_dma semaphore(%arg24 : memref<!tpu.dma_semaphore, #tpu.memory_space<semaphore_mem>>) src(%dma_wait3A_415 : memref<2048x1024xf32, #tpu.memory_space<hbm>>) dst(%arg18 : memref<24x1024xf32, #tpu.memory_space<vmem>>)
    %add3A_416 = arith.constant 168 : i32
    %add3A_417 = arith.addi %mul3A_279, %add3A_416 : i32
    %dma_start3A_418 = arith.constant 0 : i32
    %dma_start3A_419 = tpu.memref_slice %arg7[%add3A_417, %dma_start3A_418] : memref<6144x1024xf32, #tpu.memory_space<hbm>> -> memref<24x1024xf32, #tpu.memory_space<hbm>>
    %dma_start3A_420 = arith.constant 0 : i32
    %dma_start3A_421 = tpu.memref_slice %arg7[%add3A_417, %dma_start3A_420] : memref<6144x1024xf32, #tpu.memory_space<hbm>> -> memref<24x1024xf32, #tpu.memory_space<hbm>>
    tpu.enqueue_dma source(%arg18 : memref<24x1024xf32, #tpu.memory_space<vmem>>) target(%dma_start3A_421 : memref<24x1024xf32, #tpu.memory_space<hbm>>) target_semaphore(%arg28 : memref<!tpu.dma_semaphore, #tpu.memory_space<semaphore_mem>>)
    %dma_wait3A_422 = arith.constant 0 : i32
    %dma_wait3A_423 = tpu.memref_slice %arg7[%add3A_384, %dma_wait3A_422] : memref<6144x1024xf32, #tpu.memory_space<hbm>> -> memref<24x1024xf32, #tpu.memory_space<hbm>>
    %dma_wait3A_424 = arith.constant 0 : i32
    %dma_wait3A_425 = tpu.memref_slice %arg7[%add3A_384, %dma_wait3A_424] : memref<6144x1024xf32, #tpu.memory_space<hbm>> -> memref<24x1024xf32, #tpu.memory_space<hbm>>
    tpu.wait_dma2 semaphore(%arg25 : memref<!tpu.dma_semaphore, #tpu.memory_space<semaphore_mem>>) src(%arg15 : memref<24x1024xf32, #tpu.memory_space<vmem>>) dst(%dma_wait3A_425 : memref<24x1024xf32, #tpu.memory_space<hbm>>)
    %dma_wait3A_426 = arith.constant 0 : i32
    %dma_wait3A_427 = tpu.memref_slice %arg7[%add3A_395, %dma_wait3A_426] : memref<6144x1024xf32, #tpu.memory_space<hbm>> -> memref<24x1024xf32, #tpu.memory_space<hbm>>
    %dma_wait3A_428 = arith.constant 0 : i32
    %dma_wait3A_429 = tpu.memref_slice %arg7[%add3A_395, %dma_wait3A_428] : memref<6144x1024xf32, #tpu.memory_space<hbm>> -> memref<24x1024xf32, #tpu.memory_space<hbm>>
    tpu.wait_dma2 semaphore(%arg26 : memref<!tpu.dma_semaphore, #tpu.memory_space<semaphore_mem>>) src(%arg16 : memref<24x1024xf32, #tpu.memory_space<vmem>>) dst(%dma_wait3A_429 : memref<24x1024xf32, #tpu.memory_space<hbm>>)
    %dma_wait3A_430 = arith.constant 0 : i32
    %dma_wait3A_431 = tpu.memref_slice %arg7[%add3A_406, %dma_wait3A_430] : memref<6144x1024xf32, #tpu.memory_space<hbm>> -> memref<24x1024xf32, #tpu.memory_space<hbm>>
    %dma_wait3A_432 = arith.constant 0 : i32
    %dma_wait3A_433 = tpu.memref_slice %arg7[%add3A_406, %dma_wait3A_432] : memref<6144x1024xf32, #tpu.memory_space<hbm>> -> memref<24x1024xf32, #tpu.memory_space<hbm>>
    tpu.wait_dma2 semaphore(%arg27 : memref<!tpu.dma_semaphore, #tpu.memory_space<semaphore_mem>>) src(%arg17 : memref<24x1024xf32, #tpu.memory_space<vmem>>) dst(%dma_wait3A_433 : memref<24x1024xf32, #tpu.memory_space<hbm>>)
    %dma_wait3A_434 = arith.constant 0 : i32
    %dma_wait3A_435 = tpu.memref_slice %arg7[%add3A_417, %dma_wait3A_434] : memref<6144x1024xf32, #tpu.memory_space<hbm>> -> memref<24x1024xf32, #tpu.memory_space<hbm>>
    %dma_wait3A_436 = arith.constant 0 : i32
    %dma_wait3A_437 = tpu.memref_slice %arg7[%add3A_417, %dma_wait3A_436] : memref<6144x1024xf32, #tpu.memory_space<hbm>> -> memref<24x1024xf32, #tpu.memory_space<hbm>>
    tpu.wait_dma2 semaphore(%arg28 : memref<!tpu.dma_semaphore, #tpu.memory_space<semaphore_mem>>) src(%arg18 : memref<24x1024xf32, #tpu.memory_space<vmem>>) dst(%dma_wait3A_437 : memref<24x1024xf32, #tpu.memory_space<hbm>>)
    return
  }
}

module attributes {stable_mosaic.version = 14 : i64} {
  func.func @_shared_kernel(%arg0: i32, %arg1: memref<256x1024xf32, #tpu.memory_space<vmem>>, %arg2: memref<2048x1024xf32, #tpu.memory_space<vmem>>, %arg3: memref<1024x2048xf32, #tpu.memory_space<vmem>>, %arg4: memref<256x1024xf32, #tpu.memory_space<vmem>>) attributes {dimension_semantics = [#tpu.dimension_semantics<arbitrary>], iteration_bounds = array<i64: 8>, scalar_prefetch = 0 : i64, scratch_operands = 0 : i64, tpu.core_type = #tpu.core_type<tc>, window_params = [{transform_indices = @transform_0, window_bounds = array<i64: 256, 1024>}, {pipeline_mode = #tpu.pipeline_mode<synchronous>, transform_indices = @transform_1, window_bounds = array<i64: 2048, 1024>}, {pipeline_mode = #tpu.pipeline_mode<synchronous>, transform_indices = @transform_2, window_bounds = array<i64: 1024, 2048>}, {transform_indices = @transform_3, window_bounds = array<i64: 256, 1024>}]} {
    %get3A = arith.constant 0 : index
    %get3A_0 = arith.constant 0 : index
    %get3A_1 = vector.load %arg1[%get3A, %get3A_0] : memref<256x1024xf32, #tpu.memory_space<vmem>>, vector<256x1024xf32>
    %get3A_2 = arith.constant 0 : index
    %get3A_3 = arith.constant 0 : index
    %get3A_4 = vector.load %arg2[%get3A_2, %get3A_3] : memref<2048x1024xf32, #tpu.memory_space<vmem>>, vector<2048x1024xf32>
    %dot_general3A = arith.constant dense<0.000000e+00> : vector<256x2048xf32>
    %dot_general3A_5 = tpu.matmul %get3A_1, %get3A_4, %dot_general3A {dimension_numbers = #tpu.dot_dimension_numbers<[1], [1], [0], [0], [0, 0, 1, 0], [], []>, transpose_lhs_hint = false} : vector<256x1024xf32>, vector<2048x1024xf32>, vector<256x2048xf32> -> vector<256x2048xf32>
    %max3A = arith.constant 0.000000e+00 : f32
    %max3A_6 = vector.broadcast %max3A : f32 to vector<256x2048xf32>
    %max3A_7 = arith.maximumf %dot_general3A_5, %max3A_6 : vector<256x2048xf32>
    %square3A = arith.mulf %max3A_7, %max3A_7 : vector<256x2048xf32>
    %get3A_8 = arith.constant 0 : index
    %get3A_9 = arith.constant 0 : index
    %get3A_10 = vector.load %arg3[%get3A_8, %get3A_9] : memref<1024x2048xf32, #tpu.memory_space<vmem>>, vector<1024x2048xf32>
    %dot_general3A_11 = arith.constant dense<0.000000e+00> : vector<256x1024xf32>
    %dot_general3A_12 = tpu.matmul %square3A, %get3A_10, %dot_general3A_11 {dimension_numbers = #tpu.dot_dimension_numbers<[1], [1], [0], [0], [0, 0, 1, 0], [], []>, transpose_lhs_hint = false} : vector<256x2048xf32>, vector<1024x2048xf32>, vector<256x1024xf32> -> vector<256x1024xf32>
    %swap3A = arith.constant 0 : index
    %swap3A_13 = arith.constant 0 : index
    %swap3A_14 = vector.load %arg4[%swap3A, %swap3A_13] : memref<256x1024xf32, #tpu.memory_space<vmem>>, vector<256x1024xf32>
    tpu.vector_store %arg4[%swap3A, %swap3A_13], %dot_general3A_12 {strides = array<i32>} : memref<256x1024xf32, #tpu.memory_space<vmem>>, vector<256x1024xf32>,
    return
  }
  func.func @transform_0(%arg0: i32) -> (i32, i32) {
    %c0_i32 = arith.constant 0 : i32
    %c0_i32_0 = arith.constant 0 : i32
    return %arg0, %c0_i32 : i32, i32
  }
  func.func @transform_1(%arg0: i32) -> (i32, i32) {
    %c0_i32 = arith.constant 0 : i32
    %c0_i32_0 = arith.constant 0 : i32
    %c0_i32_1 = arith.constant 0 : i32
    return %c0_i32, %c0_i32_0 : i32, i32
  }
  func.func @transform_2(%arg0: i32) -> (i32, i32) {
    %c0_i32 = arith.constant 0 : i32
    %c0_i32_0 = arith.constant 0 : i32
    %c0_i32_1 = arith.constant 0 : i32
    return %c0_i32, %c0_i32_0 : i32, i32
  }
  func.func @transform_3(%arg0: i32) -> (i32, i32) {
    %c0_i32 = arith.constant 0 : i32
    %c0_i32_0 = arith.constant 0 : i32
    return %arg0, %c0_i32 : i32, i32
  }
}

module attributes {stable_mosaic.version = 14 : i64} {
  func.func @_router_kernel(%arg0: memref<2048x16xf32, #tpu.memory_space<vmem>>, %arg1: memref<2x2048xi32, #tpu.memory_space<vmem>>, %arg2: memref<2x2048xf32, #tpu.memory_space<vmem>>, %arg3: memref<1x96xi32, #tpu.memory_space<vmem>>) attributes {dimension_semantics = [], scalar_prefetch = 0 : i64, scratch_operands = 0 : i64, tpu.core_type = #tpu.core_type<tc>} {
    %get3A = arith.constant 0 : index
    %get3A_0 = arith.constant 0 : index
    %get3A_1 = vector.load %arg0[%get3A, %get3A_0] : memref<2048x16xf32, #tpu.memory_space<vmem>>, vector<2048x16xf32>
    %slice3A = vector.extract_strided_slice %get3A_1 {offsets = [0, 0], sizes = [2048, 4], strides = [1, 1]} : vector<2048x16xf32> to vector<2048x4xf32>
    %reduce_max3A = arith.constant dense<0xFF800000> : vector<2048xf32>
    %reduce_max3A_2 = vector.multi_reduction <maximumf>, %slice3A, %reduce_max3A [1] : vector<2048x4xf32> to vector<2048xf32>
    %broadcast_in_dim3A = vector.shape_cast %reduce_max3A_2 : vector<2048xf32> to vector<2048x1xf32>
    %eq3A = vector.broadcast %broadcast_in_dim3A : vector<2048x1xf32> to vector<2048x4xf32>
    %eq3A_3 = arith.cmpf oeq, %slice3A, %eq3A : vector<2048x4xf32>
    %convert_element_type3A = arith.extui %eq3A_3 : vector<2048x4xi1> to vector<2048x4xi32>
    %convert_element_type3A_4 = arith.sitofp %convert_element_type3A : vector<2048x4xi32> to vector<2048x4xf32>
    %iota3A = tpu.iota {dimensions = array<i32: 0>} : vector<4x4xi32>
    %iota3A_5 = tpu.iota {dimensions = array<i32: 1>} : vector<4x4xi32>
    %lt3A = arith.cmpi slt, %iota3A, %iota3A_5 : vector<4x4xi32>
    %convert_element_type3A_6 = arith.extui %lt3A : vector<4x4xi1> to vector<4x4xi32>
    %convert_element_type3A_7 = arith.sitofp %convert_element_type3A_6 : vector<4x4xi32> to vector<4x4xf32>
    %dot_general3A = arith.constant dense<0.000000e+00> : vector<2048x4xf32>
    %dot_general3A_8 = tpu.matmul %convert_element_type3A_4, %convert_element_type3A_7, %dot_general3A {dimension_numbers = #tpu.dot_dimension_numbers<[1], [0], [0], [1], [0, 0, 1, 1], [], []>, transpose_lhs_hint = false} : vector<2048x4xf32>, vector<4x4xf32>, vector<2048x4xf32> -> vector<2048x4xf32>
    %gt3A = arith.constant 0.000000e+00 : f32
    %gt3A_9 = vector.broadcast %gt3A : f32 to vector<2048x4xf32>
    %gt3A_10 = arith.cmpf ogt, %convert_element_type3A_4, %gt3A_9 : vector<2048x4xf32>
    %eq3A_11 = arith.constant 0.000000e+00 : f32
    %eq3A_12 = vector.broadcast %eq3A_11 : f32 to vector<2048x4xf32>
    %eq3A_13 = arith.cmpf oeq, %dot_general3A_8, %eq3A_12 : vector<2048x4xf32>
    %and3A = arith.andi %gt3A_10, %eq3A_13 : vector<2048x4xi1>
    %jit3A = arith.constant 0xFF800000 : f32
    %broadcast_in_dim3A_14 = vector.broadcast %jit3A : f32 to vector<2048x4xf32>
    %select_n3A = arith.select %and3A, %broadcast_in_dim3A_14, %slice3A : vector<2048x4xi1>, vector<2048x4xf32>
    %reduce_max3A_15 = arith.constant dense<0xFF800000> : vector<2048xf32>
    %reduce_max3A_16 = vector.multi_reduction <maximumf>, %select_n3A, %reduce_max3A_15 [1] : vector<2048x4xf32> to vector<2048xf32>
    %broadcast_in_dim3A_17 = vector.shape_cast %reduce_max3A_16 : vector<2048xf32> to vector<2048x1xf32>
    %add3A = arith.addf %broadcast_in_dim3A, %broadcast_in_dim3A_17 : vector<2048x1xf32>
    %slice3A_18 = vector.extract_strided_slice %get3A_1 {offsets = [0, 4], sizes = [2048, 4], strides = [1, 1]} : vector<2048x16xf32> to vector<2048x4xf32>
    %reduce_max3A_19 = arith.constant dense<0xFF800000> : vector<2048xf32>
    %reduce_max3A_20 = vector.multi_reduction <maximumf>, %slice3A_18, %reduce_max3A_19 [1] : vector<2048x4xf32> to vector<2048xf32>
    %broadcast_in_dim3A_21 = vector.shape_cast %reduce_max3A_20 : vector<2048xf32> to vector<2048x1xf32>
    %eq3A_22 = vector.broadcast %broadcast_in_dim3A_21 : vector<2048x1xf32> to vector<2048x4xf32>
    %eq3A_23 = arith.cmpf oeq, %slice3A_18, %eq3A_22 : vector<2048x4xf32>
    %convert_element_type3A_24 = arith.extui %eq3A_23 : vector<2048x4xi1> to vector<2048x4xi32>
    %convert_element_type3A_25 = arith.sitofp %convert_element_type3A_24 : vector<2048x4xi32> to vector<2048x4xf32>
    %iota3A_26 = tpu.iota {dimensions = array<i32: 0>} : vector<4x4xi32>
    %iota3A_27 = tpu.iota {dimensions = array<i32: 1>} : vector<4x4xi32>
    %lt3A_28 = arith.cmpi slt, %iota3A_26, %iota3A_27 : vector<4x4xi32>
    %convert_element_type3A_29 = arith.extui %lt3A_28 : vector<4x4xi1> to vector<4x4xi32>
    %convert_element_type3A_30 = arith.sitofp %convert_element_type3A_29 : vector<4x4xi32> to vector<4x4xf32>
    %dot_general3A_31 = arith.constant dense<0.000000e+00> : vector<2048x4xf32>
    %dot_general3A_32 = tpu.matmul %convert_element_type3A_25, %convert_element_type3A_30, %dot_general3A_31 {dimension_numbers = #tpu.dot_dimension_numbers<[1], [0], [0], [1], [0, 0, 1, 1], [], []>, transpose_lhs_hint = false} : vector<2048x4xf32>, vector<4x4xf32>, vector<2048x4xf32> -> vector<2048x4xf32>
    %gt3A_33 = arith.constant 0.000000e+00 : f32
    %gt3A_34 = vector.broadcast %gt3A_33 : f32 to vector<2048x4xf32>
    %gt3A_35 = arith.cmpf ogt, %convert_element_type3A_25, %gt3A_34 : vector<2048x4xf32>
    %eq3A_36 = arith.constant 0.000000e+00 : f32
    %eq3A_37 = vector.broadcast %eq3A_36 : f32 to vector<2048x4xf32>
    %eq3A_38 = arith.cmpf oeq, %dot_general3A_32, %eq3A_37 : vector<2048x4xf32>
    %and3A_39 = arith.andi %gt3A_35, %eq3A_38 : vector<2048x4xi1>
    %jit3A_40 = arith.constant 0xFF800000 : f32
    %broadcast_in_dim3A_41 = vector.broadcast %jit3A_40 : f32 to vector<2048x4xf32>
    %select_n3A_42 = arith.select %and3A_39, %broadcast_in_dim3A_41, %slice3A_18 : vector<2048x4xi1>, vector<2048x4xf32>
    %reduce_max3A_43 = arith.constant dense<0xFF800000> : vector<2048xf32>
    %reduce_max3A_44 = vector.multi_reduction <maximumf>, %select_n3A_42, %reduce_max3A_43 [1] : vector<2048x4xf32> to vector<2048xf32>
    %broadcast_in_dim3A_45 = vector.shape_cast %reduce_max3A_44 : vector<2048xf32> to vector<2048x1xf32>
    %add3A_46 = arith.addf %broadcast_in_dim3A_21, %broadcast_in_dim3A_45 : vector<2048x1xf32>
    %slice3A_47 = vector.extract_strided_slice %get3A_1 {offsets = [0, 8], sizes = [2048, 4], strides = [1, 1]} : vector<2048x16xf32> to vector<2048x4xf32>
    %reduce_max3A_48 = arith.constant dense<0xFF800000> : vector<2048xf32>
    %reduce_max3A_49 = vector.multi_reduction <maximumf>, %slice3A_47, %reduce_max3A_48 [1] : vector<2048x4xf32> to vector<2048xf32>
    %broadcast_in_dim3A_50 = vector.shape_cast %reduce_max3A_49 : vector<2048xf32> to vector<2048x1xf32>
    %eq3A_51 = vector.broadcast %broadcast_in_dim3A_50 : vector<2048x1xf32> to vector<2048x4xf32>
    %eq3A_52 = arith.cmpf oeq, %slice3A_47, %eq3A_51 : vector<2048x4xf32>
    %convert_element_type3A_53 = arith.extui %eq3A_52 : vector<2048x4xi1> to vector<2048x4xi32>
    %convert_element_type3A_54 = arith.sitofp %convert_element_type3A_53 : vector<2048x4xi32> to vector<2048x4xf32>
    %iota3A_55 = tpu.iota {dimensions = array<i32: 0>} : vector<4x4xi32>
    %iota3A_56 = tpu.iota {dimensions = array<i32: 1>} : vector<4x4xi32>
    %lt3A_57 = arith.cmpi slt, %iota3A_55, %iota3A_56 : vector<4x4xi32>
    %convert_element_type3A_58 = arith.extui %lt3A_57 : vector<4x4xi1> to vector<4x4xi32>
    %convert_element_type3A_59 = arith.sitofp %convert_element_type3A_58 : vector<4x4xi32> to vector<4x4xf32>
    %dot_general3A_60 = arith.constant dense<0.000000e+00> : vector<2048x4xf32>
    %dot_general3A_61 = tpu.matmul %convert_element_type3A_54, %convert_element_type3A_59, %dot_general3A_60 {dimension_numbers = #tpu.dot_dimension_numbers<[1], [0], [0], [1], [0, 0, 1, 1], [], []>, transpose_lhs_hint = false} : vector<2048x4xf32>, vector<4x4xf32>, vector<2048x4xf32> -> vector<2048x4xf32>
    %gt3A_62 = arith.constant 0.000000e+00 : f32
    %gt3A_63 = vector.broadcast %gt3A_62 : f32 to vector<2048x4xf32>
    %gt3A_64 = arith.cmpf ogt, %convert_element_type3A_54, %gt3A_63 : vector<2048x4xf32>
    %eq3A_65 = arith.constant 0.000000e+00 : f32
    %eq3A_66 = vector.broadcast %eq3A_65 : f32 to vector<2048x4xf32>
    %eq3A_67 = arith.cmpf oeq, %dot_general3A_61, %eq3A_66 : vector<2048x4xf32>
    %and3A_68 = arith.andi %gt3A_64, %eq3A_67 : vector<2048x4xi1>
    %jit3A_69 = arith.constant 0xFF800000 : f32
    %broadcast_in_dim3A_70 = vector.broadcast %jit3A_69 : f32 to vector<2048x4xf32>
    %select_n3A_71 = arith.select %and3A_68, %broadcast_in_dim3A_70, %slice3A_47 : vector<2048x4xi1>, vector<2048x4xf32>
    %reduce_max3A_72 = arith.constant dense<0xFF800000> : vector<2048xf32>
    %reduce_max3A_73 = vector.multi_reduction <maximumf>, %select_n3A_71, %reduce_max3A_72 [1] : vector<2048x4xf32> to vector<2048xf32>
    %broadcast_in_dim3A_74 = vector.shape_cast %reduce_max3A_73 : vector<2048xf32> to vector<2048x1xf32>
    %add3A_75 = arith.addf %broadcast_in_dim3A_50, %broadcast_in_dim3A_74 : vector<2048x1xf32>
    %slice3A_76 = vector.extract_strided_slice %get3A_1 {offsets = [0, 12], sizes = [2048, 4], strides = [1, 1]} : vector<2048x16xf32> to vector<2048x4xf32>
    %reduce_max3A_77 = arith.constant dense<0xFF800000> : vector<2048xf32>
    %reduce_max3A_78 = vector.multi_reduction <maximumf>, %slice3A_76, %reduce_max3A_77 [1] : vector<2048x4xf32> to vector<2048xf32>
    %broadcast_in_dim3A_79 = vector.shape_cast %reduce_max3A_78 : vector<2048xf32> to vector<2048x1xf32>
    %eq3A_80 = vector.broadcast %broadcast_in_dim3A_79 : vector<2048x1xf32> to vector<2048x4xf32>
    %eq3A_81 = arith.cmpf oeq, %slice3A_76, %eq3A_80 : vector<2048x4xf32>
    %convert_element_type3A_82 = arith.extui %eq3A_81 : vector<2048x4xi1> to vector<2048x4xi32>
    %convert_element_type3A_83 = arith.sitofp %convert_element_type3A_82 : vector<2048x4xi32> to vector<2048x4xf32>
    %iota3A_84 = tpu.iota {dimensions = array<i32: 0>} : vector<4x4xi32>
    %iota3A_85 = tpu.iota {dimensions = array<i32: 1>} : vector<4x4xi32>
    %lt3A_86 = arith.cmpi slt, %iota3A_84, %iota3A_85 : vector<4x4xi32>
    %convert_element_type3A_87 = arith.extui %lt3A_86 : vector<4x4xi1> to vector<4x4xi32>
    %convert_element_type3A_88 = arith.sitofp %convert_element_type3A_87 : vector<4x4xi32> to vector<4x4xf32>
    %dot_general3A_89 = arith.constant dense<0.000000e+00> : vector<2048x4xf32>
    %dot_general3A_90 = tpu.matmul %convert_element_type3A_83, %convert_element_type3A_88, %dot_general3A_89 {dimension_numbers = #tpu.dot_dimension_numbers<[1], [0], [0], [1], [0, 0, 1, 1], [], []>, transpose_lhs_hint = false} : vector<2048x4xf32>, vector<4x4xf32>, vector<2048x4xf32> -> vector<2048x4xf32>
    %gt3A_91 = arith.constant 0.000000e+00 : f32
    %gt3A_92 = vector.broadcast %gt3A_91 : f32 to vector<2048x4xf32>
    %gt3A_93 = arith.cmpf ogt, %convert_element_type3A_83, %gt3A_92 : vector<2048x4xf32>
    %eq3A_94 = arith.constant 0.000000e+00 : f32
    %eq3A_95 = vector.broadcast %eq3A_94 : f32 to vector<2048x4xf32>
    %eq3A_96 = arith.cmpf oeq, %dot_general3A_90, %eq3A_95 : vector<2048x4xf32>
    %and3A_97 = arith.andi %gt3A_93, %eq3A_96 : vector<2048x4xi1>
    %jit3A_98 = arith.constant 0xFF800000 : f32
    %broadcast_in_dim3A_99 = vector.broadcast %jit3A_98 : f32 to vector<2048x4xf32>
    %select_n3A_100 = arith.select %and3A_97, %broadcast_in_dim3A_99, %slice3A_76 : vector<2048x4xi1>, vector<2048x4xf32>
    %reduce_max3A_101 = arith.constant dense<0xFF800000> : vector<2048xf32>
    %reduce_max3A_102 = vector.multi_reduction <maximumf>, %select_n3A_100, %reduce_max3A_101 [1] : vector<2048x4xf32> to vector<2048xf32>
    %broadcast_in_dim3A_103 = vector.shape_cast %reduce_max3A_102 : vector<2048xf32> to vector<2048x1xf32>
    %add3A_104 = arith.addf %broadcast_in_dim3A_79, %broadcast_in_dim3A_103 : vector<2048x1xf32>
    %concatenate3A = tpu.concatenate %add3A, %add3A_46, %add3A_75, %add3A_104 in 1 : vector<2048x1xf32>, vector<2048x1xf32>, vector<2048x1xf32>, vector<2048x1xf32> -> vector<2048x4xf32>
    %reduce_max3A_105 = arith.constant dense<0xFF800000> : vector<2048xf32>
    %reduce_max3A_106 = vector.multi_reduction <maximumf>, %concatenate3A, %reduce_max3A_105 [1] : vector<2048x4xf32> to vector<2048xf32>
    %broadcast_in_dim3A_107 = vector.shape_cast %reduce_max3A_106 : vector<2048xf32> to vector<2048x1xf32>
    %eq3A_108 = vector.broadcast %broadcast_in_dim3A_107 : vector<2048x1xf32> to vector<2048x4xf32>
    %eq3A_109 = arith.cmpf oeq, %concatenate3A, %eq3A_108 : vector<2048x4xf32>
    %convert_element_type3A_110 = arith.extui %eq3A_109 : vector<2048x4xi1> to vector<2048x4xi32>
    %convert_element_type3A_111 = arith.sitofp %convert_element_type3A_110 : vector<2048x4xi32> to vector<2048x4xf32>
    %iota3A_112 = tpu.iota {dimensions = array<i32: 0>} : vector<4x4xi32>
    %iota3A_113 = tpu.iota {dimensions = array<i32: 1>} : vector<4x4xi32>
    %lt3A_114 = arith.cmpi slt, %iota3A_112, %iota3A_113 : vector<4x4xi32>
    %convert_element_type3A_115 = arith.extui %lt3A_114 : vector<4x4xi1> to vector<4x4xi32>
    %convert_element_type3A_116 = arith.sitofp %convert_element_type3A_115 : vector<4x4xi32> to vector<4x4xf32>
    %dot_general3A_117 = arith.constant dense<0.000000e+00> : vector<2048x4xf32>
    %dot_general3A_118 = tpu.matmul %convert_element_type3A_111, %convert_element_type3A_116, %dot_general3A_117 {dimension_numbers = #tpu.dot_dimension_numbers<[1], [0], [0], [1], [0, 0, 1, 1], [], []>, transpose_lhs_hint = false} : vector<2048x4xf32>, vector<4x4xf32>, vector<2048x4xf32> -> vector<2048x4xf32>
    %gt3A_119 = arith.constant 0.000000e+00 : f32
    %gt3A_120 = vector.broadcast %gt3A_119 : f32 to vector<2048x4xf32>
    %gt3A_121 = arith.cmpf ogt, %convert_element_type3A_111, %gt3A_120 : vector<2048x4xf32>
    %eq3A_122 = arith.constant 0.000000e+00 : f32
    %eq3A_123 = vector.broadcast %eq3A_122 : f32 to vector<2048x4xf32>
    %eq3A_124 = arith.cmpf oeq, %dot_general3A_118, %eq3A_123 : vector<2048x4xf32>
    %and3A_125 = arith.andi %gt3A_121, %eq3A_124 : vector<2048x4xi1>
    %jit3A_126 = arith.constant 0xFF800000 : f32
    %broadcast_in_dim3A_127 = vector.broadcast %jit3A_126 : f32 to vector<2048x4xf32>
    %select_n3A_128 = arith.select %and3A_125, %broadcast_in_dim3A_127, %concatenate3A : vector<2048x4xi1>, vector<2048x4xf32>
    %reduce_max3A_129 = arith.constant dense<0xFF800000> : vector<2048xf32>
    %reduce_max3A_130 = vector.multi_reduction <maximumf>, %select_n3A_128, %reduce_max3A_129 [1] : vector<2048x4xf32> to vector<2048xf32>
    %broadcast_in_dim3A_131 = vector.shape_cast %reduce_max3A_130 : vector<2048xf32> to vector<2048x1xf32>
    %eq3A_132 = vector.broadcast %broadcast_in_dim3A_131 : vector<2048x1xf32> to vector<2048x4xf32>
    %eq3A_133 = arith.cmpf oeq, %select_n3A_128, %eq3A_132 : vector<2048x4xf32>
    %convert_element_type3A_134 = arith.extui %eq3A_133 : vector<2048x4xi1> to vector<2048x4xi32>
    %convert_element_type3A_135 = arith.sitofp %convert_element_type3A_134 : vector<2048x4xi32> to vector<2048x4xf32>
    %iota3A_136 = tpu.iota {dimensions = array<i32: 0>} : vector<4x4xi32>
    %iota3A_137 = tpu.iota {dimensions = array<i32: 1>} : vector<4x4xi32>
    %lt3A_138 = arith.cmpi slt, %iota3A_136, %iota3A_137 : vector<4x4xi32>
    %convert_element_type3A_139 = arith.extui %lt3A_138 : vector<4x4xi1> to vector<4x4xi32>
    %convert_element_type3A_140 = arith.sitofp %convert_element_type3A_139 : vector<4x4xi32> to vector<4x4xf32>
    %dot_general3A_141 = arith.constant dense<0.000000e+00> : vector<2048x4xf32>
    %dot_general3A_142 = tpu.matmul %convert_element_type3A_135, %convert_element_type3A_140, %dot_general3A_141 {dimension_numbers = #tpu.dot_dimension_numbers<[1], [0], [0], [1], [0, 0, 1, 1], [], []>, transpose_lhs_hint = false} : vector<2048x4xf32>, vector<4x4xf32>, vector<2048x4xf32> -> vector<2048x4xf32>
    %gt3A_143 = arith.constant 0.000000e+00 : f32
    %gt3A_144 = vector.broadcast %gt3A_143 : f32 to vector<2048x4xf32>
    %gt3A_145 = arith.cmpf ogt, %convert_element_type3A_135, %gt3A_144 : vector<2048x4xf32>
    %eq3A_146 = arith.constant 0.000000e+00 : f32
    %eq3A_147 = vector.broadcast %eq3A_146 : f32 to vector<2048x4xf32>
    %eq3A_148 = arith.cmpf oeq, %dot_general3A_142, %eq3A_147 : vector<2048x4xf32>
    %and3A_149 = arith.andi %gt3A_145, %eq3A_148 : vector<2048x4xi1>
    %iota3A_150 = tpu.iota {dimensions = array<i32: 1>} : vector<2048x4xi32>
    %jit3A_151 = arith.constant 0 : i32
    %broadcast_in_dim3A_152 = vector.broadcast %jit3A_151 : i32 to vector<2048x4xi32>
    %select_n3A_153 = arith.select %and3A_125, %iota3A_150, %broadcast_in_dim3A_152 : vector<2048x4xi1>, vector<2048x4xi32>
    %reduce_sum3A = arith.constant dense<0> : vector<2048xi32>
    %reduce_sum3A_154 = vector.multi_reduction <add>, %select_n3A_153, %reduce_sum3A [1] : vector<2048x4xi32> to vector<2048xi32>
    %jit3A_155 = arith.constant 0 : i32
    %broadcast_in_dim3A_156 = vector.broadcast %jit3A_155 : i32 to vector<2048x4xi32>
    %select_n3A_157 = arith.select %and3A_149, %iota3A_150, %broadcast_in_dim3A_156 : vector<2048x4xi1>, vector<2048x4xi32>
    %reduce_sum3A_158 = arith.constant dense<0> : vector<2048xi32>
    %reduce_sum3A_159 = vector.multi_reduction <add>, %select_n3A_157, %reduce_sum3A_158 [1] : vector<2048x4xi32> to vector<2048xi32>
    %iota3A_160 = tpu.iota {dimensions = array<i32: 1>} : vector<2048x16xi32>
    %jit3A_161 = arith.constant 4 : i32
    %div3A = vector.broadcast %jit3A_161 : i32 to vector<2048x16xi32>
    %div3A_162 = arith.divsi %iota3A_160, %div3A : vector<2048x16xi32>
    %sign3A = arith.constant 0 : i32
    %sign3A_163 = vector.broadcast %sign3A : i32 to vector<2048x16xi32>
    %sign3A_164 = arith.cmpi sgt, %iota3A_160, %sign3A_163 : vector<2048x16xi32>
    %sign3A_165 = arith.extui %sign3A_164 : vector<2048x16xi1> to vector<2048x16xi32>
    %sign3A_166 = arith.constant 0 : i32
    %sign3A_167 = vector.broadcast %sign3A_166 : i32 to vector<2048x16xi32>
    %sign3A_168 = arith.cmpi slt, %iota3A_160, %sign3A_167 : vector<2048x16xi32>
    %sign3A_169 = arith.extui %sign3A_168 : vector<2048x16xi1> to vector<2048x16xi32>
    %sign3A_170 = arith.subi %sign3A_165, %sign3A_169 : vector<2048x16xi32>
    %sign3A_171 = arith.constant 0 : i32
    %sign3A_172 = arith.cmpi sgt, %jit3A_161, %sign3A_171 : i32
    %sign3A_173 = arith.extui %sign3A_172 : i1 to i32
    %sign3A_174 = arith.constant 0 : i32
    %sign3A_175 = arith.cmpi slt, %jit3A_161, %sign3A_174 : i32
    %sign3A_176 = arith.extui %sign3A_175 : i1 to i32
    %sign3A_177 = arith.subi %sign3A_173, %sign3A_176 : i32
    %ne3A = vector.broadcast %sign3A_177 : i32 to vector<2048x16xi32>
    %ne3A_178 = arith.cmpi ne, %sign3A_170, %ne3A : vector<2048x16xi32>
    %rem3A = vector.broadcast %jit3A_161 : i32 to vector<2048x16xi32>
    %rem3A_179 = arith.remsi %iota3A_160, %rem3A : vector<2048x16xi32>
    %ne3A_180 = arith.constant 0 : i32
    %ne3A_181 = vector.broadcast %ne3A_180 : i32 to vector<2048x16xi32>
    %ne3A_182 = arith.cmpi ne, %rem3A_179, %ne3A_181 : vector<2048x16xi32>
    %and3A_183 = arith.andi %ne3A_178, %ne3A_182 : vector<2048x16xi1>
    %sub3A = arith.constant 1 : i32
    %sub3A_184 = vector.broadcast %sub3A : i32 to vector<2048x16xi32>
    %sub3A_185 = arith.subi %div3A_162, %sub3A_184 : vector<2048x16xi32>
    %select_n3A_186 = arith.select %and3A_183, %sub3A_185, %div3A_162 : vector<2048x16xi1>, vector<2048x16xi32>
    %broadcast_in_dim3A_187 = vector.shape_cast %reduce_sum3A_154 : vector<2048xi32> to vector<2048x1xi32>
    %eq3A_188 = vector.broadcast %broadcast_in_dim3A_187 : vector<2048x1xi32> to vector<2048x16xi32>
    %eq3A_189 = arith.cmpi eq, %select_n3A_186, %eq3A_188 : vector<2048x16xi32>
    %broadcast_in_dim3A_190 = vector.shape_cast %reduce_sum3A_159 : vector<2048xi32> to vector<2048x1xi32>
    %eq3A_191 = vector.broadcast %broadcast_in_dim3A_190 : vector<2048x1xi32> to vector<2048x16xi32>
    %eq3A_192 = arith.cmpi eq, %select_n3A_186, %eq3A_191 : vector<2048x16xi32>
    %or3A = arith.ori %eq3A_189, %eq3A_192 : vector<2048x16xi1>
    %jit3A_193 = arith.constant 0.000000e+00 : f32
    %broadcast_in_dim3A_194 = vector.broadcast %jit3A_193 : f32 to vector<2048x16xf32>
    %select_n3A_195 = arith.select %or3A, %get3A_1, %broadcast_in_dim3A_194 : vector<2048x16xi1>, vector<2048x16xf32>
    %reduce_max3A_196 = arith.constant dense<0xFF800000> : vector<2048xf32>
    %reduce_max3A_197 = vector.multi_reduction <maximumf>, %select_n3A_195, %reduce_max3A_196 [1] : vector<2048x16xf32> to vector<2048xf32>
    %broadcast_in_dim3A_198 = vector.shape_cast %reduce_max3A_197 : vector<2048xf32> to vector<2048x1xf32>
    %eq3A_199 = vector.broadcast %broadcast_in_dim3A_198 : vector<2048x1xf32> to vector<2048x16xf32>
    %eq3A_200 = arith.cmpf oeq, %select_n3A_195, %eq3A_199 : vector<2048x16xf32>
    %convert_element_type3A_201 = arith.extui %eq3A_200 : vector<2048x16xi1> to vector<2048x16xi32>
    %convert_element_type3A_202 = arith.sitofp %convert_element_type3A_201 : vector<2048x16xi32> to vector<2048x16xf32>
    %iota3A_203 = tpu.iota {dimensions = array<i32: 0>} : vector<16x16xi32>
    %iota3A_204 = tpu.iota {dimensions = array<i32: 1>} : vector<16x16xi32>
    %lt3A_205 = arith.cmpi slt, %iota3A_203, %iota3A_204 : vector<16x16xi32>
    %convert_element_type3A_206 = arith.extui %lt3A_205 : vector<16x16xi1> to vector<16x16xi32>
    %convert_element_type3A_207 = arith.sitofp %convert_element_type3A_206 : vector<16x16xi32> to vector<16x16xf32>
    %dot_general3A_208 = arith.constant dense<0.000000e+00> : vector<2048x16xf32>
    %dot_general3A_209 = tpu.matmul %convert_element_type3A_202, %convert_element_type3A_207, %dot_general3A_208 {dimension_numbers = #tpu.dot_dimension_numbers<[1], [0], [0], [1], [0, 0, 1, 1], [], []>, transpose_lhs_hint = false} : vector<2048x16xf32>, vector<16x16xf32>, vector<2048x16xf32> -> vector<2048x16xf32>
    %gt3A_210 = arith.constant 0.000000e+00 : f32
    %gt3A_211 = vector.broadcast %gt3A_210 : f32 to vector<2048x16xf32>
    %gt3A_212 = arith.cmpf ogt, %convert_element_type3A_202, %gt3A_211 : vector<2048x16xf32>
    %eq3A_213 = arith.constant 0.000000e+00 : f32
    %eq3A_214 = vector.broadcast %eq3A_213 : f32 to vector<2048x16xf32>
    %eq3A_215 = arith.cmpf oeq, %dot_general3A_209, %eq3A_214 : vector<2048x16xf32>
    %and3A_216 = arith.andi %gt3A_212, %eq3A_215 : vector<2048x16xi1>
    %jit3A_217 = arith.constant 0.000000e+00 : f32
    %broadcast_in_dim3A_218 = vector.broadcast %jit3A_217 : f32 to vector<2048x16xf32>
    %select_n3A_219 = arith.select %and3A_216, %get3A_1, %broadcast_in_dim3A_218 : vector<2048x16xi1>, vector<2048x16xf32>
    %reduce_sum3A_220 = arith.constant dense<0.000000e+00> : vector<2048xf32>
    %reduce_sum3A_221 = vector.multi_reduction <add>, %select_n3A_219, %reduce_sum3A_220 [1] : vector<2048x16xf32> to vector<2048xf32>
    %jit3A_222 = arith.constant -1.000000e+00 : f32
    %broadcast_in_dim3A_223 = vector.broadcast %jit3A_222 : f32 to vector<2048x16xf32>
    %select_n3A_224 = arith.select %and3A_216, %broadcast_in_dim3A_223, %select_n3A_195 : vector<2048x16xi1>, vector<2048x16xf32>
    %reduce_max3A_225 = arith.constant dense<0xFF800000> : vector<2048xf32>
    %reduce_max3A_226 = vector.multi_reduction <maximumf>, %select_n3A_224, %reduce_max3A_225 [1] : vector<2048x16xf32> to vector<2048xf32>
    %broadcast_in_dim3A_227 = vector.shape_cast %reduce_max3A_226 : vector<2048xf32> to vector<2048x1xf32>
    %eq3A_228 = vector.broadcast %broadcast_in_dim3A_227 : vector<2048x1xf32> to vector<2048x16xf32>
    %eq3A_229 = arith.cmpf oeq, %select_n3A_224, %eq3A_228 : vector<2048x16xf32>
    %convert_element_type3A_230 = arith.extui %eq3A_229 : vector<2048x16xi1> to vector<2048x16xi32>
    %convert_element_type3A_231 = arith.sitofp %convert_element_type3A_230 : vector<2048x16xi32> to vector<2048x16xf32>
    %iota3A_232 = tpu.iota {dimensions = array<i32: 0>} : vector<16x16xi32>
    %iota3A_233 = tpu.iota {dimensions = array<i32: 1>} : vector<16x16xi32>
    %lt3A_234 = arith.cmpi slt, %iota3A_232, %iota3A_233 : vector<16x16xi32>
    %convert_element_type3A_235 = arith.extui %lt3A_234 : vector<16x16xi1> to vector<16x16xi32>
    %convert_element_type3A_236 = arith.sitofp %convert_element_type3A_235 : vector<16x16xi32> to vector<16x16xf32>
    %dot_general3A_237 = arith.constant dense<0.000000e+00> : vector<2048x16xf32>
    %dot_general3A_238 = tpu.matmul %convert_element_type3A_231, %convert_element_type3A_236, %dot_general3A_237 {dimension_numbers = #tpu.dot_dimension_numbers<[1], [0], [0], [1], [0, 0, 1, 1], [], []>, transpose_lhs_hint = false} : vector<2048x16xf32>, vector<16x16xf32>, vector<2048x16xf32> -> vector<2048x16xf32>
    %gt3A_239 = arith.constant 0.000000e+00 : f32
    %gt3A_240 = vector.broadcast %gt3A_239 : f32 to vector<2048x16xf32>
    %gt3A_241 = arith.cmpf ogt, %convert_element_type3A_231, %gt3A_240 : vector<2048x16xf32>
    %eq3A_242 = arith.constant 0.000000e+00 : f32
    %eq3A_243 = vector.broadcast %eq3A_242 : f32 to vector<2048x16xf32>
    %eq3A_244 = arith.cmpf oeq, %dot_general3A_238, %eq3A_243 : vector<2048x16xf32>
    %and3A_245 = arith.andi %gt3A_241, %eq3A_244 : vector<2048x16xi1>
    %jit3A_246 = arith.constant 0.000000e+00 : f32
    %broadcast_in_dim3A_247 = vector.broadcast %jit3A_246 : f32 to vector<2048x16xf32>
    %select_n3A_248 = arith.select %and3A_245, %get3A_1, %broadcast_in_dim3A_247 : vector<2048x16xi1>, vector<2048x16xf32>
    %reduce_sum3A_249 = arith.constant dense<0.000000e+00> : vector<2048xf32>
    %reduce_sum3A_250 = vector.multi_reduction <add>, %select_n3A_248, %reduce_sum3A_249 [1] : vector<2048x16xf32> to vector<2048xf32>
    %add3A_251 = arith.addf %reduce_sum3A_221, %reduce_sum3A_250 : vector<2048xf32>
    %add3A_252 = arith.constant 9.99999968E-21 : f32
    %add3A_253 = vector.broadcast %add3A_252 : f32 to vector<2048xf32>
    %add3A_254 = arith.addf %add3A_251, %add3A_253 : vector<2048xf32>
    %div3A_255 = arith.divf %reduce_sum3A_221, %add3A_254 : vector<2048xf32>
    %mul3A = arith.constant 2.500000e+00 : f32
    %mul3A_256 = vector.broadcast %mul3A : f32 to vector<2048xf32>
    %mul3A_257 = arith.mulf %div3A_255, %mul3A_256 : vector<2048xf32>
    %div3A_258 = arith.divf %reduce_sum3A_250, %add3A_254 : vector<2048xf32>
    %mul3A_259 = arith.constant 2.500000e+00 : f32
    %mul3A_260 = vector.broadcast %mul3A_259 : f32 to vector<2048xf32>
    %mul3A_261 = arith.mulf %div3A_258, %mul3A_260 : vector<2048xf32>
    %or3A_262 = arith.ori %and3A_216, %and3A_245 : vector<2048x16xi1>
    %convert_element_type3A_263 = arith.extui %or3A_262 : vector<2048x16xi1> to vector<2048x16xi32>
    %convert_element_type3A_264 = arith.sitofp %convert_element_type3A_263 : vector<2048x16xi32> to vector<2048x16xf32>
    %iota3A_265 = tpu.iota {dimensions = array<i32: 0>} : vector<128x128xi32>
    %iota3A_266 = tpu.iota {dimensions = array<i32: 1>} : vector<128x128xi32>
    %ge3A = arith.cmpi sge, %iota3A_265, %iota3A_266 : vector<128x128xi32>
    %convert_element_type3A_267 = arith.extui %ge3A : vector<128x128xi1> to vector<128x128xi32>
    %convert_element_type3A_268 = arith.sitofp %convert_element_type3A_267 : vector<128x128xi32> to vector<128x128xf32>
    %slice3A_269 = vector.extract_strided_slice %convert_element_type3A_264 {offsets = [0, 0], sizes = [128, 16], strides = [1, 1]} : vector<2048x16xf32> to vector<128x16xf32>
    %dot_general3A_270 = arith.constant dense<0.000000e+00> : vector<128x16xf32>
    %dot_general3A_271 = tpu.matmul %convert_element_type3A_268, %slice3A_269, %dot_general3A_270 {dimension_numbers = #tpu.dot_dimension_numbers<[1], [0], [0], [1], [0, 0, 1, 1], [], []>, transpose_lhs_hint = false} : vector<128x128xf32>, vector<128x16xf32>, vector<128x16xf32> -> vector<128x16xf32>
    %slice3A_272 = vector.extract_strided_slice %dot_general3A_271 {offsets = [127, 0], sizes = [1, 16], strides = [1, 1]} : vector<128x16xf32> to vector<1x16xf32>
    %slice3A_273 = vector.extract_strided_slice %convert_element_type3A_264 {offsets = [128, 0], sizes = [128, 16], strides = [1, 1]} : vector<2048x16xf32> to vector<128x16xf32>
    %dot_general3A_274 = arith.constant dense<0.000000e+00> : vector<128x16xf32>
    %dot_general3A_275 = tpu.matmul %convert_element_type3A_268, %slice3A_273, %dot_general3A_274 {dimension_numbers = #tpu.dot_dimension_numbers<[1], [0], [0], [1], [0, 0, 1, 1], [], []>, transpose_lhs_hint = false} : vector<128x128xf32>, vector<128x16xf32>, vector<128x16xf32> -> vector<128x16xf32>
    %slice3A_276 = vector.extract_strided_slice %dot_general3A_275 {offsets = [127, 0], sizes = [1, 16], strides = [1, 1]} : vector<128x16xf32> to vector<1x16xf32>
    %slice3A_277 = vector.extract_strided_slice %convert_element_type3A_264 {offsets = [256, 0], sizes = [128, 16], strides = [1, 1]} : vector<2048x16xf32> to vector<128x16xf32>
    %dot_general3A_278 = arith.constant dense<0.000000e+00> : vector<128x16xf32>
    %dot_general3A_279 = tpu.matmul %convert_element_type3A_268, %slice3A_277, %dot_general3A_278 {dimension_numbers = #tpu.dot_dimension_numbers<[1], [0], [0], [1], [0, 0, 1, 1], [], []>, transpose_lhs_hint = false} : vector<128x128xf32>, vector<128x16xf32>, vector<128x16xf32> -> vector<128x16xf32>
    %slice3A_280 = vector.extract_strided_slice %dot_general3A_279 {offsets = [127, 0], sizes = [1, 16], strides = [1, 1]} : vector<128x16xf32> to vector<1x16xf32>
    %slice3A_281 = vector.extract_strided_slice %convert_element_type3A_264 {offsets = [384, 0], sizes = [128, 16], strides = [1, 1]} : vector<2048x16xf32> to vector<128x16xf32>
    %dot_general3A_282 = arith.constant dense<0.000000e+00> : vector<128x16xf32>
    %dot_general3A_283 = tpu.matmul %convert_element_type3A_268, %slice3A_281, %dot_general3A_282 {dimension_numbers = #tpu.dot_dimension_numbers<[1], [0], [0], [1], [0, 0, 1, 1], [], []>, transpose_lhs_hint = false} : vector<128x128xf32>, vector<128x16xf32>, vector<128x16xf32> -> vector<128x16xf32>
    %slice3A_284 = vector.extract_strided_slice %dot_general3A_283 {offsets = [127, 0], sizes = [1, 16], strides = [1, 1]} : vector<128x16xf32> to vector<1x16xf32>
    %slice3A_285 = vector.extract_strided_slice %convert_element_type3A_264 {offsets = [512, 0], sizes = [128, 16], strides = [1, 1]} : vector<2048x16xf32> to vector<128x16xf32>
    %dot_general3A_286 = arith.constant dense<0.000000e+00> : vector<128x16xf32>
    %dot_general3A_287 = tpu.matmul %convert_element_type3A_268, %slice3A_285, %dot_general3A_286 {dimension_numbers = #tpu.dot_dimension_numbers<[1], [0], [0], [1], [0, 0, 1, 1], [], []>, transpose_lhs_hint = false} : vector<128x128xf32>, vector<128x16xf32>, vector<128x16xf32> -> vector<128x16xf32>
    %slice3A_288 = vector.extract_strided_slice %dot_general3A_287 {offsets = [127, 0], sizes = [1, 16], strides = [1, 1]} : vector<128x16xf32> to vector<1x16xf32>
    %slice3A_289 = vector.extract_strided_slice %convert_element_type3A_264 {offsets = [640, 0], sizes = [128, 16], strides = [1, 1]} : vector<2048x16xf32> to vector<128x16xf32>
    %dot_general3A_290 = arith.constant dense<0.000000e+00> : vector<128x16xf32>
    %dot_general3A_291 = tpu.matmul %convert_element_type3A_268, %slice3A_289, %dot_general3A_290 {dimension_numbers = #tpu.dot_dimension_numbers<[1], [0], [0], [1], [0, 0, 1, 1], [], []>, transpose_lhs_hint = false} : vector<128x128xf32>, vector<128x16xf32>, vector<128x16xf32> -> vector<128x16xf32>
    %slice3A_292 = vector.extract_strided_slice %dot_general3A_291 {offsets = [127, 0], sizes = [1, 16], strides = [1, 1]} : vector<128x16xf32> to vector<1x16xf32>
    %slice3A_293 = vector.extract_strided_slice %convert_element_type3A_264 {offsets = [768, 0], sizes = [128, 16], strides = [1, 1]} : vector<2048x16xf32> to vector<128x16xf32>
    %dot_general3A_294 = arith.constant dense<0.000000e+00> : vector<128x16xf32>
    %dot_general3A_295 = tpu.matmul %convert_element_type3A_268, %slice3A_293, %dot_general3A_294 {dimension_numbers = #tpu.dot_dimension_numbers<[1], [0], [0], [1], [0, 0, 1, 1], [], []>, transpose_lhs_hint = false} : vector<128x128xf32>, vector<128x16xf32>, vector<128x16xf32> -> vector<128x16xf32>
    %slice3A_296 = vector.extract_strided_slice %dot_general3A_295 {offsets = [127, 0], sizes = [1, 16], strides = [1, 1]} : vector<128x16xf32> to vector<1x16xf32>
    %slice3A_297 = vector.extract_strided_slice %convert_element_type3A_264 {offsets = [896, 0], sizes = [128, 16], strides = [1, 1]} : vector<2048x16xf32> to vector<128x16xf32>
    %dot_general3A_298 = arith.constant dense<0.000000e+00> : vector<128x16xf32>
    %dot_general3A_299 = tpu.matmul %convert_element_type3A_268, %slice3A_297, %dot_general3A_298 {dimension_numbers = #tpu.dot_dimension_numbers<[1], [0], [0], [1], [0, 0, 1, 1], [], []>, transpose_lhs_hint = false} : vector<128x128xf32>, vector<128x16xf32>, vector<128x16xf32> -> vector<128x16xf32>
    %slice3A_300 = vector.extract_strided_slice %dot_general3A_299 {offsets = [127, 0], sizes = [1, 16], strides = [1, 1]} : vector<128x16xf32> to vector<1x16xf32>
    %slice3A_301 = vector.extract_strided_slice %convert_element_type3A_264 {offsets = [1024, 0], sizes = [128, 16], strides = [1, 1]} : vector<2048x16xf32> to vector<128x16xf32>
    %dot_general3A_302 = arith.constant dense<0.000000e+00> : vector<128x16xf32>
    %dot_general3A_303 = tpu.matmul %convert_element_type3A_268, %slice3A_301, %dot_general3A_302 {dimension_numbers = #tpu.dot_dimension_numbers<[1], [0], [0], [1], [0, 0, 1, 1], [], []>, transpose_lhs_hint = false} : vector<128x128xf32>, vector<128x16xf32>, vector<128x16xf32> -> vector<128x16xf32>
    %slice3A_304 = vector.extract_strided_slice %dot_general3A_303 {offsets = [127, 0], sizes = [1, 16], strides = [1, 1]} : vector<128x16xf32> to vector<1x16xf32>
    %slice3A_305 = vector.extract_strided_slice %convert_element_type3A_264 {offsets = [1152, 0], sizes = [128, 16], strides = [1, 1]} : vector<2048x16xf32> to vector<128x16xf32>
    %dot_general3A_306 = arith.constant dense<0.000000e+00> : vector<128x16xf32>
    %dot_general3A_307 = tpu.matmul %convert_element_type3A_268, %slice3A_305, %dot_general3A_306 {dimension_numbers = #tpu.dot_dimension_numbers<[1], [0], [0], [1], [0, 0, 1, 1], [], []>, transpose_lhs_hint = false} : vector<128x128xf32>, vector<128x16xf32>, vector<128x16xf32> -> vector<128x16xf32>
    %slice3A_308 = vector.extract_strided_slice %dot_general3A_307 {offsets = [127, 0], sizes = [1, 16], strides = [1, 1]} : vector<128x16xf32> to vector<1x16xf32>
    %slice3A_309 = vector.extract_strided_slice %convert_element_type3A_264 {offsets = [1280, 0], sizes = [128, 16], strides = [1, 1]} : vector<2048x16xf32> to vector<128x16xf32>
    %dot_general3A_310 = arith.constant dense<0.000000e+00> : vector<128x16xf32>
    %dot_general3A_311 = tpu.matmul %convert_element_type3A_268, %slice3A_309, %dot_general3A_310 {dimension_numbers = #tpu.dot_dimension_numbers<[1], [0], [0], [1], [0, 0, 1, 1], [], []>, transpose_lhs_hint = false} : vector<128x128xf32>, vector<128x16xf32>, vector<128x16xf32> -> vector<128x16xf32>
    %slice3A_312 = vector.extract_strided_slice %dot_general3A_311 {offsets = [127, 0], sizes = [1, 16], strides = [1, 1]} : vector<128x16xf32> to vector<1x16xf32>
    %slice3A_313 = vector.extract_strided_slice %convert_element_type3A_264 {offsets = [1408, 0], sizes = [128, 16], strides = [1, 1]} : vector<2048x16xf32> to vector<128x16xf32>
    %dot_general3A_314 = arith.constant dense<0.000000e+00> : vector<128x16xf32>
    %dot_general3A_315 = tpu.matmul %convert_element_type3A_268, %slice3A_313, %dot_general3A_314 {dimension_numbers = #tpu.dot_dimension_numbers<[1], [0], [0], [1], [0, 0, 1, 1], [], []>, transpose_lhs_hint = false} : vector<128x128xf32>, vector<128x16xf32>, vector<128x16xf32> -> vector<128x16xf32>
    %slice3A_316 = vector.extract_strided_slice %dot_general3A_315 {offsets = [127, 0], sizes = [1, 16], strides = [1, 1]} : vector<128x16xf32> to vector<1x16xf32>
    %slice3A_317 = vector.extract_strided_slice %convert_element_type3A_264 {offsets = [1536, 0], sizes = [128, 16], strides = [1, 1]} : vector<2048x16xf32> to vector<128x16xf32>
    %dot_general3A_318 = arith.constant dense<0.000000e+00> : vector<128x16xf32>
    %dot_general3A_319 = tpu.matmul %convert_element_type3A_268, %slice3A_317, %dot_general3A_318 {dimension_numbers = #tpu.dot_dimension_numbers<[1], [0], [0], [1], [0, 0, 1, 1], [], []>, transpose_lhs_hint = false} : vector<128x128xf32>, vector<128x16xf32>, vector<128x16xf32> -> vector<128x16xf32>
    %slice3A_320 = vector.extract_strided_slice %dot_general3A_319 {offsets = [127, 0], sizes = [1, 16], strides = [1, 1]} : vector<128x16xf32> to vector<1x16xf32>
    %slice3A_321 = vector.extract_strided_slice %convert_element_type3A_264 {offsets = [1664, 0], sizes = [128, 16], strides = [1, 1]} : vector<2048x16xf32> to vector<128x16xf32>
    %dot_general3A_322 = arith.constant dense<0.000000e+00> : vector<128x16xf32>
    %dot_general3A_323 = tpu.matmul %convert_element_type3A_268, %slice3A_321, %dot_general3A_322 {dimension_numbers = #tpu.dot_dimension_numbers<[1], [0], [0], [1], [0, 0, 1, 1], [], []>, transpose_lhs_hint = false} : vector<128x128xf32>, vector<128x16xf32>, vector<128x16xf32> -> vector<128x16xf32>
    %slice3A_324 = vector.extract_strided_slice %dot_general3A_323 {offsets = [127, 0], sizes = [1, 16], strides = [1, 1]} : vector<128x16xf32> to vector<1x16xf32>
    %slice3A_325 = vector.extract_strided_slice %convert_element_type3A_264 {offsets = [1792, 0], sizes = [128, 16], strides = [1, 1]} : vector<2048x16xf32> to vector<128x16xf32>
    %dot_general3A_326 = arith.constant dense<0.000000e+00> : vector<128x16xf32>
    %dot_general3A_327 = tpu.matmul %convert_element_type3A_268, %slice3A_325, %dot_general3A_326 {dimension_numbers = #tpu.dot_dimension_numbers<[1], [0], [0], [1], [0, 0, 1, 1], [], []>, transpose_lhs_hint = false} : vector<128x128xf32>, vector<128x16xf32>, vector<128x16xf32> -> vector<128x16xf32>
    %slice3A_328 = vector.extract_strided_slice %dot_general3A_327 {offsets = [127, 0], sizes = [1, 16], strides = [1, 1]} : vector<128x16xf32> to vector<1x16xf32>
    %slice3A_329 = vector.extract_strided_slice %convert_element_type3A_264 {offsets = [1920, 0], sizes = [128, 16], strides = [1, 1]} : vector<2048x16xf32> to vector<128x16xf32>
    %dot_general3A_330 = arith.constant dense<0.000000e+00> : vector<128x16xf32>
    %dot_general3A_331 = tpu.matmul %convert_element_type3A_268, %slice3A_329, %dot_general3A_330 {dimension_numbers = #tpu.dot_dimension_numbers<[1], [0], [0], [1], [0, 0, 1, 1], [], []>, transpose_lhs_hint = false} : vector<128x128xf32>, vector<128x16xf32>, vector<128x16xf32> -> vector<128x16xf32>
    %slice3A_332 = vector.extract_strided_slice %dot_general3A_331 {offsets = [127, 0], sizes = [1, 16], strides = [1, 1]} : vector<128x16xf32> to vector<1x16xf32>
    %concatenate3A_333 = tpu.concatenate %dot_general3A_271, %dot_general3A_275, %dot_general3A_279, %dot_general3A_283, %dot_general3A_287, %dot_general3A_291, %dot_general3A_295, %dot_general3A_299, %dot_general3A_303, %dot_general3A_307, %dot_general3A_311, %dot_general3A_315, %dot_general3A_319, %dot_general3A_323, %dot_general3A_327, %dot_general3A_331 in 0 : vector<128x16xf32>, vector<128x16xf32>, vector<128x16xf32>, vector<128x16xf32>, vector<128x16xf32>, vector<128x16xf32>, vector<128x16xf32>, vector<128x16xf32>, vector<128x16xf32>, vector<128x16xf32>, vector<128x16xf32>, vector<128x16xf32>, vector<128x16xf32>, vector<128x16xf32>, vector<128x16xf32>, vector<128x16xf32> -> vector<2048x16xf32>
    %concatenate3A_334 = tpu.concatenate %slice3A_272, %slice3A_276, %slice3A_280, %slice3A_284, %slice3A_288, %slice3A_292, %slice3A_296, %slice3A_300, %slice3A_304, %slice3A_308, %slice3A_312, %slice3A_316, %slice3A_320, %slice3A_324, %slice3A_328, %slice3A_332 in 0 : vector<1x16xf32>, vector<1x16xf32>, vector<1x16xf32>, vector<1x16xf32>, vector<1x16xf32>, vector<1x16xf32>, vector<1x16xf32>, vector<1x16xf32>, vector<1x16xf32>, vector<1x16xf32>, vector<1x16xf32>, vector<1x16xf32>, vector<1x16xf32>, vector<1x16xf32>, vector<1x16xf32>, vector<1x16xf32> -> vector<16x16xf32>
    %iota3A_335 = tpu.iota {dimensions = array<i32: 1>} : vector<16x16xi32>
    %iota3A_336 = tpu.iota {dimensions = array<i32: 0>} : vector<16x16xi32>
    %lt3A_337 = arith.cmpi slt, %iota3A_335, %iota3A_336 : vector<16x16xi32>
    %convert_element_type3A_338 = arith.extui %lt3A_337 : vector<16x16xi1> to vector<16x16xi32>
    %convert_element_type3A_339 = arith.sitofp %convert_element_type3A_338 : vector<16x16xi32> to vector<16x16xf32>
    %dot_general3A_340 = arith.constant dense<0.000000e+00> : vector<16x16xf32>
    %dot_general3A_341 = tpu.matmul %convert_element_type3A_339, %concatenate3A_334, %dot_general3A_340 {dimension_numbers = #tpu.dot_dimension_numbers<[1], [0], [0], [1], [0, 0, 1, 1], [], []>, transpose_lhs_hint = false} : vector<16x16xf32>, vector<16x16xf32>, vector<16x16xf32> -> vector<16x16xf32>
    %iota3A_342 = tpu.iota {dimensions = array<i32: 0>} : vector<2048x16xi32>
    %jit3A_343 = arith.constant 128 : i32
    %div3A_344 = vector.broadcast %jit3A_343 : i32 to vector<2048x16xi32>
    %div3A_345 = arith.divsi %iota3A_342, %div3A_344 : vector<2048x16xi32>
    %sign3A_346 = arith.constant 0 : i32
    %sign3A_347 = vector.broadcast %sign3A_346 : i32 to vector<2048x16xi32>
    %sign3A_348 = arith.cmpi sgt, %iota3A_342, %sign3A_347 : vector<2048x16xi32>
    %sign3A_349 = arith.extui %sign3A_348 : vector<2048x16xi1> to vector<2048x16xi32>
    %sign3A_350 = arith.constant 0 : i32
    %sign3A_351 = vector.broadcast %sign3A_350 : i32 to vector<2048x16xi32>
    %sign3A_352 = arith.cmpi slt, %iota3A_342, %sign3A_351 : vector<2048x16xi32>
    %sign3A_353 = arith.extui %sign3A_352 : vector<2048x16xi1> to vector<2048x16xi32>
    %sign3A_354 = arith.subi %sign3A_349, %sign3A_353 : vector<2048x16xi32>
    %sign3A_355 = arith.constant 0 : i32
    %sign3A_356 = arith.cmpi sgt, %jit3A_343, %sign3A_355 : i32
    %sign3A_357 = arith.extui %sign3A_356 : i1 to i32
    %sign3A_358 = arith.constant 0 : i32
    %sign3A_359 = arith.cmpi slt, %jit3A_343, %sign3A_358 : i32
    %sign3A_360 = arith.extui %sign3A_359 : i1 to i32
    %sign3A_361 = arith.subi %sign3A_357, %sign3A_360 : i32
    %ne3A_362 = vector.broadcast %sign3A_361 : i32 to vector<2048x16xi32>
    %ne3A_363 = arith.cmpi ne, %sign3A_354, %ne3A_362 : vector<2048x16xi32>
    %rem3A_364 = vector.broadcast %jit3A_343 : i32 to vector<2048x16xi32>
    %rem3A_365 = arith.remsi %iota3A_342, %rem3A_364 : vector<2048x16xi32>
    %ne3A_366 = arith.constant 0 : i32
    %ne3A_367 = vector.broadcast %ne3A_366 : i32 to vector<2048x16xi32>
    %ne3A_368 = arith.cmpi ne, %rem3A_365, %ne3A_367 : vector<2048x16xi32>
    %and3A_369 = arith.andi %ne3A_363, %ne3A_368 : vector<2048x16xi1>
    %sub3A_370 = arith.constant 1 : i32
    %sub3A_371 = vector.broadcast %sub3A_370 : i32 to vector<2048x16xi32>
    %sub3A_372 = arith.subi %div3A_345, %sub3A_371 : vector<2048x16xi32>
    %select_n3A_373 = arith.select %and3A_369, %sub3A_372, %div3A_345 : vector<2048x16xi1>, vector<2048x16xi32>
    %iota3A_374 = tpu.iota {dimensions = array<i32: 1>} : vector<2048x16xi32>
    %eq3A_375 = arith.cmpi eq, %select_n3A_373, %iota3A_374 : vector<2048x16xi32>
    %convert_element_type3A_376 = arith.extui %eq3A_375 : vector<2048x16xi1> to vector<2048x16xi32>
    %convert_element_type3A_377 = arith.sitofp %convert_element_type3A_376 : vector<2048x16xi32> to vector<2048x16xf32>
    %dot_general3A_378 = arith.constant dense<0.000000e+00> : vector<2048x16xf32>
    %dot_general3A_379 = tpu.matmul %convert_element_type3A_377, %dot_general3A_341, %dot_general3A_378 {dimension_numbers = #tpu.dot_dimension_numbers<[1], [0], [0], [1], [0, 0, 1, 1], [], []>, precision = #tpu.contract_precision<fp32>, transpose_lhs_hint = false} : vector<2048x16xf32>, vector<16x16xf32>, vector<2048x16xf32> -> vector<2048x16xf32>
    %add3A_380 = arith.addf %dot_general3A_379, %concatenate3A_333 : vector<2048x16xf32>
    %sub3A_381 = arith.subf %add3A_380, %convert_element_type3A_264 : vector<2048x16xf32>
    %add3A_382 = arith.addf %dot_general3A_341, %concatenate3A_334 : vector<16x16xf32>
    %slice3A_383 = vector.extract_strided_slice %add3A_382 {offsets = [15, 0], sizes = [1, 16], strides = [1, 1]} : vector<16x16xf32> to vector<1x16xf32>
    %convert_element_type3A_384 = arith.fptosi %slice3A_383 : vector<1x16xf32> to vector<1x16xi32>
    %add3A_385 = arith.constant 128 : i32
    %add3A_386 = vector.broadcast %add3A_385 : i32 to vector<1x16xi32>
    %add3A_387 = arith.addi %convert_element_type3A_384, %add3A_386 : vector<1x16xi32>
    %sub3A_388 = arith.constant 1 : i32
    %sub3A_389 = vector.broadcast %sub3A_388 : i32 to vector<1x16xi32>
    %sub3A_390 = arith.subi %add3A_387, %sub3A_389 : vector<1x16xi32>
    %jit3A_391 = arith.constant 128 : i32
    %div3A_392 = vector.broadcast %jit3A_391 : i32 to vector<1x16xi32>
    %div3A_393 = arith.divsi %sub3A_390, %div3A_392 : vector<1x16xi32>
    %sign3A_394 = arith.constant 0 : i32
    %sign3A_395 = vector.broadcast %sign3A_394 : i32 to vector<1x16xi32>
    %sign3A_396 = arith.cmpi sgt, %sub3A_390, %sign3A_395 : vector<1x16xi32>
    %sign3A_397 = arith.extui %sign3A_396 : vector<1x16xi1> to vector<1x16xi32>
    %sign3A_398 = arith.constant 0 : i32
    %sign3A_399 = vector.broadcast %sign3A_398 : i32 to vector<1x16xi32>
    %sign3A_400 = arith.cmpi slt, %sub3A_390, %sign3A_399 : vector<1x16xi32>
    %sign3A_401 = arith.extui %sign3A_400 : vector<1x16xi1> to vector<1x16xi32>
    %sign3A_402 = arith.subi %sign3A_397, %sign3A_401 : vector<1x16xi32>
    %sign3A_403 = arith.constant 0 : i32
    %sign3A_404 = arith.cmpi sgt, %jit3A_391, %sign3A_403 : i32
    %sign3A_405 = arith.extui %sign3A_404 : i1 to i32
    %sign3A_406 = arith.constant 0 : i32
    %sign3A_407 = arith.cmpi slt, %jit3A_391, %sign3A_406 : i32
    %sign3A_408 = arith.extui %sign3A_407 : i1 to i32
    %sign3A_409 = arith.subi %sign3A_405, %sign3A_408 : i32
    %ne3A_410 = vector.broadcast %sign3A_409 : i32 to vector<1x16xi32>
    %ne3A_411 = arith.cmpi ne, %sign3A_402, %ne3A_410 : vector<1x16xi32>
    %rem3A_412 = vector.broadcast %jit3A_391 : i32 to vector<1x16xi32>
    %rem3A_413 = arith.remsi %sub3A_390, %rem3A_412 : vector<1x16xi32>
    %ne3A_414 = arith.constant 0 : i32
    %ne3A_415 = vector.broadcast %ne3A_414 : i32 to vector<1x16xi32>
    %ne3A_416 = arith.cmpi ne, %rem3A_413, %ne3A_415 : vector<1x16xi32>
    %and3A_417 = arith.andi %ne3A_411, %ne3A_416 : vector<1x16xi1>
    %sub3A_418 = arith.constant 1 : i32
    %sub3A_419 = vector.broadcast %sub3A_418 : i32 to vector<1x16xi32>
    %sub3A_420 = arith.subi %div3A_393, %sub3A_419 : vector<1x16xi32>
    %select_n3A_421 = arith.select %and3A_417, %sub3A_420, %div3A_393 : vector<1x16xi1>, vector<1x16xi32>
    %iota3A_422 = tpu.iota {dimensions = array<i32: 0>} : vector<16x16xi32>
    %iota3A_423 = tpu.iota {dimensions = array<i32: 1>} : vector<16x16xi32>
    %lt3A_424 = arith.cmpi slt, %iota3A_422, %iota3A_423 : vector<16x16xi32>
    %convert_element_type3A_425 = arith.extui %lt3A_424 : vector<16x16xi1> to vector<16x16xi32>
    %convert_element_type3A_426 = arith.sitofp %convert_element_type3A_425 : vector<16x16xi32> to vector<16x16xf32>
    %convert_element_type3A_427 = arith.sitofp %select_n3A_421 : vector<1x16xi32> to vector<1x16xf32>
    %dot_general3A_428 = arith.constant dense<0.000000e+00> : vector<1x16xf32>
    %dot_general3A_429 = tpu.matmul %convert_element_type3A_427, %convert_element_type3A_426, %dot_general3A_428 {dimension_numbers = #tpu.dot_dimension_numbers<[1], [0], [0], [1], [0, 0, 1, 1], [], []>, precision = #tpu.contract_precision<fp32>, transpose_lhs_hint = false} : vector<1x16xf32>, vector<16x16xf32>, vector<1x16xf32> -> vector<1x16xf32>
    %mul3A_430 = arith.constant 1.280000e+02 : f32
    %mul3A_431 = vector.broadcast %mul3A_430 : f32 to vector<1x16xf32>
    %mul3A_432 = arith.mulf %dot_general3A_429, %mul3A_431 : vector<1x16xf32>
    %add3A_433 = vector.broadcast %mul3A_432 : vector<1x16xf32> to vector<2048x16xf32>
    %add3A_434 = arith.addf %add3A_433, %sub3A_381 : vector<2048x16xf32>
    %jit3A_435 = arith.constant 0.000000e+00 : f32
    %broadcast_in_dim3A_436 = vector.broadcast %jit3A_435 : f32 to vector<2048x16xf32>
    %select_n3A_437 = arith.select %and3A_216, %add3A_434, %broadcast_in_dim3A_436 : vector<2048x16xi1>, vector<2048x16xf32>
    %reduce_sum3A_438 = arith.constant dense<0.000000e+00> : vector<2048xf32>
    %reduce_sum3A_439 = vector.multi_reduction <add>, %select_n3A_437, %reduce_sum3A_438 [1] : vector<2048x16xf32> to vector<2048xf32>
    %add3A_440 = vector.broadcast %mul3A_432 : vector<1x16xf32> to vector<2048x16xf32>
    %add3A_441 = arith.addf %add3A_440, %sub3A_381 : vector<2048x16xf32>
    %jit3A_442 = arith.constant 0.000000e+00 : f32
    %broadcast_in_dim3A_443 = vector.broadcast %jit3A_442 : f32 to vector<2048x16xf32>
    %select_n3A_444 = arith.select %and3A_245, %add3A_441, %broadcast_in_dim3A_443 : vector<2048x16xi1>, vector<2048x16xf32>
    %reduce_sum3A_445 = arith.constant dense<0.000000e+00> : vector<2048xf32>
    %reduce_sum3A_446 = vector.multi_reduction <add>, %select_n3A_444, %reduce_sum3A_445 [1] : vector<2048x16xf32> to vector<2048xf32>
    %broadcast_in_dim3A_447 = vector.shape_cast %reduce_sum3A_439 : vector<2048xf32> to vector<1x2048xf32>
    %convert_element_type3A_448 = arith.fptosi %broadcast_in_dim3A_447 : vector<1x2048xf32> to vector<1x2048xi32>
    %broadcast_in_dim3A_449 = vector.shape_cast %reduce_sum3A_446 : vector<2048xf32> to vector<1x2048xf32>
    %convert_element_type3A_450 = arith.fptosi %broadcast_in_dim3A_449 : vector<1x2048xf32> to vector<1x2048xi32>
    %concatenate3A_451 = tpu.concatenate %convert_element_type3A_448, %convert_element_type3A_450 in 0 : vector<1x2048xi32>, vector<1x2048xi32> -> vector<2x2048xi32>
    %swap3A = arith.constant 0 : index
    %swap3A_452 = arith.constant 0 : index
    %swap3A_453 = vector.load %arg1[%swap3A, %swap3A_452] : memref<2x2048xi32, #tpu.memory_space<vmem>>, vector<2x2048xi32>
    tpu.vector_store %arg1[%swap3A, %swap3A_452], %concatenate3A_451 {strides = array<i32>} : memref<2x2048xi32, #tpu.memory_space<vmem>>, vector<2x2048xi32>,
    %broadcast_in_dim3A_454 = vector.shape_cast %mul3A_257 : vector<2048xf32> to vector<1x2048xf32>
    %broadcast_in_dim3A_455 = vector.shape_cast %mul3A_261 : vector<2048xf32> to vector<1x2048xf32>
    %concatenate3A_456 = tpu.concatenate %broadcast_in_dim3A_454, %broadcast_in_dim3A_455 in 0 : vector<1x2048xf32>, vector<1x2048xf32> -> vector<2x2048xf32>
    %swap3A_457 = arith.constant 0 : index
    %swap3A_458 = arith.constant 0 : index
    %swap3A_459 = vector.load %arg2[%swap3A_457, %swap3A_458] : memref<2x2048xf32, #tpu.memory_space<vmem>>, vector<2x2048xf32>
    tpu.vector_store %arg2[%swap3A_457, %swap3A_458], %concatenate3A_456 {strides = array<i32>} : memref<2x2048xf32, #tpu.memory_space<vmem>>, vector<2x2048xf32>,
    %convert_element_type3A_460 = arith.sitofp %select_n3A_421 : vector<1x16xi32> to vector<1x16xf32>
    %add3A_461 = arith.addf %dot_general3A_429, %convert_element_type3A_460 : vector<1x16xf32>
    %iota3A_462 = tpu.iota {dimensions = array<i32: 0>} : vector<48x16xi32>
    %convert_element_type3A_463 = arith.sitofp %iota3A_462 : vector<48x16xi32> to vector<48x16xf32>
    %ge3A_464 = vector.broadcast %add3A_461 : vector<1x16xf32> to vector<48x16xf32>
    %ge3A_465 = arith.cmpf oge, %convert_element_type3A_463, %ge3A_464 : vector<48x16xf32>
    %convert_element_type3A_466 = arith.extui %ge3A_465 : vector<48x16xi1> to vector<48x16xi32>
    %reduce_sum3A_467 = arith.constant dense<0> : vector<48xi32>
    %reduce_sum3A_468 = vector.multi_reduction <add>, %convert_element_type3A_466, %reduce_sum3A_467 [1] : vector<48x16xi32> to vector<48xi32>
    %reduce_sum3A_469 = arith.constant dense<0> : vector<1xi32>
    %reduce_sum3A_470 = vector.multi_reduction <add>, %select_n3A_421, %reduce_sum3A_469 [1] : vector<1x16xi32> to vector<1xi32>
    %squeeze3A = vector.extract %reduce_sum3A_470[0] : i32 from vector<1xi32>
    %min3A = arith.constant 15 : i32
    %min3A_471 = vector.broadcast %min3A : i32 to vector<48xi32>
    %min3A_472 = arith.minsi %reduce_sum3A_468, %min3A_471 : vector<48xi32>
    %broadcast_in_dim3A_473 = vector.shape_cast %min3A_472 : vector<48xi32> to vector<1x48xi32>
    %broadcast_in_dim3A_474 = vector.broadcast %squeeze3A : i32 to vector<1x48xi32>
    %concatenate3A_475 = tpu.concatenate %broadcast_in_dim3A_473, %broadcast_in_dim3A_474 in 1 : vector<1x48xi32>, vector<1x48xi32> -> vector<1x96xi32>
    %swap3A_476 = arith.constant 0 : index
    %swap3A_477 = arith.constant 0 : index
    %swap3A_478 = vector.load %arg3[%swap3A_476, %swap3A_477] : memref<1x96xi32, #tpu.memory_space<vmem>>, vector<1x96xi32>
    tpu.vector_store %arg3[%swap3A_476, %swap3A_477], %concatenate3A_475 {strides = array<i32>} : memref<1x96xi32, #tpu.memory_space<vmem>>, vector<1x96xi32>,
    return
  }
}

module attributes {stable_mosaic.version = 14 : i64} {
  func.func @_mm_kernel(%arg0: i32, %arg1: memref<96xi32, #tpu.memory_space<smem>>, %arg2: memref<128x1024xf32, #tpu.memory_space<vmem>>, %arg3: memref<1x512x1024xf32, #tpu.memory_space<vmem>>, %arg4: memref<1x1024x512xf32, #tpu.memory_space<vmem>>, %arg5: memref<1x1x128xf32, #tpu.memory_space<vmem>>, %arg6: memref<128x1024xf32, #tpu.memory_space<vmem>>) attributes {dimension_semantics = [#tpu.dimension_semantics<arbitrary>], iteration_bounds = array<i64: 48>, scalar_prefetch = 1 : i64, scratch_operands = 0 : i64, tpu.core_type = #tpu.core_type<tc>, window_params = [{transform_indices = @transform_0, window_bounds = array<i64: 128, 1024>}, {transform_indices = @transform_1, window_bounds = array<i64: 1, 512, 1024>}, {transform_indices = @transform_2, window_bounds = array<i64: 1, 1024, 512>}, {transform_indices = @transform_3, window_bounds = array<i64: 1, 1, 128>}, {transform_indices = @transform_4, window_bounds = array<i64: 128, 1024>}]} {
    %get3A = arith.constant 48 : index
    %get3A_0 = memref.load %arg1[%get3A] : memref<96xi32, #tpu.memory_space<smem>>
    %lt3A = arith.cmpi slt, %arg0, %get3A_0 : i32
    %convert_element_type3A = arith.extui %lt3A : i1 to i32
    %cond3A = arith.constant 0 : i32
    %cond3A_1 = arith.cmpi ne, %convert_element_type3A, %cond3A : i32
    scf.if %cond3A_1 {
      %get3A_2 = arith.constant 0 : index
      %get3A_3 = arith.constant 0 : index
      %get3A_4 = vector.load %arg2[%get3A_2, %get3A_3] : memref<128x1024xf32, #tpu.memory_space<vmem>>, vector<128x1024xf32>
      %get3A_5 = arith.constant 0 : index
      %get3A_6 = arith.constant 0 : index
      %get3A_7 = arith.constant 0 : index
      %get3A_8 = vector.load %arg3[%get3A_5, %get3A_6, %get3A_7] : memref<1x512x1024xf32, #tpu.memory_space<vmem>>, vector<1x512x1024xf32>
      %get3A_9 = vector.shape_cast %get3A_8 : vector<1x512x1024xf32> to vector<512x1024xf32>
      %dot_general3A = arith.constant dense<0.000000e+00> : vector<128x512xf32>
      %dot_general3A_10 = tpu.matmul %get3A_4, %get3A_9, %dot_general3A {dimension_numbers = #tpu.dot_dimension_numbers<[1], [1], [0], [0], [0, 0, 1, 0], [], []>, transpose_lhs_hint = false} : vector<128x1024xf32>, vector<512x1024xf32>, vector<128x512xf32> -> vector<128x512xf32>
      %max3A = arith.constant 0.000000e+00 : f32
      %max3A_11 = vector.broadcast %max3A : f32 to vector<128x512xf32>
      %max3A_12 = arith.maximumf %dot_general3A_10, %max3A_11 : vector<128x512xf32>
      %square3A = arith.mulf %max3A_12, %max3A_12 : vector<128x512xf32>
      %get3A_13 = arith.constant 0 : index
      %get3A_14 = arith.constant 0 : index
      %get3A_15 = arith.constant 0 : index
      %get3A_16 = vector.load %arg4[%get3A_13, %get3A_14, %get3A_15] : memref<1x1024x512xf32, #tpu.memory_space<vmem>>, vector<1x1024x512xf32>
      %get3A_17 = vector.shape_cast %get3A_16 : vector<1x1024x512xf32> to vector<1024x512xf32>
      %dot_general3A_18 = arith.constant dense<0.000000e+00> : vector<128x1024xf32>
      %dot_general3A_19 = tpu.matmul %square3A, %get3A_17, %dot_general3A_18 {dimension_numbers = #tpu.dot_dimension_numbers<[1], [1], [0], [0], [0, 0, 1, 0], [], []>, transpose_lhs_hint = false} : vector<128x512xf32>, vector<1024x512xf32>, vector<128x1024xf32> -> vector<128x1024xf32>
      %get3A_20 = arith.constant 0 : index
      %get3A_21 = arith.constant 0 : index
      %get3A_22 = arith.constant 0 : index
      %get3A_23 = vector.load %arg5[%get3A_20, %get3A_21, %get3A_22] : memref<1x1x128xf32, #tpu.memory_space<vmem>>, vector<1x1x128xf32>
      %get3A_24 = vector.shape_cast %get3A_23 : vector<1x1x128xf32> to vector<128xf32>
      %broadcast_in_dim3A = vector.shape_cast %get3A_24 : vector<128xf32> to vector<128x1xf32>
      %mul3A = vector.broadcast %broadcast_in_dim3A : vector<128x1xf32> to vector<128x1024xf32>
      %mul3A_25 = arith.mulf %dot_general3A_19, %mul3A : vector<128x1024xf32>
      %swap3A = arith.constant 0 : index
      %swap3A_26 = arith.constant 0 : index
      %swap3A_27 = vector.load %arg6[%swap3A, %swap3A_26] : memref<128x1024xf32, #tpu.memory_space<vmem>>, vector<128x1024xf32>
      tpu.vector_store %arg6[%swap3A, %swap3A_26], %mul3A_25 {strides = array<i32>} : memref<128x1024xf32, #tpu.memory_space<vmem>>, vector<128x1024xf32>,
    } else {
    }
    return
  }
  func.func @transform_0(%arg0: i32, %arg1: memref<96xi32, #tpu.memory_space<smem>>) -> (i32, i32) {
    %c0_i32 = arith.constant 0 : i32
    %c0_i32_0 = arith.constant 0 : i32
    return %arg0, %c0_i32 : i32, i32
  }
  func.func @transform_1(%arg0: i32, %arg1: memref<96xi32, #tpu.memory_space<smem>>) -> (i32, i32, i32) {
    %get3A = arith.index_cast %arg0 : i32 to index
    %get3A_0 = memref.load %arg1[%get3A] : memref<96xi32, #tpu.memory_space<smem>>
    %c0_i32 = arith.constant 0 : i32
    %c0_i32_1 = arith.constant 0 : i32
    %c0_i32_2 = arith.constant 0 : i32
    return %get3A_0, %c0_i32, %c0_i32_1 : i32, i32, i32
  }
  func.func @transform_2(%arg0: i32, %arg1: memref<96xi32, #tpu.memory_space<smem>>) -> (i32, i32, i32) {
    %get3A = arith.index_cast %arg0 : i32 to index
    %get3A_0 = memref.load %arg1[%get3A] : memref<96xi32, #tpu.memory_space<smem>>
    %c0_i32 = arith.constant 0 : i32
    %c0_i32_1 = arith.constant 0 : i32
    %c0_i32_2 = arith.constant 0 : i32
    return %get3A_0, %c0_i32, %c0_i32_1 : i32, i32, i32
  }
  func.func @transform_3(%arg0: i32, %arg1: memref<96xi32, #tpu.memory_space<smem>>) -> (i32, i32, i32) {
    %c0_i32 = arith.constant 0 : i32
    %c0_i32_0 = arith.constant 0 : i32
    %c0_i32_1 = arith.constant 0 : i32
    return %arg0, %c0_i32, %c0_i32_0 : i32, i32, i32
  }
  func.func @transform_4(%arg0: i32, %arg1: memref<96xi32, #tpu.memory_space<smem>>) -> (i32, i32) {
    %c0_i32 = arith.constant 0 : i32
    %c0_i32_0 = arith.constant 0 : i32
    return %arg0, %c0_i32 : i32, i32
  }
}

</mosaic_0001>

<sc_bundles>
// kernel: kernel.10.cloned.1.call-start
scs
__scs_entry_jumppad:
0x0: {  	(pc) =	sbr.rel $0x88, $3  }
0x1: {  	(tag) =	ssettag $0x0;
	lr =	simm.s32 $0x1  }
0x2: {  	[smem:$0x3F9A] =	sst lr;
	_ =	strace $0xD0000000  }
0x3: {  	_ = 	snop  }
0x4: {  	_ = 	snop  }
0x5: {  	_ = 	snop  }
0x6: {  	_ = 	snop  }
0x7: {  	_ = 	snop  }
__scs_overlays_trampoline_lowered:
0x8: {  	[smem:$0x3FA9] =	sst s0  }
0x9: {  	[smem:$0x3FAA] =	sst s1  }
0xa: {  	[smem:$0x3FAB] =	sst s2  }
0xb: {  	[smem:$0x3FAC] =	sst s3  }
0xc: {  	[smem:$0x3FAD] =	sst s4  }
0xd: {  	[smem:$0x3FAE] =	sst s5  }
0xe: {  	[smem:$0x3FAF] =	sst s6  }
0xf: {  	[smem:$0x3FB0] =	sst s7  }
0x10: {  	[smem:$0x3FB1] =	sst s8  }
0x11: {  	[smem:$0x3FB2] =	sst s9;
	s0 =	simm.s32 @!p0 $0x0  }
0x12: {  	s1 =	sld [smem:$0x3F98];
	s0 =	simm.s32 @p0 $0x1  }
0x13: {  	[smem:$0x3FB3] =	sst s0;
	s0 =	simm.s32 @!p1 $0x0  }
0x14: {  	s2 =	sld [smem:$0x3F97];
	s0 =	simm.s32 @p1 $0x1  }
0x15: {  	[smem:$0x3FB4] =	sst s0;
	s0 =	simm.s32 @!p2 $0x0  }
0x16: {  	s3 =	sld [smem:$0x3FDB];
	s0 =	simm.s32 @p2 $0x1  }
0x17: {  	s4 =	simm.s32 $0x1BF5;
	[smem:$0x3FB6] =	sst s0  }
0x18: {  	s0 =	sld [smem:$0x3F99];
	_ =	swait.ge [sflag:s4], $0x0  }
0x19: {  	s7 =	sld [smem:$0x3F9A]  }
0x1a: {  	s8 =	sadd.s32 $0xFFFFE003, lr  }
0x1b: {  	s9 =	sadd.s32 $0xFFFFFEF7, lr;
	s5 =	simm.s32 $0xFFFFFFFF;
	p2 =	slt.u32 s8, $0xFFFFF086  }
0x1c: {  	p1 =	slt.u32 s9, $0xF7A;
	s5 =	simm.s32 @!p2 $0x0  }
0x1d: {  	s5 =	simm.s32 @p1 $0x1;
	p0 =	seq.s32 s7, s2  }
0x1e: {  	s7 =	smul.u32 @!p0 $0xF7A, s2;
	p2 =	seq.s32 @!p0 s5, $0x0  }
0x1f: {  	s9 =	smul.u32 $0xF7A, s1;
	s8 =	simm.s32 @!p0 $0x1BF5;
	p2 =	por !p2, p0  }
0x20: {  	[sflag:s8] =	ssyncset.s32 @!p0 $0xFFFFF086;
	s6 =	sadd.s32 @!p0 s3, s7;
	s7 =	simm.s32 @!p0 $0x108  }
0x21: {  	s3 =	sadd.s32 s3, s9;
	s6 =	sadd.s32 @!p0 $0x88, s6;
	s7 =	simm.s32 @p2 $0x1082  }
0x22: {  	[simem:s7], [sflag:s8] =	dma.local @!p0 [hbm:s6], $0xF7A  }
0x23: {  	s9 =	sor.u32 $0xD0000000, s2;
	s6 =	simm.s32 $0x108;
	_ =	swait.ge @!p0 [sflag:s8], $0x0  }
0x24: {  	s3 =	sadd.s32 $0x88, s3;
	s6 =	simm.s32 @!p1 $0x1082;
	[sflag:s4] =	ssyncset.s32 $0xFFFFF086  }
0x25: {  	[simem:s6], [sflag:s4] =	dma.local [hbm:s3], $0xF7A  }
0x26: {  	[smem:$0x3F9A] =	sst s1;
	(tag) =	ssettag s2;
	_ =	strace s9  }
0x27: {  	s1 =	sld [smem:$0x3FAA]  }
0x28: {  	s2 =	sld [smem:$0x3FAB]  }
0x29: {  	s4 =	sld [smem:$0x3FAD]  }
0x2a: {  	p0 =	seq.s32 s5, $0x0;
	s5 =	sld [smem:$0x3FAE]  }
0x2b: {  	s6 =	sld [smem:$0x3FAF]  }
0x2c: {  	s7 =	sld [smem:$0x3FB0]  }
0x2d: {  	s3 =	simm.s32 $0x108;
	s8 =	sld [smem:$0x3FB1]  }
0x2e: {  	s3 =	simm.s32 @!p0 $0x1082;
	s9 =	sld [smem:$0x3FB2]  }
0x2f: {  	lr =	sadd.s32 s0, s3;
	s0 =	sld [smem:$0x3FA9]  }
0x30: {  	s3 =	sld [smem:$0x3FAC]  }
0x31: {  	[smem:$0x3FB5] =	sst s10  }
0x32: {  	s10 =	sld [smem:$0x3FB3];
	_ =	sdelay $0x3  }
0x33: {  	p0 =	seq.s32 s10, $0x1;
	s10 =	sld [smem:$0x3FB5];
	_ =	sdelay $0x3  }
0x34: {  	[smem:$0x3FB5] =	sst s10  }
0x35: {  	s10 =	sld [smem:$0x3FB4];
	_ =	sdelay $0x3  }
0x36: {  	p1 =	seq.s32 s10, $0x1;
	s10 =	sld [smem:$0x3FB5];
	_ =	sdelay $0x3  }
0x37: {  	[smem:$0x3FB5] =	sst s10  }
0x38: {  	s10 =	sld [smem:$0x3FB6]  }
0x39: {  	_ = 	snop;
	(pc) =	sbr.ind lr, $3  }
0x3a: {  	_ = 	snop  }
0x3b: {  	_ = 	snop  }
0x3c: {  	p2 =	seq.s32 s10, $0x1;
	s10 =	sld [smem:$0x3FB5]  }
0x3d: {  	_ =	shalt  }
0x3e: {  	_ =	shalt  }
0x3f: {  	_ =	shalt  }
0x40: {  	_ =	shalt  }
0x41: {  	_ =	shalt  }
0x42: {  	_ =	shalt  }
0x43: {  	_ =	shalt  }
0x44: {  	_ =	shalt  }
0x45: {  	_ =	shalt  }
0x46: {  	_ =	shalt  }
0x47: {  	_ =	shalt  }
0x48: {  	_ =	shalt  }
0x49: {  	_ =	shalt  }
0x4a: {  	_ =	shalt  }
0x4b: {  	_ =	shalt  }
0x4c: {  	_ =	shalt  }
0x4d: {  	_ =	shalt  }
0x4e: {  	_ =	shalt  }
0x4f: {  	_ =	shalt  }
0x50: {  	_ =	shalt  }
0x51: {  	_ =	shalt  }
0x52: {  	_ =	shalt  }
0x53: {  	_ =	shalt  }
0x54: {  	_ =	shalt  }
0x55: {  	_ =	shalt  }
0x56: {  	_ =	shalt  }
0x57: {  	_ =	shalt  }
0x58: {  	_ =	shalt  }
0x59: {  	_ =	shalt  }
0x5a: {  	_ =	shalt  }
0x5b: {  	_ =	shalt  }
0x5c: {  	_ =	shalt  }
0x5d: {  	_ =	shalt  }
0x5e: {  	_ =	shalt  }
0x5f: {  	_ =	shalt  }
0x60: {  	_ =	shalt  }
0x61: {  	_ =	shalt  }
0x62: {  	_ =	shalt  }
0x63: {  	_ =	shalt  }
0x64: {  	_ =	shalt  }
0x65: {  	_ =	shalt  }
0x66: {  	_ =	shalt  }
0x67: {  	_ =	shalt  }
0x68: {  	_ =	shalt  }
0x69: {  	_ =	shalt  }
0x6a: {  	_ =	shalt  }
0x6b: {  	_ =	shalt  }
0x6c: {  	_ =	shalt  }
0x6d: {  	_ =	shalt  }
0x6e: {  	_ =	shalt  }
0x6f: {  	_ =	shalt  }
0x70: {  	_ =	shalt  }
0x71: {  	_ =	shalt  }
0x72: {  	_ =	shalt  }
0x73: {  	_ =	shalt  }
0x74: {  	_ =	shalt  }
0x75: {  	_ =	shalt  }
0x76: {  	_ =	shalt  }
0x77: {  	_ =	shalt  }
0x78: {  	_ =	shalt  }
0x79: {  	_ =	shalt  }
0x7a: {  	_ =	shalt  }
0x7b: {  	_ =	shalt  }
0x7c: {  	_ =	shalt  }
0x7d: {  	_ =	shalt  }
0x7e: {  	_ =	shalt  }
0x7f: {  	_ =	shalt  }
0x80: {  	_ =	shalt  }
0x81: {  	_ =	shalt  }
0x82: {  	_ =	shalt  }
0x83: {  	_ =	shalt  }
0x84: {  	_ =	shalt  }
0x85: {  	_ =	shalt  }
0x86: {  	_ =	shalt  }
0x87: {  	_ =	shalt  }
.Lfunc_end0:
.L_simem_size_0:
called_computation.1_lowered:
.L_overlay_start_0:
0x88: {  	s2 =	sld [smem:$0x3FD9]  }
0x89: {  	s3 =	sld [smem:$0x3FFE];
	_ =	sdelay $0x1  }
0x8a: {  	s1 =	srdreg.scid  }
0x8b: {  	s0 =	sand.u32 $0x1, s1  }
0x8c: {  	s17 =	sshll.u32 s0, $0xA;
	s2 =	sadd.s32 s3, s2  }
0x8d: {  	s2 =	sadd.s32 s2, s17  }
0x8e: {  	[smem:$0x3FC1] =	sst s2  }
0x8f: {  	_ = 	snop  }
0x90: {  	s2 =	sld [smem:$0x3FD0];
	(tm) =	ssettm $0x1  }
0x91: {  	s18 =	sld [smem:$0x3FFB];
	_ =	sdelay $0x3  }
0x92: {  	_ =	strace s18  }
0x93: {  	s3 =	sld [smem:$0x3FFC];
	_ =	sdelay $0x3  }
0x94: {  	_ =	strace s3  }
0x95: {  	s3 =	sld [smem:$0x3FFD];
	_ =	sdelay $0x3  }
0x96: {  	_ =	strace s3  }
0x97: {  	_ =	strace $0x8FFFFFFF  }
0x98: {  	s19 =	sld [smem:$0x3FDB];
	_ =	sdelay $0x1  }
0x99: {  	s4 =	simm.s32 $_scs_section_size  }
0x9a: {  	s5 =	simm.s32 $_size__tile_overlayer_lowered;
	s6 =	simm.s32 $_tile_overlayer_lowered  }
0x9b: {  	s22 =	simm.s32 $0x1BFF;
	s21 =	sshll.u32 s6, $0x1;
	s3 =	sadd.s32 s4, s19  }
0x9c: {  	s7 =	simm.s32 $0x0;
	s20 =	sshll.u32 s5, $0x1;
	s5 =	sadd.s32 s21, s3  }
0x9d: {  	[timem:s7], [sflag:s22] =	dma.local [hbm:s5], s20  }
0x9e: {  	_ =	swait.ge [sflag:s22], s20  }
0x9f: {  	s4 =	ssub.s32 $0x0, s20;
	[sflag:s22] =	ssyncset.done $0x0  }
0xa0: {  	[sflag:s22] =	ssyncadd.s32 s4;
	_ =	sdelay $0x1  }
0xa1: {  	s23 =	simm.s32 $0x1B8B  }
0xa2: {  	_ =	swait.ge [sflag:s23], $0x1  }
0xa3: {  	[sflag:s23] =	ssyncset.done $0x0  }
0xa4: {  	s25 =	simm.s32 $0x1B8E;
	s24 =	sld [smem:$0x3FFE];
	[sflag:s23] =	ssyncadd.s32 $0xFFFFFFFF  }
0xa5: {  	s26 =	simm.s32 $execute0_lowered;
	[smem:$0x3FD2] =	sst s25  }
0xa6: {  	s5 =	sshll.u32 s26, $0x1;
	_ =	strace $0x80000049;
	[dreg:$0x1] =	wrdreg $0xFFFFFFFF  }
0xa7: {  	s28 =	simm.s32 $_size_execute0_lowered;
	s3 =	sadd.s32 s3, s5;
	[dreg:$0x0] =	wrdreg $0x0  }
0xa8: {  	s5 =	sshll.u32 s28, $0x1;
	[dreg:$0x2] =	wrdreg s3  }
0xa9: {  	[dreg:$0x3] =	wrdreg s5  }
0xaa: {  	[dreg:$0x4] =	wrdreg $0xC0  }
0xab: {  	_ =	task [dreg:s7], $0x5FFFF  }
0xac: {  	[dreg:$0x1] =	wrdreg $0xFFFFFFFF  }
0xad: {  	[dreg:$0x0] =	wrdreg $0x60  }
0xae: {  	[dreg:$0x2] =	wrdreg s24  }
0xaf: {  	[dreg:$0x3] =	wrdreg s2  }
0xb0: {  	[dreg:$0x4] =	wrdreg $0x9  }
0xb1: {  	_ =	task.clear_ibuf [dreg:s7], $0x5FFFF;
	_ =	strace $0x90000049  }
0xb2: {  	s29 =	simm.s32 $0x9;
	_ =	strace $0x8000004B  }
0xb3: {  	_ =	swait.ge [sflag:s29], $0x1  }
0xb4: {  	[sflag:s29] =	ssyncadd.s32 $0xFFFFFFFF  }
0xb5: {  	_ =	strace $0x9000004B  }
0xb6: {  	_ =	sfence  }
0xb7: {  	s30 =	sld [smem:$0x0];
	_ =	sdelay $0x2  }
0xb8: {  	s31 =	sshll.u32 s1, $0xD;
	s1 =	sshrl.u32 s1, $0x2  }
0xb9: {  	s3 =	sand.u32 $0x4000, s31;
	s1 =	sadd.s32 s1, s30  }
0xba: {  	s0 =	sor.u32 s3, s0;
	s1 =	sshll.u32 s1, $0x11  }
0xbb: {  	s0 =	sor.u32 s1, s0  }
0xbc: {  	s0 =	sadd.s32 $0x8F2B, s0  }
0xbd: {  	[sflag:s0] =	ssyncadd.remote.s32 $0x1  }
0xbe: {  	_ =	sfence.sel $0xFFFF  }
0xbf: {  	[dreg:$0x0] =	wrdreg $0xFFFFFFFF;
	(pc) =	sbr.abs _section_cstart, $3  }
0xc0: {  	[dreg:$0x1] =	wrdreg $0xFFFFFFFF  }
0xc1: {  	_ =	task.clear_ibuf [dreg:s7], $0x2FFFF;
	_ =	strace $0x9FFFFFFF  }
0xc2: {  	(tm) =	ssettm $0x7FFFFFFF  }
0xc3: {  	_ =	shalt  }
tec
execute0_lowered:
.L_overlay_start_1:
0x0: {  	(tag) =	ssettag $0x1  }
0x1: {  	s0 =	rddreg [dreg:$0x0]  }
0x2: {  	s2 =	rddreg [dreg:$0x1];
	s1 =	simm.s32 $0x0  }
0x3: {  	s3 =	srdreg.scid;
	s8 =	stileid.u32;
	s16 =	simm.s32 $0x3  }
0x4: {  	s18 =	simm.s32 $0x100;
	s28 =	simm.s32 $0xE900;
	s29 =	simm.s32 $0xF100  }
0x5: {  	s30 =	simm.s32 $0x10100;
	s13 =	simm.s32 $0x1;
	s31 =	simm.s32 $0x2  }
0x6: {  	s14 =	simm.s32 $0x0;
	[smem:$0x7FF] =	sst s1;
	s4 =	sadd.s32 $0x102E00, s0  }
0x7: {  	s5 =	sadd.s32 $0x102C00, s0;
	s3 =	sand.u32 $0x1, s3;
	s8 =	sshll.u32 s8, $0x6  }
0x8: {  	s10 =	sadd.s32 $0xC2C00, s0;
	_ =	strace $0x8000004A;
	s6 =	ssub.s32 $0x2, s3  }
0x9: {  	s7 =	sshll.u32 s3, $0xA;
	s3 =	sadd.s32 $0x103000, s0;
	s9 =	sshrl.u32 s6, $0x1  }
0xa: {  	s8 =	sor.u32 s8, s7;
	s7 =	sadd.s32 $0x103200, s0;
	s9 =	ssub.s32 s6, s9  }
0xb: {  	s19 =	sshrl.u32 s8, $0x3;
	s11 =	sshll.u32 s8, $0x7;
	s12 =	sor.u32 $0x20, s8  }
0xc: {  	s8 =	sadd.s32 $0x103300, s0;
	s20 =	sadd.s32 s4, s19;
	s6 =	sadd.s32 s5, s19  }
0xd: {  	s21 =	sadd.s32 s10, s11;
	s22 =	sshrl.u32 s12, $0x3;
	[dreg:$0x3] =	wrdreg s20  }
0xe: {  	s11 =	sadd.s32 s2, s11;
	s23 =	sshll.u32 s12, $0x7;
	[dreg:$0x4] =	wrdreg s6  }
0xf: {  	s26 =	smax.u32 s9, $0x1;
	s9 =	simm.s32 $0xB900;
	[dreg:$0x5] =	wrdreg s21  }
0x10: {  	s12 =	simm.s32 $0xF900;
	s6 =	sadd.s32 $0x103100, s0;
	[dreg:$0x6] =	wrdreg s11  }
0x11: {  	s4 =	sadd.s32 s4, s22;
	s0 =	sadd.s32 s5, s22;
	s24 =	sadd.s32 s10, s23  }
0x12: {  	v0 =	vlaneseq.u32;
	s25 =	sadd.s32 s2, s23;
	[dreg:$0xb] =	wrdreg s26;
	s20 =	simm.s32 $0x9900  }
0x13: {  	v1 =	vand.u32 $0x7, v0;
	v63 =	vshrl.u32 v0, $0x3;
	s21 =	simm.s32 $0xA100;
	s22 =	simm.s32 $0xA900;
	[dreg:$0x7] =	wrdreg s4  }
0x14: {  	v0 =	vor.u32 $0x8, v0;
	[tilespmem:$0x1FFD0] =	vst v1;
	v1 =	vmul.u32 $0x8, v63;
	s23 =	simm.s32 $0xB100;
	s10 =	simm.s32 $0xD100;
	[dreg:$0x8] =	wrdreg s0  }
0x15: {  	[tilespmem:$0x1FFF0] =	vst v0;
	s26 =	simm.s32 $0xD900;
	s11 =	simm.s32 $0xE100;
	[dreg:$0x9] =	wrdreg s24  }
0x16: {  	vm0 =	vmmov $0xffff;
	[tilespmem:$0x1FFE0] =	vst v1;
	[dreg:$0xa] =	wrdreg s25;
	s24 =	simm.s32 $0xC100;
	s25 =	simm.s32 $0xC900  }
.LBB2_1:
0x17: {  	s0 =	rddreg [dreg:$0x3]  }
0x18: {  	[tilespmem:s1], [sflag:$0x3] =	stream.linear.gather [hbm4b:s0+s1], $0x20, $0x38;
	[tilespmem:$0x18100] =	vst v63  }
0x19: {  	_ =	swait.ge [sflag:s16], $0x20  }
0x1a: {  	[sflag:s16] =	ssyncset.done $0x0  }
0x1b: {  	s2 =	simm.s32 $0x80;
	s17 =	rddreg [dreg:$0x4];
	[sflag:s16] =	ssyncadd.s32 $0xFFFFFFE0  }
0x1c: {  	[tilespmem:s2], [sflag:$0x3] =	stream.linear.gather [hbm4b:s17+s1], $0x20, $0x38;
	[tilespmem:$0x18100] =	vst v63  }
0x1d: {  	_ =	swait.ge [sflag:s16], $0x20  }
0x1e: {  	[sflag:s16] =	ssyncset.done $0x0  }
0x1f: {  	[sflag:s16] =	ssyncadd.s32 $0xFFFFFFE0  }
0x20: {  	v0 =	vld [tilespmem:$0x0];
	_ =	sdelay $0x2  }
0x21: {  	v2 =	vld [tilespmem:$0x1FFD0];
	_ =	sdelay $0x1  }
0x22: {  	v3 =	vld [tilespmem:$0x1FFE0];
	v1 =	vshll.u32 v0, $0x3  }
0x23: {  	v0 =	vand.u32 $0x7, v0;
	v1 =	vand.u32 $0xFFFFFFC0, v1  }
0x24: {  	v0 =	vor.u32 v0, v1  }
0x25: {  	v1 =	vperm.xlane v0, v2;
	_ =	sdelay $0x1  }
0x26: {  	v1 =	vadd.s32 v3, v1  }
0x27: {  	v4 =	vld [tilespmem:$0x1FFF0];
	_ =	sdelay $0x3  }
0x28: {  	[tilespmem:s18], [sflag:$0x1] =	stream.indirect_vreg.gather [hbm4b:s3+s1], $0x80, v1, vm0, $0xb8;
	[tilespmem:$0x18100] =	vst v63  }
0x29: {  	s19 =	simm.s32 $0x900;
	v0 =	vperm.xlane v0, v4  }
0x2a: {  	[tilespmem:s19], [sflag:$0x1] =	stream.indirect_vreg.gather [hbm4b:s6+s1], $0x80, v1, vm0, $0xb8;
	[tilespmem:$0x18100] =	vst v63  }
0x2b: {  	s2 =	simm.s32 $0x1100;
	v0 =	vadd.s32 v3, v0  }
0x2c: {  	[tilespmem:s2], [sflag:$0x1] =	stream.indirect_vreg.gather [hbm4b:s7+s1], $0x80, v1, vm0, $0xb8;
	[tilespmem:$0x18100] =	vst v63  }
0x2d: {  	s4 =	simm.s32 $0x1900  }
0x2e: {  	[tilespmem:s4], [sflag:$0x1] =	stream.indirect_vreg.gather [hbm4b:s8+s1], $0x80, v1, vm0, $0xb8;
	[tilespmem:$0x18100] =	vst v63  }
0x2f: {  	s5 =	simm.s32 $0x2100  }
0x30: {  	[tilespmem:s5], [sflag:$0x1] =	stream.indirect_vreg.gather [hbm4b:s3+s1], $0x80, v0, vm0, $0xb8;
	[tilespmem:$0x18100] =	vst v63  }
0x31: {  	s15 =	simm.s32 $0x2900  }
0x32: {  	[tilespmem:s15], [sflag:$0x1] =	stream.indirect_vreg.gather [hbm4b:s6+s1], $0x80, v0, vm0, $0xb8;
	[tilespmem:$0x18100] =	vst v63  }
0x33: {  	s17 =	simm.s32 $0x3100  }
0x34: {  	[tilespmem:s17], [sflag:$0x1] =	stream.indirect_vreg.gather [hbm4b:s7+s1], $0x80, v0, vm0, $0xb8;
	[tilespmem:$0x18100] =	vst v63  }
0x35: {  	s19 =	simm.s32 $0x3900  }
0x36: {  	[tilespmem:s19], [sflag:$0x1] =	stream.indirect_vreg.gather [hbm4b:s8+s1], $0x80, v0, vm0, $0xb8;
	[tilespmem:$0x18100] =	vst v63  }
0x37: {  	v0 =	vld [tilespmem:$0x10];
	_ =	sdelay $0x4  }
0x38: {  	v61 =	vshll.u32 v0, $0x3  }
0x39: {  	v0 =	vand.u32 $0x7, v0;
	v1 =	vand.u32 $0xFFFFFFC0, v61  }
0x3a: {  	v0 =	vor.u32 v0, v1  }
0x3b: {  	v1 =	vperm.xlane v0, v2;
	_ =	sdelay $0x1  }
0x3c: {  	v1 =	vadd.s32 v3, v1;
	_ =	sdelay $0x3  }
0x3d: {  	s2 =	simm.s32 $0x4100  }
0x3e: {  	[tilespmem:s2], [sflag:$0x1] =	stream.indirect_vreg.gather [hbm4b:s3+s1], $0x80, v1, vm0, $0xb8;
	[tilespmem:$0x18100] =	vst v63  }
0x3f: {  	s4 =	simm.s32 $0x4900;
	v0 =	vperm.xlane v0, v4  }
0x40: {  	[tilespmem:s4], [sflag:$0x1] =	stream.indirect_vreg.gather [hbm4b:s6+s1], $0x80, v1, vm0, $0xb8;
	[tilespmem:$0x18100] =	vst v63  }
0x41: {  	s5 =	simm.s32 $0x5100;
	v0 =	vadd.s32 v3, v0  }
0x42: {  	[tilespmem:s5], [sflag:$0x1] =	stream.indirect_vreg.gather [hbm4b:s7+s1], $0x80, v1, vm0, $0xb8;
	[tilespmem:$0x18100] =	vst v63  }
0x43: {  	s15 =	simm.s32 $0x5900  }
0x44: {  	[tilespmem:s15], [sflag:$0x1] =	stream.indirect_vreg.gather [hbm4b:s8+s1], $0x80, v1, vm0, $0xb8;
	[tilespmem:$0x18100] =	vst v63  }
0x45: {  	s17 =	simm.s32 $0x6100  }
0x46: {  	[tilespmem:s17], [sflag:$0x1] =	stream.indirect_vreg.gather [hbm4b:s3+s1], $0x80, v0, vm0, $0xb8;
	[tilespmem:$0x18100] =	vst v63  }
0x47: {  	s19 =	simm.s32 $0x6900  }
0x48: {  	[tilespmem:s19], [sflag:$0x1] =	stream.indirect_vreg.gather [hbm4b:s6+s1], $0x80, v0, vm0, $0xb8;
	[tilespmem:$0x18100] =	vst v63  }
0x49: {  	s2 =	simm.s32 $0x7100  }
0x4a: {  	[tilespmem:s2], [sflag:$0x1] =	stream.indirect_vreg.gather [hbm4b:s7+s1], $0x80, v0, vm0, $0xb8;
	[tilespmem:$0x18100] =	vst v63  }
0x4b: {  	s4 =	simm.s32 $0x7900  }
0x4c: {  	[tilespmem:s4], [sflag:$0x1] =	stream.indirect_vreg.gather [hbm4b:s8+s1], $0x80, v0, vm0, $0xb8;
	[tilespmem:$0x18100] =	vst v63  }
0x4d: {  	v0 =	vld [tilespmem:$0x80];
	_ =	sdelay $0x4  }
0x4e: {  	v62 =	vshll.u32 v0, $0x3  }
0x4f: {  	v0 =	vand.u32 $0x7, v0;
	v1 =	vand.u32 $0xFFFFFFC0, v62  }
0x50: {  	v0 =	vor.u32 v0, v1  }
0x51: {  	v1 =	vperm.xlane v0, v2;
	_ =	sdelay $0x1  }
0x52: {  	v1 =	vadd.s32 v3, v1;
	_ =	sdelay $0x3  }
0x53: {  	s5 =	simm.s32 $0x8100  }
0x54: {  	[tilespmem:s5], [sflag:$0x2] =	stream.indirect_vreg.gather [hbm4b:s3+s1], $0x80, v1, vm0, $0xb8;
	[tilespmem:$0x18100] =	vst v63  }
0x55: {  	s15 =	simm.s32 $0x8900;
	v0 =	vperm.xlane v0, v4  }
0x56: {  	[tilespmem:s15], [sflag:$0x2] =	stream.indirect_vreg.gather [hbm4b:s6+s1], $0x80, v1, vm0, $0xb8;
	[tilespmem:$0x18100] =	vst v63  }
0x57: {  	s17 =	simm.s32 $0x9100;
	v0 =	vadd.s32 v3, v0  }
0x58: {  	[tilespmem:s17], [sflag:$0x2] =	stream.indirect_vreg.gather [hbm4b:s7+s1], $0x80, v1, vm0, $0xb8;
	[tilespmem:$0x18100] =	vst v63  }
0x59: {  	_ = 	snop  }
0x5a: {  	[tilespmem:s20], [sflag:$0x2] =	stream.indirect_vreg.gather [hbm4b:s8+s1], $0x80, v1, vm0, $0xb8;
	[tilespmem:$0x18100] =	vst v63  }
0x5b: {  	_ = 	snop  }
0x5c: {  	[tilespmem:s21], [sflag:$0x2] =	stream.indirect_vreg.gather [hbm4b:s3+s1], $0x80, v0, vm0, $0xb8;
	[tilespmem:$0x18100] =	vst v63  }
0x5d: {  	_ = 	snop  }
0x5e: {  	[tilespmem:s22], [sflag:$0x2] =	stream.indirect_vreg.gather [hbm4b:s6+s1], $0x80, v0, vm0, $0xb8;
	[tilespmem:$0x18100] =	vst v63  }
0x5f: {  	_ = 	snop  }
0x60: {  	[tilespmem:s23], [sflag:$0x2] =	stream.indirect_vreg.gather [hbm4b:s7+s1], $0x80, v0, vm0, $0xb8;
	[tilespmem:$0x18100] =	vst v63  }
0x61: {  	_ = 	snop  }
0x62: {  	[tilespmem:s9], [sflag:$0x2] =	stream.indirect_vreg.gather [hbm4b:s8+s1], $0x80, v0, vm0, $0xb8;
	[tilespmem:$0x18100] =	vst v63  }
0x63: {  	v0 =	vld [tilespmem:$0x90];
	_ =	sdelay $0x4  }
0x64: {  	v63 =	vshll.u32 v0, $0x3  }
0x65: {  	v0 =	vand.u32 $0x7, v0;
	v1 =	vand.u32 $0xFFFFFFC0, v63  }
0x66: {  	v0 =	vor.u32 v0, v1  }
0x67: {  	v1 =	vperm.xlane v0, v2;
	_ =	sdelay $0x1  }
0x68: {  	v1 =	vadd.s32 v3, v1;
	_ =	sdelay $0x4  }
0x69: {  	[tilespmem:s24], [sflag:$0x2] =	stream.indirect_vreg.gather [hbm4b:s3+s1], $0x80, v1, vm0, $0xb8;
	[tilespmem:$0x18100] =	vst v63  }
0x6a: {  	v0 =	vperm.xlane v0, v4  }
0x6b: {  	[tilespmem:s25], [sflag:$0x2] =	stream.indirect_vreg.gather [hbm4b:s6+s1], $0x80, v1, vm0, $0xb8;
	[tilespmem:$0x18100] =	vst v63  }
0x6c: {  	v0 =	vadd.s32 v3, v0  }
0x6d: {  	[tilespmem:s10], [sflag:$0x2] =	stream.indirect_vreg.gather [hbm4b:s7+s1], $0x80, v1, vm0, $0xb8;
	[tilespmem:$0x18100] =	vst v63  }
0x6e: {  	_ = 	snop  }
0x6f: {  	[tilespmem:s26], [sflag:$0x2] =	stream.indirect_vreg.gather [hbm4b:s8+s1], $0x80, v1, vm0, $0xb8;
	[tilespmem:$0x18100] =	vst v63  }
0x70: {  	_ = 	snop  }
0x71: {  	[tilespmem:s11], [sflag:$0x2] =	stream.indirect_vreg.gather [hbm4b:s3+s1], $0x80, v0, vm0, $0xb8;
	[tilespmem:$0x18100] =	vst v63  }
0x72: {  	_ = 	snop  }
0x73: {  	[tilespmem:s28], [sflag:$0x2] =	stream.indirect_vreg.gather [hbm4b:s6+s1], $0x80, v0, vm0, $0xb8;
	[tilespmem:$0x18100] =	vst v63  }
0x74: {  	_ = 	snop  }
0x75: {  	[tilespmem:s29], [sflag:$0x2] =	stream.indirect_vreg.gather [hbm4b:s7+s1], $0x80, v0, vm0, $0xb8;
	[tilespmem:$0x18100] =	vst v63  }
0x76: {  	_ = 	snop  }
0x77: {  	[tilespmem:s12], [sflag:$0x2] =	stream.indirect_vreg.gather [hbm4b:s8+s1], $0x80, v0, vm0, $0xb8;
	[tilespmem:$0x18100] =	vst v63  }
0x78: {  	s19 =	rddreg [dreg:$0x5]  }
0x79: {  	[tilespmem:s30], [sflag:$0x3] =	stream.linear.gather [hbm4b:s19+s1], $0x8000, $0x38;
	[tilespmem:$0x18100] =	vst v63  }
0x7a: {  	_ =	swait.ge [sflag:s16], $0x8000  }
0x7b: {  	[sflag:s16] =	ssyncset.done $0x0  }
0x7c: {  	[sflag:s16] =	ssyncadd.s32 $0xFFFF8000  }
0x7d: {  	_ =	swait.ge [sflag:s13], $0x8000  }
0x7e: {  	[sflag:s13] =	ssyncset.done $0x0  }
0x7f: {  	[sflag:s13] =	ssyncadd.s32 $0xFFFF8000  }
0x80: {  	_ =	swait.ge [sflag:s31], $0x8000  }
0x81: {  	s0 =	simm.s32 $0xFFFF8000;
	s2 =	simm.s32 $0x0;
	[sflag:s31] =	ssyncset.done $0x0  }
0x82: {  	s4 =	simm.s32 $0x0;
	s15 =	simm.s32 $0x0;
	[sflag:s31] =	ssyncadd.s32 $0xFFFF8000  }
.LBB2_2:
0x83: {  	s17 =	sadd.s32 $0x8000, s0  }
0x84: {  	s5 =	sand.u32 $0x380, s4;
	s17 =	sand.u32 $0x6000, s17  }
0x85: {  	s17 =	sor.u32 s5, s17  }
0x86: {  	v62 =	vld [tilespmem:s17+$0x10960];
	_ =	sdelay $0x4  }
0x87: {  	[tilespmem:$0x1FCF0] =	vst v62;
	v62 =	vld [tilespmem:s17+$0x970];
	_ =	sdelay $0x4  }
0x88: {  	[tilespmem:$0x1FCE0] =	vst v62;
	v62 =	vld [tilespmem:s17+$0x10970];
	_ =	sdelay $0x4  }
0x89: {  	[tilespmem:$0x1FD20] =	vst v62;
	v62 =	vld [tilespmem:s17+$0xD00];
	_ =	sdelay $0x4  }
0x8a: {  	[tilespmem:$0x1FD00] =	vst v62;
	v62 =	vld [tilespmem:s17+$0x8D00];
	_ =	sdelay $0x4  }
0x8b: {  	[tilespmem:$0x1FD10] =	vst v62;
	v62 =	vld [tilespmem:s17+$0x10D00];
	_ =	sdelay $0x4  }
0x8c: {  	[tilespmem:$0x1FD50] =	vst v62;
	v62 =	vld [tilespmem:s17+$0xD10];
	_ =	sdelay $0x4  }
0x8d: {  	[tilespmem:$0x1FD30] =	vst v62;
	v62 =	vld [tilespmem:s17+$0x8D10];
	_ =	sdelay $0x1  }
0x8e: {  	v3 =	vld [tilespmem:s17+$0x100]  }
0x8f: {  	v7 =	vld [tilespmem:s17+$0x8100]  }
0x90: {  	v19 =	vld [tilespmem:s17+$0x10100]  }
0x91: {  	[tilespmem:$0x1FD40] =	vst v62;
	v62 =	vld [tilespmem:s17+$0x10D10]  }
0x92: {  	v20 =	vld [tilespmem:s17+$0x110]  }
0x93: {  	v30 =	vld [tilespmem:s17+$0x8110]  }
0x94: {  	v43 =	vld [tilespmem:s17+$0x10110]  }
0x95: {  	v47 =	vld [tilespmem:s17+$0x120]  }
0x96: {  	[tilespmem:$0x1FD80] =	vst v62;
	v62 =	vld [tilespmem:s17+$0xD20]  }
0x97: {  	v57 =	vld [tilespmem:s17+$0x8120]  }
0x98: {  	v12 =	vld [tilespmem:s17+$0x10120]  }
0x99: {  	v1 =	vld [tilespmem:s17+$0x130]  }
0x9a: {  	v0 =	vld [tilespmem:s17+$0x8130]  }
0x9b: {  	[tilespmem:$0x1FD60] =	vst v62;
	v62 =	vld [tilespmem:s17+$0x8D20]  }
0x9c: {  	v15 =	vld [tilespmem:s17+$0x10130]  }
0x9d: {  	v4 =	vld [tilespmem:s17+$0x140]  }
0x9e: {  	v2 =	vld [tilespmem:s17+$0x8140]  }
0x9f: {  	v18 =	vld [tilespmem:s17+$0x10140]  }
0xa0: {  	[tilespmem:$0x1FD70] =	vst v62;
	v62 =	vld [tilespmem:s17+$0x10D20]  }
0xa1: {  	v6 =	vld [tilespmem:s17+$0x150]  }
0xa2: {  	v5 =	vld [tilespmem:s17+$0x8150]  }
0xa3: {  	v23 =	vld [tilespmem:s17+$0x10150]  }
0xa4: {  	v9 =	vld [tilespmem:s17+$0x160]  }
0xa5: {  	[tilespmem:$0x1FDB0] =	vst v62;
	v62 =	vld [tilespmem:s17+$0xD30]  }
0xa6: {  	v8 =	vld [tilespmem:s17+$0x8160]  }
0xa7: {  	v26 =	vld [tilespmem:s17+$0x10160]  }
0xa8: {  	v11 =	vld [tilespmem:s17+$0x170]  }
0xa9: {  	v10 =	vld [tilespmem:s17+$0x8170]  }
0xaa: {  	[tilespmem:$0x1FD90] =	vst v62;
	v62 =	vld [tilespmem:s17+$0x8D30]  }
0xab: {  	v29 =	vld [tilespmem:s17+$0x10170]  }
0xac: {  	v14 =	vld [tilespmem:s17+$0x500]  }
0xad: {  	v13 =	vld [tilespmem:s17+$0x8500]  }
0xae: {  	v33 =	vld [tilespmem:s17+$0x10500]  }
0xaf: {  	[tilespmem:$0x1FDA0] =	vst v62;
	v62 =	vld [tilespmem:s17+$0x10D30]  }
0xb0: {  	v17 =	vld [tilespmem:s17+$0x510]  }
0xb1: {  	v16 =	vld [tilespmem:s17+$0x8510]  }
0xb2: {  	v36 =	vld [tilespmem:s17+$0x10510]  }
0xb3: {  	v22 =	vld [tilespmem:s17+$0x520]  }
0xb4: {  	[tilespmem:$0x1FDE0] =	vst v62;
	v62 =	vld [tilespmem:s17+$0xD40]  }
0xb5: {  	v21 =	vld [tilespmem:s17+$0x8520]  }
0xb6: {  	v39 =	vld [tilespmem:s17+$0x10520]  }
0xb7: {  	v25 =	vld [tilespmem:s17+$0x530]  }
0xb8: {  	v24 =	vld [tilespmem:s17+$0x8530]  }
0xb9: {  	[tilespmem:$0x1FDC0] =	vst v62;
	v62 =	vld [tilespmem:s17+$0x8D40]  }
0xba: {  	v42 =	vld [tilespmem:s17+$0x10530]  }
0xbb: {  	v28 =	vld [tilespmem:s17+$0x540]  }
0xbc: {  	v27 =	vld [tilespmem:s17+$0x8540]  }
0xbd: {  	v46 =	vld [tilespmem:s17+$0x10540]  }
0xbe: {  	[tilespmem:$0x1FDD0] =	vst v62;
	v62 =	vld [tilespmem:s17+$0x10D40]  }
0xbf: {  	v32 =	vld [tilespmem:s17+$0x550]  }
0xc0: {  	v31 =	vld [tilespmem:s17+$0x8550]  }
0xc1: {  	v49 =	vld [tilespmem:s17+$0x10550]  }
0xc2: {  	v35 =	vld [tilespmem:s17+$0x560]  }
0xc3: {  	[tilespmem:$0x1FE10] =	vst v62;
	v62 =	vld [tilespmem:s17+$0xD50]  }
0xc4: {  	v34 =	vld [tilespmem:s17+$0x8560]  }
0xc5: {  	v52 =	vld [tilespmem:s17+$0x10560]  }
0xc6: {  	v38 =	vld [tilespmem:s17+$0x570]  }
0xc7: {  	v37 =	vld [tilespmem:s17+$0x8570]  }
0xc8: {  	[tilespmem:$0x1FDF0] =	vst v62;
	v62 =	vld [tilespmem:s17+$0x8D50]  }
0xc9: {  	v55 =	vld [tilespmem:s17+$0x10570]  }
0xca: {  	v41 =	vld [tilespmem:s17+$0x900]  }
0xcb: {  	v40 =	vld [tilespmem:s17+$0x8900]  }
0xcc: {  	v60 =	vld [tilespmem:s17+$0x10900]  }
0xcd: {  	[tilespmem:$0x1FE00] =	vst v62;
	v62 =	vld [tilespmem:s17+$0x10D50]  }
0xce: {  	v45 =	vld [tilespmem:s17+$0x910]  }
0xcf: {  	v44 =	vld [tilespmem:s17+$0x8910]  }
0xd0: {  	v48 =	vld [tilespmem:s17+$0x10910]  }
0xd1: {  	v50 =	vld [tilespmem:s17+$0x920]  }
0xd2: {  	[tilespmem:$0x1FE40] =	vst v62;
	v62 =	vld [tilespmem:s17+$0xD60]  }
0xd3: {  	v51 =	vld [tilespmem:s17+$0x10920]  }
0xd4: {  	v53 =	vld [tilespmem:s17+$0x930]  }
0xd5: {  	v54 =	vld [tilespmem:s17+$0x10930]  }
0xd6: {  	v56 =	vld [tilespmem:s17+$0x940]  }
0xd7: {  	[tilespmem:$0x1FE20] =	vst v62;
	v62 =	vld [tilespmem:s17+$0x8D60]  }
0xd8: {  	v58 =	vld [tilespmem:s17+$0x10940]  }
0xd9: {  	v59 =	vld [tilespmem:s17+$0x950]  }
0xda: {  	v61 =	vld [tilespmem:s17+$0x10950]  }
0xdb: {  	v63 =	vld [tilespmem:s17+$0x8970]  }
0xdc: {  	[tilespmem:$0x1FE30] =	vst v62;
	v62 =	vld [tilespmem:s17+$0x10D60]  }
0xdd: {  	[tilespmem:$0x1FC80] =	vst v48;
	v48 =	vld [tilespmem:s17+$0x8920]  }
0xde: {  	[tilespmem:$0x1FC90] =	vst v51;
	v51 =	vld [tilespmem:s17+$0x8930]  }
0xdf: {  	[tilespmem:$0x1FCA0] =	vst v54;
	v54 =	vld [tilespmem:s17+$0x8940]  }
0xe0: {  	[tilespmem:$0x1FCB0] =	vst v58;
	v58 =	vld [tilespmem:s17+$0x8950]  }
0xe1: {  	[tilespmem:$0x1FE70] =	vst v62;
	v62 =	vld [tilespmem:s17+$0xD70]  }
0xe2: {  	[tilespmem:$0x1FCD0] =	vst v61;
	v61 =	vld [tilespmem:s17+$0x960]  }
0xe3: {  	v3 =	vadd.f32 v7, v3;
	v30 =	vadd.f32 v30, v20;
	v20 =	vld [tilespmem:s17+$0x11170]  }
0xe4: {  	v6 =	vadd.f32 v5, v6;
	v5 =	vld [tilespmem:s17+$0x9510]  }
0xe5: {  	v3 =	vadd.f32 v19, v3;
	v19 =	vld [tilespmem:s17+$0x1170]  }
0xe6: {  	[tilespmem:$0x1FE50] =	vst v62;
	v62 =	vld [tilespmem:s17+$0x8D70]  }
0xe7: {  	v47 =	vadd.f32 v57, v47;
	v7 =	vadd.f32 v43, v30;
	v30 =	vld [tilespmem:s17+$0x9170]  }
0xe8: {  	v43 =	vld [tilespmem:s17+$0x1500]  }
0xe9: {  	v8 =	vadd.f32 v8, v9;
	v57 =	vadd.f32 v12, v47;
	v47 =	vld [tilespmem:s17+$0x11500]  }
0xea: {  	v10 =	vadd.f32 v10, v11;
	v9 =	vadd.f32 v23, v6;
	v6 =	vld [tilespmem:s17+$0x1520]  }
0xeb: {  	v11 =	vadd.f32 v26, v8;
	[tilespmem:$0x1FE60] =	vst v62;
	v62 =	vld [tilespmem:s17+$0x10D70]  }
0xec: {  	v12 =	vadd.f32 v13, v14;
	v13 =	vadd.f32 v29, v10;
	v8 =	vld [tilespmem:s17+$0x9520]  }
0xed: {  	v14 =	vadd.f32 v16, v17;
	v16 =	vadd.f32 v21, v22;
	v10 =	vld [tilespmem:s17+$0x1530]  }
0xee: {  	v22 =	vadd.f32 v27, v28;
	v28 =	vadd.f32 v37, v38;
	v38 =	vld [tilespmem:$0x1FC90]  }
0xef: {  	[tilespmem:s17+$0x120] =	vst v57;
	v57 =	vld [tilespmem:s17+$0x9500]  }
0xf0: {  	[tilespmem:$0x1FEA0] =	vst v62;
	v62 =	vld [tilespmem:s17+$0x1100]  }
0xf1: {  	[tilespmem:s17+$0x100] =	vst v3;
	v3 =	vld [tilespmem:s17+$0x11510]  }
0xf2: {  	v0 =	vadd.f32 v0, v1;
	[tilespmem:s17+$0x150] =	vst v9;
	v9 =	vld [tilespmem:s17+$0x11520]  }
0xf3: {  	[tilespmem:s17+$0x160] =	vst v11;
	v11 =	vld [tilespmem:s17+$0x9530]  }
0xf4: {  	v0 =	vadd.f32 v15, v0;
	v15 =	vadd.f32 v33, v12;
	v12 =	vld [tilespmem:s17+$0x11530]  }
0xf5: {  	[tilespmem:$0x1FE80] =	vst v62;
	v62 =	vld [tilespmem:s17+$0x9100]  }
0xf6: {  	[tilespmem:s17+$0x170] =	vst v13;
	v13 =	vld [tilespmem:s17+$0x1540]  }
0xf7: {  	v17 =	vadd.f32 v36, v14;
	v14 =	vld [tilespmem:s17+$0x9540]  }
0xf8: {  	v2 =	vadd.f32 v2, v4;
	v36 =	vld [tilespmem:$0x1FC80]  }
0xf9: {  	[tilespmem:s17+$0x110] =	vst v7;
	v21 =	vadd.f32 v39, v16;
	v16 =	vld [tilespmem:s17+$0x1550]  }
0xfa: {  	v7 =	vadd.f32 v18, v2;
	v18 =	vadd.f32 v24, v25;
	[tilespmem:$0x1FE90] =	vst v62;
	v62 =	vld [tilespmem:s17+$0x11100]  }
0xfb: {  	v24 =	vadd.f32 v31, v32;
	v31 =	vadd.f32 v40, v41;
	v40 =	vld [tilespmem:$0x1FCA0]  }
0xfc: {  	v26 =	vadd.f32 v34, v35;
	v33 =	vadd.f32 v44, v45;
	v45 =	vld [tilespmem:$0x1FCD0]  }
0xfd: {  	v25 =	vadd.f32 v46, v22;
	v22 =	vld [tilespmem:s17+$0x9560]  }
0xfe: {  	v29 =	vadd.f32 v52, v26;
	v26 =	vld [tilespmem:s17+$0x11570]  }
0xff: {  	[tilespmem:$0x1FED0] =	vst v62;
	v62 =	vld [tilespmem:s17+$0x1110]  }
0x100: {  	[tilespmem:$0x1FCC0] =	vst v61;
	v61 =	vld [tilespmem:s17+$0x8960]  }
0x101: {  	v35 =	vadd.f32 v48, v50;
	v48 =	vld [tilespmem:$0x1FCF0]  }
0x102: {  	[tilespmem:s17+$0x140] =	vst v7;
	v7 =	vld [tilespmem:s17+$0x1510]  }
0x103: {  	[tilespmem:s17+$0x500] =	vst v15;
	v15 =	vld [tilespmem:s17+$0x11540]  }
0x104: {  	[tilespmem:$0x1FEB0] =	vst v62;
	v62 =	vld [tilespmem:s17+$0x9110]  }
0x105: {  	[tilespmem:s17+$0x510] =	vst v17;
	v17 =	vld [tilespmem:s17+$0x9550]  }
0x106: {  	v23 =	vadd.f32 v42, v18;
	v42 =	vld [tilespmem:$0x1FCB0]  }
0x107: {  	v44 =	vld [tilespmem:$0x1FCC0]  }
0x108: {  	v18 =	vld [tilespmem:s17+$0x11550]  }
0x109: {  	[tilespmem:$0x1FEC0] =	vst v62;
	v62 =	vld [tilespmem:s17+$0x11110]  }
0x10a: {  	v46 =	vld [tilespmem:$0x1FCE0]  }
0x10b: {  	[tilespmem:s17+$0x520] =	vst v21;
	v21 =	vld [tilespmem:s17+$0x1560]  }
0x10c: {  	v27 =	vadd.f32 v49, v24;
	v24 =	vld [tilespmem:s17+$0x1570]  }
0x10d: {  	[tilespmem:s17+$0x540] =	vst v25;
	v25 =	vld [tilespmem:s17+$0x9570]  }
0x10e: {  	[tilespmem:$0x1FF00] =	vst v62;
	v62 =	vld [tilespmem:s17+$0x1120]  }
0x10f: {  	[tilespmem:s17+$0x530] =	vst v23;
	v23 =	vld [tilespmem:s17+$0x11560]  }
0x110: {  	[tilespmem:s17+$0x550] =	vst v27;
	v27 =	vld [tilespmem:s17+$0x1900]  }
0x111: {  	v37 =	vadd.f32 v51, v53;
	v51 =	vld [tilespmem:$0x1FD20]  }
0x112: {  	v49 =	vld [tilespmem:$0x1FD00]  }
0x113: {  	[tilespmem:$0x1FEE0] =	vst v62;
	v62 =	vld [tilespmem:s17+$0x9120]  }
0x114: {  	v50 =	vld [tilespmem:$0x1FD10]  }
0x115: {  	v39 =	vadd.f32 v54, v56;
	v54 =	vld [tilespmem:$0x1FD50]  }
0x116: {  	v52 =	vld [tilespmem:$0x1FD30]  }
0x117: {  	[tilespmem:s17+$0x130] =	vst v0;
	v53 =	vld [tilespmem:$0x1FD40]  }
0x118: {  	v0 =	vadd.f32 v36, v33;
	[tilespmem:$0x1FEF0] =	vst v62;
	v62 =	vld [tilespmem:s17+$0x11120]  }
0x119: {  	v41 =	vadd.f32 v58, v59;
	v58 =	vld [tilespmem:$0x1FD80]  }
0x11a: {  	v32 =	vadd.f32 v55, v28;
	[tilespmem:s17+$0x910] =	vst v0;
	v0 =	vadd.f32 v40, v37;
	v55 =	vld [tilespmem:$0x1FD60]  }
0x11b: {  	v59 =	vld [tilespmem:$0x1FD90]  }
0x11c: {  	v34 =	vadd.f32 v60, v31;
	[tilespmem:s17+$0x930] =	vst v0;
	v60 =	vld [tilespmem:$0x1FDA0]  }
0x11d: {  	v4 =	vadd.f32 v63, v46;
	v0 =	vadd.f32 v45, v41;
	[tilespmem:$0x1FF30] =	vst v62;
	v62 =	vld [tilespmem:s17+$0x1130]  }
0x11e: {  	[tilespmem:s17+$0x560] =	vst v29;
	v1 =	vadd.f32 v38, v35;
	v56 =	vld [tilespmem:$0x1FD70]  }
0x11f: {  	[tilespmem:s17+$0x950] =	vst v0;
	v0 =	vadd.f32 v51, v4;
	v29 =	vld [tilespmem:$0x1FDE0]  }
0x120: {  	[tilespmem:s17+$0x920] =	vst v1;
	v2 =	vadd.f32 v61, v44;
	v4 =	vadd.f32 v53, v52;
	v61 =	vld [tilespmem:$0x1FDB0]  }
0x121: {  	v1 =	vadd.f32 v42, v39;
	[tilespmem:s17+$0x970] =	vst v0;
	v63 =	vld [tilespmem:$0x1FDC0]  }
0x122: {  	v0 =	vadd.f32 v58, v4;
	v4 =	vadd.f32 v60, v59;
	[tilespmem:$0x1FF10] =	vst v62;
	v62 =	vld [tilespmem:s17+$0x9130]  }
0x123: {  	[tilespmem:s17+$0x940] =	vst v1;
	v1 =	vadd.f32 v48, v2;
	v28 =	vld [tilespmem:$0x1FDD0]  }
0x124: {  	v2 =	vadd.f32 v50, v49;
	[tilespmem:s17+$0xD10] =	vst v0;
	v0 =	vadd.f32 v29, v4;
	v29 =	vld [tilespmem:s17+$0x11900]  }
0x125: {  	[tilespmem:s17+$0x570] =	vst v32;
	v33 =	vld [tilespmem:$0x1FE10]  }
0x126: {  	[tilespmem:s17+$0x960] =	vst v1;
	v1 =	vadd.f32 v54, v2;
	v2 =	vadd.f32 v56, v55;
	v31 =	vld [tilespmem:$0x1FDF0]  }
0x127: {  	[tilespmem:$0x1FF20] =	vst v62;
	v62 =	vld [tilespmem:s17+$0x11130]  }
0x128: {  	[tilespmem:s17+$0xD00] =	vst v1;
	v1 =	vadd.f32 v61, v2;
	v2 =	vadd.f32 v28, v63;
	v32 =	vld [tilespmem:$0x1FE00]  }
0x129: {  	v28 =	vld [tilespmem:s17+$0x9900]  }
0x12a: {  	[tilespmem:s17+$0xD20] =	vst v1;
	v1 =	vadd.f32 v33, v2;
	v33 =	vld [tilespmem:s17+$0x11910]  }
0x12b: {  	v36 =	vld [tilespmem:$0x1FE40]  }
0x12c: {  	[tilespmem:$0x1FF60] =	vst v62;
	v62 =	vld [tilespmem:s17+$0x1140]  }
0x12d: {  	v4 =	vadd.f32 v32, v31;
	v31 =	vld [tilespmem:s17+$0x1910]  }
0x12e: {  	[tilespmem:s17+$0x900] =	vst v34;
	v34 =	vld [tilespmem:$0x1FE20]  }
0x12f: {  	v35 =	vld [tilespmem:$0x1FE30]  }
0x130: {  	v32 =	vld [tilespmem:s17+$0x9910]  }
0x131: {  	[tilespmem:$0x1FF40] =	vst v62;
	v62 =	vld [tilespmem:s17+$0x9140]  }
0x132: {  	[tilespmem:s17+$0xD30] =	vst v0;
	v0 =	vadd.f32 v36, v4;
	v36 =	vld [tilespmem:s17+$0x11920]  }
0x133: {  	v39 =	vld [tilespmem:$0x1FE70]  }
0x134: {  	v2 =	vadd.f32 v35, v34;
	v34 =	vld [tilespmem:s17+$0x1920]  }
0x135: {  	v35 =	vld [tilespmem:s17+$0x9920]  }
0x136: {  	[tilespmem:$0x1FF50] =	vst v62;
	v62 =	vld [tilespmem:s17+$0x11140]  }
0x137: {  	v37 =	vld [tilespmem:$0x1FE50]  }
0x138: {  	v38 =	vld [tilespmem:$0x1FE60]  }
0x139: {  	v40 =	vld [tilespmem:$0x1FE80]  }
0x13a: {  	v41 =	vld [tilespmem:$0x1FE90]  }
0x13b: {  	[tilespmem:$0x1FF90] =	vst v62;
	v62 =	vld [tilespmem:s17+$0x1150]  }
0x13c: {  	v42 =	vld [tilespmem:$0x1FEA0]  }
0x13d: {  	v46 =	vld [tilespmem:$0x1FED0]  }
0x13e: {  	v44 =	vld [tilespmem:$0x1FEB0]  }
0x13f: {  	[tilespmem:s17+$0xD40] =	vst v1;
	v45 =	vld [tilespmem:$0x1FEC0]  }
0x140: {  	v1 =	vadd.f32 v39, v2;
	v2 =	vadd.f32 v41, v40;
	[tilespmem:$0x1FF70] =	vst v62;
	v62 =	vld [tilespmem:s17+$0x9150]  }
0x141: {  	v4 =	vadd.f32 v38, v37;
	v40 =	vld [tilespmem:s17+$0x1930]  }
0x142: {  	[tilespmem:s17+$0xD60] =	vst v1;
	v1 =	vadd.f32 v46, v2;
	v46 =	vadd.f32 v57, v43;
	v57 =	vld [tilespmem:s17+$0x1950]  }
0x143: {  	v50 =	vld [tilespmem:$0x1FF00]  }
0x144: {  	[tilespmem:s17+$0xD50] =	vst v0;
	v0 =	vadd.f32 v42, v4;
	v4 =	vadd.f32 v45, v44;
	v44 =	vld [tilespmem:s17+$0x9930]  }
0x145: {  	[tilespmem:$0x1FF80] =	vst v62;
	v62 =	vld [tilespmem:s17+$0x11150]  }
0x146: {  	v48 =	vld [tilespmem:$0x1FEE0]  }
0x147: {  	v49 =	vld [tilespmem:$0x1FEF0]  }
0x148: {  	v53 =	vld [tilespmem:$0x1FF30]  }
0x149: {  	v51 =	vld [tilespmem:$0x1FF10]  }
0x14a: {  	[tilespmem:$0x1FFC0] =	vst v62;
	v62 =	vld [tilespmem:s17+$0x1160]  }
0x14b: {  	v52 =	vld [tilespmem:$0x1FF20]  }
0x14c: {  	v56 =	vld [tilespmem:$0x1FF60]  }
0x14d: {  	v54 =	vld [tilespmem:$0x1FF40]  }
0x14e: {  	v55 =	vld [tilespmem:$0x1FF50]  }
0x14f: {  	v42 =	vadd.f32 v30, v19;
	[tilespmem:$0x1FFA0] =	vst v62;
	v62 =	vld [tilespmem:s17+$0x9160]  }
0x150: {  	[tilespmem:s17+$0xD70] =	vst v0;
	v0 =	vadd.f32 v50, v4;
	v60 =	vld [tilespmem:$0x1FF90]  }
0x151: {  	[tilespmem:s17+$0x1100] =	vst v1;
	v2 =	vadd.f32 v49, v48;
	v49 =	vadd.f32 v20, v42;
	v58 =	vld [tilespmem:$0x1FF70]  }
0x152: {  	v50 =	vadd.f32 v5, v7;
	[tilespmem:s17+$0x1110] =	vst v0;
	v59 =	vld [tilespmem:$0x1FF80]  }
0x153: {  	[tilespmem:s17+$0x1170] =	vst v49;
	v1 =	vadd.f32 v53, v2;
	v4 =	vadd.f32 v52, v51;
	v41 =	vld [tilespmem:$0x1FFC0]  }
0x154: {  	v52 =	vadd.f32 v47, v46;
	v2 =	vadd.f32 v55, v54;
	v61 =	vld [tilespmem:$0x1FFA0];
	[tilespmem:$0x1FFB0] =	vst v62  }
0x155: {  	v53 =	vadd.f32 v8, v6;
	[tilespmem:s17+$0x1120] =	vst v1;
	v0 =	vadd.f32 v56, v4;
	v63 =	vld [tilespmem:$0x1FFB0]  }
0x156: {  	v48 =	vld [tilespmem:s17+$0x11930];
	[tilespmem:s17+$0x1500] =	vst v52;
	v55 =	vadd.f32 v3, v50;
	v1 =	vadd.f32 v60, v2  }
0x157: {  	[tilespmem:s17+$0x1130] =	vst v0;
	v4 =	vadd.f32 v59, v58;
	v59 =	vadd.f32 v14, v13;
	v62 =	vld [tilespmem:s17+$0x11160]  }
0x158: {  	v37 =	vadd.f32 v44, v40;
	v51 =	vld [tilespmem:s17+$0x1940];
	[tilespmem:s17+$0x1510] =	vst v55;
	v58 =	vadd.f32 v9, v53  }
0x159: {  	v56 =	vadd.f32 v11, v10;
	v54 =	vld [tilespmem:s17+$0x9940];
	[tilespmem:s17+$0x1140] =	vst v1;
	v15 =	vadd.f32 v15, v59  }
0x15a: {  	v60 =	vld [tilespmem:s17+$0x9950];
	[tilespmem:s17+$0x1520] =	vst v58;
	v0 =	vadd.f32 v41, v4;
	v2 =	vadd.f32 v63, v61  }
0x15b: {  	v42 =	vadd.f32 v48, v37;
	[tilespmem:s17+$0x1540] =	vst v15;
	v61 =	vadd.f32 v12, v56;
	v63 =	vld [tilespmem:s17+$0x11950]  }
0x15c: {  	[tilespmem:s17+$0x1150] =	vst v0;
	v45 =	vadd.f32 v62, v2;
	v62 =	vadd.f32 v17, v16;
	v17 =	vld [tilespmem:s17+$0x1960]  }
0x15d: {  	[tilespmem:s17+$0x1930] =	vst v42;
	v16 =	vadd.f32 v22, v21;
	v21 =	vadd.f32 v25, v24;
	v22 =	vld [tilespmem:s17+$0x9960]  }
0x15e: {  	[tilespmem:s17+$0x1530] =	vst v61;
	v24 =	vadd.f32 v28, v27;
	v25 =	vld [tilespmem:s17+$0x1970];
	v20 =	vadd.f32 v18, v62  }
0x15f: {  	v27 =	vadd.f32 v32, v31;
	v28 =	vld [tilespmem:s17+$0x9970];
	[tilespmem:s17+$0x1160] =	vst v45;
	v23 =	vadd.f32 v23, v16  }
0x160: {  	v32 =	vadd.f32 v35, v34;
	v34 =	vld [tilespmem:s17+$0x11960];
	v26 =	vadd.f32 v26, v21;
	[tilespmem:s17+$0x1550] =	vst v20  }
0x161: {  	v38 =	vld [tilespmem:s17+$0x11970];
	v31 =	vadd.f32 v29, v24;
	[tilespmem:s17+$0x1560] =	vst v23  }
0x162: {  	v40 =	vadd.f32 v60, v57;
	v41 =	vld [tilespmem:s17+$0x11940];
	v35 =	vadd.f32 v33, v27;
	[tilespmem:s17+$0x1570] =	vst v26  }
0x163: {  	v39 =	vadd.f32 v36, v32;
	[tilespmem:s17+$0x1900] =	vst v31;
	v43 =	vadd.f32 v22, v17  }
0x164: {  	v44 =	vadd.f32 v63, v40;
	[tilespmem:s17+$0x1910] =	vst v35;
	v45 =	vadd.f32 v28, v25  }
0x165: {  	s19 =	sand.u32 $0x7, s15;
	v46 =	vadd.f32 v54, v51;
	[tilespmem:s17+$0x1920] =	vst v39;
	v3 =	vadd.f32 v34, v43  }
0x166: {  	s5 =	sshll.u32 s19, $0x7;
	[tilespmem:s17+$0x1950] =	vst v44;
	v47 =	vadd.f32 v38, v45  }
0x167: {  	s5 =	sadd.s32 s5, s2;
	v0 =	vadd.f32 v41, v46;
	[tilespmem:s17+$0x1960] =	vst v3  }
0x168: {  	s19 =	sor.u32 $0x1C00, s5;
	[tilespmem:s17+$0x1970] =	vst v47  }
0x169: {  	[tilespmem:s17+$0x1940] =	vst v0;
	v48 =	vld [tilespmem:s19+$0x100]  }
0x16a: {  	v1 =	vld [tilespmem:s19+$0x8100];
	_ =	sdelay $0x1  }
0x16b: {  	v49 =	vld [tilespmem:s19+$0x10100];
	_ =	sdelay $0x2  }
0x16c: {  	v0 =	vadd.f32 v1, v48;
	_ =	sdelay $0x1  }
0x16d: {  	v0 =	vadd.f32 v49, v0;
	_ =	sdelay $0x1  }
0x16e: {  	[tilespmem:s19+$0x100] =	vst v0;
	s19 =	sor.u32 $0x1C10, s5  }
0x16f: {  	v0 =	vld [tilespmem:s19+$0x100]  }
0x170: {  	v50 =	vld [tilespmem:s19+$0x8100];
	_ =	sdelay $0x1  }
0x171: {  	v51 =	vld [tilespmem:s19+$0x10100];
	_ =	sdelay $0x2  }
0x172: {  	v0 =	vadd.f32 v50, v0;
	_ =	sdelay $0x1  }
0x173: {  	v0 =	vadd.f32 v51, v0;
	_ =	sdelay $0x1  }
0x174: {  	[tilespmem:s19+$0x100] =	vst v0;
	s19 =	sor.u32 $0x1C20, s5  }
0x175: {  	v0 =	vld [tilespmem:s19+$0x100]  }
0x176: {  	v52 =	vld [tilespmem:s19+$0x8100];
	_ =	sdelay $0x1  }
0x177: {  	v53 =	vld [tilespmem:s19+$0x10100];
	_ =	sdelay $0x2  }
0x178: {  	v0 =	vadd.f32 v52, v0;
	_ =	sdelay $0x1  }
0x179: {  	v0 =	vadd.f32 v53, v0;
	_ =	sdelay $0x1  }
0x17a: {  	[tilespmem:s19+$0x100] =	vst v0;
	s19 =	sor.u32 $0x1C30, s5  }
0x17b: {  	v0 =	vld [tilespmem:s19+$0x100]  }
0x17c: {  	v54 =	vld [tilespmem:s19+$0x8100];
	_ =	sdelay $0x1  }
0x17d: {  	v55 =	vld [tilespmem:s19+$0x10100];
	_ =	sdelay $0x2  }
0x17e: {  	v0 =	vadd.f32 v54, v0;
	_ =	sdelay $0x1  }
0x17f: {  	v0 =	vadd.f32 v55, v0;
	_ =	sdelay $0x1  }
0x180: {  	[tilespmem:s19+$0x100] =	vst v0;
	s19 =	sor.u32 $0x1C40, s5  }
0x181: {  	v0 =	vld [tilespmem:s19+$0x100]  }
0x182: {  	v56 =	vld [tilespmem:s19+$0x8100];
	_ =	sdelay $0x1  }
0x183: {  	v57 =	vld [tilespmem:s19+$0x10100];
	_ =	sdelay $0x2  }
0x184: {  	v0 =	vadd.f32 v56, v0;
	_ =	sdelay $0x1  }
0x185: {  	v0 =	vadd.f32 v57, v0;
	_ =	sdelay $0x1  }
0x186: {  	[tilespmem:s19+$0x100] =	vst v0;
	s19 =	sor.u32 $0x1C50, s5  }
0x187: {  	v0 =	vld [tilespmem:s19+$0x100]  }
0x188: {  	v58 =	vld [tilespmem:s19+$0x8100];
	_ =	sdelay $0x1  }
0x189: {  	v59 =	vld [tilespmem:s19+$0x10100];
	_ =	sdelay $0x2  }
0x18a: {  	v0 =	vadd.f32 v58, v0;
	_ =	sdelay $0x1  }
0x18b: {  	v0 =	vadd.f32 v59, v0;
	_ =	sdelay $0x1  }
0x18c: {  	[tilespmem:s19+$0x100] =	vst v0;
	s19 =	sor.u32 $0x1C60, s5  }
0x18d: {  	v0 =	vld [tilespmem:s19+$0x100]  }
0x18e: {  	v60 =	vld [tilespmem:s19+$0x8100];
	_ =	sdelay $0x1  }
0x18f: {  	v61 =	vld [tilespmem:s19+$0x10100];
	_ =	sdelay $0x2  }
0x190: {  	v0 =	vadd.f32 v60, v0;
	_ =	sdelay $0x1  }
0x191: {  	v0 =	vadd.f32 v61, v0;
	_ =	sdelay $0x1  }
0x192: {  	s5 =	sor.u32 $0x1C70, s5;
	[tilespmem:s19+$0x100] =	vst v0  }
0x193: {  	v0 =	vld [tilespmem:s5+$0x100]  }
0x194: {  	v62 =	vld [tilespmem:s5+$0x8100];
	_ =	sdelay $0x1  }
0x195: {  	v63 =	vld [tilespmem:s5+$0x10100];
	_ =	sdelay $0x1  }
0x196: {  	p0 =	sne.s32 s4, $0xF80  }
.Ltmp0:
0x197: {  	v0 =	vadd.f32 v62, v0;
	(pc) =	sbr.rel @p0 .LBB2_2-.Ltmp0, $4  }
0x198: {  	_ = 	snop  }
0x199: {  	v0 =	vadd.f32 v63, v0  }
0x19a: {  	s15 =	sadd.s32 $0x1, s15  }
0x19b: {  	s0 =	sadd.s32 $0x400, s0;
	s4 =	sadd.s32 $0x80, s4;
	s2 =	sadd.s32 $0x400, s2;
	[tilespmem:s5+$0x100] =	vst v0  }
0x19c: {  	s0 =	simm.s32 $0x0;
	s2 =	rddreg [dreg:$0x6]  }
0x19d: {  	[hbm4b:s2+s0] =	stream.linear.scatter [tilespmem:s18], [sflag:$0x3], $0x8000, $0x38;
	[tilespmem:$0x18100] =	vst v63  }
0x19e: {  	_ =	swait.ge [sflag:s16], $0x8000  }
0x19f: {  	[sflag:s16] =	ssyncset.done $0x0  }
0x1a0: {  	s17 =	rddreg [dreg:$0x7];
	[sflag:s16] =	ssyncadd.s32 $0xFFFF8000  }
0x1a1: {  	[tilespmem:s0], [sflag:$0x3] =	stream.linear.gather [hbm4b:s17+s0], $0x20, $0x38;
	[tilespmem:$0x18100] =	vst v63  }
0x1a2: {  	_ =	swait.ge [sflag:s16], $0x20  }
0x1a3: {  	[sflag:s16] =	ssyncset.done $0x0  }
0x1a4: {  	s4 =	simm.s32 $0x80;
	s19 =	rddreg [dreg:$0x8];
	[sflag:s16] =	ssyncadd.s32 $0xFFFFFFE0  }
0x1a5: {  	[tilespmem:s4], [sflag:$0x3] =	stream.linear.gather [hbm4b:s19+s0], $0x20, $0x38;
	[tilespmem:$0x18100] =	vst v63  }
0x1a6: {  	_ =	swait.ge [sflag:s16], $0x20  }
0x1a7: {  	[sflag:s16] =	ssyncset.done $0x0  }
0x1a8: {  	[sflag:s16] =	ssyncadd.s32 $0xFFFFFFE0  }
0x1a9: {  	v0 =	vld [tilespmem:$0x0];
	_ =	sdelay $0x2  }
0x1aa: {  	v2 =	vld [tilespmem:$0x1FFD0];
	_ =	sdelay $0x1  }
0x1ab: {  	v3 =	vld [tilespmem:$0x1FFE0];
	v1 =	vshll.u32 v0, $0x3  }
0x1ac: {  	v0 =	vand.u32 $0x7, v0;
	v1 =	vand.u32 $0xFFFFFFC0, v1  }
0x1ad: {  	v0 =	vor.u32 v0, v1  }
0x1ae: {  	v1 =	vperm.xlane v0, v2;
	_ =	sdelay $0x1  }
0x1af: {  	v1 =	vadd.s32 v3, v1  }
0x1b0: {  	v4 =	vld [tilespmem:$0x1FFF0];
	_ =	sdelay $0x3  }
0x1b1: {  	[tilespmem:s18], [sflag:$0x1] =	stream.indirect_vreg.gather [hbm4b:s3+s0], $0x80, v1, vm0, $0xb8;
	[tilespmem:$0x18100] =	vst v63  }
0x1b2: {  	s5 =	simm.s32 $0x900;
	v0 =	vperm.xlane v0, v4  }
0x1b3: {  	[tilespmem:s5], [sflag:$0x1] =	stream.indirect_vreg.gather [hbm4b:s6+s0], $0x80, v1, vm0, $0xb8;
	[tilespmem:$0x18100] =	vst v63  }
0x1b4: {  	s15 =	simm.s32 $0x1100;
	v0 =	vadd.s32 v3, v0  }
0x1b5: {  	[tilespmem:s15], [sflag:$0x1] =	stream.indirect_vreg.gather [hbm4b:s7+s0], $0x80, v1, vm0, $0xb8;
	[tilespmem:$0x18100] =	vst v63  }
0x1b6: {  	s17 =	simm.s32 $0x1900  }
0x1b7: {  	[tilespmem:s17], [sflag:$0x1] =	stream.indirect_vreg.gather [hbm4b:s8+s0], $0x80, v1, vm0, $0xb8;
	[tilespmem:$0x18100] =	vst v63  }
0x1b8: {  	s19 =	simm.s32 $0x2100  }
0x1b9: {  	[tilespmem:s19], [sflag:$0x1] =	stream.indirect_vreg.gather [hbm4b:s3+s0], $0x80, v0, vm0, $0xb8;
	[tilespmem:$0x18100] =	vst v63  }
0x1ba: {  	s4 =	simm.s32 $0x2900  }
0x1bb: {  	[tilespmem:s4], [sflag:$0x1] =	stream.indirect_vreg.gather [hbm4b:s6+s0], $0x80, v0, vm0, $0xb8;
	[tilespmem:$0x18100] =	vst v63  }
0x1bc: {  	s5 =	simm.s32 $0x3100  }
0x1bd: {  	[tilespmem:s5], [sflag:$0x1] =	stream.indirect_vreg.gather [hbm4b:s7+s0], $0x80, v0, vm0, $0xb8;
	[tilespmem:$0x18100] =	vst v63  }
0x1be: {  	s15 =	simm.s32 $0x3900  }
0x1bf: {  	[tilespmem:s15], [sflag:$0x1] =	stream.indirect_vreg.gather [hbm4b:s8+s0], $0x80, v0, vm0, $0xb8;
	[tilespmem:$0x18100] =	vst v63  }
0x1c0: {  	v0 =	vld [tilespmem:$0x10];
	_ =	sdelay $0x4  }
0x1c1: {  	v61 =	vshll.u32 v0, $0x3  }
0x1c2: {  	v0 =	vand.u32 $0x7, v0;
	v1 =	vand.u32 $0xFFFFFFC0, v61  }
0x1c3: {  	v0 =	vor.u32 v0, v1  }
0x1c4: {  	v1 =	vperm.xlane v0, v2;
	_ =	sdelay $0x1  }
0x1c5: {  	v1 =	vadd.s32 v3, v1;
	_ =	sdelay $0x3  }
0x1c6: {  	s17 =	simm.s32 $0x4100  }
0x1c7: {  	[tilespmem:s17], [sflag:$0x1] =	stream.indirect_vreg.gather [hbm4b:s3+s0], $0x80, v1, vm0, $0xb8;
	[tilespmem:$0x18100] =	vst v63  }
0x1c8: {  	s19 =	simm.s32 $0x4900;
	v0 =	vperm.xlane v0, v4  }
0x1c9: {  	[tilespmem:s19], [sflag:$0x1] =	stream.indirect_vreg.gather [hbm4b:s6+s0], $0x80, v1, vm0, $0xb8;
	[tilespmem:$0x18100] =	vst v63  }
0x1ca: {  	s4 =	simm.s32 $0x5100;
	v0 =	vadd.s32 v3, v0  }
0x1cb: {  	[tilespmem:s4], [sflag:$0x1] =	stream.indirect_vreg.gather [hbm4b:s7+s0], $0x80, v1, vm0, $0xb8;
	[tilespmem:$0x18100] =	vst v63  }
0x1cc: {  	s5 =	simm.s32 $0x5900  }
0x1cd: {  	[tilespmem:s5], [sflag:$0x1] =	stream.indirect_vreg.gather [hbm4b:s8+s0], $0x80, v1, vm0, $0xb8;
	[tilespmem:$0x18100] =	vst v63  }
0x1ce: {  	s15 =	simm.s32 $0x6100  }
0x1cf: {  	[tilespmem:s15], [sflag:$0x1] =	stream.indirect_vreg.gather [hbm4b:s3+s0], $0x80, v0, vm0, $0xb8;
	[tilespmem:$0x18100] =	vst v63  }
0x1d0: {  	s17 =	simm.s32 $0x6900  }
0x1d1: {  	[tilespmem:s17], [sflag:$0x1] =	stream.indirect_vreg.gather [hbm4b:s6+s0], $0x80, v0, vm0, $0xb8;
	[tilespmem:$0x18100] =	vst v63  }
0x1d2: {  	s19 =	simm.s32 $0x7100  }
0x1d3: {  	[tilespmem:s19], [sflag:$0x1] =	stream.indirect_vreg.gather [hbm4b:s7+s0], $0x80, v0, vm0, $0xb8;
	[tilespmem:$0x18100] =	vst v63  }
0x1d4: {  	s4 =	simm.s32 $0x7900  }
0x1d5: {  	[tilespmem:s4], [sflag:$0x1] =	stream.indirect_vreg.gather [hbm4b:s8+s0], $0x80, v0, vm0, $0xb8;
	[tilespmem:$0x18100] =	vst v63  }
0x1d6: {  	v0 =	vld [tilespmem:$0x80];
	_ =	sdelay $0x4  }
0x1d7: {  	v62 =	vshll.u32 v0, $0x3  }
0x1d8: {  	v0 =	vand.u32 $0x7, v0;
	v1 =	vand.u32 $0xFFFFFFC0, v62  }
0x1d9: {  	v0 =	vor.u32 v0, v1  }
0x1da: {  	v1 =	vperm.xlane v0, v2;
	_ =	sdelay $0x1  }
0x1db: {  	v1 =	vadd.s32 v3, v1;
	_ =	sdelay $0x3  }
0x1dc: {  	s5 =	simm.s32 $0x8100  }
0x1dd: {  	[tilespmem:s5], [sflag:$0x2] =	stream.indirect_vreg.gather [hbm4b:s3+s0], $0x80, v1, vm0, $0xb8;
	[tilespmem:$0x18100] =	vst v63  }
0x1de: {  	s15 =	simm.s32 $0x8900;
	v0 =	vperm.xlane v0, v4  }
0x1df: {  	[tilespmem:s15], [sflag:$0x2] =	stream.indirect_vreg.gather [hbm4b:s6+s0], $0x80, v1, vm0, $0xb8;
	[tilespmem:$0x18100] =	vst v63  }
0x1e0: {  	s17 =	simm.s32 $0x9100;
	v0 =	vadd.s32 v3, v0  }
0x1e1: {  	[tilespmem:s17], [sflag:$0x2] =	stream.indirect_vreg.gather [hbm4b:s7+s0], $0x80, v1, vm0, $0xb8;
	[tilespmem:$0x18100] =	vst v63  }
0x1e2: {  	_ = 	snop  }
0x1e3: {  	[tilespmem:s20], [sflag:$0x2] =	stream.indirect_vreg.gather [hbm4b:s8+s0], $0x80, v1, vm0, $0xb8;
	[tilespmem:$0x18100] =	vst v63  }
0x1e4: {  	_ = 	snop  }
0x1e5: {  	[tilespmem:s21], [sflag:$0x2] =	stream.indirect_vreg.gather [hbm4b:s3+s0], $0x80, v0, vm0, $0xb8;
	[tilespmem:$0x18100] =	vst v63  }
0x1e6: {  	_ = 	snop  }
0x1e7: {  	[tilespmem:s22], [sflag:$0x2] =	stream.indirect_vreg.gather [hbm4b:s6+s0], $0x80, v0, vm0, $0xb8;
	[tilespmem:$0x18100] =	vst v63  }
0x1e8: {  	_ = 	snop  }
0x1e9: {  	[tilespmem:s23], [sflag:$0x2] =	stream.indirect_vreg.gather [hbm4b:s7+s0], $0x80, v0, vm0, $0xb8;
	[tilespmem:$0x18100] =	vst v63  }
0x1ea: {  	_ = 	snop  }
0x1eb: {  	[tilespmem:s9], [sflag:$0x2] =	stream.indirect_vreg.gather [hbm4b:s8+s0], $0x80, v0, vm0, $0xb8;
	[tilespmem:$0x18100] =	vst v63  }
0x1ec: {  	v0 =	vld [tilespmem:$0x90];
	_ =	sdelay $0x4  }
0x1ed: {  	v63 =	vshll.u32 v0, $0x3  }
0x1ee: {  	v0 =	vand.u32 $0x7, v0;
	v1 =	vand.u32 $0xFFFFFFC0, v63  }
0x1ef: {  	v0 =	vor.u32 v0, v1  }
0x1f0: {  	v1 =	vperm.xlane v0, v2;
	_ =	sdelay $0x1  }
0x1f1: {  	v1 =	vadd.s32 v3, v1;
	_ =	sdelay $0x4  }
0x1f2: {  	[tilespmem:s24], [sflag:$0x2] =	stream.indirect_vreg.gather [hbm4b:s3+s0], $0x80, v1, vm0, $0xb8;
	[tilespmem:$0x18100] =	vst v63  }
0x1f3: {  	v0 =	vperm.xlane v0, v4  }
0x1f4: {  	[tilespmem:s25], [sflag:$0x2] =	stream.indirect_vreg.gather [hbm4b:s6+s0], $0x80, v1, vm0, $0xb8;
	[tilespmem:$0x18100] =	vst v63  }
0x1f5: {  	v0 =	vadd.s32 v3, v0  }
0x1f6: {  	[tilespmem:s10], [sflag:$0x2] =	stream.indirect_vreg.gather [hbm4b:s7+s0], $0x80, v1, vm0, $0xb8;
	[tilespmem:$0x18100] =	vst v63  }
0x1f7: {  	_ = 	snop  }
0x1f8: {  	[tilespmem:s26], [sflag:$0x2] =	stream.indirect_vreg.gather [hbm4b:s8+s0], $0x80, v1, vm0, $0xb8;
	[tilespmem:$0x18100] =	vst v63  }
0x1f9: {  	_ = 	snop  }
0x1fa: {  	[tilespmem:s11], [sflag:$0x2] =	stream.indirect_vreg.gather [hbm4b:s3+s0], $0x80, v0, vm0, $0xb8;
	[tilespmem:$0x18100] =	vst v63  }
0x1fb: {  	_ = 	snop  }
0x1fc: {  	[tilespmem:s28], [sflag:$0x2] =	stream.indirect_vreg.gather [hbm4b:s6+s0], $0x80, v0, vm0, $0xb8;
	[tilespmem:$0x18100] =	vst v63  }
0x1fd: {  	_ = 	snop  }
0x1fe: {  	[tilespmem:s29], [sflag:$0x2] =	stream.indirect_vreg.gather [hbm4b:s7+s0], $0x80, v0, vm0, $0xb8;
	[tilespmem:$0x18100] =	vst v63  }
0x1ff: {  	_ = 	snop  }
0x200: {  	[tilespmem:s12], [sflag:$0x2] =	stream.indirect_vreg.gather [hbm4b:s8+s0], $0x80, v0, vm0, $0xb8;
	[tilespmem:$0x18100] =	vst v63  }
0x201: {  	s19 =	rddreg [dreg:$0x9]  }
0x202: {  	[tilespmem:s30], [sflag:$0x3] =	stream.linear.gather [hbm4b:s19+s0], $0x8000, $0x38;
	[tilespmem:$0x18100] =	vst v63  }
0x203: {  	_ =	swait.ge [sflag:s16], $0x8000  }
0x204: {  	[sflag:s16] =	ssyncset.done $0x0  }
0x205: {  	[sflag:s16] =	ssyncadd.s32 $0xFFFF8000  }
0x206: {  	_ =	swait.ge [sflag:s13], $0x8000  }
0x207: {  	[sflag:s13] =	ssyncset.done $0x0  }
0x208: {  	[sflag:s13] =	ssyncadd.s32 $0xFFFF8000  }
0x209: {  	_ =	swait.ge [sflag:s31], $0x8000  }
0x20a: {  	s2 =	simm.s32 $0x0;
	[sflag:s31] =	ssyncset.done $0x0  }
0x20b: {  	s4 =	simm.s32 $0x0;
	s15 =	simm.s32 $0xFFFF8000;
	[sflag:s31] =	ssyncadd.s32 $0xFFFF8000  }
.LBB2_4:
0x20c: {  	s5 =	sadd.s32 $0x8000, s15  }
0x20d: {  	s17 =	sand.u32 $0x380, s4;
	s5 =	sand.u32 $0x6000, s5  }
0x20e: {  	s17 =	sor.u32 s17, s5  }
0x20f: {  	v62 =	vld [tilespmem:s17+$0x10960];
	_ =	sdelay $0x4  }
0x210: {  	[tilespmem:$0x1F9A0] =	vst v62;
	v62 =	vld [tilespmem:s17+$0x970];
	_ =	sdelay $0x4  }
0x211: {  	[tilespmem:$0x1F990] =	vst v62;
	v62 =	vld [tilespmem:s17+$0x10970];
	_ =	sdelay $0x4  }
0x212: {  	[tilespmem:$0x1F9D0] =	vst v62;
	v62 =	vld [tilespmem:s17+$0xD00];
	_ =	sdelay $0x4  }
0x213: {  	[tilespmem:$0x1F9B0] =	vst v62;
	v62 =	vld [tilespmem:s17+$0x8D00];
	_ =	sdelay $0x4  }
0x214: {  	[tilespmem:$0x1F9C0] =	vst v62;
	v62 =	vld [tilespmem:s17+$0x10D00];
	_ =	sdelay $0x4  }
0x215: {  	[tilespmem:$0x1FA00] =	vst v62;
	v62 =	vld [tilespmem:s17+$0xD10];
	_ =	sdelay $0x4  }
0x216: {  	[tilespmem:$0x1F9E0] =	vst v62;
	v62 =	vld [tilespmem:s17+$0x8D10];
	_ =	sdelay $0x1  }
0x217: {  	v3 =	vld [tilespmem:s17+$0x100]  }
0x218: {  	v7 =	vld [tilespmem:s17+$0x8100]  }
0x219: {  	v19 =	vld [tilespmem:s17+$0x10100]  }
0x21a: {  	[tilespmem:$0x1F9F0] =	vst v62;
	v62 =	vld [tilespmem:s17+$0x10D10]  }
0x21b: {  	v20 =	vld [tilespmem:s17+$0x110]  }
0x21c: {  	v30 =	vld [tilespmem:s17+$0x8110]  }
0x21d: {  	v43 =	vld [tilespmem:s17+$0x10110]  }
0x21e: {  	v47 =	vld [tilespmem:s17+$0x120]  }
0x21f: {  	[tilespmem:$0x1FA30] =	vst v62;
	v62 =	vld [tilespmem:s17+$0xD20]  }
0x220: {  	v57 =	vld [tilespmem:s17+$0x8120]  }
0x221: {  	v12 =	vld [tilespmem:s17+$0x10120]  }
0x222: {  	v1 =	vld [tilespmem:s17+$0x130]  }
0x223: {  	v0 =	vld [tilespmem:s17+$0x8130]  }
0x224: {  	[tilespmem:$0x1FA10] =	vst v62;
	v62 =	vld [tilespmem:s17+$0x8D20]  }
0x225: {  	v15 =	vld [tilespmem:s17+$0x10130]  }
0x226: {  	v4 =	vld [tilespmem:s17+$0x140]  }
0x227: {  	v2 =	vld [tilespmem:s17+$0x8140]  }
0x228: {  	v18 =	vld [tilespmem:s17+$0x10140]  }
0x229: {  	[tilespmem:$0x1FA20] =	vst v62;
	v62 =	vld [tilespmem:s17+$0x10D20]  }
0x22a: {  	v6 =	vld [tilespmem:s17+$0x150]  }
0x22b: {  	v5 =	vld [tilespmem:s17+$0x8150]  }
0x22c: {  	v23 =	vld [tilespmem:s17+$0x10150]  }
0x22d: {  	v9 =	vld [tilespmem:s17+$0x160]  }
0x22e: {  	[tilespmem:$0x1FA60] =	vst v62;
	v62 =	vld [tilespmem:s17+$0xD30]  }
0x22f: {  	v8 =	vld [tilespmem:s17+$0x8160]  }
0x230: {  	v26 =	vld [tilespmem:s17+$0x10160]  }
0x231: {  	v11 =	vld [tilespmem:s17+$0x170]  }
0x232: {  	v10 =	vld [tilespmem:s17+$0x8170]  }
0x233: {  	[tilespmem:$0x1FA40] =	vst v62;
	v62 =	vld [tilespmem:s17+$0x8D30]  }
0x234: {  	v29 =	vld [tilespmem:s17+$0x10170]  }
0x235: {  	v14 =	vld [tilespmem:s17+$0x500]  }
0x236: {  	v13 =	vld [tilespmem:s17+$0x8500]  }
0x237: {  	v33 =	vld [tilespmem:s17+$0x10500]  }
0x238: {  	[tilespmem:$0x1FA50] =	vst v62;
	v62 =	vld [tilespmem:s17+$0x10D30]  }
0x239: {  	v17 =	vld [tilespmem:s17+$0x510]  }
0x23a: {  	v16 =	vld [tilespmem:s17+$0x8510]  }
0x23b: {  	v36 =	vld [tilespmem:s17+$0x10510]  }
0x23c: {  	v22 =	vld [tilespmem:s17+$0x520]  }
0x23d: {  	[tilespmem:$0x1FA90] =	vst v62;
	v62 =	vld [tilespmem:s17+$0xD40]  }
0x23e: {  	v21 =	vld [tilespmem:s17+$0x8520]  }
0x23f: {  	v39 =	vld [tilespmem:s17+$0x10520]  }
0x240: {  	v25 =	vld [tilespmem:s17+$0x530]  }
0x241: {  	v24 =	vld [tilespmem:s17+$0x8530]  }
0x242: {  	[tilespmem:$0x1FA70] =	vst v62;
	v62 =	vld [tilespmem:s17+$0x8D40]  }
0x243: {  	v42 =	vld [tilespmem:s17+$0x10530]  }
0x244: {  	v28 =	vld [tilespmem:s17+$0x540]  }
0x245: {  	v27 =	vld [tilespmem:s17+$0x8540]  }
0x246: {  	v46 =	vld [tilespmem:s17+$0x10540]  }
0x247: {  	[tilespmem:$0x1FA80] =	vst v62;
	v62 =	vld [tilespmem:s17+$0x10D40]  }
0x248: {  	v32 =	vld [tilespmem:s17+$0x550]  }
0x249: {  	v31 =	vld [tilespmem:s17+$0x8550]  }
0x24a: {  	v49 =	vld [tilespmem:s17+$0x10550]  }
0x24b: {  	v35 =	vld [tilespmem:s17+$0x560]  }
0x24c: {  	[tilespmem:$0x1FAC0] =	vst v62;
	v62 =	vld [tilespmem:s17+$0xD50]  }
0x24d: {  	v34 =	vld [tilespmem:s17+$0x8560]  }
0x24e: {  	v52 =	vld [tilespmem:s17+$0x10560]  }
0x24f: {  	v38 =	vld [tilespmem:s17+$0x570]  }
0x250: {  	v37 =	vld [tilespmem:s17+$0x8570]  }
0x251: {  	[tilespmem:$0x1FAA0] =	vst v62;
	v62 =	vld [tilespmem:s17+$0x8D50]  }
0x252: {  	v55 =	vld [tilespmem:s17+$0x10570]  }
0x253: {  	v41 =	vld [tilespmem:s17+$0x900]  }
0x254: {  	v40 =	vld [tilespmem:s17+$0x8900]  }
0x255: {  	v60 =	vld [tilespmem:s17+$0x10900]  }
0x256: {  	[tilespmem:$0x1FAB0] =	vst v62;
	v62 =	vld [tilespmem:s17+$0x10D50]  }
0x257: {  	v45 =	vld [tilespmem:s17+$0x910]  }
0x258: {  	v44 =	vld [tilespmem:s17+$0x8910]  }
0x259: {  	v48 =	vld [tilespmem:s17+$0x10910]  }
0x25a: {  	v50 =	vld [tilespmem:s17+$0x920]  }
0x25b: {  	[tilespmem:$0x1FAF0] =	vst v62;
	v62 =	vld [tilespmem:s17+$0xD60]  }
0x25c: {  	v51 =	vld [tilespmem:s17+$0x10920]  }
0x25d: {  	v53 =	vld [tilespmem:s17+$0x930]  }
0x25e: {  	v54 =	vld [tilespmem:s17+$0x10930]  }
0x25f: {  	v56 =	vld [tilespmem:s17+$0x940]  }
0x260: {  	[tilespmem:$0x1FAD0] =	vst v62;
	v62 =	vld [tilespmem:s17+$0x8D60]  }
0x261: {  	v58 =	vld [tilespmem:s17+$0x10940]  }
0x262: {  	v61 =	vld [tilespmem:s17+$0x950]  }
0x263: {  	v59 =	vld [tilespmem:s17+$0x10950]  }
0x264: {  	v63 =	vld [tilespmem:s17+$0x960]  }
0x265: {  	[tilespmem:$0x1FAE0] =	vst v62;
	v62 =	vld [tilespmem:s17+$0x10D60]  }
0x266: {  	[tilespmem:$0x1F930] =	vst v48;
	v48 =	vld [tilespmem:s17+$0x8920]  }
0x267: {  	[tilespmem:$0x1F940] =	vst v51;
	v51 =	vld [tilespmem:s17+$0x8930]  }
0x268: {  	[tilespmem:$0x1F950] =	vst v54;
	v54 =	vld [tilespmem:s17+$0x8940]  }
0x269: {  	[tilespmem:$0x1F960] =	vst v58;
	v58 =	vld [tilespmem:s17+$0x8950]  }
0x26a: {  	[tilespmem:$0x1FB20] =	vst v62;
	v62 =	vld [tilespmem:s17+$0xD70]  }
0x26b: {  	[tilespmem:$0x1F980] =	vst v59;
	v59 =	vld [tilespmem:s17+$0x8960]  }
0x26c: {  	[tilespmem:$0x1F970] =	vst v63;
	v63 =	vld [tilespmem:s17+$0x8970]  }
0x26d: {  	v30 =	vadd.f32 v30, v20;
	v20 =	vld [tilespmem:s17+$0x11170]  }
0x26e: {  	v3 =	vadd.f32 v7, v3;
	v6 =	vadd.f32 v5, v6;
	v5 =	vld [tilespmem:s17+$0x9510]  }
0x26f: {  	[tilespmem:$0x1FB00] =	vst v62;
	v62 =	vld [tilespmem:s17+$0x8D70]  }
0x270: {  	v3 =	vadd.f32 v19, v3;
	v19 =	vld [tilespmem:s17+$0x1170]  }
0x271: {  	v47 =	vadd.f32 v57, v47;
	v7 =	vadd.f32 v43, v30;
	v30 =	vld [tilespmem:s17+$0x9170]  }
0x272: {  	v43 =	vld [tilespmem:s17+$0x1500]  }
0x273: {  	v8 =	vadd.f32 v8, v9;
	v57 =	vadd.f32 v12, v47;
	v47 =	vld [tilespmem:s17+$0x11500]  }
0x274: {  	v10 =	vadd.f32 v10, v11;
	[tilespmem:$0x1FB10] =	vst v62;
	v62 =	vld [tilespmem:s17+$0x10D70]  }
0x275: {  	v9 =	vadd.f32 v23, v6;
	v11 =	vadd.f32 v26, v8;
	v6 =	vld [tilespmem:s17+$0x1520]  }
0x276: {  	v12 =	vadd.f32 v13, v14;
	v13 =	vadd.f32 v29, v10;
	v8 =	vld [tilespmem:s17+$0x9520]  }
0x277: {  	v14 =	vadd.f32 v16, v17;
	v16 =	vadd.f32 v21, v22;
	v10 =	vld [tilespmem:s17+$0x1530]  }
0x278: {  	v22 =	vadd.f32 v27, v28;
	v28 =	vadd.f32 v37, v38;
	v38 =	vld [tilespmem:$0x1F940]  }
0x279: {  	[tilespmem:$0x1FB50] =	vst v62;
	v62 =	vld [tilespmem:s17+$0x1100]  }
0x27a: {  	[tilespmem:s17+$0x120] =	vst v57;
	v57 =	vld [tilespmem:s17+$0x9500]  }
0x27b: {  	[tilespmem:s17+$0x100] =	vst v3;
	v3 =	vld [tilespmem:s17+$0x11510]  }
0x27c: {  	[tilespmem:s17+$0x150] =	vst v9;
	v9 =	vld [tilespmem:s17+$0x11520]  }
0x27d: {  	v0 =	vadd.f32 v0, v1;
	[tilespmem:s17+$0x160] =	vst v11;
	v11 =	vld [tilespmem:s17+$0x9530]  }
0x27e: {  	[tilespmem:$0x1FB30] =	vst v62;
	v62 =	vld [tilespmem:s17+$0x9100]  }
0x27f: {  	v0 =	vadd.f32 v15, v0;
	v15 =	vadd.f32 v33, v12;
	v12 =	vld [tilespmem:s17+$0x11530]  }
0x280: {  	[tilespmem:s17+$0x170] =	vst v13;
	v13 =	vld [tilespmem:s17+$0x1540]  }
0x281: {  	v2 =	vadd.f32 v2, v4;
	v17 =	vadd.f32 v36, v14;
	v14 =	vld [tilespmem:s17+$0x9540]  }
0x282: {  	[tilespmem:s17+$0x110] =	vst v7;
	v36 =	vld [tilespmem:$0x1F930]  }
0x283: {  	v7 =	vadd.f32 v18, v2;
	[tilespmem:$0x1FB40] =	vst v62;
	v62 =	vld [tilespmem:s17+$0x11100]  }
0x284: {  	v18 =	vadd.f32 v24, v25;
	v21 =	vadd.f32 v39, v16;
	v16 =	vld [tilespmem:s17+$0x1550]  }
0x285: {  	v24 =	vadd.f32 v31, v32;
	v31 =	vadd.f32 v40, v41;
	v40 =	vld [tilespmem:$0x1F950]  }
0x286: {  	v33 =	vadd.f32 v44, v45;
	v44 =	vld [tilespmem:$0x1F970]  }
0x287: {  	v45 =	vld [tilespmem:$0x1F980]  }
0x288: {  	v26 =	vadd.f32 v34, v35;
	[tilespmem:$0x1FB80] =	vst v62;
	v62 =	vld [tilespmem:s17+$0x1110]  }
0x289: {  	v25 =	vadd.f32 v46, v22;
	v22 =	vld [tilespmem:s17+$0x9560]  }
0x28a: {  	v29 =	vadd.f32 v52, v26;
	v26 =	vld [tilespmem:s17+$0x11570]  }
0x28b: {  	v35 =	vadd.f32 v48, v50;
	v48 =	vld [tilespmem:$0x1F9A0]  }
0x28c: {  	[tilespmem:s17+$0x140] =	vst v7;
	v7 =	vld [tilespmem:s17+$0x1510]  }
0x28d: {  	[tilespmem:$0x1FB60] =	vst v62;
	v62 =	vld [tilespmem:s17+$0x9110]  }
0x28e: {  	[tilespmem:s17+$0x500] =	vst v15;
	v15 =	vld [tilespmem:s17+$0x11540]  }
0x28f: {  	[tilespmem:s17+$0x510] =	vst v17;
	v17 =	vld [tilespmem:s17+$0x9550]  }
0x290: {  	v23 =	vadd.f32 v42, v18;
	v42 =	vld [tilespmem:$0x1F960]  }
0x291: {  	v18 =	vld [tilespmem:s17+$0x11550]  }
0x292: {  	[tilespmem:$0x1FB70] =	vst v62;
	v62 =	vld [tilespmem:s17+$0x11110]  }
0x293: {  	v46 =	vld [tilespmem:$0x1F990]  }
0x294: {  	[tilespmem:s17+$0x520] =	vst v21;
	v21 =	vld [tilespmem:s17+$0x1560]  }
0x295: {  	v27 =	vadd.f32 v49, v24;
	v24 =	vld [tilespmem:s17+$0x1570]  }
0x296: {  	[tilespmem:s17+$0x540] =	vst v25;
	v25 =	vld [tilespmem:s17+$0x9570]  }
0x297: {  	[tilespmem:$0x1FBB0] =	vst v62;
	v62 =	vld [tilespmem:s17+$0x1120]  }
0x298: {  	[tilespmem:s17+$0x530] =	vst v23;
	v23 =	vld [tilespmem:s17+$0x11560]  }
0x299: {  	[tilespmem:s17+$0x550] =	vst v27;
	v27 =	vld [tilespmem:s17+$0x1900]  }
0x29a: {  	v37 =	vadd.f32 v51, v53;
	v51 =	vld [tilespmem:$0x1F9D0]  }
0x29b: {  	v49 =	vld [tilespmem:$0x1F9B0]  }
0x29c: {  	[tilespmem:$0x1FB90] =	vst v62;
	v62 =	vld [tilespmem:s17+$0x9120]  }
0x29d: {  	v50 =	vld [tilespmem:$0x1F9C0]  }
0x29e: {  	v39 =	vadd.f32 v54, v56;
	v54 =	vld [tilespmem:$0x1FA00]  }
0x29f: {  	v52 =	vld [tilespmem:$0x1F9E0]  }
0x2a0: {  	[tilespmem:s17+$0x130] =	vst v0;
	v53 =	vld [tilespmem:$0x1F9F0]  }
0x2a1: {  	v0 =	vadd.f32 v36, v33;
	[tilespmem:$0x1FBA0] =	vst v62;
	v62 =	vld [tilespmem:s17+$0x11120]  }
0x2a2: {  	v41 =	vadd.f32 v58, v61;
	v58 =	vld [tilespmem:$0x1FA30]  }
0x2a3: {  	v32 =	vadd.f32 v55, v28;
	[tilespmem:s17+$0x910] =	vst v0;
	v0 =	vadd.f32 v40, v37;
	v55 =	vld [tilespmem:$0x1FA10]  }
0x2a4: {  	v2 =	vadd.f32 v59, v44;
	v59 =	vld [tilespmem:$0x1FA40]  }
0x2a5: {  	v34 =	vadd.f32 v60, v31;
	[tilespmem:s17+$0x930] =	vst v0;
	v60 =	vld [tilespmem:$0x1FA50]  }
0x2a6: {  	v4 =	vadd.f32 v63, v46;
	v0 =	vadd.f32 v45, v41;
	[tilespmem:$0x1FBE0] =	vst v62;
	v62 =	vld [tilespmem:s17+$0x1130]  }
0x2a7: {  	[tilespmem:s17+$0x560] =	vst v29;
	v1 =	vadd.f32 v38, v35;
	v56 =	vld [tilespmem:$0x1FA20]  }
0x2a8: {  	[tilespmem:s17+$0x950] =	vst v0;
	v0 =	vadd.f32 v51, v4;
	v29 =	vld [tilespmem:$0x1FA90]  }
0x2a9: {  	[tilespmem:s17+$0x920] =	vst v1;
	v4 =	vadd.f32 v53, v52;
	v61 =	vld [tilespmem:$0x1FA60]  }
0x2aa: {  	v1 =	vadd.f32 v42, v39;
	[tilespmem:s17+$0x970] =	vst v0;
	v63 =	vld [tilespmem:$0x1FA70]  }
0x2ab: {  	v0 =	vadd.f32 v58, v4;
	v4 =	vadd.f32 v60, v59;
	[tilespmem:$0x1FBC0] =	vst v62;
	v62 =	vld [tilespmem:s17+$0x9130]  }
0x2ac: {  	[tilespmem:s17+$0x940] =	vst v1;
	v1 =	vadd.f32 v48, v2;
	v28 =	vld [tilespmem:$0x1FA80]  }
0x2ad: {  	v2 =	vadd.f32 v50, v49;
	[tilespmem:s17+$0xD10] =	vst v0;
	v0 =	vadd.f32 v29, v4;
	v29 =	vld [tilespmem:s17+$0x11900]  }
0x2ae: {  	[tilespmem:s17+$0x570] =	vst v32;
	v33 =	vld [tilespmem:$0x1FAC0]  }
0x2af: {  	[tilespmem:s17+$0x960] =	vst v1;
	v1 =	vadd.f32 v54, v2;
	v2 =	vadd.f32 v56, v55;
	v31 =	vld [tilespmem:$0x1FAA0]  }
0x2b0: {  	[tilespmem:$0x1FBD0] =	vst v62;
	v62 =	vld [tilespmem:s17+$0x11130]  }
0x2b1: {  	[tilespmem:s17+$0xD00] =	vst v1;
	v1 =	vadd.f32 v61, v2;
	v2 =	vadd.f32 v28, v63;
	v32 =	vld [tilespmem:$0x1FAB0]  }
0x2b2: {  	v28 =	vld [tilespmem:s17+$0x9900]  }
0x2b3: {  	[tilespmem:s17+$0xD20] =	vst v1;
	v1 =	vadd.f32 v33, v2;
	v33 =	vld [tilespmem:s17+$0x11910]  }
0x2b4: {  	v36 =	vld [tilespmem:$0x1FAF0]  }
0x2b5: {  	[tilespmem:$0x1FC10] =	vst v62;
	v62 =	vld [tilespmem:s17+$0x1140]  }
0x2b6: {  	v4 =	vadd.f32 v32, v31;
	v31 =	vld [tilespmem:s17+$0x1910]  }
0x2b7: {  	[tilespmem:s17+$0x900] =	vst v34;
	v34 =	vld [tilespmem:$0x1FAD0]  }
0x2b8: {  	v35 =	vld [tilespmem:$0x1FAE0]  }
0x2b9: {  	v32 =	vld [tilespmem:s17+$0x9910]  }
0x2ba: {  	[tilespmem:$0x1FBF0] =	vst v62;
	v62 =	vld [tilespmem:s17+$0x9140]  }
0x2bb: {  	[tilespmem:s17+$0xD30] =	vst v0;
	v0 =	vadd.f32 v36, v4;
	v36 =	vld [tilespmem:s17+$0x11920]  }
0x2bc: {  	v39 =	vld [tilespmem:$0x1FB20]  }
0x2bd: {  	v2 =	vadd.f32 v35, v34;
	v34 =	vld [tilespmem:s17+$0x1920]  }
0x2be: {  	v35 =	vld [tilespmem:s17+$0x9920]  }
0x2bf: {  	[tilespmem:$0x1FC00] =	vst v62;
	v62 =	vld [tilespmem:s17+$0x11140]  }
0x2c0: {  	v37 =	vld [tilespmem:$0x1FB00]  }
0x2c1: {  	v38 =	vld [tilespmem:$0x1FB10]  }
0x2c2: {  	v40 =	vld [tilespmem:$0x1FB30]  }
0x2c3: {  	v41 =	vld [tilespmem:$0x1FB40]  }
0x2c4: {  	[tilespmem:$0x1FC40] =	vst v62;
	v62 =	vld [tilespmem:s17+$0x1150]  }
0x2c5: {  	v42 =	vld [tilespmem:$0x1FB50]  }
0x2c6: {  	v46 =	vld [tilespmem:$0x1FB80]  }
0x2c7: {  	v44 =	vld [tilespmem:$0x1FB60]  }
0x2c8: {  	[tilespmem:s17+$0xD40] =	vst v1;
	v45 =	vld [tilespmem:$0x1FB70]  }
0x2c9: {  	v1 =	vadd.f32 v39, v2;
	v2 =	vadd.f32 v41, v40;
	[tilespmem:$0x1FC20] =	vst v62;
	v62 =	vld [tilespmem:s17+$0x9150]  }
0x2ca: {  	v4 =	vadd.f32 v38, v37;
	v40 =	vld [tilespmem:s17+$0x1930]  }
0x2cb: {  	[tilespmem:s17+$0xD60] =	vst v1;
	v1 =	vadd.f32 v46, v2;
	v46 =	vadd.f32 v57, v43;
	v57 =	vld [tilespmem:s17+$0x1950]  }
0x2cc: {  	v50 =	vld [tilespmem:$0x1FBB0]  }
0x2cd: {  	[tilespmem:s17+$0xD50] =	vst v0;
	v0 =	vadd.f32 v42, v4;
	v4 =	vadd.f32 v45, v44;
	v44 =	vld [tilespmem:s17+$0x9930]  }
0x2ce: {  	[tilespmem:$0x1FC30] =	vst v62;
	v62 =	vld [tilespmem:s17+$0x11150]  }
0x2cf: {  	v48 =	vld [tilespmem:$0x1FB90]  }
0x2d0: {  	v49 =	vld [tilespmem:$0x1FBA0]  }
0x2d1: {  	v53 =	vld [tilespmem:$0x1FBE0]  }
0x2d2: {  	v51 =	vld [tilespmem:$0x1FBC0]  }
0x2d3: {  	[tilespmem:$0x1FC70] =	vst v62;
	v62 =	vld [tilespmem:s17+$0x1160]  }
0x2d4: {  	v52 =	vld [tilespmem:$0x1FBD0]  }
0x2d5: {  	v56 =	vld [tilespmem:$0x1FC10]  }
0x2d6: {  	v54 =	vld [tilespmem:$0x1FBF0]  }
0x2d7: {  	v55 =	vld [tilespmem:$0x1FC00]  }
0x2d8: {  	v42 =	vadd.f32 v30, v19;
	[tilespmem:$0x1FC50] =	vst v62;
	v62 =	vld [tilespmem:s17+$0x9160]  }
0x2d9: {  	[tilespmem:s17+$0xD70] =	vst v0;
	v0 =	vadd.f32 v50, v4;
	v60 =	vld [tilespmem:$0x1FC40]  }
0x2da: {  	[tilespmem:s17+$0x1100] =	vst v1;
	v2 =	vadd.f32 v49, v48;
	v49 =	vadd.f32 v20, v42;
	v58 =	vld [tilespmem:$0x1FC20]  }
0x2db: {  	v50 =	vadd.f32 v5, v7;
	[tilespmem:s17+$0x1110] =	vst v0;
	v59 =	vld [tilespmem:$0x1FC30]  }
0x2dc: {  	[tilespmem:s17+$0x1170] =	vst v49;
	v1 =	vadd.f32 v53, v2;
	v4 =	vadd.f32 v52, v51;
	v41 =	vld [tilespmem:$0x1FC70]  }
0x2dd: {  	v52 =	vadd.f32 v47, v46;
	v2 =	vadd.f32 v55, v54;
	v61 =	vld [tilespmem:$0x1FC50];
	[tilespmem:$0x1FC60] =	vst v62  }
0x2de: {  	v53 =	vadd.f32 v8, v6;
	[tilespmem:s17+$0x1120] =	vst v1;
	v0 =	vadd.f32 v56, v4;
	v63 =	vld [tilespmem:$0x1FC60]  }
0x2df: {  	v48 =	vld [tilespmem:s17+$0x11930];
	[tilespmem:s17+$0x1500] =	vst v52;
	v55 =	vadd.f32 v3, v50;
	v1 =	vadd.f32 v60, v2  }
0x2e0: {  	[tilespmem:s17+$0x1130] =	vst v0;
	v4 =	vadd.f32 v59, v58;
	v59 =	vadd.f32 v14, v13;
	v62 =	vld [tilespmem:s17+$0x11160]  }
0x2e1: {  	v37 =	vadd.f32 v44, v40;
	v51 =	vld [tilespmem:s17+$0x1940];
	[tilespmem:s17+$0x1510] =	vst v55;
	v58 =	vadd.f32 v9, v53  }
0x2e2: {  	v56 =	vadd.f32 v11, v10;
	v54 =	vld [tilespmem:s17+$0x9940];
	[tilespmem:s17+$0x1140] =	vst v1;
	v15 =	vadd.f32 v15, v59  }
0x2e3: {  	v60 =	vld [tilespmem:s17+$0x9950];
	[tilespmem:s17+$0x1520] =	vst v58;
	v0 =	vadd.f32 v41, v4;
	v2 =	vadd.f32 v63, v61  }
0x2e4: {  	v42 =	vadd.f32 v48, v37;
	[tilespmem:s17+$0x1540] =	vst v15;
	v61 =	vadd.f32 v12, v56;
	v63 =	vld [tilespmem:s17+$0x11950]  }
0x2e5: {  	[tilespmem:s17+$0x1150] =	vst v0;
	v45 =	vadd.f32 v62, v2;
	v62 =	vadd.f32 v17, v16;
	v17 =	vld [tilespmem:s17+$0x1960]  }
0x2e6: {  	[tilespmem:s17+$0x1930] =	vst v42;
	v16 =	vadd.f32 v22, v21;
	v21 =	vadd.f32 v25, v24;
	v22 =	vld [tilespmem:s17+$0x9960]  }
0x2e7: {  	[tilespmem:s17+$0x1530] =	vst v61;
	v24 =	vadd.f32 v28, v27;
	v25 =	vld [tilespmem:s17+$0x1970];
	v20 =	vadd.f32 v18, v62  }
0x2e8: {  	v27 =	vadd.f32 v32, v31;
	v28 =	vld [tilespmem:s17+$0x9970];
	[tilespmem:s17+$0x1160] =	vst v45;
	v23 =	vadd.f32 v23, v16  }
0x2e9: {  	v32 =	vadd.f32 v35, v34;
	v34 =	vld [tilespmem:s17+$0x11960];
	v26 =	vadd.f32 v26, v21;
	[tilespmem:s17+$0x1550] =	vst v20  }
0x2ea: {  	v38 =	vld [tilespmem:s17+$0x11970];
	v31 =	vadd.f32 v29, v24;
	[tilespmem:s17+$0x1560] =	vst v23  }
0x2eb: {  	v40 =	vadd.f32 v60, v57;
	v41 =	vld [tilespmem:s17+$0x11940];
	v35 =	vadd.f32 v33, v27;
	[tilespmem:s17+$0x1570] =	vst v26  }
0x2ec: {  	v39 =	vadd.f32 v36, v32;
	[tilespmem:s17+$0x1900] =	vst v31;
	v43 =	vadd.f32 v22, v17  }
0x2ed: {  	v44 =	vadd.f32 v63, v40;
	[tilespmem:s17+$0x1910] =	vst v35;
	v45 =	vadd.f32 v28, v25  }
0x2ee: {  	s19 =	sand.u32 $0x7, s0;
	v46 =	vadd.f32 v54, v51;
	[tilespmem:s17+$0x1920] =	vst v39;
	v3 =	vadd.f32 v34, v43  }
0x2ef: {  	s5 =	sshll.u32 s19, $0x7;
	[tilespmem:s17+$0x1950] =	vst v44;
	v47 =	vadd.f32 v38, v45  }
0x2f0: {  	s5 =	sadd.s32 s5, s2;
	v0 =	vadd.f32 v41, v46;
	[tilespmem:s17+$0x1960] =	vst v3  }
0x2f1: {  	s19 =	sor.u32 $0x1C00, s5;
	[tilespmem:s17+$0x1970] =	vst v47  }
0x2f2: {  	[tilespmem:s17+$0x1940] =	vst v0;
	v48 =	vld [tilespmem:s19+$0x100]  }
0x2f3: {  	v1 =	vld [tilespmem:s19+$0x8100];
	_ =	sdelay $0x1  }
0x2f4: {  	v49 =	vld [tilespmem:s19+$0x10100];
	_ =	sdelay $0x2  }
0x2f5: {  	v0 =	vadd.f32 v1, v48;
	_ =	sdelay $0x1  }
0x2f6: {  	v0 =	vadd.f32 v49, v0;
	_ =	sdelay $0x1  }
0x2f7: {  	[tilespmem:s19+$0x100] =	vst v0;
	s19 =	sor.u32 $0x1C10, s5  }
0x2f8: {  	v0 =	vld [tilespmem:s19+$0x100]  }
0x2f9: {  	v50 =	vld [tilespmem:s19+$0x8100];
	_ =	sdelay $0x1  }
0x2fa: {  	v51 =	vld [tilespmem:s19+$0x10100];
	_ =	sdelay $0x2  }
0x2fb: {  	v0 =	vadd.f32 v50, v0;
	_ =	sdelay $0x1  }
0x2fc: {  	v0 =	vadd.f32 v51, v0;
	_ =	sdelay $0x1  }
0x2fd: {  	[tilespmem:s19+$0x100] =	vst v0;
	s19 =	sor.u32 $0x1C20, s5  }
0x2fe: {  	v0 =	vld [tilespmem:s19+$0x100]  }
0x2ff: {  	v52 =	vld [tilespmem:s19+$0x8100];
	_ =	sdelay $0x1  }
0x300: {  	v53 =	vld [tilespmem:s19+$0x10100];
	_ =	sdelay $0x2  }
0x301: {  	v0 =	vadd.f32 v52, v0;
	_ =	sdelay $0x1  }
0x302: {  	v0 =	vadd.f32 v53, v0;
	_ =	sdelay $0x1  }
0x303: {  	[tilespmem:s19+$0x100] =	vst v0;
	s19 =	sor.u32 $0x1C30, s5  }
0x304: {  	v0 =	vld [tilespmem:s19+$0x100]  }
0x305: {  	v54 =	vld [tilespmem:s19+$0x8100];
	_ =	sdelay $0x1  }
0x306: {  	v55 =	vld [tilespmem:s19+$0x10100];
	_ =	sdelay $0x2  }
0x307: {  	v0 =	vadd.f32 v54, v0;
	_ =	sdelay $0x1  }
0x308: {  	v0 =	vadd.f32 v55, v0;
	_ =	sdelay $0x1  }
0x309: {  	[tilespmem:s19+$0x100] =	vst v0;
	s19 =	sor.u32 $0x1C40, s5  }
0x30a: {  	v0 =	vld [tilespmem:s19+$0x100]  }
0x30b: {  	v56 =	vld [tilespmem:s19+$0x8100];
	_ =	sdelay $0x1  }
0x30c: {  	v57 =	vld [tilespmem:s19+$0x10100];
	_ =	sdelay $0x2  }
0x30d: {  	v0 =	vadd.f32 v56, v0;
	_ =	sdelay $0x1  }
0x30e: {  	v0 =	vadd.f32 v57, v0;
	_ =	sdelay $0x1  }
0x30f: {  	[tilespmem:s19+$0x100] =	vst v0;
	s19 =	sor.u32 $0x1C50, s5  }
0x310: {  	v0 =	vld [tilespmem:s19+$0x100]  }
0x311: {  	v58 =	vld [tilespmem:s19+$0x8100];
	_ =	sdelay $0x1  }
0x312: {  	v59 =	vld [tilespmem:s19+$0x10100];
	_ =	sdelay $0x2  }
0x313: {  	v0 =	vadd.f32 v58, v0;
	_ =	sdelay $0x1  }
0x314: {  	v0 =	vadd.f32 v59, v0;
	_ =	sdelay $0x1  }
0x315: {  	[tilespmem:s19+$0x100] =	vst v0;
	s19 =	sor.u32 $0x1C60, s5  }
0x316: {  	v0 =	vld [tilespmem:s19+$0x100]  }
0x317: {  	v60 =	vld [tilespmem:s19+$0x8100];
	_ =	sdelay $0x1  }
0x318: {  	v61 =	vld [tilespmem:s19+$0x10100];
	_ =	sdelay $0x2  }
0x319: {  	v0 =	vadd.f32 v60, v0;
	_ =	sdelay $0x1  }
0x31a: {  	v0 =	vadd.f32 v61, v0;
	_ =	sdelay $0x1  }
0x31b: {  	s5 =	sor.u32 $0x1C70, s5;
	[tilespmem:s19+$0x100] =	vst v0  }
0x31c: {  	v0 =	vld [tilespmem:s5+$0x100]  }
0x31d: {  	v62 =	vld [tilespmem:s5+$0x8100];
	_ =	sdelay $0x1  }
0x31e: {  	v63 =	vld [tilespmem:s5+$0x10100];
	_ =	sdelay $0x1  }
0x31f: {  	p0 =	sne.s32 s4, $0xF80  }
.Ltmp1:
0x320: {  	v0 =	vadd.f32 v62, v0;
	(pc) =	sbr.rel @p0 .LBB2_4-.Ltmp1, $4  }
0x321: {  	_ = 	snop  }
0x322: {  	v0 =	vadd.f32 v63, v0  }
0x323: {  	s0 =	sadd.s32 $0x1, s0  }
0x324: {  	s15 =	sadd.s32 $0x400, s15;
	s4 =	sadd.s32 $0x80, s4;
	s2 =	sadd.s32 $0x400, s2;
	[tilespmem:s5+$0x100] =	vst v0  }
0x325: {  	s0 =	rddreg [dreg:$0xa]  }
0x326: {  	[hbm4b:s0+s1] =	stream.linear.scatter [tilespmem:s18], [sflag:$0x3], $0x8000, $0x38;
	[tilespmem:$0x18100] =	vst v63  }
0x327: {  	_ =	swait.ge [sflag:s16], $0x8000  }
0x328: {  	s14 =	sadd.s32 $0x1, s14;
	s19 =	rddreg [dreg:$0xb]  }
0x329: {  	p0 =	sne.s32 s14, s19  }
.Ltmp2:
0x32a: {  	_ = 	snop;
	(pc) =	sbr.rel @p0 .LBB2_1-.Ltmp2, $3  }
0x32b: {  	_ =	sdelay $0x1  }
0x32c: {  	[sflag:s16] =	ssyncset.done $0x0  }
0x32d: {  	[sflag:s16] =	ssyncadd.s32 $0xFFFF8000  }
0x32e: {  	_ =	sfence.sel $0x180000  }
0x32f: {  	[bflag:$0x0] =	sbarrier.arrive $0xFFFF  }
0x330: {  	_ =	strace $0x9000004A  }
0x331: {  	s0 =	stileid.u32;
	[bflag:$0x2] =	sbarrier.arrive $0xFFFF  }
0x332: {  	p0 =	sne.s32 s0, $0x0;
	s0 =	rddreg [dreg:$0x2]  }
0x333: {  	s0 =	sadd.s32 @!p0 $0x100000, s0  }
0x334: {  	[sflag:s0] =	ssyncadd.tile.s32 @!p0 $0x1;
	_ =	shalt  }
.Lfunc_end2:
_tile_overlayer_lowered:
.L_overlay_start_2:
0x335: {  	(tag) =	ssettag $0x2  }
0x336: {  	s0 =	rddreg [dreg:$0x0];
	s2 =	stileid.u32  }
0x337: {  	s1 =	rddreg [dreg:$0x1];
	p0 =	sne.s32 s2, $0x0  }
0x338: {  	s3 =	rddreg [dreg:$0x2];
	[bflag:$0x3] =	sbarrier.arrive $0xFFFF;
	s2 =	simm.s32 @!p0 $0x1C03  }
0x339: {  	[timem:s3], [sflag:s2] =	dma.local @!p0 [hbm:s0], s1  }
0x33a: {  	s0 =	simm.s32 @!p0 $0x3  }
0x33b: {  	_ =	swait.ge @!p0 [sflag:s0], s1  }
0x33c: {  	s1 =	ssub.s32 @!p0 $0x0, s1;
	[sflag:s0] =	ssyncset.done @!p0 $0x0  }
0x33d: {  	[sflag:s0] =	ssyncadd.s32 @!p0 s1  }
0x33e: {  	[bflag:$0x3] =	sbarrier.arrive $0xFFFF  }
0x33f: {  	_ =	shalt  }

// kernel: kernel.7.cloned.1.call-start
scs
__scs_entry_jumppad:
0x0: {  	(pc) =	sbr.rel $0x88, $3  }
0x1: {  	(tag) =	ssettag $0x0;
	lr =	simm.s32 $0x1  }
0x2: {  	[smem:$0x3F9A] =	sst lr;
	_ =	strace $0xD0000000  }
0x3: {  	_ = 	snop  }
0x4: {  	_ = 	snop  }
0x5: {  	_ = 	snop  }
0x6: {  	_ = 	snop  }
0x7: {  	_ = 	snop  }
__scs_overlays_trampoline_lowered:
0x8: {  	[smem:$0x3FA9] =	sst s0  }
0x9: {  	[smem:$0x3FAA] =	sst s1  }
0xa: {  	[smem:$0x3FAB] =	sst s2  }
0xb: {  	[smem:$0x3FAC] =	sst s3  }
0xc: {  	[smem:$0x3FAD] =	sst s4  }
0xd: {  	[smem:$0x3FAE] =	sst s5  }
0xe: {  	[smem:$0x3FAF] =	sst s6  }
0xf: {  	[smem:$0x3FB0] =	sst s7  }
0x10: {  	[smem:$0x3FB1] =	sst s8  }
0x11: {  	[smem:$0x3FB2] =	sst s9;
	s0 =	simm.s32 @!p0 $0x0  }
0x12: {  	s1 =	sld [smem:$0x3F98];
	s0 =	simm.s32 @p0 $0x1  }
0x13: {  	[smem:$0x3FB3] =	sst s0;
	s0 =	simm.s32 @!p1 $0x0  }
0x14: {  	s2 =	sld [smem:$0x3F97];
	s0 =	simm.s32 @p1 $0x1  }
0x15: {  	[smem:$0x3FB4] =	sst s0;
	s0 =	simm.s32 @!p2 $0x0  }
0x16: {  	s3 =	sld [smem:$0x3FDB];
	s0 =	simm.s32 @p2 $0x1  }
0x17: {  	s4 =	simm.s32 $0x1BF5;
	[smem:$0x3FB6] =	sst s0  }
0x18: {  	s0 =	sld [smem:$0x3F99];
	_ =	swait.ge [sflag:s4], $0x0  }
0x19: {  	s7 =	sld [smem:$0x3F9A]  }
0x1a: {  	s8 =	sadd.s32 $0xFFFFE003, lr  }
0x1b: {  	s9 =	sadd.s32 $0xFFFFFEF7, lr;
	s5 =	simm.s32 $0xFFFFFFFF;
	p2 =	slt.u32 s8, $0xFFFFF086  }
0x1c: {  	p1 =	slt.u32 s9, $0xF7A;
	s5 =	simm.s32 @!p2 $0x0  }
0x1d: {  	s5 =	simm.s32 @p1 $0x1;
	p0 =	seq.s32 s7, s2  }
0x1e: {  	s7 =	smul.u32 @!p0 $0xF7A, s2;
	p2 =	seq.s32 @!p0 s5, $0x0  }
0x1f: {  	s9 =	smul.u32 $0xF7A, s1;
	s8 =	simm.s32 @!p0 $0x1BF5;
	p2 =	por !p2, p0  }
0x20: {  	[sflag:s8] =	ssyncset.s32 @!p0 $0xFFFFF086;
	s6 =	sadd.s32 @!p0 s3, s7;
	s7 =	simm.s32 @!p0 $0x108  }
0x21: {  	s3 =	sadd.s32 s3, s9;
	s6 =	sadd.s32 @!p0 $0x88, s6;
	s7 =	simm.s32 @p2 $0x1082  }
0x22: {  	[simem:s7], [sflag:s8] =	dma.local @!p0 [hbm:s6], $0xF7A  }
0x23: {  	s9 =	sor.u32 $0xD0000000, s2;
	s6 =	simm.s32 $0x108;
	_ =	swait.ge @!p0 [sflag:s8], $0x0  }
0x24: {  	s3 =	sadd.s32 $0x88, s3;
	s6 =	simm.s32 @!p1 $0x1082;
	[sflag:s4] =	ssyncset.s32 $0xFFFFF086  }
0x25: {  	[simem:s6], [sflag:s4] =	dma.local [hbm:s3], $0xF7A  }
0x26: {  	[smem:$0x3F9A] =	sst s1;
	(tag) =	ssettag s2;
	_ =	strace s9  }
0x27: {  	s1 =	sld [smem:$0x3FAA]  }
0x28: {  	s2 =	sld [smem:$0x3FAB]  }
0x29: {  	s4 =	sld [smem:$0x3FAD]  }
0x2a: {  	p0 =	seq.s32 s5, $0x0;
	s5 =	sld [smem:$0x3FAE]  }
0x2b: {  	s6 =	sld [smem:$0x3FAF]  }
0x2c: {  	s7 =	sld [smem:$0x3FB0]  }
0x2d: {  	s3 =	simm.s32 $0x108;
	s8 =	sld [smem:$0x3FB1]  }
0x2e: {  	s3 =	simm.s32 @!p0 $0x1082;
	s9 =	sld [smem:$0x3FB2]  }
0x2f: {  	lr =	sadd.s32 s0, s3;
	s0 =	sld [smem:$0x3FA9]  }
0x30: {  	s3 =	sld [smem:$0x3FAC]  }
0x31: {  	[smem:$0x3FB5] =	sst s10  }
0x32: {  	s10 =	sld [smem:$0x3FB3];
	_ =	sdelay $0x3  }
0x33: {  	p0 =	seq.s32 s10, $0x1;
	s10 =	sld [smem:$0x3FB5];
	_ =	sdelay $0x3  }
0x34: {  	[smem:$0x3FB5] =	sst s10  }
0x35: {  	s10 =	sld [smem:$0x3FB4];
	_ =	sdelay $0x3  }
0x36: {  	p1 =	seq.s32 s10, $0x1;
	s10 =	sld [smem:$0x3FB5];
	_ =	sdelay $0x3  }
0x37: {  	[smem:$0x3FB5] =	sst s10  }
0x38: {  	s10 =	sld [smem:$0x3FB6]  }
0x39: {  	_ = 	snop;
	(pc) =	sbr.ind lr, $3  }
0x3a: {  	_ = 	snop  }
0x3b: {  	_ = 	snop  }
0x3c: {  	p2 =	seq.s32 s10, $0x1;
	s10 =	sld [smem:$0x3FB5]  }
0x3d: {  	_ =	shalt  }
0x3e: {  	_ =	shalt  }
0x3f: {  	_ =	shalt  }
0x40: {  	_ =	shalt  }
0x41: {  	_ =	shalt  }
0x42: {  	_ =	shalt  }
0x43: {  	_ =	shalt  }
0x44: {  	_ =	shalt  }
0x45: {  	_ =	shalt  }
0x46: {  	_ =	shalt  }
0x47: {  	_ =	shalt  }
0x48: {  	_ =	shalt  }
0x49: {  	_ =	shalt  }
0x4a: {  	_ =	shalt  }
0x4b: {  	_ =	shalt  }
0x4c: {  	_ =	shalt  }
0x4d: {  	_ =	shalt  }
0x4e: {  	_ =	shalt  }
0x4f: {  	_ =	shalt  }
0x50: {  	_ =	shalt  }
0x51: {  	_ =	shalt  }
0x52: {  	_ =	shalt  }
0x53: {  	_ =	shalt  }
0x54: {  	_ =	shalt  }
0x55: {  	_ =	shalt  }
0x56: {  	_ =	shalt  }
0x57: {  	_ =	shalt  }
0x58: {  	_ =	shalt  }
0x59: {  	_ =	shalt  }
0x5a: {  	_ =	shalt  }
0x5b: {  	_ =	shalt  }
0x5c: {  	_ =	shalt  }
0x5d: {  	_ =	shalt  }
0x5e: {  	_ =	shalt  }
0x5f: {  	_ =	shalt  }
0x60: {  	_ =	shalt  }
0x61: {  	_ =	shalt  }
0x62: {  	_ =	shalt  }
0x63: {  	_ =	shalt  }
0x64: {  	_ =	shalt  }
0x65: {  	_ =	shalt  }
0x66: {  	_ =	shalt  }
0x67: {  	_ =	shalt  }
0x68: {  	_ =	shalt  }
0x69: {  	_ =	shalt  }
0x6a: {  	_ =	shalt  }
0x6b: {  	_ =	shalt  }
0x6c: {  	_ =	shalt  }
0x6d: {  	_ =	shalt  }
0x6e: {  	_ =	shalt  }
0x6f: {  	_ =	shalt  }
0x70: {  	_ =	shalt  }
0x71: {  	_ =	shalt  }
0x72: {  	_ =	shalt  }
0x73: {  	_ =	shalt  }
0x74: {  	_ =	shalt  }
0x75: {  	_ =	shalt  }
0x76: {  	_ =	shalt  }
0x77: {  	_ =	shalt  }
0x78: {  	_ =	shalt  }
0x79: {  	_ =	shalt  }
0x7a: {  	_ =	shalt  }
0x7b: {  	_ =	shalt  }
0x7c: {  	_ =	shalt  }
0x7d: {  	_ =	shalt  }
0x7e: {  	_ =	shalt  }
0x7f: {  	_ =	shalt  }
0x80: {  	_ =	shalt  }
0x81: {  	_ =	shalt  }
0x82: {  	_ =	shalt  }
0x83: {  	_ =	shalt  }
0x84: {  	_ =	shalt  }
0x85: {  	_ =	shalt  }
0x86: {  	_ =	shalt  }
0x87: {  	_ =	shalt  }
.Lfunc_end0:
.L_simem_size_0:
called_computation_lowered:
.L_overlay_start_0:
0x88: {  	s2 =	sld [smem:$0x3FD9]  }
0x89: {  	s3 =	sld [smem:$0x3FFE];
	_ =	sdelay $0x1  }
0x8a: {  	s1 =	srdreg.scid  }
0x8b: {  	s0 =	sand.u32 $0x1, s1  }
0x8c: {  	s17 =	sshll.u32 s0, $0xA;
	s2 =	sadd.s32 s3, s2  }
0x8d: {  	s2 =	sadd.s32 s2, s17  }
0x8e: {  	[smem:$0x3FC1] =	sst s2  }
0x8f: {  	_ = 	snop  }
0x90: {  	s2 =	sld [smem:$0x3FC9]  }
0x91: {  	s18 =	sld [smem:$0x3FD0];
	(tm) =	ssettm $0x1  }
0x92: {  	s4 =	sld [smem:$0x3FFB];
	_ =	sdelay $0x3  }
0x93: {  	_ =	strace s4  }
0x94: {  	s4 =	sld [smem:$0x3FFC];
	_ =	sdelay $0x3  }
0x95: {  	_ =	strace s4  }
0x96: {  	s4 =	sld [smem:$0x3FFD];
	_ =	sdelay $0x3  }
0x97: {  	_ =	strace s4  }
0x98: {  	_ =	strace $0x8FFFFFFF  }
0x99: {  	s19 =	sld [smem:$0x3FDB];
	_ =	sdelay $0x1  }
0x9a: {  	s5 =	simm.s32 $_scs_section_size  }
0x9b: {  	s6 =	simm.s32 $_size__tile_overlayer_lowered;
	s7 =	simm.s32 $_tile_overlayer_lowered  }
0x9c: {  	s22 =	simm.s32 $0x1BFF;
	s21 =	sshll.u32 s7, $0x1;
	s4 =	sadd.s32 s5, s19  }
0x9d: {  	s8 =	simm.s32 $0x0;
	s20 =	sshll.u32 s6, $0x1;
	s6 =	sadd.s32 s21, s4  }
0x9e: {  	[timem:s8], [sflag:s22] =	dma.local [hbm:s6], s20  }
0x9f: {  	_ =	swait.ge [sflag:s22], s20  }
0xa0: {  	s5 =	ssub.s32 $0x0, s20;
	[sflag:s22] =	ssyncset.done $0x0  }
0xa1: {  	[sflag:s22] =	ssyncadd.s32 s5;
	_ =	sdelay $0x1  }
0xa2: {  	s23 =	simm.s32 $0x1B8B  }
0xa3: {  	_ =	swait.ge [sflag:s23], $0x1  }
0xa4: {  	[sflag:s23] =	ssyncset.done $0x0  }
0xa5: {  	s25 =	simm.s32 $0x1B8E;
	s24 =	sld [smem:$0x3FFE];
	[sflag:s23] =	ssyncadd.s32 $0xFFFFFFFF  }
0xa6: {  	s26 =	simm.s32 $execute0_lowered;
	[smem:$0x3FD2] =	sst s25  }
0xa7: {  	s6 =	sshll.u32 s26, $0x1;
	_ =	strace $0x80000046;
	[dreg:$0x1] =	wrdreg $0xFFFFFFFF  }
0xa8: {  	s28 =	simm.s32 $_size_execute0_lowered;
	s4 =	sadd.s32 s4, s6;
	[dreg:$0x0] =	wrdreg $0x0  }
0xa9: {  	s6 =	sshll.u32 s28, $0x1;
	[dreg:$0x2] =	wrdreg s4  }
0xaa: {  	[dreg:$0x3] =	wrdreg s6  }
0xab: {  	[dreg:$0x4] =	wrdreg $0xC0  }
0xac: {  	_ =	task [dreg:s8], $0x5FFFF  }
0xad: {  	[dreg:$0x1] =	wrdreg $0xFFFFFFFF  }
0xae: {  	[dreg:$0x0] =	wrdreg $0x60  }
0xaf: {  	[dreg:$0x2] =	wrdreg s24  }
0xb0: {  	[dreg:$0x3] =	wrdreg s2  }
0xb1: {  	[dreg:$0x4] =	wrdreg s18  }
0xb2: {  	[dreg:$0x5] =	wrdreg $0x187000  }
0xb3: {  	[dreg:$0x6] =	wrdreg $0x188800  }
0xb4: {  	[dreg:$0x7] =	wrdreg $0x9  }
0xb5: {  	_ =	task.clear_ibuf [dreg:s8], $0x8FFFF;
	_ =	strace $0x90000046  }
0xb6: {  	s29 =	simm.s32 $0x9;
	_ =	strace $0x80000048  }
0xb7: {  	_ =	swait.ge [sflag:s29], $0x1  }
0xb8: {  	[sflag:s29] =	ssyncadd.s32 $0xFFFFFFFF  }
0xb9: {  	_ =	strace $0x90000048  }
0xba: {  	_ =	sfence  }
0xbb: {  	s30 =	sld [smem:$0x0];
	_ =	sdelay $0x2  }
0xbc: {  	s31 =	sshll.u32 s1, $0xD;
	s1 =	sshrl.u32 s1, $0x2  }
0xbd: {  	s3 =	sand.u32 $0x4000, s31;
	s1 =	sadd.s32 s1, s30  }
0xbe: {  	s0 =	sor.u32 s3, s0;
	s1 =	sshll.u32 s1, $0x11  }
0xbf: {  	s0 =	sor.u32 s1, s0  }
0xc0: {  	s0 =	sadd.s32 $0x8F2B, s0  }
0xc1: {  	[sflag:s0] =	ssyncadd.remote.s32 $0x1  }
0xc2: {  	_ =	sfence.sel $0xFFFF  }
0xc3: {  	[dreg:$0x0] =	wrdreg $0xFFFFFFFF;
	(pc) =	sbr.abs _section_cstart, $3  }
0xc4: {  	[dreg:$0x1] =	wrdreg $0xFFFFFFFF  }
0xc5: {  	_ =	task.clear_ibuf [dreg:s8], $0x2FFFF;
	_ =	strace $0x9FFFFFFF  }
0xc6: {  	(tm) =	ssettm $0x7FFFFFFF  }
0xc7: {  	_ =	shalt  }
tec
execute0_lowered:
.L_overlay_start_1:
0x0: {  	(tag) =	ssettag $0x1  }
0x1: {  	s0 =	rddreg [dreg:$0x0]  }
0x2: {  	s2 =	rddreg [dreg:$0x1]  }
0x3: {  	s1 =	rddreg [dreg:$0x2]  }
0x4: {  	s16 =	rddreg [dreg:$0x3];
	s11 =	stileid.u32  }
0x5: {  	s4 =	rddreg [dreg:$0x4];
	s5 =	simm.s32 $0x0;
	s10 =	srdreg.scid  }
0x6: {  	s29 =	simm.s32 $0x7700;
	s28 =	simm.s32 $0x9700;
	s30 =	simm.s32 $0x9F00  }
0x7: {  	s31 =	simm.s32 $0xA700;
	s3 =	smul.u32 $0x180, s11;
	[smem:$0x7FF] =	sst s5  }
0x8: {  	s6 =	sshll.u32 s11, $0x5;
	s9 =	sadd.s32 $0x2C00, s0;
	s26 =	sand.u32 $0x1, s10  }
0x9: {  	_ =	strace $0x80000047;
	s8 =	sadd.s32 s6, s0;
	s10 =	ssub.s32 $0x2, s26  }
0xa: {  	s6 =	sshll.u32 s11, $0x8;
	s7 =	sshrl.u32 s3, $0x3;
	s13 =	sshrl.u32 s10, $0x1  }
0xb: {  	s14 =	sadd.s32 s3, s16;
	s15 =	sadd.s32 s3, s4;
	s17 =	sadd.s32 $0x2000, s8  }
0xc: {  	s18 =	sadd.s32 $0x2200, s8;
	s3 =	sor.u32 $0x70, s6;
	[dreg:$0x9] =	wrdreg s14  }
0xd: {  	s25 =	sadd.s32 s7, s0;
	s0 =	sadd.s32 $0x2800, s0;
	[dreg:$0xa] =	wrdreg s15  }
0xe: {  	s1 =	sadd.s32 s1, s7;
	s10 =	ssub.s32 s10, s13;
	[dreg:$0xb] =	wrdreg s17  }
0xf: {  	[dreg:$0xc] =	wrdreg s18;
	s13 =	sor.u32 $0x10, s6;
	s14 =	sor.u32 $0x20, s6  }
0x10: {  	v18 =	vlaneseq.u32;
	s17 =	sor.u32 $0x30, s6;
	s18 =	sor.u32 $0x80, s6;
	[dreg:$0x6] =	wrdreg s0  }
0x11: {  	v7 =	vor.u32 s3, v18;
	s3 =	simm.s32 $0x12700;
	[dreg:$0x7] =	wrdreg s1;
	s0 =	sshll.u32 s26, $0x4  }
0x12: {  	s12 =	sadd.s32 $0x2400, s25;
	s1 =	sor.u32 $0x50, s6;
	s7 =	sor.u32 s11, s0  }
0x13: {  	v8 =	vor.u32 s18, v18;
	s18 =	simm.s32 $0x2F00;
	[dreg:$0x8] =	wrdreg s12;
	s19 =	smul.u32 $0x300, s7  }
0x14: {  	s0 =	sor.u32 $0x40, s6;
	s11 =	sor.u32 $0x60, s6;
	s20 =	smul.u32 $0x6000, s7  }
0x15: {  	v5 =	vor.u32 s1, v18;
	s1 =	simm.s32 $0x5;
	s15 =	smul.u32 $0x30000, s7;
	p0 =	sne.s32 s7, $0x0  }
0x16: {  	s7 =	sadd.s32 $0x100, s2;
	s12 =	sshrl.u32 s19, $0x2;
	s21 =	sadd.s32 s9, s20  }
0x17: {  	s22 =	sshrl.u32 s15, $0x3;
	s20 =	sor.u32 $0xA0, s6;
	s15 =	simm.s32 $0x280  }
0x18: {  	s19 =	simm.s32 $0x300;
	s12 =	sadd.s32 s12, s16;
	[dreg:$0x19] =	wrdreg s21  }
0x19: {  	s8 =	sadd.s32 $0xC00, s21;
	s23 =	sadd.s32 $0x1800, s21;
	[dreg:$0x16] =	wrdreg s15  }
0x1a: {  	vm0 =	vmmov $0xffff;
	s9 =	sadd.s32 s9, s22;
	s21 =	sor.u32 $0x90, s6;
	[dreg:$0x18] =	wrdreg s19  }
0x1b: {  	v16 =	vand.u32 $0x7, v18;
	v17 =	vshrl.u32 v18, $0x3;
	v0 =	vor.u32 s6, v18;
	s22 =	sor.u32 $0xB0, s6;
	s16 =	simm.s32 $0x180;
	[dreg:$0xd] =	wrdreg s12  }
0x1c: {  	v17 =	vmul.u32 $0x8, v17;
	v0 =	vand.u32 $0x70F, v0;
	v1 =	vor.u32 s13, v18;
	s19 =	smax.u32 s10, $0x1;
	s10 =	sadd.s32 $0x300, s2;
	[dreg:$0xe] =	wrdreg s8  }
0x1d: {  	v2 =	vor.u32 s14, v18;
	v3 =	vor.u32 s17, v18;
	v10 =	vor.u32 s20, v18;
	s20 =	simm.s32 $0x3700;
	[dreg:$0xf] =	wrdreg s23;
	s24 =	sadd.s32 $0x2400, s9  }
0x1e: {  	v7 =	vand.u32 $0x77F, v7;
	v1 =	vand.u32 $0x71F, v1;
	v2 =	vand.u32 $0x72F, v2;
	s25 =	sadd.s32 $0x3000, s9;
	s26 =	sadd.s32 $0x3C00, s9;
	[dreg:$0x17] =	wrdreg s16  }
0x1f: {  	v3 =	vand.u32 $0x73F, v3;
	v8 =	vand.u32 $0x78F, v8;
	v4 =	vor.u32 s0, v18;
	s4 =	sadd.s32 $0x4800, s9;
	s9 =	sadd.s32 $0x5400, s9;
	[dreg:$0x10] =	wrdreg s24  }
0x20: {  	v6 =	vor.u32 s11, v18;
	v5 =	vand.u32 $0x75F, v5;
	v4 =	vand.u32 $0x74F, v4;
	s23 =	sor.u32 $0xD0, s6;
	s12 =	simm.s32 $0x200;
	[dreg:$0x11] =	wrdreg s25  }
0x21: {  	v6 =	vand.u32 $0x76F, v6;
	s8 =	sadd.s32 $0x200, s2;
	v9 =	vor.u32 s21, v18;
	v11 =	vor.u32 s22, v18;
	s21 =	simm.s32 $0x3F00;
	[dreg:$0x12] =	wrdreg s26  }
0x22: {  	v10 =	vand.u32 $0x7AF, v10;
	s24 =	sor.u32 $0xC0, s6;
	[dreg:$0x13] =	wrdreg s4;
	s25 =	sor.u32 $0xE0, s6;
	v13 =	vor.u32 s23, v18;
	v9 =	vand.u32 $0x79F, v9  }
0x23: {  	s22 =	simm.s32 $0x4700;
	[dreg:$0x14] =	wrdreg s9;
	s26 =	sor.u32 $0xF0, s6;
	v11 =	vand.u32 $0x7BF, v11;
	v12 =	vor.u32 s24, v18;
	v14 =	vor.u32 s25, v18  }
0x24: {  	[dreg:$0x15] =	wrdreg s12;
	s12 =	simm.s32 $0x9;
	s23 =	simm.s32 $0x4F00;
	v15 =	vor.u32 s26, v18;
	v13 =	vand.u32 $0x7DF, v13;
	v18 =	vor.u32 $0x8, v18  }
0x25: {  	s24 =	simm.s32 $0x7F00;
	s25 =	simm.s32 $0x8700;
	s26 =	simm.s32 $0x8F00;
	v12 =	vand.u32 $0x7CF, v12;
	v14 =	vand.u32 $0x7EF, v14;
	v15 =	vand.u32 $0x7FF, v15  }
.LBB2_1:
0x26: {  	s6 =	rddreg [dreg:$0x7];
	s11 =	simm.s32 $0x400  }
0x27: {  	[tilespmem:s11], [sflag:$0x9] =	stream.linear.gather [hbm4b:s6+s5], $0x180, $0x38;
	[tilespmem:$0x18A00] =	vst v63  }
0x28: {  	_ =	swait.ge [sflag:s12], $0x180  }
0x29: {  	[sflag:s12] =	ssyncset.done $0x0  }
0x2a: {  	s13 =	simm.s32 $0x580;
	s15 =	rddreg [dreg:$0x8];
	[sflag:s12] =	ssyncadd.s32 $0xFFFFFE80  }
0x2b: {  	[tilespmem:s13], [sflag:$0x9] =	stream.linear.gather [hbm4b:s15+s5], $0x180, $0x38;
	[tilespmem:$0x18A00] =	vst v63  }
0x2c: {  	_ =	swait.ge [sflag:s12], $0x180  }
0x2d: {  	[sflag:s12] =	ssyncset.done $0x0  }
0x2e: {  	s16 =	rddreg [dreg:$0x9];
	[sflag:s12] =	ssyncadd.s32 $0xFFFFFE80  }
0x2f: {  	[spmem:s16] =	stream.linear.scatter [tilespmem:s11], [sflag:$0x9], $0x180, $0x38;
	[tilespmem:$0x18A00] =	vst v63  }
0x30: {  	_ =	swait.ge [sflag:s12], $0x180  }
0x31: {  	[sflag:s12] =	ssyncset.done $0x0  }
0x32: {  	s17 =	rddreg [dreg:$0xa];
	[sflag:s12] =	ssyncadd.s32 $0xFFFFFE80  }
0x33: {  	[spmem:s17] =	stream.linear.scatter [tilespmem:s13], [sflag:$0x9], $0x180, $0x38;
	[tilespmem:$0x18A00] =	vst v63  }
0x34: {  	_ =	swait.ge [sflag:s12], $0x180  }
0x35: {  	[sflag:s12] =	ssyncset.done $0x0  }
0x36: {  	s0 =	rddreg [dreg:$0xb];
	[sflag:s12] =	ssyncadd.s32 $0xFFFFFE80  }
0x37: {  	[tilespmem:s5], [sflag:$0x9] =	stream.linear.gather [hbm4b:s0+s5], $0x100, $0x38;
	[tilespmem:$0x18A00] =	vst v63  }
0x38: {  	_ =	swait.ge [sflag:s12], $0x100  }
0x39: {  	[sflag:s12] =	ssyncset.done $0x0  }
0x3a: {  	s9 =	simm.s32 $0x100;
	s4 =	rddreg [dreg:$0xc];
	[sflag:s12] =	ssyncadd.s32 $0xFFFFFF00  }
0x3b: {  	[tilespmem:s9], [sflag:$0x9] =	stream.linear.gather [hbm4b:s4+s5], $0x100, $0x38;
	[tilespmem:$0x18A00] =	vst v63  }
0x3c: {  	_ =	swait.ge [sflag:s12], $0x100  }
0x3d: {  	[sflag:s12] =	ssyncset.done $0x0  }
0x3e: {  	[sflag:s12] =	ssyncadd.s32 $0xFFFFFF00  }
0x3f: {  	[tilespmem:$0x200] =	vst v0  }
0x40: {  	[tilespmem:$0x210] =	vst v1  }
0x41: {  	[tilespmem:$0x220] =	vst v2  }
0x42: {  	[tilespmem:$0x230] =	vst v3  }
0x43: {  	[tilespmem:$0x240] =	vst v4  }
0x44: {  	[tilespmem:$0x250] =	vst v5  }
0x45: {  	[tilespmem:$0x260] =	vst v6  }
0x46: {  	[tilespmem:$0x270] =	vst v7  }
0x47: {  	[tilespmem:$0x280] =	vst v8  }
0x48: {  	[tilespmem:$0x290] =	vst v9  }
0x49: {  	[tilespmem:$0x2A0] =	vst v10  }
0x4a: {  	[tilespmem:$0x2B0] =	vst v11  }
0x4b: {  	[tilespmem:$0x2C0] =	vst v12  }
0x4c: {  	[tilespmem:$0x2D0] =	vst v13  }
0x4d: {  	[tilespmem:$0x2E0] =	vst v14  }
0x4e: {  	[tilespmem:$0x2F0] =	vst v15  }
0x4f: {  	[bflag:$0x0] =	sbarrier.arrive $0xFFFF  }
0x50: {  	s11 =	rddreg [dreg:$0x15]  }
0x51: {  	s14 =	simm.s32 $0x80;
	s15 =	rddreg [dreg:$0x3]  }
0x52: {  	[spmem:s15] =	stream.indirect.scatter.add.s32 [tilespmem:s11], [sflag:$0x9], $0x1, s5, s14, $0xb8;
	[tilespmem:$0x18A00] =	vst v63  }
0x53: {  	_ =	swait.ge [sflag:s12], $0x80  }
0x54: {  	[sflag:s12] =	ssyncset.done $0x0  }
0x55: {  	[sflag:s12] =	ssyncadd.s32 $0xFFFFFF80  }
0x56: {  	s4 =	rddreg [dreg:$0x4]  }
0x57: {  	[spmem:s4] =	stream.indirect.scatter.add.f32 [tilespmem:s9], [sflag:$0x9], $0x1, s5, s14, $0xb8;
	[tilespmem:$0x18A00] =	vst v63  }
0x58: {  	_ =	swait.ge [sflag:s12], $0x80  }
0x59: {  	[sflag:s12] =	ssyncset.done $0x0  }
0x5a: {  	s16 =	rddreg [dreg:$0x16];
	[sflag:s12] =	ssyncadd.s32 $0xFFFFFF80  }
0x5b: {  	[spmem:s15] =	stream.indirect.scatter.add.s32 [tilespmem:s16], [sflag:$0x9], $0x1, s14, s14, $0xb8;
	[tilespmem:$0x18A00] =	vst v63  }
0x5c: {  	_ =	swait.ge [sflag:s12], $0x80  }
0x5d: {  	[sflag:s12] =	ssyncset.done $0x0  }
0x5e: {  	s17 =	rddreg [dreg:$0x17];
	[sflag:s12] =	ssyncadd.s32 $0xFFFFFF80  }
0x5f: {  	[spmem:s4] =	stream.indirect.scatter.add.f32 [tilespmem:s17], [sflag:$0x9], $0x1, s14, s14, $0xb8;
	[tilespmem:$0x18A00] =	vst v63  }
0x60: {  	_ =	swait.ge [sflag:s12], $0x80  }
0x61: {  	[sflag:s12] =	ssyncset.done $0x0  }
0x62: {  	s11 =	stileid.u32;
	[sflag:s12] =	ssyncadd.s32 $0xFFFFFF80  }
0x63: {  	s11 =	sshll.u32 @!p0 s11, $0x6;
	[bflag:$0x0] =	sbarrier.arrive $0xFFFF  }
0x64: {  	s11 =	sor.u32 @!p0 $0x1C09, s11;
	s13 =	sshrl.u32 @!p0 s4, $0x3;
	s6 =	rddreg [dreg:$0x6]  }
0x65: {  	[hbm:s6], [sflag:s11] =	dma.local @!p0 [spmem:s13], $0x300  }
0x66: {  	s6 =	simm.s32 @!p0 $0x9  }
0x67: {  	_ =	swait.ge @!p0 [sflag:s6], $0x300  }
0x68: {  	s0 =	rddreg [dreg:$0xd];
	[sflag:s6] =	ssyncset.done @!p0 $0x0  }
0x69: {  	s4 =	rddreg [dreg:$0x18];
	[sflag:s6] =	ssyncadd.s32 @!p0 $0xFFFFFD00  }
0x6a: {  	[tilespmem:s4], [sflag:$0x9] =	stream.linear.gather [spmem:s0], $0xC0, $0x38;
	[tilespmem:$0x18A00] =	vst v63  }
0x6b: {  	_ =	swait.ge [sflag:s12], $0xC0  }
0x6c: {  	[sflag:s12] =	ssyncset.done $0x0  }
0x6d: {  	[sflag:s12] =	ssyncadd.s32 $0xFFFFFF40  }
0x6e: {  	v19 =	vld [tilespmem:$0x300];
	_ =	sdelay $0x4  }
0x6f: {  	v20 =	vshll.u32 v19, $0x3  }
0x70: {  	v19 =	vand.u32 $0x7, v19;
	v20 =	vand.u32 $0xFFFFFFC0, v20  }
0x71: {  	v19 =	vor.u32 v19, v20  }
0x72: {  	v20 =	vperm.xlane v19, v16;
	_ =	sdelay $0x1  }
0x73: {  	v20 =	vadd.s32 v17, v20;
	_ =	sdelay $0x3  }
0x74: {  	s0 =	simm.s32 $0x700  }
0x75: {  	[tilespmem:s0], [sflag:$0x1] =	stream.indirect_vreg.gather [hbm4b:s2+s5], $0x80, v20, vm0, $0xb8;
	[tilespmem:$0x18A00] =	vst v63  }
0x76: {  	s11 =	simm.s32 $0xF00;
	v19 =	vperm.xlane v19, v18  }
0x77: {  	[tilespmem:s11], [sflag:$0x1] =	stream.indirect_vreg.gather [hbm4b:s7+s5], $0x80, v20, vm0, $0xb8;
	[tilespmem:$0x18A00] =	vst v63  }
0x78: {  	s13 =	simm.s32 $0x1700;
	v19 =	vadd.s32 v17, v19  }
0x79: {  	[tilespmem:s13], [sflag:$0x1] =	stream.indirect_vreg.gather [hbm4b:s8+s5], $0x80, v20, vm0, $0xb8;
	[tilespmem:$0x18A00] =	vst v63  }
0x7a: {  	s14 =	simm.s32 $0x1F00  }
0x7b: {  	[tilespmem:s14], [sflag:$0x1] =	stream.indirect_vreg.gather [hbm4b:s10+s5], $0x80, v20, vm0, $0xb8;
	[tilespmem:$0x18A00] =	vst v63  }
0x7c: {  	s17 =	simm.s32 $0x2700  }
0x7d: {  	[tilespmem:s17], [sflag:$0x1] =	stream.indirect_vreg.gather [hbm4b:s2+s5], $0x80, v19, vm0, $0xb8;
	[tilespmem:$0x18A00] =	vst v63  }
0x7e: {  	_ = 	snop  }
0x7f: {  	[tilespmem:s18], [sflag:$0x1] =	stream.indirect_vreg.gather [hbm4b:s7+s5], $0x80, v19, vm0, $0xb8;
	[tilespmem:$0x18A00] =	vst v63  }
0x80: {  	_ = 	snop  }
0x81: {  	[tilespmem:s20], [sflag:$0x1] =	stream.indirect_vreg.gather [hbm4b:s8+s5], $0x80, v19, vm0, $0xb8;
	[tilespmem:$0x18A00] =	vst v63  }
0x82: {  	_ = 	snop  }
0x83: {  	[tilespmem:s21], [sflag:$0x1] =	stream.indirect_vreg.gather [hbm4b:s10+s5], $0x80, v19, vm0, $0xb8;
	[tilespmem:$0x18A00] =	vst v63  }
0x84: {  	v19 =	vld.msk [tilespmem:$0x310], $0xff;
	_ =	sdelay $0x4  }
0x85: {  	v20 =	vshll.u32 v19, $0x3  }
0x86: {  	v19 =	vand.u32 $0x7, v19;
	v20 =	vand.u32 $0xFFFFFFC0, v20  }
0x87: {  	v19 =	vor.u32 v19, v20  }
0x88: {  	v19 =	vperm.xlane v19, v16;
	_ =	sdelay $0x1  }
0x89: {  	v19 =	vadd.s32 v17, v19;
	_ =	sdelay $0x4  }
0x8a: {  	[tilespmem:s22], [sflag:$0x1] =	stream.indirect_vreg.gather [hbm4b:s2+s5], $0x80, v19, vm0, $0xb8;
	[tilespmem:$0x18A00] =	vst v63  }
0x8b: {  	_ = 	snop  }
0x8c: {  	[tilespmem:s23], [sflag:$0x1] =	stream.indirect_vreg.gather [hbm4b:s7+s5], $0x80, v19, vm0, $0xb8;
	[tilespmem:$0x18A00] =	vst v63  }
0x8d: {  	s16 =	simm.s32 $0x5700  }
0x8e: {  	[tilespmem:s16], [sflag:$0x1] =	stream.indirect_vreg.gather [hbm4b:s8+s5], $0x80, v19, vm0, $0xb8;
	[tilespmem:$0x18A00] =	vst v63  }
0x8f: {  	s15 =	simm.s32 $0x5F00  }
0x90: {  	[tilespmem:s15], [sflag:$0x1] =	stream.indirect_vreg.gather [hbm4b:s10+s5], $0x80, v19, vm0, $0xb8;
	[tilespmem:$0x18A00] =	vst v63  }
0x91: {  	v19 =	vld [tilespmem:$0x318];
	_ =	sdelay $0x4  }
0x92: {  	v20 =	vshll.u32 v19, $0x3  }
0x93: {  	v19 =	vand.u32 $0x7, v19;
	v20 =	vand.u32 $0xFFFFFFC0, v20  }
0x94: {  	v19 =	vor.u32 v19, v20  }
0x95: {  	v20 =	vperm.xlane v19, v16;
	_ =	sdelay $0x1  }
0x96: {  	v20 =	vadd.s32 v17, v20;
	_ =	sdelay $0x3  }
0x97: {  	s9 =	simm.s32 $0x6700  }
0x98: {  	[tilespmem:s9], [sflag:$0x2] =	stream.indirect_vreg.gather [hbm4b:s2+s5], $0x80, v20, vm0, $0xb8;
	[tilespmem:$0x18A00] =	vst v63  }
0x99: {  	s4 =	simm.s32 $0x6F00;
	v19 =	vperm.xlane v19, v18  }
0x9a: {  	[tilespmem:s4], [sflag:$0x2] =	stream.indirect_vreg.gather [hbm4b:s7+s5], $0x80, v20, vm0, $0xb8;
	[tilespmem:$0x18A00] =	vst v63  }
0x9b: {  	v19 =	vadd.s32 v17, v19  }
0x9c: {  	[tilespmem:s29], [sflag:$0x2] =	stream.indirect_vreg.gather [hbm4b:s8+s5], $0x80, v20, vm0, $0xb8;
	[tilespmem:$0x18A00] =	vst v63  }
0x9d: {  	_ = 	snop  }
0x9e: {  	[tilespmem:s24], [sflag:$0x2] =	stream.indirect_vreg.gather [hbm4b:s10+s5], $0x80, v20, vm0, $0xb8;
	[tilespmem:$0x18A00] =	vst v63  }
0x9f: {  	_ = 	snop  }
0xa0: {  	[tilespmem:s25], [sflag:$0x2] =	stream.indirect_vreg.gather [hbm4b:s2+s5], $0x80, v19, vm0, $0xb8;
	[tilespmem:$0x18A00] =	vst v63  }
0xa1: {  	_ = 	snop  }
0xa2: {  	[tilespmem:s26], [sflag:$0x2] =	stream.indirect_vreg.gather [hbm4b:s7+s5], $0x80, v19, vm0, $0xb8;
	[tilespmem:$0x18A00] =	vst v63  }
0xa3: {  	_ = 	snop  }
0xa4: {  	[tilespmem:s28], [sflag:$0x2] =	stream.indirect_vreg.gather [hbm4b:s8+s5], $0x80, v19, vm0, $0xb8;
	[tilespmem:$0x18A00] =	vst v63  }
0xa5: {  	_ = 	snop  }
0xa6: {  	[tilespmem:s30], [sflag:$0x2] =	stream.indirect_vreg.gather [hbm4b:s10+s5], $0x80, v19, vm0, $0xb8;
	[tilespmem:$0x18A00] =	vst v63  }
0xa7: {  	v19 =	vld.msk [tilespmem:$0x328], $0xff;
	_ =	sdelay $0x4  }
0xa8: {  	v20 =	vshll.u32 v19, $0x3  }
0xa9: {  	v19 =	vand.u32 $0x7, v19;
	v20 =	vand.u32 $0xFFFFFFC0, v20  }
0xaa: {  	v19 =	vor.u32 v19, v20  }
0xab: {  	v19 =	vperm.xlane v19, v16;
	_ =	sdelay $0x1  }
0xac: {  	v19 =	vadd.s32 v17, v19;
	_ =	sdelay $0x4  }
0xad: {  	[tilespmem:s31], [sflag:$0x2] =	stream.indirect_vreg.gather [hbm4b:s2+s5], $0x80, v19, vm0, $0xb8;
	[tilespmem:$0x18A00] =	vst v63  }
0xae: {  	s6 =	simm.s32 $0xAF00  }
0xaf: {  	[tilespmem:s6], [sflag:$0x2] =	stream.indirect_vreg.gather [hbm4b:s7+s5], $0x80, v19, vm0, $0xb8;
	[tilespmem:$0x18A00] =	vst v63  }
0xb0: {  	s9 =	simm.s32 $0xB700  }
0xb1: {  	[tilespmem:s9], [sflag:$0x2] =	stream.indirect_vreg.gather [hbm4b:s8+s5], $0x80, v19, vm0, $0xb8;
	[tilespmem:$0x18A00] =	vst v63  }
0xb2: {  	s4 =	simm.s32 $0xBF00  }
0xb3: {  	[tilespmem:s4], [sflag:$0x2] =	stream.indirect_vreg.gather [hbm4b:s10+s5], $0x80, v19, vm0, $0xb8;
	[tilespmem:$0x18A00] =	vst v63  }
0xb4: {  	v19 =	vld [tilespmem:$0x330];
	_ =	sdelay $0x4  }
0xb5: {  	v20 =	vshll.u32 v19, $0x3  }
0xb6: {  	v19 =	vand.u32 $0x7, v19;
	v20 =	vand.u32 $0xFFFFFFC0, v20  }
0xb7: {  	v19 =	vor.u32 v19, v20  }
0xb8: {  	v20 =	vperm.xlane v19, v16;
	_ =	sdelay $0x1  }
0xb9: {  	v20 =	vadd.s32 v17, v20;
	_ =	sdelay $0x3  }
0xba: {  	s4 =	simm.s32 $0xC700  }
0xbb: {  	[tilespmem:s4], [sflag:$0x3] =	stream.indirect_vreg.gather [hbm4b:s2+s5], $0x80, v20, vm0, $0xb8;
	[tilespmem:$0x18A00] =	vst v63  }
0xbc: {  	s6 =	simm.s32 $0xCF00;
	v19 =	vperm.xlane v19, v18  }
0xbd: {  	[tilespmem:s6], [sflag:$0x3] =	stream.indirect_vreg.gather [hbm4b:s7+s5], $0x80, v20, vm0, $0xb8;
	[tilespmem:$0x18A00] =	vst v63  }
0xbe: {  	s9 =	simm.s32 $0xD700;
	v19 =	vadd.s32 v17, v19  }
0xbf: {  	[tilespmem:s9], [sflag:$0x3] =	stream.indirect_vreg.gather [hbm4b:s8+s5], $0x80, v20, vm0, $0xb8;
	[tilespmem:$0x18A00] =	vst v63  }
0xc0: {  	s6 =	simm.s32 $0xDF00  }
0xc1: {  	[tilespmem:s6], [sflag:$0x3] =	stream.indirect_vreg.gather [hbm4b:s10+s5], $0x80, v20, vm0, $0xb8;
	[tilespmem:$0x18A00] =	vst v63  }
0xc2: {  	s9 =	simm.s32 $0xE700  }
0xc3: {  	[tilespmem:s9], [sflag:$0x3] =	stream.indirect_vreg.gather [hbm4b:s2+s5], $0x80, v19, vm0, $0xb8;
	[tilespmem:$0x18A00] =	vst v63  }
0xc4: {  	s6 =	simm.s32 $0xEF00  }
0xc5: {  	[tilespmem:s6], [sflag:$0x3] =	stream.indirect_vreg.gather [hbm4b:s7+s5], $0x80, v19, vm0, $0xb8;
	[tilespmem:$0x18A00] =	vst v63  }
0xc6: {  	s9 =	simm.s32 $0xF700  }
0xc7: {  	[tilespmem:s9], [sflag:$0x3] =	stream.indirect_vreg.gather [hbm4b:s8+s5], $0x80, v19, vm0, $0xb8;
	[tilespmem:$0x18A00] =	vst v63  }
0xc8: {  	s6 =	simm.s32 $0xFF00  }
0xc9: {  	[tilespmem:s6], [sflag:$0x3] =	stream.indirect_vreg.gather [hbm4b:s10+s5], $0x80, v19, vm0, $0xb8;
	[tilespmem:$0x18A00] =	vst v63  }
0xca: {  	v19 =	vld.msk [tilespmem:$0x340], $0xff;
	_ =	sdelay $0x4  }
0xcb: {  	v20 =	vshll.u32 v19, $0x3  }
0xcc: {  	v19 =	vand.u32 $0x7, v19;
	v20 =	vand.u32 $0xFFFFFFC0, v20  }
0xcd: {  	v19 =	vor.u32 v19, v20  }
0xce: {  	v19 =	vperm.xlane v19, v16;
	_ =	sdelay $0x1  }
0xcf: {  	v19 =	vadd.s32 v17, v19;
	_ =	sdelay $0x3  }
0xd0: {  	s9 =	simm.s32 $0x10700  }
0xd1: {  	[tilespmem:s9], [sflag:$0x3] =	stream.indirect_vreg.gather [hbm4b:s2+s5], $0x80, v19, vm0, $0xb8;
	[tilespmem:$0x18A00] =	vst v63  }
0xd2: {  	s6 =	simm.s32 $0x10F00  }
0xd3: {  	[tilespmem:s6], [sflag:$0x3] =	stream.indirect_vreg.gather [hbm4b:s7+s5], $0x80, v19, vm0, $0xb8;
	[tilespmem:$0x18A00] =	vst v63  }
0xd4: {  	s9 =	simm.s32 $0x11700  }
0xd5: {  	[tilespmem:s9], [sflag:$0x3] =	stream.indirect_vreg.gather [hbm4b:s8+s5], $0x80, v19, vm0, $0xb8;
	[tilespmem:$0x18A00] =	vst v63  }
0xd6: {  	s6 =	simm.s32 $0x11F00  }
0xd7: {  	[tilespmem:s6], [sflag:$0x3] =	stream.indirect_vreg.gather [hbm4b:s10+s5], $0x80, v19, vm0, $0xb8;
	[tilespmem:$0x18A00] =	vst v63  }
0xd8: {  	v19 =	vld [tilespmem:$0x348];
	_ =	sdelay $0x4  }
0xd9: {  	v20 =	vshll.u32 v19, $0x3  }
0xda: {  	v19 =	vand.u32 $0x7, v19;
	v20 =	vand.u32 $0xFFFFFFC0, v20  }
0xdb: {  	v19 =	vor.u32 v19, v20  }
0xdc: {  	v20 =	vperm.xlane v19, v16;
	_ =	sdelay $0x1  }
0xdd: {  	v20 =	vadd.s32 v17, v20;
	_ =	sdelay $0x4  }
0xde: {  	[tilespmem:s3], [sflag:$0x4] =	stream.indirect_vreg.gather [hbm4b:s2+s5], $0x80, v20, vm0, $0xb8;
	[tilespmem:$0x18A00] =	vst v63  }
0xdf: {  	s9 =	simm.s32 $0x12F00;
	v19 =	vperm.xlane v19, v18  }
0xe0: {  	[tilespmem:s9], [sflag:$0x4] =	stream.indirect_vreg.gather [hbm4b:s7+s5], $0x80, v20, vm0, $0xb8;
	[tilespmem:$0x18A00] =	vst v63  }
0xe1: {  	s6 =	simm.s32 $0x13700;
	v19 =	vadd.s32 v17, v19  }
0xe2: {  	[tilespmem:s6], [sflag:$0x4] =	stream.indirect_vreg.gather [hbm4b:s8+s5], $0x80, v20, vm0, $0xb8;
	[tilespmem:$0x18A00] =	vst v63  }
0xe3: {  	s9 =	simm.s32 $0x13F00  }
0xe4: {  	[tilespmem:s9], [sflag:$0x4] =	stream.indirect_vreg.gather [hbm4b:s10+s5], $0x80, v20, vm0, $0xb8;
	[tilespmem:$0x18A00] =	vst v63  }
0xe5: {  	s6 =	simm.s32 $0x14700  }
0xe6: {  	[tilespmem:s6], [sflag:$0x4] =	stream.indirect_vreg.gather [hbm4b:s2+s5], $0x80, v19, vm0, $0xb8;
	[tilespmem:$0x18A00] =	vst v63  }
0xe7: {  	s9 =	simm.s32 $0x14F00  }
0xe8: {  	[tilespmem:s9], [sflag:$0x4] =	stream.indirect_vreg.gather [hbm4b:s7+s5], $0x80, v19, vm0, $0xb8;
	[tilespmem:$0x18A00] =	vst v63  }
0xe9: {  	s6 =	simm.s32 $0x15700  }
0xea: {  	[tilespmem:s6], [sflag:$0x4] =	stream.indirect_vreg.gather [hbm4b:s8+s5], $0x80, v19, vm0, $0xb8;
	[tilespmem:$0x18A00] =	vst v63  }
0xeb: {  	s9 =	simm.s32 $0x15F00  }
0xec: {  	[tilespmem:s9], [sflag:$0x4] =	stream.indirect_vreg.gather [hbm4b:s10+s5], $0x80, v19, vm0, $0xb8;
	[tilespmem:$0x18A00] =	vst v63  }
0xed: {  	v19 =	vld.msk [tilespmem:$0x358], $0xff;
	_ =	sdelay $0x4  }
0xee: {  	v20 =	vshll.u32 v19, $0x3  }
0xef: {  	v19 =	vand.u32 $0x7, v19;
	v20 =	vand.u32 $0xFFFFFFC0, v20  }
0xf0: {  	v19 =	vor.u32 v19, v20  }
0xf1: {  	v19 =	vperm.xlane v19, v16;
	_ =	sdelay $0x1  }
0xf2: {  	v19 =	vadd.s32 v17, v19;
	_ =	sdelay $0x3  }
0xf3: {  	s6 =	simm.s32 $0x16700  }
0xf4: {  	[tilespmem:s6], [sflag:$0x4] =	stream.indirect_vreg.gather [hbm4b:s2+s5], $0x80, v19, vm0, $0xb8;
	[tilespmem:$0x18A00] =	vst v63  }
0xf5: {  	s9 =	simm.s32 $0x16F00  }
0xf6: {  	[tilespmem:s9], [sflag:$0x4] =	stream.indirect_vreg.gather [hbm4b:s7+s5], $0x80, v19, vm0, $0xb8;
	[tilespmem:$0x18A00] =	vst v63  }
0xf7: {  	s6 =	simm.s32 $0x17700  }
0xf8: {  	[tilespmem:s6], [sflag:$0x4] =	stream.indirect_vreg.gather [hbm4b:s8+s5], $0x80, v19, vm0, $0xb8;
	[tilespmem:$0x18A00] =	vst v63  }
0xf9: {  	s0 =	simm.s32 $0x1;
	s9 =	simm.s32 $0x17F00  }
0xfa: {  	[tilespmem:s9], [sflag:$0x4] =	stream.indirect_vreg.gather [hbm4b:s10+s5], $0x80, v19, vm0, $0xb8;
	[tilespmem:$0x18A00] =	vst v63  }
0xfb: {  	_ =	swait.ge [sflag:s0], $0x6000  }
0xfc: {  	[sflag:s0] =	ssyncset.done $0x0  }
0xfd: {  	s9 =	simm.s32 $0x700;
	s6 =	rddreg [dreg:$0x19];
	[sflag:s0] =	ssyncadd.s32 $0xFFFFA000  }
0xfe: {  	[hbm4b:s6+s5] =	stream.linear.scatter [tilespmem:s9], [sflag:$0x5], $0x6000, $0x38;
	[tilespmem:$0x18A00] =	vst v63  }
0xff: {  	_ =	swait.ge [sflag:s1], $0x6000  }
0x100: {  	[sflag:s1] =	ssyncset.done $0x0  }
0x101: {  	[sflag:s1] =	ssyncadd.s32 $0xFFFFA000  }
0x102: {  	v19 =	vld [tilespmem:$0x360];
	_ =	sdelay $0x4  }
0x103: {  	v20 =	vshll.u32 v19, $0x3  }
0x104: {  	v19 =	vand.u32 $0x7, v19;
	v20 =	vand.u32 $0xFFFFFFC0, v20  }
0x105: {  	v19 =	vor.u32 v19, v20  }
0x106: {  	v20 =	vperm.xlane v19, v16;
	_ =	sdelay $0x1  }
0x107: {  	v20 =	vadd.s32 v17, v20;
	_ =	sdelay $0x4  }
0x108: {  	[tilespmem:s9], [sflag:$0x1] =	stream.indirect_vreg.gather [hbm4b:s2+s5], $0x80, v20, vm0, $0xb8;
	[tilespmem:$0x18A00] =	vst v63  }
0x109: {  	v19 =	vperm.xlane v19, v18  }
0x10a: {  	[tilespmem:s11], [sflag:$0x1] =	stream.indirect_vreg.gather [hbm4b:s7+s5], $0x80, v20, vm0, $0xb8;
	[tilespmem:$0x18A00] =	vst v63  }
0x10b: {  	v19 =	vadd.s32 v17, v19  }
0x10c: {  	[tilespmem:s13], [sflag:$0x1] =	stream.indirect_vreg.gather [hbm4b:s8+s5], $0x80, v20, vm0, $0xb8;
	[tilespmem:$0x18A00] =	vst v63  }
0x10d: {  	_ = 	snop  }
0x10e: {  	[tilespmem:s14], [sflag:$0x1] =	stream.indirect_vreg.gather [hbm4b:s10+s5], $0x80, v20, vm0, $0xb8;
	[tilespmem:$0x18A00] =	vst v63  }
0x10f: {  	_ = 	snop  }
0x110: {  	[tilespmem:s17], [sflag:$0x1] =	stream.indirect_vreg.gather [hbm4b:s2+s5], $0x80, v19, vm0, $0xb8;
	[tilespmem:$0x18A00] =	vst v63  }
0x111: {  	_ = 	snop  }
0x112: {  	[tilespmem:s18], [sflag:$0x1] =	stream.indirect_vreg.gather [hbm4b:s7+s5], $0x80, v19, vm0, $0xb8;
	[tilespmem:$0x18A00] =	vst v63  }
0x113: {  	_ = 	snop  }
0x114: {  	[tilespmem:s20], [sflag:$0x1] =	stream.indirect_vreg.gather [hbm4b:s8+s5], $0x80, v19, vm0, $0xb8;
	[tilespmem:$0x18A00] =	vst v63  }
0x115: {  	_ = 	snop  }
0x116: {  	[tilespmem:s21], [sflag:$0x1] =	stream.indirect_vreg.gather [hbm4b:s10+s5], $0x80, v19, vm0, $0xb8;
	[tilespmem:$0x18A00] =	vst v63  }
0x117: {  	v19 =	vld.msk [tilespmem:$0x370], $0xff;
	_ =	sdelay $0x4  }
0x118: {  	v20 =	vshll.u32 v19, $0x3  }
0x119: {  	v19 =	vand.u32 $0x7, v19;
	v20 =	vand.u32 $0xFFFFFFC0, v20  }
0x11a: {  	v19 =	vor.u32 v19, v20  }
0x11b: {  	v19 =	vperm.xlane v19, v16;
	_ =	sdelay $0x1  }
0x11c: {  	v19 =	vadd.s32 v17, v19;
	_ =	sdelay $0x4  }
0x11d: {  	[tilespmem:s22], [sflag:$0x1] =	stream.indirect_vreg.gather [hbm4b:s2+s5], $0x80, v19, vm0, $0xb8;
	[tilespmem:$0x18A00] =	vst v63  }
0x11e: {  	_ = 	snop  }
0x11f: {  	[tilespmem:s23], [sflag:$0x1] =	stream.indirect_vreg.gather [hbm4b:s7+s5], $0x80, v19, vm0, $0xb8;
	[tilespmem:$0x18A00] =	vst v63  }
0x120: {  	_ = 	snop  }
0x121: {  	[tilespmem:s16], [sflag:$0x1] =	stream.indirect_vreg.gather [hbm4b:s8+s5], $0x80, v19, vm0, $0xb8;
	[tilespmem:$0x18A00] =	vst v63  }
0x122: {  	s11 =	simm.s32 $0x2  }
0x123: {  	[tilespmem:s15], [sflag:$0x1] =	stream.indirect_vreg.gather [hbm4b:s10+s5], $0x80, v19, vm0, $0xb8;
	[tilespmem:$0x18A00] =	vst v63  }
0x124: {  	_ =	swait.ge [sflag:s11], $0x6000  }
0x125: {  	[sflag:s11] =	ssyncset.done $0x0  }
0x126: {  	s14 =	simm.s32 $0x6700;
	s13 =	rddreg [dreg:$0xe];
	[sflag:s11] =	ssyncadd.s32 $0xFFFFA000  }
0x127: {  	[hbm4b:s13+s5] =	stream.linear.scatter [tilespmem:s14], [sflag:$0x6], $0x6000, $0x38;
	[tilespmem:$0x18A00] =	vst v63  }
0x128: {  	s13 =	simm.s32 $0x6  }
0x129: {  	_ =	swait.ge [sflag:s13], $0x6000  }
0x12a: {  	[sflag:s13] =	ssyncset.done $0x0  }
0x12b: {  	[sflag:s13] =	ssyncadd.s32 $0xFFFFA000  }
0x12c: {  	v19 =	vld [tilespmem:$0x378];
	_ =	sdelay $0x4  }
0x12d: {  	v20 =	vshll.u32 v19, $0x3  }
0x12e: {  	v19 =	vand.u32 $0x7, v19;
	v20 =	vand.u32 $0xFFFFFFC0, v20  }
0x12f: {  	v19 =	vor.u32 v19, v20  }
0x130: {  	v20 =	vperm.xlane v19, v16;
	_ =	sdelay $0x1  }
0x131: {  	v20 =	vadd.s32 v17, v20;
	_ =	sdelay $0x4  }
0x132: {  	[tilespmem:s14], [sflag:$0x2] =	stream.indirect_vreg.gather [hbm4b:s2+s5], $0x80, v20, vm0, $0xb8;
	[tilespmem:$0x18A00] =	vst v63  }
0x133: {  	s15 =	simm.s32 $0x6F00;
	v19 =	vperm.xlane v19, v18  }
0x134: {  	[tilespmem:s15], [sflag:$0x2] =	stream.indirect_vreg.gather [hbm4b:s7+s5], $0x80, v20, vm0, $0xb8;
	[tilespmem:$0x18A00] =	vst v63  }
0x135: {  	v19 =	vadd.s32 v17, v19  }
0x136: {  	[tilespmem:s29], [sflag:$0x2] =	stream.indirect_vreg.gather [hbm4b:s8+s5], $0x80, v20, vm0, $0xb8;
	[tilespmem:$0x18A00] =	vst v63  }
0x137: {  	_ = 	snop  }
0x138: {  	[tilespmem:s24], [sflag:$0x2] =	stream.indirect_vreg.gather [hbm4b:s10+s5], $0x80, v20, vm0, $0xb8;
	[tilespmem:$0x18A00] =	vst v63  }
0x139: {  	_ = 	snop  }
0x13a: {  	[tilespmem:s25], [sflag:$0x2] =	stream.indirect_vreg.gather [hbm4b:s2+s5], $0x80, v19, vm0, $0xb8;
	[tilespmem:$0x18A00] =	vst v63  }
0x13b: {  	_ = 	snop  }
0x13c: {  	[tilespmem:s26], [sflag:$0x2] =	stream.indirect_vreg.gather [hbm4b:s7+s5], $0x80, v19, vm0, $0xb8;
	[tilespmem:$0x18A00] =	vst v63  }
0x13d: {  	_ = 	snop  }
0x13e: {  	[tilespmem:s28], [sflag:$0x2] =	stream.indirect_vreg.gather [hbm4b:s8+s5], $0x80, v19, vm0, $0xb8;
	[tilespmem:$0x18A00] =	vst v63  }
0x13f: {  	_ = 	snop  }
0x140: {  	[tilespmem:s30], [sflag:$0x2] =	stream.indirect_vreg.gather [hbm4b:s10+s5], $0x80, v19, vm0, $0xb8;
	[tilespmem:$0x18A00] =	vst v63  }
0x141: {  	v19 =	vld.msk [tilespmem:$0x388], $0xff;
	_ =	sdelay $0x4  }
0x142: {  	v20 =	vshll.u32 v19, $0x3  }
0x143: {  	v19 =	vand.u32 $0x7, v19;
	v20 =	vand.u32 $0xFFFFFFC0, v20  }
0x144: {  	v19 =	vor.u32 v19, v20  }
0x145: {  	v19 =	vperm.xlane v19, v16;
	_ =	sdelay $0x1  }
0x146: {  	v19 =	vadd.s32 v17, v19;
	_ =	sdelay $0x4  }
0x147: {  	[tilespmem:s31], [sflag:$0x2] =	stream.indirect_vreg.gather [hbm4b:s2+s5], $0x80, v19, vm0, $0xb8;
	[tilespmem:$0x18A00] =	vst v63  }
0x148: {  	s16 =	simm.s32 $0xAF00  }
0x149: {  	[tilespmem:s16], [sflag:$0x2] =	stream.indirect_vreg.gather [hbm4b:s7+s5], $0x80, v19, vm0, $0xb8;
	[tilespmem:$0x18A00] =	vst v63  }
0x14a: {  	s17 =	simm.s32 $0xB700  }
0x14b: {  	[tilespmem:s17], [sflag:$0x2] =	stream.indirect_vreg.gather [hbm4b:s8+s5], $0x80, v19, vm0, $0xb8;
	[tilespmem:$0x18A00] =	vst v63  }
0x14c: {  	s14 =	simm.s32 $0xBF00  }
0x14d: {  	[tilespmem:s14], [sflag:$0x2] =	stream.indirect_vreg.gather [hbm4b:s10+s5], $0x80, v19, vm0, $0xb8;
	[tilespmem:$0x18A00] =	vst v63  }
0x14e: {  	s14 =	simm.s32 $0x3  }
0x14f: {  	_ =	swait.ge [sflag:s14], $0x6000  }
0x150: {  	[sflag:s14] =	ssyncset.done $0x0  }
0x151: {  	s15 =	rddreg [dreg:$0xf];
	[sflag:s14] =	ssyncadd.s32 $0xFFFFA000  }
0x152: {  	[hbm4b:s15+s5] =	stream.linear.scatter [tilespmem:s4], [sflag:$0x7], $0x6000, $0x38;
	[tilespmem:$0x18A00] =	vst v63  }
0x153: {  	s15 =	simm.s32 $0x7  }
0x154: {  	_ =	swait.ge [sflag:s15], $0x6000  }
0x155: {  	[sflag:s15] =	ssyncset.done $0x0  }
0x156: {  	[sflag:s15] =	ssyncadd.s32 $0xFFFFA000  }
0x157: {  	v19 =	vld [tilespmem:$0x390];
	_ =	sdelay $0x4  }
0x158: {  	v20 =	vshll.u32 v19, $0x3  }
0x159: {  	v19 =	vand.u32 $0x7, v19;
	v20 =	vand.u32 $0xFFFFFFC0, v20  }
0x15a: {  	v19 =	vor.u32 v19, v20  }
0x15b: {  	v20 =	vperm.xlane v19, v16;
	_ =	sdelay $0x1  }
0x15c: {  	v20 =	vadd.s32 v17, v20;
	_ =	sdelay $0x4  }
0x15d: {  	[tilespmem:s4], [sflag:$0x3] =	stream.indirect_vreg.gather [hbm4b:s2+s5], $0x80, v20, vm0, $0xb8;
	[tilespmem:$0x18A00] =	vst v63  }
0x15e: {  	s16 =	simm.s32 $0xCF00;
	v19 =	vperm.xlane v19, v18  }
0x15f: {  	[tilespmem:s16], [sflag:$0x3] =	stream.indirect_vreg.gather [hbm4b:s7+s5], $0x80, v20, vm0, $0xb8;
	[tilespmem:$0x18A00] =	vst v63  }
0x160: {  	s17 =	simm.s32 $0xD700;
	v19 =	vadd.s32 v17, v19  }
0x161: {  	[tilespmem:s17], [sflag:$0x3] =	stream.indirect_vreg.gather [hbm4b:s8+s5], $0x80, v20, vm0, $0xb8;
	[tilespmem:$0x18A00] =	vst v63  }
0x162: {  	s16 =	simm.s32 $0xDF00  }
0x163: {  	[tilespmem:s16], [sflag:$0x3] =	stream.indirect_vreg.gather [hbm4b:s10+s5], $0x80, v20, vm0, $0xb8;
	[tilespmem:$0x18A00] =	vst v63  }
0x164: {  	s17 =	simm.s32 $0xE700  }
0x165: {  	[tilespmem:s17], [sflag:$0x3] =	stream.indirect_vreg.gather [hbm4b:s2+s5], $0x80, v19, vm0, $0xb8;
	[tilespmem:$0x18A00] =	vst v63  }
0x166: {  	s16 =	simm.s32 $0xEF00  }
0x167: {  	[tilespmem:s16], [sflag:$0x3] =	stream.indirect_vreg.gather [hbm4b:s7+s5], $0x80, v19, vm0, $0xb8;
	[tilespmem:$0x18A00] =	vst v63  }
0x168: {  	s17 =	simm.s32 $0xF700  }
0x169: {  	[tilespmem:s17], [sflag:$0x3] =	stream.indirect_vreg.gather [hbm4b:s8+s5], $0x80, v19, vm0, $0xb8;
	[tilespmem:$0x18A00] =	vst v63  }
0x16a: {  	s16 =	simm.s32 $0xFF00  }
0x16b: {  	[tilespmem:s16], [sflag:$0x3] =	stream.indirect_vreg.gather [hbm4b:s10+s5], $0x80, v19, vm0, $0xb8;
	[tilespmem:$0x18A00] =	vst v63  }
0x16c: {  	v19 =	vld.msk [tilespmem:$0x3A0], $0xff;
	_ =	sdelay $0x4  }
0x16d: {  	v20 =	vshll.u32 v19, $0x3  }
0x16e: {  	v19 =	vand.u32 $0x7, v19;
	v20 =	vand.u32 $0xFFFFFFC0, v20  }
0x16f: {  	v19 =	vor.u32 v19, v20  }
0x170: {  	v19 =	vperm.xlane v19, v16;
	_ =	sdelay $0x1  }
0x171: {  	v19 =	vadd.s32 v17, v19;
	_ =	sdelay $0x3  }
0x172: {  	s17 =	simm.s32 $0x10700  }
0x173: {  	[tilespmem:s17], [sflag:$0x3] =	stream.indirect_vreg.gather [hbm4b:s2+s5], $0x80, v19, vm0, $0xb8;
	[tilespmem:$0x18A00] =	vst v63  }
0x174: {  	s16 =	simm.s32 $0x10F00  }
0x175: {  	[tilespmem:s16], [sflag:$0x3] =	stream.indirect_vreg.gather [hbm4b:s7+s5], $0x80, v19, vm0, $0xb8;
	[tilespmem:$0x18A00] =	vst v63  }
0x176: {  	s17 =	simm.s32 $0x11700  }
0x177: {  	[tilespmem:s17], [sflag:$0x3] =	stream.indirect_vreg.gather [hbm4b:s8+s5], $0x80, v19, vm0, $0xb8;
	[tilespmem:$0x18A00] =	vst v63  }
0x178: {  	s16 =	simm.s32 $0x11F00  }
0x179: {  	[tilespmem:s16], [sflag:$0x3] =	stream.indirect_vreg.gather [hbm4b:s10+s5], $0x80, v19, vm0, $0xb8;
	[tilespmem:$0x18A00] =	vst v63  }
0x17a: {  	s16 =	simm.s32 $0x4  }
0x17b: {  	_ =	swait.ge [sflag:s16], $0x6000  }
0x17c: {  	[sflag:s16] =	ssyncset.done $0x0  }
0x17d: {  	s17 =	rddreg [dreg:$0x10];
	[sflag:s16] =	ssyncadd.s32 $0xFFFFA000  }
0x17e: {  	[hbm4b:s17+s5] =	stream.linear.scatter [tilespmem:s3], [sflag:$0x8], $0x6000, $0x38;
	[tilespmem:$0x18A00] =	vst v63  }
0x17f: {  	s17 =	simm.s32 $0x8  }
0x180: {  	_ =	swait.ge [sflag:s17], $0x6000  }
0x181: {  	[sflag:s17] =	ssyncset.done $0x0  }
0x182: {  	[sflag:s17] =	ssyncadd.s32 $0xFFFFA000  }
0x183: {  	v19 =	vld [tilespmem:$0x3A8];
	_ =	sdelay $0x4  }
0x184: {  	v20 =	vshll.u32 v19, $0x3  }
0x185: {  	v19 =	vand.u32 $0x7, v19;
	v20 =	vand.u32 $0xFFFFFFC0, v20  }
0x186: {  	v19 =	vor.u32 v19, v20  }
0x187: {  	v20 =	vperm.xlane v19, v16;
	_ =	sdelay $0x1  }
0x188: {  	v20 =	vadd.s32 v17, v20;
	_ =	sdelay $0x4  }
0x189: {  	[tilespmem:s3], [sflag:$0x4] =	stream.indirect_vreg.gather [hbm4b:s2+s5], $0x80, v20, vm0, $0xb8;
	[tilespmem:$0x18A00] =	vst v63  }
0x18a: {  	s6 =	simm.s32 $0x12F00;
	v19 =	vperm.xlane v19, v18  }
0x18b: {  	[tilespmem:s6], [sflag:$0x4] =	stream.indirect_vreg.gather [hbm4b:s7+s5], $0x80, v20, vm0, $0xb8;
	[tilespmem:$0x18A00] =	vst v63  }
0x18c: {  	v19 =	vadd.s32 v17, v19;
	s6 =	simm.s32 $0x13700  }
0x18d: {  	[tilespmem:s6], [sflag:$0x4] =	stream.indirect_vreg.gather [hbm4b:s8+s5], $0x80, v20, vm0, $0xb8;
	[tilespmem:$0x18A00] =	vst v63  }
0x18e: {  	s6 =	simm.s32 $0x13F00  }
0x18f: {  	[tilespmem:s6], [sflag:$0x4] =	stream.indirect_vreg.gather [hbm4b:s10+s5], $0x80, v20, vm0, $0xb8;
	[tilespmem:$0x18A00] =	vst v63  }
0x190: {  	s6 =	simm.s32 $0x14700  }
0x191: {  	[tilespmem:s6], [sflag:$0x4] =	stream.indirect_vreg.gather [hbm4b:s2+s5], $0x80, v19, vm0, $0xb8;
	[tilespmem:$0x18A00] =	vst v63  }
0x192: {  	s6 =	simm.s32 $0x14F00  }
0x193: {  	[tilespmem:s6], [sflag:$0x4] =	stream.indirect_vreg.gather [hbm4b:s7+s5], $0x80, v19, vm0, $0xb8;
	[tilespmem:$0x18A00] =	vst v63  }
0x194: {  	s6 =	simm.s32 $0x15700  }
0x195: {  	[tilespmem:s6], [sflag:$0x4] =	stream.indirect_vreg.gather [hbm4b:s8+s5], $0x80, v19, vm0, $0xb8;
	[tilespmem:$0x18A00] =	vst v63  }
0x196: {  	s6 =	simm.s32 $0x15F00  }
0x197: {  	[tilespmem:s6], [sflag:$0x4] =	stream.indirect_vreg.gather [hbm4b:s10+s5], $0x80, v19, vm0, $0xb8;
	[tilespmem:$0x18A00] =	vst v63  }
0x198: {  	v19 =	vld.msk [tilespmem:$0x3B8], $0xff;
	_ =	sdelay $0x4  }
0x199: {  	v20 =	vshll.u32 v19, $0x3  }
0x19a: {  	v19 =	vand.u32 $0x7, v19;
	v20 =	vand.u32 $0xFFFFFFC0, v20  }
0x19b: {  	v19 =	vor.u32 v19, v20  }
0x19c: {  	v19 =	vperm.xlane v19, v16;
	_ =	sdelay $0x1  }
0x19d: {  	v19 =	vadd.s32 v17, v19;
	_ =	sdelay $0x3  }
0x19e: {  	s6 =	simm.s32 $0x16700  }
0x19f: {  	[tilespmem:s6], [sflag:$0x4] =	stream.indirect_vreg.gather [hbm4b:s2+s5], $0x80, v19, vm0, $0xb8;
	[tilespmem:$0x18A00] =	vst v63  }
0x1a0: {  	s6 =	simm.s32 $0x16F00  }
0x1a1: {  	[tilespmem:s6], [sflag:$0x4] =	stream.indirect_vreg.gather [hbm4b:s7+s5], $0x80, v19, vm0, $0xb8;
	[tilespmem:$0x18A00] =	vst v63  }
0x1a2: {  	s6 =	simm.s32 $0x17700  }
0x1a3: {  	[tilespmem:s6], [sflag:$0x4] =	stream.indirect_vreg.gather [hbm4b:s8+s5], $0x80, v19, vm0, $0xb8;
	[tilespmem:$0x18A00] =	vst v63  }
0x1a4: {  	s6 =	simm.s32 $0x17F00  }
0x1a5: {  	[tilespmem:s6], [sflag:$0x4] =	stream.indirect_vreg.gather [hbm4b:s10+s5], $0x80, v19, vm0, $0xb8;
	[tilespmem:$0x18A00] =	vst v63  }
0x1a6: {  	_ =	swait.ge [sflag:s0], $0x6000  }
0x1a7: {  	[sflag:s0] =	ssyncset.done $0x0  }
0x1a8: {  	s6 =	rddreg [dreg:$0x11];
	[sflag:s0] =	ssyncadd.s32 $0xFFFFA000;
	s0 =	simm.s32 $0x700  }
0x1a9: {  	[hbm4b:s6+s5] =	stream.linear.scatter [tilespmem:s0], [sflag:$0x5], $0x6000, $0x38;
	[tilespmem:$0x18A00] =	vst v63  }
0x1aa: {  	_ =	swait.ge [sflag:s11], $0x6000  }
0x1ab: {  	[sflag:s11] =	ssyncset.done $0x0  }
0x1ac: {  	s9 =	simm.s32 $0x6700;
	s0 =	rddreg [dreg:$0x12];
	[sflag:s11] =	ssyncadd.s32 $0xFFFFA000  }
0x1ad: {  	[hbm4b:s0+s5] =	stream.linear.scatter [tilespmem:s9], [sflag:$0x6], $0x6000, $0x38;
	[tilespmem:$0x18A00] =	vst v63  }
0x1ae: {  	_ =	swait.ge [sflag:s14], $0x6000  }
0x1af: {  	[sflag:s14] =	ssyncset.done $0x0  }
0x1b0: {  	s11 =	rddreg [dreg:$0x13];
	[sflag:s14] =	ssyncadd.s32 $0xFFFFA000  }
0x1b1: {  	[hbm4b:s11+s5] =	stream.linear.scatter [tilespmem:s4], [sflag:$0x7], $0x6000, $0x38;
	[tilespmem:$0x18A00] =	vst v63  }
0x1b2: {  	_ =	swait.ge [sflag:s16], $0x6000  }
0x1b3: {  	[sflag:s16] =	ssyncset.done $0x0  }
0x1b4: {  	s14 =	rddreg [dreg:$0x14];
	[sflag:s16] =	ssyncadd.s32 $0xFFFFA000  }
0x1b5: {  	[hbm4b:s14+s5] =	stream.linear.scatter [tilespmem:s3], [sflag:$0x8], $0x6000, $0x38;
	[tilespmem:$0x18A00] =	vst v63  }
0x1b6: {  	_ =	swait.ge [sflag:s1], $0x6000  }
0x1b7: {  	[sflag:s1] =	ssyncset.done $0x0  }
0x1b8: {  	[sflag:s1] =	ssyncadd.s32 $0xFFFFA000  }
0x1b9: {  	_ =	swait.ge [sflag:s13], $0x6000  }
0x1ba: {  	[sflag:s13] =	ssyncset.done $0x0  }
0x1bb: {  	s19 =	sadd.s32 $0xFFFFFFFF, s19;
	[sflag:s13] =	ssyncadd.s32 $0xFFFFA000  }
0x1bc: {  	p1 =	sne.s32 s19, $0x0;
	_ =	swait.ge [sflag:s15], $0x6000  }
.Ltmp0:
0x1bd: {  	[sflag:s15] =	ssyncset.done $0x0;
	(pc) =	sbr.rel @p1 .LBB2_1-.Ltmp0, $4  }
0x1be: {  	[sflag:s15] =	ssyncadd.s32 $0xFFFFA000  }
0x1bf: {  	_ =	swait.ge [sflag:s17], $0x6000  }
0x1c0: {  	[sflag:s17] =	ssyncset.done $0x0  }
0x1c1: {  	[sflag:s17] =	ssyncadd.s32 $0xFFFFA000  }
0x1c2: {  	_ =	sfence.sel $0x180000  }
0x1c3: {  	[bflag:$0x0] =	sbarrier.arrive $0xFFFF  }
0x1c4: {  	_ =	strace $0x90000047  }
0x1c5: {  	s0 =	stileid.u32;
	[bflag:$0x2] =	sbarrier.arrive $0xFFFF  }
0x1c6: {  	p0 =	sne.s32 s0, $0x0;
	s0 =	rddreg [dreg:$0x5]  }
0x1c7: {  	s0 =	sadd.s32 @!p0 $0x100000, s0  }
0x1c8: {  	[sflag:s0] =	ssyncadd.tile.s32 @!p0 $0x1;
	_ =	shalt  }
.Lfunc_end2:
_tile_overlayer_lowered:
.L_overlay_start_2:
0x1c9: {  	(tag) =	ssettag $0x2  }
0x1ca: {  	s0 =	rddreg [dreg:$0x0];
	s2 =	stileid.u32  }
0x1cb: {  	s1 =	rddreg [dreg:$0x1];
	p0 =	sne.s32 s2, $0x0  }
0x1cc: {  	s3 =	rddreg [dreg:$0x2];
	[bflag:$0x3] =	sbarrier.arrive $0xFFFF;
	s2 =	simm.s32 @!p0 $0x1C09  }
0x1cd: {  	[timem:s3], [sflag:s2] =	dma.local @!p0 [hbm:s0], s1  }
0x1ce: {  	s0 =	simm.s32 @!p0 $0x9  }
0x1cf: {  	_ =	swait.ge @!p0 [sflag:s0], s1  }
0x1d0: {  	s1 =	ssub.s32 @!p0 $0x0, s1;
	[sflag:s0] =	ssyncset.done @!p0 $0x0  }
0x1d1: {  	[sflag:s0] =	ssyncadd.s32 @!p0 s1  }
0x1d2: {  	[bflag:$0x3] =	sbarrier.arrive $0xFFFF  }
0x1d3: {  	_ =	shalt  }

</sc_bundles>
